<compile_context>
chip_gen: v7x
topology: tpu7x:2x2x1
jax: 0.10.2.dev20260603
libtpu: 0.0.44.dev20260713+nightly
codegen_flags: <defaults>
</compile_context>

<pallas_src>
import functools
import math

import jax
import jax.numpy as jnp
from jax import lax
from jax.experimental import pallas as pl
from jax.experimental.pallas import tpu as pltpu
from jax.experimental.pallas import tpu_sc as plsc

D_MODEL = 64
N_POS = 16384
N_J = 50
N_JH = N_J // 2
SCALE = math.sqrt(D_MODEL)

_info = plsc.get_sparse_core_info()
_NC, _NS = _info.num_cores, _info.num_subcores
_NW = _NC * _NS
CI = N_POS // _NW
NBUF = 3


def _gather_body(xt_hbm, lut_hbm, g_hbm, idx_v, rbufs, sems_g, sems_o):
    wid = lax.axis_index("s") * _NC + lax.axis_index("c")
    pltpu.sync_copy(xt_hbm.at[:, pl.ds(wid * CI, CI)], idx_v)

    def gather_start(j, b):
        for k in range(CI // 128):
            pltpu.async_copy(
                lut_hbm.at[idx_v.at[j, pl.ds(k * 128, 128)]],
                rbufs[b].at[pl.ds(k * 128, 128)],
                sems_g[b],
            )

    def gather_wait(j, b):
        for k in range(CI // 128):
            pltpu.make_async_copy(
                lut_hbm.at[idx_v.at[j, pl.ds(k * 128, 128)]],
                rbufs[b].at[pl.ds(k * 128, 128)],
                sems_g[b],
            ).wait()

    def out_start(j, b):
        pltpu.async_copy(rbufs[b], g_hbm.at[wid, j], sems_o[b])

    def out_wait(j, b):
        pltpu.make_async_copy(rbufs[b], g_hbm.at[wid, j], sems_o[b]).wait()

    def step(j, b, with_out_wait, with_gather):
        gather_wait(j, b)
        if with_out_wait:
            out_wait(j - 1, (b + 2) % NBUF)
        out_start(j, b)
        if with_gather:
            gather_start(j + 2, (b + 2) % NBUF)

    gather_start(0, 0)
    gather_start(1, 1)
    for j in range(3):
        step(j, j % NBUF, j >= 1, True)

    def inner(tt, c2):
        for b in range(NBUF):
            j = NBUF * tt + b
            step(j, b, True, True)
        return c2

    lax.fori_loop(1, 7, inner, 0)

    for j in range(21, 23):
        step(j, j % NBUF, True, True)
    for j in range(23, N_JH):
        step(j, j % NBUF, True, False)
    out_wait(N_JH - 1, (N_JH - 1) % NBUF)


_gather = functools.partial(
    pl.kernel,
    out_type=jax.ShapeDtypeStruct((_NW, N_JH, CI, D_MODEL), jnp.float32),
    mesh=plsc.VectorSubcoreMesh(core_axis_name="c", subcore_axis_name="s"),
    scratch_types=[
        pltpu.VMEM((N_JH, CI), jnp.int32),
        [pltpu.VMEM((CI, D_MODEL), jnp.float32) for _ in range(NBUF)],
        [pltpu.SemaphoreType.DMA for _ in range(NBUF)],
        [pltpu.SemaphoreType.DMA for _ in range(NBUF)],
    ],
    compiler_params=pltpu.CompilerParams(
        use_tc_tiling_on_sc=False, needs_layout_passes=False
    ),
)(_gather_body)


def _tr_body_first(g_ref, o_ref):
    for ww in range(_NW):
        o_ref[0, :, ww * CI : (ww + 1) * CI] = (
            jnp.swapaxes(g_ref[ww, 0], 0, 1) * SCALE
        )


def _tr_body_second(g_ref, prev_ref, o_ref):
    del prev_ref
    _tr_body_first(g_ref, o_ref)


_OUT_SHAPE = jax.ShapeDtypeStruct((N_J, D_MODEL, N_POS), jnp.float32)
_G_SPEC = pl.BlockSpec((_NW, 1, CI, D_MODEL), lambda j: (0, j, 0, 0))

_tr_first = pl.pallas_call(
    _tr_body_first,
    grid=(N_JH,),
    in_specs=[_G_SPEC],
    out_specs=pl.BlockSpec((1, D_MODEL, N_POS), lambda j: (j, 0, 0)),
    out_shape=_OUT_SHAPE,
)

_tr_second = pl.pallas_call(
    _tr_body_second,
    grid=(N_JH,),
    in_specs=[_G_SPEC, pl.BlockSpec(memory_space=pltpu.MemorySpace.HBM)],
    out_specs=pl.BlockSpec((1, D_MODEL, N_POS), lambda j: (j + N_JH, 0, 0)),
    out_shape=_OUT_SHAPE,
    input_output_aliases={1: 0},
)


@jax.jit
def kernel(x, lut):
    xt = x.T.astype(jnp.int32)
    g_a = _gather(xt[:N_JH], lut)
    g_b = _gather(xt[N_JH:], lut)
    o1 = _tr_first(g_a)
    out = _tr_second(g_b, o1)
    return out.transpose(2, 0, 1)

# --- scband reference (transcript-rebuilt; emitter-appended) ---
"""Pipeline reference for scband-embeddings-72507637891399 (READ-ONLY COPY).

The authoritative reference and input builder live on the scoring server;
editing this copy changes nothing except your own understanding.
"""

import jax, jax.numpy as jnp
import numpy as np
import math

D_MODEL = 64
VOCAB = 1000000

def setup_inputs(seed: int = 0) -> dict:
    key = jax.random.key(seed)
    k1, k2 = jax.random.split(key)
    x = jax.random.randint(k1, (16384, 50), 0, VOCAB, dtype=jnp.int64 if jax.config.jax_enable_x64 else jnp.int32)
    lut = jax.random.normal(k2, (VOCAB, D_MODEL), dtype=jnp.float32)
    return {"x": x, "lut": lut}

def reference(x, lut):
    # Embeddings.forward: lut(x) * sqrt(d_model)
    emb = jnp.take(lut, x, axis=0)
    return emb * math.sqrt(D_MODEL)

if __name__ == "__main__":
    import jax
    _d = setup_inputs()
    print(jax.jit(kernel)(*tuple(_d.values())))

</pallas_src>

<mosaic_0001>
#map = affine_map<(d0, d1) -> (0, 0)>
#map1 = affine_map<(d0, d1) -> (0, 0, 0, 0)>
module attributes {stable_mosaic.version = 14 : i64} {
  func.func @_gather_body(%arg0: i32, %arg1: i32, %arg2: memref<25x16384xi32, #tpu.memory_space<hbm>>, %arg3: memref<1000000x64xf32, #tpu.memory_space<hbm>>, %arg4: memref<32x25x512x64xf32, #tpu.memory_space<hbm>>, %arg5: memref<25x512xi32, #tpu.memory_space<vmem>>, %arg6: memref<512x64xf32, #tpu.memory_space<vmem>>, %arg7: memref<512x64xf32, #tpu.memory_space<vmem>>, %arg8: memref<512x64xf32, #tpu.memory_space<vmem>>, %arg9: memref<!tpu.dma_semaphore, #tpu.memory_space<semaphore_mem>>, %arg10: memref<!tpu.dma_semaphore, #tpu.memory_space<semaphore_mem>>, %arg11: memref<!tpu.dma_semaphore, #tpu.memory_space<semaphore_mem>>, %arg12: memref<!tpu.dma_semaphore, #tpu.memory_space<semaphore_mem>>, %arg13: memref<!tpu.dma_semaphore, #tpu.memory_space<semaphore_mem>>, %arg14: memref<!tpu.dma_semaphore, #tpu.memory_space<semaphore_mem>>) attributes {dimension_semantics = [#tpu.dimension_semantics<core_parallel>, #tpu.dimension_semantics<subcore_parallel>], iteration_bounds = array<i64: 2, 16>, scalar_prefetch = 0 : i64, scratch_operands = 10 : i64, tpu.core_type = #tpu.core_type<sc_vector_subcore>, window_params = [{transform_indices = #map}, {transform_indices = #map}, {transform_indices = #map1}]} {
    %mul3A = arith.constant 2 : i32
    %mul3A_0 = arith.muli %arg1, %mul3A : i32
    %add3A = arith.addi %mul3A_0, %arg0 : i32
    %mul3A_1 = arith.constant 512 : i32
    %mul3A_2 = arith.muli %add3A, %mul3A_1 : i32
    "tpu.region"() ({
      %run_scoped3A = tpu.sem_alloc : memref<!tpu.dma_semaphore, #tpu.memory_space<semaphore_mem>>
      %dma_start3A_692 = arith.constant 0 : i32
      %dma_start3A_693 = tpu.memref_slice %arg2[%dma_start3A_692, %mul3A_2] : memref<25x16384xi32, #tpu.memory_space<hbm>> -> memref<25x512xi32, #tpu.memory_space<hbm>>
      %dma_start3A_694 = arith.constant 0 : i32
      %dma_start3A_695 = tpu.memref_slice %arg2[%dma_start3A_694, %mul3A_2] : memref<25x16384xi32, #tpu.memory_space<hbm>> -> memref<25x512xi32, #tpu.memory_space<hbm>>
      tpu.enqueue_dma source(%dma_start3A_695 : memref<25x512xi32, #tpu.memory_space<hbm>>) target(%arg5 : memref<25x512xi32, #tpu.memory_space<vmem>>) target_semaphore(%run_scoped3A : memref<!tpu.dma_semaphore, #tpu.memory_space<semaphore_mem>>)
      %dma_wait3A_696 = arith.constant 0 : i32
      %dma_wait3A_697 = tpu.memref_slice %arg2[%dma_wait3A_696, %mul3A_2] : memref<25x16384xi32, #tpu.memory_space<hbm>> -> memref<25x512xi32, #tpu.memory_space<hbm>>
      %dma_wait3A_698 = arith.constant 0 : i32
      %dma_wait3A_699 = tpu.memref_slice %arg2[%dma_wait3A_698, %mul3A_2] : memref<25x16384xi32, #tpu.memory_space<hbm>> -> memref<25x512xi32, #tpu.memory_space<hbm>>
      tpu.wait_dma2 semaphore(%run_scoped3A : memref<!tpu.dma_semaphore, #tpu.memory_space<semaphore_mem>>) src(%dma_wait3A_699 : memref<25x512xi32, #tpu.memory_space<hbm>>) dst(%arg5 : memref<25x512xi32, #tpu.memory_space<vmem>>)
      tpu.yield
    }) : () -> ()
    %dma_start3A = arith.constant 0 : i32
    %dma_start3A_3 = arith.constant 0 : i32
    %dma_start3A_4 = arith.constant 0 : i32
    %dma_start3A_5 = tpu.memref_slice %arg6[%dma_start3A_3, %dma_start3A_4] : memref<512x64xf32, #tpu.memory_space<vmem>> -> memref<128x64xf32, #tpu.memory_space<vmem>>
    %dma_start3A_6 = arith.constant 0 : i32
    %dma_start3A_7 = tpu.memref_slice %arg5[%dma_start3A, %dma_start3A_6] : memref<25x512xi32, #tpu.memory_space<vmem>> -> memref<1x128xi32, #tpu.memory_space<vmem>>
    %dma_start3A_8 = tpu.memref_squeeze %dma_start3A_7 : memref<1x128xi32, #tpu.memory_space<vmem>> -> memref<128xi32, #tpu.memory_space<vmem>>
    %dma_start3A_9 = arith.constant 0 : i32
    %dma_start3A_10 = arith.constant 0 : i32
    %dma_start3A_11 = tpu.memref_slice %arg3[%dma_start3A_9, %dma_start3A_10] : memref<1000000x64xf32, #tpu.memory_space<hbm>> -> memref<1000000x64xf32, #tpu.memory_space<hbm>>
    tpu.enqueue_indirect_dma source(%dma_start3A_11 : memref<1000000x64xf32, #tpu.memory_space<hbm>>) target(%dma_start3A_5 : memref<128x64xf32, #tpu.memory_space<vmem>>) offsets(%dma_start3A_8 : memref<128xi32, #tpu.memory_space<vmem>>) semaphore(%arg9 : memref<!tpu.dma_semaphore, #tpu.memory_space<semaphore_mem>>)
    %dma_start3A_12 = arith.constant 0 : i32
    %dma_start3A_13 = arith.constant 128 : i32
    %dma_start3A_14 = arith.constant 0 : i32
    %dma_start3A_15 = tpu.memref_slice %arg6[%dma_start3A_13, %dma_start3A_14] : memref<512x64xf32, #tpu.memory_space<vmem>> -> memref<128x64xf32, #tpu.memory_space<vmem>>
    %dma_start3A_16 = arith.constant 128 : i32
    %dma_start3A_17 = tpu.memref_slice %arg5[%dma_start3A_12, %dma_start3A_16] : memref<25x512xi32, #tpu.memory_space<vmem>> -> memref<1x128xi32, #tpu.memory_space<vmem>>
    %dma_start3A_18 = tpu.memref_squeeze %dma_start3A_17 : memref<1x128xi32, #tpu.memory_space<vmem>> -> memref<128xi32, #tpu.memory_space<vmem>>
    %dma_start3A_19 = arith.constant 0 : i32
    %dma_start3A_20 = arith.constant 0 : i32
    %dma_start3A_21 = tpu.memref_slice %arg3[%dma_start3A_19, %dma_start3A_20] : memref<1000000x64xf32, #tpu.memory_space<hbm>> -> memref<1000000x64xf32, #tpu.memory_space<hbm>>
    tpu.enqueue_indirect_dma source(%dma_start3A_21 : memref<1000000x64xf32, #tpu.memory_space<hbm>>) target(%dma_start3A_15 : memref<128x64xf32, #tpu.memory_space<vmem>>) offsets(%dma_start3A_18 : memref<128xi32, #tpu.memory_space<vmem>>) semaphore(%arg9 : memref<!tpu.dma_semaphore, #tpu.memory_space<semaphore_mem>>)
    %dma_start3A_22 = arith.constant 0 : i32
    %dma_start3A_23 = arith.constant 256 : i32
    %dma_start3A_24 = arith.constant 0 : i32
    %dma_start3A_25 = tpu.memref_slice %arg6[%dma_start3A_23, %dma_start3A_24] : memref<512x64xf32, #tpu.memory_space<vmem>> -> memref<128x64xf32, #tpu.memory_space<vmem>>
    %dma_start3A_26 = arith.constant 256 : i32
    %dma_start3A_27 = tpu.memref_slice %arg5[%dma_start3A_22, %dma_start3A_26] : memref<25x512xi32, #tpu.memory_space<vmem>> -> memref<1x128xi32, #tpu.memory_space<vmem>>
    %dma_start3A_28 = tpu.memref_squeeze %dma_start3A_27 : memref<1x128xi32, #tpu.memory_space<vmem>> -> memref<128xi32, #tpu.memory_space<vmem>>
    %dma_start3A_29 = arith.constant 0 : i32
    %dma_start3A_30 = arith.constant 0 : i32
    %dma_start3A_31 = tpu.memref_slice %arg3[%dma_start3A_29, %dma_start3A_30] : memref<1000000x64xf32, #tpu.memory_space<hbm>> -> memref<1000000x64xf32, #tpu.memory_space<hbm>>
    tpu.enqueue_indirect_dma source(%dma_start3A_31 : memref<1000000x64xf32, #tpu.memory_space<hbm>>) target(%dma_start3A_25 : memref<128x64xf32, #tpu.memory_space<vmem>>) offsets(%dma_start3A_28 : memref<128xi32, #tpu.memory_space<vmem>>) semaphore(%arg9 : memref<!tpu.dma_semaphore, #tpu.memory_space<semaphore_mem>>)
    %dma_start3A_32 = arith.constant 0 : i32
    %dma_start3A_33 = arith.constant 384 : i32
    %dma_start3A_34 = arith.constant 0 : i32
    %dma_start3A_35 = tpu.memref_slice %arg6[%dma_start3A_33, %dma_start3A_34] : memref<512x64xf32, #tpu.memory_space<vmem>> -> memref<128x64xf32, #tpu.memory_space<vmem>>
    %dma_start3A_36 = arith.constant 384 : i32
    %dma_start3A_37 = tpu.memref_slice %arg5[%dma_start3A_32, %dma_start3A_36] : memref<25x512xi32, #tpu.memory_space<vmem>> -> memref<1x128xi32, #tpu.memory_space<vmem>>
    %dma_start3A_38 = tpu.memref_squeeze %dma_start3A_37 : memref<1x128xi32, #tpu.memory_space<vmem>> -> memref<128xi32, #tpu.memory_space<vmem>>
    %dma_start3A_39 = arith.constant 0 : i32
    %dma_start3A_40 = arith.constant 0 : i32
    %dma_start3A_41 = tpu.memref_slice %arg3[%dma_start3A_39, %dma_start3A_40] : memref<1000000x64xf32, #tpu.memory_space<hbm>> -> memref<1000000x64xf32, #tpu.memory_space<hbm>>
    tpu.enqueue_indirect_dma source(%dma_start3A_41 : memref<1000000x64xf32, #tpu.memory_space<hbm>>) target(%dma_start3A_35 : memref<128x64xf32, #tpu.memory_space<vmem>>) offsets(%dma_start3A_38 : memref<128xi32, #tpu.memory_space<vmem>>) semaphore(%arg9 : memref<!tpu.dma_semaphore, #tpu.memory_space<semaphore_mem>>)
    %dma_start3A_42 = arith.constant 1 : i32
    %dma_start3A_43 = arith.constant 0 : i32
    %dma_start3A_44 = arith.constant 0 : i32
    %dma_start3A_45 = tpu.memref_slice %arg7[%dma_start3A_43, %dma_start3A_44] : memref<512x64xf32, #tpu.memory_space<vmem>> -> memref<128x64xf32, #tpu.memory_space<vmem>>
    %dma_start3A_46 = arith.constant 0 : i32
    %dma_start3A_47 = tpu.memref_slice %arg5[%dma_start3A_42, %dma_start3A_46] : memref<25x512xi32, #tpu.memory_space<vmem>> -> memref<1x128xi32, #tpu.memory_space<vmem>>
    %dma_start3A_48 = tpu.memref_squeeze %dma_start3A_47 : memref<1x128xi32, #tpu.memory_space<vmem>> -> memref<128xi32, #tpu.memory_space<vmem>>
    %dma_start3A_49 = arith.constant 0 : i32
    %dma_start3A_50 = arith.constant 0 : i32
    %dma_start3A_51 = tpu.memref_slice %arg3[%dma_start3A_49, %dma_start3A_50] : memref<1000000x64xf32, #tpu.memory_space<hbm>> -> memref<1000000x64xf32, #tpu.memory_space<hbm>>
    tpu.enqueue_indirect_dma source(%dma_start3A_51 : memref<1000000x64xf32, #tpu.memory_space<hbm>>) target(%dma_start3A_45 : memref<128x64xf32, #tpu.memory_space<vmem>>) offsets(%dma_start3A_48 : memref<128xi32, #tpu.memory_space<vmem>>) semaphore(%arg10 : memref<!tpu.dma_semaphore, #tpu.memory_space<semaphore_mem>>)
    %dma_start3A_52 = arith.constant 1 : i32
    %dma_start3A_53 = arith.constant 128 : i32
    %dma_start3A_54 = arith.constant 0 : i32
    %dma_start3A_55 = tpu.memref_slice %arg7[%dma_start3A_53, %dma_start3A_54] : memref<512x64xf32, #tpu.memory_space<vmem>> -> memref<128x64xf32, #tpu.memory_space<vmem>>
    %dma_start3A_56 = arith.constant 128 : i32
    %dma_start3A_57 = tpu.memref_slice %arg5[%dma_start3A_52, %dma_start3A_56] : memref<25x512xi32, #tpu.memory_space<vmem>> -> memref<1x128xi32, #tpu.memory_space<vmem>>
    %dma_start3A_58 = tpu.memref_squeeze %dma_start3A_57 : memref<1x128xi32, #tpu.memory_space<vmem>> -> memref<128xi32, #tpu.memory_space<vmem>>
    %dma_start3A_59 = arith.constant 0 : i32
    %dma_start3A_60 = arith.constant 0 : i32
    %dma_start3A_61 = tpu.memref_slice %arg3[%dma_start3A_59, %dma_start3A_60] : memref<1000000x64xf32, #tpu.memory_space<hbm>> -> memref<1000000x64xf32, #tpu.memory_space<hbm>>
    tpu.enqueue_indirect_dma source(%dma_start3A_61 : memref<1000000x64xf32, #tpu.memory_space<hbm>>) target(%dma_start3A_55 : memref<128x64xf32, #tpu.memory_space<vmem>>) offsets(%dma_start3A_58 : memref<128xi32, #tpu.memory_space<vmem>>) semaphore(%arg10 : memref<!tpu.dma_semaphore, #tpu.memory_space<semaphore_mem>>)
    %dma_start3A_62 = arith.constant 1 : i32
    %dma_start3A_63 = arith.constant 256 : i32
    %dma_start3A_64 = arith.constant 0 : i32
    %dma_start3A_65 = tpu.memref_slice %arg7[%dma_start3A_63, %dma_start3A_64] : memref<512x64xf32, #tpu.memory_space<vmem>> -> memref<128x64xf32, #tpu.memory_space<vmem>>
    %dma_start3A_66 = arith.constant 256 : i32
    %dma_start3A_67 = tpu.memref_slice %arg5[%dma_start3A_62, %dma_start3A_66] : memref<25x512xi32, #tpu.memory_space<vmem>> -> memref<1x128xi32, #tpu.memory_space<vmem>>
    %dma_start3A_68 = tpu.memref_squeeze %dma_start3A_67 : memref<1x128xi32, #tpu.memory_space<vmem>> -> memref<128xi32, #tpu.memory_space<vmem>>
    %dma_start3A_69 = arith.constant 0 : i32
    %dma_start3A_70 = arith.constant 0 : i32
    %dma_start3A_71 = tpu.memref_slice %arg3[%dma_start3A_69, %dma_start3A_70] : memref<1000000x64xf32, #tpu.memory_space<hbm>> -> memref<1000000x64xf32, #tpu.memory_space<hbm>>
    tpu.enqueue_indirect_dma source(%dma_start3A_71 : memref<1000000x64xf32, #tpu.memory_space<hbm>>) target(%dma_start3A_65 : memref<128x64xf32, #tpu.memory_space<vmem>>) offsets(%dma_start3A_68 : memref<128xi32, #tpu.memory_space<vmem>>) semaphore(%arg10 : memref<!tpu.dma_semaphore, #tpu.memory_space<semaphore_mem>>)
    %dma_start3A_72 = arith.constant 1 : i32
    %dma_start3A_73 = arith.constant 384 : i32
    %dma_start3A_74 = arith.constant 0 : i32
    %dma_start3A_75 = tpu.memref_slice %arg7[%dma_start3A_73, %dma_start3A_74] : memref<512x64xf32, #tpu.memory_space<vmem>> -> memref<128x64xf32, #tpu.memory_space<vmem>>
    %dma_start3A_76 = arith.constant 384 : i32
    %dma_start3A_77 = tpu.memref_slice %arg5[%dma_start3A_72, %dma_start3A_76] : memref<25x512xi32, #tpu.memory_space<vmem>> -> memref<1x128xi32, #tpu.memory_space<vmem>>
    %dma_start3A_78 = tpu.memref_squeeze %dma_start3A_77 : memref<1x128xi32, #tpu.memory_space<vmem>> -> memref<128xi32, #tpu.memory_space<vmem>>
    %dma_start3A_79 = arith.constant 0 : i32
    %dma_start3A_80 = arith.constant 0 : i32
    %dma_start3A_81 = tpu.memref_slice %arg3[%dma_start3A_79, %dma_start3A_80] : memref<1000000x64xf32, #tpu.memory_space<hbm>> -> memref<1000000x64xf32, #tpu.memory_space<hbm>>
    tpu.enqueue_indirect_dma source(%dma_start3A_81 : memref<1000000x64xf32, #tpu.memory_space<hbm>>) target(%dma_start3A_75 : memref<128x64xf32, #tpu.memory_space<vmem>>) offsets(%dma_start3A_78 : memref<128xi32, #tpu.memory_space<vmem>>) semaphore(%arg10 : memref<!tpu.dma_semaphore, #tpu.memory_space<semaphore_mem>>)
    %dma_wait3A = arith.constant 0 : i32
    %dma_wait3A_82 = arith.constant 0 : i32
    %dma_wait3A_83 = arith.constant 0 : i32
    %dma_wait3A_84 = tpu.memref_slice %arg6[%dma_wait3A_82, %dma_wait3A_83] : memref<512x64xf32, #tpu.memory_space<vmem>> -> memref<128x64xf32, #tpu.memory_space<vmem>>
    %dma_wait3A_85 = arith.constant 0 : i32
    %dma_wait3A_86 = tpu.memref_slice %arg5[%dma_wait3A, %dma_wait3A_85] : memref<25x512xi32, #tpu.memory_space<vmem>> -> memref<1x128xi32, #tpu.memory_space<vmem>>
    %dma_wait3A_87 = tpu.memref_squeeze %dma_wait3A_86 : memref<1x128xi32, #tpu.memory_space<vmem>> -> memref<128xi32, #tpu.memory_space<vmem>>
    %dma_wait3A_88 = arith.constant 0 : i32
    %dma_wait3A_89 = arith.constant 0 : i32
    %dma_wait3A_90 = tpu.memref_slice %arg3[%dma_wait3A_88, %dma_wait3A_89] : memref<1000000x64xf32, #tpu.memory_space<hbm>> -> memref<1000000x64xf32, #tpu.memory_space<hbm>>
    tpu.wait_indirect_dma semaphore(%arg9 : memref<!tpu.dma_semaphore, #tpu.memory_space<semaphore_mem>>) src(%dma_wait3A_90 : memref<1000000x64xf32, #tpu.memory_space<hbm>>) dst(%dma_wait3A_84 : memref<128x64xf32, #tpu.memory_space<vmem>>)
    %dma_wait3A_91 = arith.constant 0 : i32
    %dma_wait3A_92 = arith.constant 128 : i32
    %dma_wait3A_93 = arith.constant 0 : i32
    %dma_wait3A_94 = tpu.memref_slice %arg6[%dma_wait3A_92, %dma_wait3A_93] : memref<512x64xf32, #tpu.memory_space<vmem>> -> memref<128x64xf32, #tpu.memory_space<vmem>>
    %dma_wait3A_95 = arith.constant 128 : i32
    %dma_wait3A_96 = tpu.memref_slice %arg5[%dma_wait3A_91, %dma_wait3A_95] : memref<25x512xi32, #tpu.memory_space<vmem>> -> memref<1x128xi32, #tpu.memory_space<vmem>>
    %dma_wait3A_97 = tpu.memref_squeeze %dma_wait3A_96 : memref<1x128xi32, #tpu.memory_space<vmem>> -> memref<128xi32, #tpu.memory_space<vmem>>
    %dma_wait3A_98 = arith.constant 0 : i32
    %dma_wait3A_99 = arith.constant 0 : i32
    %dma_wait3A_100 = tpu.memref_slice %arg3[%dma_wait3A_98, %dma_wait3A_99] : memref<1000000x64xf32, #tpu.memory_space<hbm>> -> memref<1000000x64xf32, #tpu.memory_space<hbm>>
    tpu.wait_indirect_dma semaphore(%arg9 : memref<!tpu.dma_semaphore, #tpu.memory_space<semaphore_mem>>) src(%dma_wait3A_100 : memref<1000000x64xf32, #tpu.memory_space<hbm>>) dst(%dma_wait3A_94 : memref<128x64xf32, #tpu.memory_space<vmem>>)
    %dma_wait3A_101 = arith.constant 0 : i32
    %dma_wait3A_102 = arith.constant 256 : i32
    %dma_wait3A_103 = arith.constant 0 : i32
    %dma_wait3A_104 = tpu.memref_slice %arg6[%dma_wait3A_102, %dma_wait3A_103] : memref<512x64xf32, #tpu.memory_space<vmem>> -> memref<128x64xf32, #tpu.memory_space<vmem>>
    %dma_wait3A_105 = arith.constant 256 : i32
    %dma_wait3A_106 = tpu.memref_slice %arg5[%dma_wait3A_101, %dma_wait3A_105] : memref<25x512xi32, #tpu.memory_space<vmem>> -> memref<1x128xi32, #tpu.memory_space<vmem>>
    %dma_wait3A_107 = tpu.memref_squeeze %dma_wait3A_106 : memref<1x128xi32, #tpu.memory_space<vmem>> -> memref<128xi32, #tpu.memory_space<vmem>>
    %dma_wait3A_108 = arith.constant 0 : i32
    %dma_wait3A_109 = arith.constant 0 : i32
    %dma_wait3A_110 = tpu.memref_slice %arg3[%dma_wait3A_108, %dma_wait3A_109] : memref<1000000x64xf32, #tpu.memory_space<hbm>> -> memref<1000000x64xf32, #tpu.memory_space<hbm>>
    tpu.wait_indirect_dma semaphore(%arg9 : memref<!tpu.dma_semaphore, #tpu.memory_space<semaphore_mem>>) src(%dma_wait3A_110 : memref<1000000x64xf32, #tpu.memory_space<hbm>>) dst(%dma_wait3A_104 : memref<128x64xf32, #tpu.memory_space<vmem>>)
    %dma_wait3A_111 = arith.constant 0 : i32
    %dma_wait3A_112 = arith.constant 384 : i32
    %dma_wait3A_113 = arith.constant 0 : i32
    %dma_wait3A_114 = tpu.memref_slice %arg6[%dma_wait3A_112, %dma_wait3A_113] : memref<512x64xf32, #tpu.memory_space<vmem>> -> memref<128x64xf32, #tpu.memory_space<vmem>>
    %dma_wait3A_115 = arith.constant 384 : i32
    %dma_wait3A_116 = tpu.memref_slice %arg5[%dma_wait3A_111, %dma_wait3A_115] : memref<25x512xi32, #tpu.memory_space<vmem>> -> memref<1x128xi32, #tpu.memory_space<vmem>>
    %dma_wait3A_117 = tpu.memref_squeeze %dma_wait3A_116 : memref<1x128xi32, #tpu.memory_space<vmem>> -> memref<128xi32, #tpu.memory_space<vmem>>
    %dma_wait3A_118 = arith.constant 0 : i32
    %dma_wait3A_119 = arith.constant 0 : i32
    %dma_wait3A_120 = tpu.memref_slice %arg3[%dma_wait3A_118, %dma_wait3A_119] : memref<1000000x64xf32, #tpu.memory_space<hbm>> -> memref<1000000x64xf32, #tpu.memory_space<hbm>>
    tpu.wait_indirect_dma semaphore(%arg9 : memref<!tpu.dma_semaphore, #tpu.memory_space<semaphore_mem>>) src(%dma_wait3A_120 : memref<1000000x64xf32, #tpu.memory_space<hbm>>) dst(%dma_wait3A_114 : memref<128x64xf32, #tpu.memory_space<vmem>>)
    %dma_start3A_121 = arith.constant 0 : i32
    %dma_start3A_122 = arith.constant 0 : i32
    %dma_start3A_123 = arith.constant 0 : i32
    %dma_start3A_124 = tpu.memref_slice %arg4[%add3A, %dma_start3A_121, %dma_start3A_122, %dma_start3A_123] : memref<32x25x512x64xf32, #tpu.memory_space<hbm>> -> memref<1x1x512x64xf32, #tpu.memory_space<hbm>>
    %dma_start3A_125 = tpu.memref_squeeze %dma_start3A_124 : memref<1x1x512x64xf32, #tpu.memory_space<hbm>> -> memref<512x64xf32, #tpu.memory_space<hbm>>
    %dma_start3A_126 = arith.constant 0 : i32
    %dma_start3A_127 = arith.constant 0 : i32
    %dma_start3A_128 = tpu.memref_slice %arg4[%add3A, %dma_start3A_121, %dma_start3A_126, %dma_start3A_127] : memref<32x25x512x64xf32, #tpu.memory_space<hbm>> -> memref<1x1x512x64xf32, #tpu.memory_space<hbm>>
    %dma_start3A_129 = tpu.memref_squeeze %dma_start3A_128 : memref<1x1x512x64xf32, #tpu.memory_space<hbm>> -> memref<512x64xf32, #tpu.memory_space<hbm>>
    tpu.enqueue_dma source(%arg6 : memref<512x64xf32, #tpu.memory_space<vmem>>) target(%dma_start3A_129 : memref<512x64xf32, #tpu.memory_space<hbm>>) target_semaphore(%arg12 : memref<!tpu.dma_semaphore, #tpu.memory_space<semaphore_mem>>)
    %dma_start3A_130 = arith.constant 2 : i32
    %dma_start3A_131 = arith.constant 0 : i32
    %dma_start3A_132 = arith.constant 0 : i32
    %dma_start3A_133 = tpu.memref_slice %arg8[%dma_start3A_131, %dma_start3A_132] : memref<512x64xf32, #tpu.memory_space<vmem>> -> memref<128x64xf32, #tpu.memory_space<vmem>>
    %dma_start3A_134 = arith.constant 0 : i32
    %dma_start3A_135 = tpu.memref_slice %arg5[%dma_start3A_130, %dma_start3A_134] : memref<25x512xi32, #tpu.memory_space<vmem>> -> memref<1x128xi32, #tpu.memory_space<vmem>>
    %dma_start3A_136 = tpu.memref_squeeze %dma_start3A_135 : memref<1x128xi32, #tpu.memory_space<vmem>> -> memref<128xi32, #tpu.memory_space<vmem>>
    %dma_start3A_137 = arith.constant 0 : i32
    %dma_start3A_138 = arith.constant 0 : i32
    %dma_start3A_139 = tpu.memref_slice %arg3[%dma_start3A_137, %dma_start3A_138] : memref<1000000x64xf32, #tpu.memory_space<hbm>> -> memref<1000000x64xf32, #tpu.memory_space<hbm>>
    tpu.enqueue_indirect_dma source(%dma_start3A_139 : memref<1000000x64xf32, #tpu.memory_space<hbm>>) target(%dma_start3A_133 : memref<128x64xf32, #tpu.memory_space<vmem>>) offsets(%dma_start3A_136 : memref<128xi32, #tpu.memory_space<vmem>>) semaphore(%arg11 : memref<!tpu.dma_semaphore, #tpu.memory_space<semaphore_mem>>)
    %dma_start3A_140 = arith.constant 2 : i32
    %dma_start3A_141 = arith.constant 128 : i32
    %dma_start3A_142 = arith.constant 0 : i32
    %dma_start3A_143 = tpu.memref_slice %arg8[%dma_start3A_141, %dma_start3A_142] : memref<512x64xf32, #tpu.memory_space<vmem>> -> memref<128x64xf32, #tpu.memory_space<vmem>>
    %dma_start3A_144 = arith.constant 128 : i32
    %dma_start3A_145 = tpu.memref_slice %arg5[%dma_start3A_140, %dma_start3A_144] : memref<25x512xi32, #tpu.memory_space<vmem>> -> memref<1x128xi32, #tpu.memory_space<vmem>>
    %dma_start3A_146 = tpu.memref_squeeze %dma_start3A_145 : memref<1x128xi32, #tpu.memory_space<vmem>> -> memref<128xi32, #tpu.memory_space<vmem>>
    %dma_start3A_147 = arith.constant 0 : i32
    %dma_start3A_148 = arith.constant 0 : i32
    %dma_start3A_149 = tpu.memref_slice %arg3[%dma_start3A_147, %dma_start3A_148] : memref<1000000x64xf32, #tpu.memory_space<hbm>> -> memref<1000000x64xf32, #tpu.memory_space<hbm>>
    tpu.enqueue_indirect_dma source(%dma_start3A_149 : memref<1000000x64xf32, #tpu.memory_space<hbm>>) target(%dma_start3A_143 : memref<128x64xf32, #tpu.memory_space<vmem>>) offsets(%dma_start3A_146 : memref<128xi32, #tpu.memory_space<vmem>>) semaphore(%arg11 : memref<!tpu.dma_semaphore, #tpu.memory_space<semaphore_mem>>)
    %dma_start3A_150 = arith.constant 2 : i32
    %dma_start3A_151 = arith.constant 256 : i32
    %dma_start3A_152 = arith.constant 0 : i32
    %dma_start3A_153 = tpu.memref_slice %arg8[%dma_start3A_151, %dma_start3A_152] : memref<512x64xf32, #tpu.memory_space<vmem>> -> memref<128x64xf32, #tpu.memory_space<vmem>>
    %dma_start3A_154 = arith.constant 256 : i32
    %dma_start3A_155 = tpu.memref_slice %arg5[%dma_start3A_150, %dma_start3A_154] : memref<25x512xi32, #tpu.memory_space<vmem>> -> memref<1x128xi32, #tpu.memory_space<vmem>>
    %dma_start3A_156 = tpu.memref_squeeze %dma_start3A_155 : memref<1x128xi32, #tpu.memory_space<vmem>> -> memref<128xi32, #tpu.memory_space<vmem>>
    %dma_start3A_157 = arith.constant 0 : i32
    %dma_start3A_158 = arith.constant 0 : i32
    %dma_start3A_159 = tpu.memref_slice %arg3[%dma_start3A_157, %dma_start3A_158] : memref<1000000x64xf32, #tpu.memory_space<hbm>> -> memref<1000000x64xf32, #tpu.memory_space<hbm>>
    tpu.enqueue_indirect_dma source(%dma_start3A_159 : memref<1000000x64xf32, #tpu.memory_space<hbm>>) target(%dma_start3A_153 : memref<128x64xf32, #tpu.memory_space<vmem>>) offsets(%dma_start3A_156 : memref<128xi32, #tpu.memory_space<vmem>>) semaphore(%arg11 : memref<!tpu.dma_semaphore, #tpu.memory_space<semaphore_mem>>)
    %dma_start3A_160 = arith.constant 2 : i32
    %dma_start3A_161 = arith.constant 384 : i32
    %dma_start3A_162 = arith.constant 0 : i32
    %dma_start3A_163 = tpu.memref_slice %arg8[%dma_start3A_161, %dma_start3A_162] : memref<512x64xf32, #tpu.memory_space<vmem>> -> memref<128x64xf32, #tpu.memory_space<vmem>>
    %dma_start3A_164 = arith.constant 384 : i32
    %dma_start3A_165 = tpu.memref_slice %arg5[%dma_start3A_160, %dma_start3A_164] : memref<25x512xi32, #tpu.memory_space<vmem>> -> memref<1x128xi32, #tpu.memory_space<vmem>>
    %dma_start3A_166 = tpu.memref_squeeze %dma_start3A_165 : memref<1x128xi32, #tpu.memory_space<vmem>> -> memref<128xi32, #tpu.memory_space<vmem>>
    %dma_start3A_167 = arith.constant 0 : i32
    %dma_start3A_168 = arith.constant 0 : i32
    %dma_start3A_169 = tpu.memref_slice %arg3[%dma_start3A_167, %dma_start3A_168] : memref<1000000x64xf32, #tpu.memory_space<hbm>> -> memref<1000000x64xf32, #tpu.memory_space<hbm>>
    tpu.enqueue_indirect_dma source(%dma_start3A_169 : memref<1000000x64xf32, #tpu.memory_space<hbm>>) target(%dma_start3A_163 : memref<128x64xf32, #tpu.memory_space<vmem>>) offsets(%dma_start3A_166 : memref<128xi32, #tpu.memory_space<vmem>>) semaphore(%arg11 : memref<!tpu.dma_semaphore, #tpu.memory_space<semaphore_mem>>)
    %dma_wait3A_170 = arith.constant 1 : i32
    %dma_wait3A_171 = arith.constant 0 : i32
    %dma_wait3A_172 = arith.constant 0 : i32
    %dma_wait3A_173 = tpu.memref_slice %arg7[%dma_wait3A_171, %dma_wait3A_172] : memref<512x64xf32, #tpu.memory_space<vmem>> -> memref<128x64xf32, #tpu.memory_space<vmem>>
    %dma_wait3A_174 = arith.constant 0 : i32
    %dma_wait3A_175 = tpu.memref_slice %arg5[%dma_wait3A_170, %dma_wait3A_174] : memref<25x512xi32, #tpu.memory_space<vmem>> -> memref<1x128xi32, #tpu.memory_space<vmem>>
    %dma_wait3A_176 = tpu.memref_squeeze %dma_wait3A_175 : memref<1x128xi32, #tpu.memory_space<vmem>> -> memref<128xi32, #tpu.memory_space<vmem>>
    %dma_wait3A_177 = arith.constant 0 : i32
    %dma_wait3A_178 = arith.constant 0 : i32
    %dma_wait3A_179 = tpu.memref_slice %arg3[%dma_wait3A_177, %dma_wait3A_178] : memref<1000000x64xf32, #tpu.memory_space<hbm>> -> memref<1000000x64xf32, #tpu.memory_space<hbm>>
    tpu.wait_indirect_dma semaphore(%arg10 : memref<!tpu.dma_semaphore, #tpu.memory_space<semaphore_mem>>) src(%dma_wait3A_179 : memref<1000000x64xf32, #tpu.memory_space<hbm>>) dst(%dma_wait3A_173 : memref<128x64xf32, #tpu.memory_space<vmem>>)
    %dma_wait3A_180 = arith.constant 1 : i32
    %dma_wait3A_181 = arith.constant 128 : i32
    %dma_wait3A_182 = arith.constant 0 : i32
    %dma_wait3A_183 = tpu.memref_slice %arg7[%dma_wait3A_181, %dma_wait3A_182] : memref<512x64xf32, #tpu.memory_space<vmem>> -> memref<128x64xf32, #tpu.memory_space<vmem>>
    %dma_wait3A_184 = arith.constant 128 : i32
    %dma_wait3A_185 = tpu.memref_slice %arg5[%dma_wait3A_180, %dma_wait3A_184] : memref<25x512xi32, #tpu.memory_space<vmem>> -> memref<1x128xi32, #tpu.memory_space<vmem>>
    %dma_wait3A_186 = tpu.memref_squeeze %dma_wait3A_185 : memref<1x128xi32, #tpu.memory_space<vmem>> -> memref<128xi32, #tpu.memory_space<vmem>>
    %dma_wait3A_187 = arith.constant 0 : i32
    %dma_wait3A_188 = arith.constant 0 : i32
    %dma_wait3A_189 = tpu.memref_slice %arg3[%dma_wait3A_187, %dma_wait3A_188] : memref<1000000x64xf32, #tpu.memory_space<hbm>> -> memref<1000000x64xf32, #tpu.memory_space<hbm>>
    tpu.wait_indirect_dma semaphore(%arg10 : memref<!tpu.dma_semaphore, #tpu.memory_space<semaphore_mem>>) src(%dma_wait3A_189 : memref<1000000x64xf32, #tpu.memory_space<hbm>>) dst(%dma_wait3A_183 : memref<128x64xf32, #tpu.memory_space<vmem>>)
    %dma_wait3A_190 = arith.constant 1 : i32
    %dma_wait3A_191 = arith.constant 256 : i32
    %dma_wait3A_192 = arith.constant 0 : i32
    %dma_wait3A_193 = tpu.memref_slice %arg7[%dma_wait3A_191, %dma_wait3A_192] : memref<512x64xf32, #tpu.memory_space<vmem>> -> memref<128x64xf32, #tpu.memory_space<vmem>>
    %dma_wait3A_194 = arith.constant 256 : i32
    %dma_wait3A_195 = tpu.memref_slice %arg5[%dma_wait3A_190, %dma_wait3A_194] : memref<25x512xi32, #tpu.memory_space<vmem>> -> memref<1x128xi32, #tpu.memory_space<vmem>>
    %dma_wait3A_196 = tpu.memref_squeeze %dma_wait3A_195 : memref<1x128xi32, #tpu.memory_space<vmem>> -> memref<128xi32, #tpu.memory_space<vmem>>
    %dma_wait3A_197 = arith.constant 0 : i32
    %dma_wait3A_198 = arith.constant 0 : i32
    %dma_wait3A_199 = tpu.memref_slice %arg3[%dma_wait3A_197, %dma_wait3A_198] : memref<1000000x64xf32, #tpu.memory_space<hbm>> -> memref<1000000x64xf32, #tpu.memory_space<hbm>>
    tpu.wait_indirect_dma semaphore(%arg10 : memref<!tpu.dma_semaphore, #tpu.memory_space<semaphore_mem>>) src(%dma_wait3A_199 : memref<1000000x64xf32, #tpu.memory_space<hbm>>) dst(%dma_wait3A_193 : memref<128x64xf32, #tpu.memory_space<vmem>>)
    %dma_wait3A_200 = arith.constant 1 : i32
    %dma_wait3A_201 = arith.constant 384 : i32
    %dma_wait3A_202 = arith.constant 0 : i32
    %dma_wait3A_203 = tpu.memref_slice %arg7[%dma_wait3A_201, %dma_wait3A_202] : memref<512x64xf32, #tpu.memory_space<vmem>> -> memref<128x64xf32, #tpu.memory_space<vmem>>
    %dma_wait3A_204 = arith.constant 384 : i32
    %dma_wait3A_205 = tpu.memref_slice %arg5[%dma_wait3A_200, %dma_wait3A_204] : memref<25x512xi32, #tpu.memory_space<vmem>> -> memref<1x128xi32, #tpu.memory_space<vmem>>
    %dma_wait3A_206 = tpu.memref_squeeze %dma_wait3A_205 : memref<1x128xi32, #tpu.memory_space<vmem>> -> memref<128xi32, #tpu.memory_space<vmem>>
    %dma_wait3A_207 = arith.constant 0 : i32
    %dma_wait3A_208 = arith.constant 0 : i32
    %dma_wait3A_209 = tpu.memref_slice %arg3[%dma_wait3A_207, %dma_wait3A_208] : memref<1000000x64xf32, #tpu.memory_space<hbm>> -> memref<1000000x64xf32, #tpu.memory_space<hbm>>
    tpu.wait_indirect_dma semaphore(%arg10 : memref<!tpu.dma_semaphore, #tpu.memory_space<semaphore_mem>>) src(%dma_wait3A_209 : memref<1000000x64xf32, #tpu.memory_space<hbm>>) dst(%dma_wait3A_203 : memref<128x64xf32, #tpu.memory_space<vmem>>)
    %dma_wait3A_210 = arith.constant 0 : i32
    %dma_wait3A_211 = arith.constant 0 : i32
    %dma_wait3A_212 = arith.constant 0 : i32
    %dma_wait3A_213 = tpu.memref_slice %arg4[%add3A, %dma_wait3A_210, %dma_wait3A_211, %dma_wait3A_212] : memref<32x25x512x64xf32, #tpu.memory_space<hbm>> -> memref<1x1x512x64xf32, #tpu.memory_space<hbm>>
    %dma_wait3A_214 = tpu.memref_squeeze %dma_wait3A_213 : memref<1x1x512x64xf32, #tpu.memory_space<hbm>> -> memref<512x64xf32, #tpu.memory_space<hbm>>
    %dma_wait3A_215 = arith.constant 0 : i32
    %dma_wait3A_216 = arith.constant 0 : i32
    %dma_wait3A_217 = tpu.memref_slice %arg4[%add3A, %dma_wait3A_210, %dma_wait3A_215, %dma_wait3A_216] : memref<32x25x512x64xf32, #tpu.memory_space<hbm>> -> memref<1x1x512x64xf32, #tpu.memory_space<hbm>>
    %dma_wait3A_218 = tpu.memref_squeeze %dma_wait3A_217 : memref<1x1x512x64xf32, #tpu.memory_space<hbm>> -> memref<512x64xf32, #tpu.memory_space<hbm>>
    tpu.wait_dma2 semaphore(%arg12 : memref<!tpu.dma_semaphore, #tpu.memory_space<semaphore_mem>>) src(%arg6 : memref<512x64xf32, #tpu.memory_space<vmem>>) dst(%dma_wait3A_218 : memref<512x64xf32, #tpu.memory_space<hbm>>)
    %dma_start3A_219 = arith.constant 1 : i32
    %dma_start3A_220 = arith.constant 0 : i32
    %dma_start3A_221 = arith.constant 0 : i32
    %dma_start3A_222 = tpu.memref_slice %arg4[%add3A, %dma_start3A_219, %dma_start3A_220, %dma_start3A_221] : memref<32x25x512x64xf32, #tpu.memory_space<hbm>> -> memref<1x1x512x64xf32, #tpu.memory_space<hbm>>
    %dma_start3A_223 = tpu.memref_squeeze %dma_start3A_222 : memref<1x1x512x64xf32, #tpu.memory_space<hbm>> -> memref<512x64xf32, #tpu.memory_space<hbm>>
    %dma_start3A_224 = arith.constant 0 : i32
    %dma_start3A_225 = arith.constant 0 : i32
    %dma_start3A_226 = tpu.memref_slice %arg4[%add3A, %dma_start3A_219, %dma_start3A_224, %dma_start3A_225] : memref<32x25x512x64xf32, #tpu.memory_space<hbm>> -> memref<1x1x512x64xf32, #tpu.memory_space<hbm>>
    %dma_start3A_227 = tpu.memref_squeeze %dma_start3A_226 : memref<1x1x512x64xf32, #tpu.memory_space<hbm>> -> memref<512x64xf32, #tpu.memory_space<hbm>>
    tpu.enqueue_dma source(%arg7 : memref<512x64xf32, #tpu.memory_space<vmem>>) target(%dma_start3A_227 : memref<512x64xf32, #tpu.memory_space<hbm>>) target_semaphore(%arg13 : memref<!tpu.dma_semaphore, #tpu.memory_space<semaphore_mem>>)
    %dma_start3A_228 = arith.constant 3 : i32
    %dma_start3A_229 = arith.constant 0 : i32
    %dma_start3A_230 = arith.constant 0 : i32
    %dma_start3A_231 = tpu.memref_slice %arg6[%dma_start3A_229, %dma_start3A_230] : memref<512x64xf32, #tpu.memory_space<vmem>> -> memref<128x64xf32, #tpu.memory_space<vmem>>
    %dma_start3A_232 = arith.constant 0 : i32
    %dma_start3A_233 = tpu.memref_slice %arg5[%dma_start3A_228, %dma_start3A_232] : memref<25x512xi32, #tpu.memory_space<vmem>> -> memref<1x128xi32, #tpu.memory_space<vmem>>
    %dma_start3A_234 = tpu.memref_squeeze %dma_start3A_233 : memref<1x128xi32, #tpu.memory_space<vmem>> -> memref<128xi32, #tpu.memory_space<vmem>>
    %dma_start3A_235 = arith.constant 0 : i32
    %dma_start3A_236 = arith.constant 0 : i32
    %dma_start3A_237 = tpu.memref_slice %arg3[%dma_start3A_235, %dma_start3A_236] : memref<1000000x64xf32, #tpu.memory_space<hbm>> -> memref<1000000x64xf32, #tpu.memory_space<hbm>>
    tpu.enqueue_indirect_dma source(%dma_start3A_237 : memref<1000000x64xf32, #tpu.memory_space<hbm>>) target(%dma_start3A_231 : memref<128x64xf32, #tpu.memory_space<vmem>>) offsets(%dma_start3A_234 : memref<128xi32, #tpu.memory_space<vmem>>) semaphore(%arg9 : memref<!tpu.dma_semaphore, #tpu.memory_space<semaphore_mem>>)
    %dma_start3A_238 = arith.constant 3 : i32
    %dma_start3A_239 = arith.constant 128 : i32
    %dma_start3A_240 = arith.constant 0 : i32
    %dma_start3A_241 = tpu.memref_slice %arg6[%dma_start3A_239, %dma_start3A_240] : memref<512x64xf32, #tpu.memory_space<vmem>> -> memref<128x64xf32, #tpu.memory_space<vmem>>
    %dma_start3A_242 = arith.constant 128 : i32
    %dma_start3A_243 = tpu.memref_slice %arg5[%dma_start3A_238, %dma_start3A_242] : memref<25x512xi32, #tpu.memory_space<vmem>> -> memref<1x128xi32, #tpu.memory_space<vmem>>
    %dma_start3A_244 = tpu.memref_squeeze %dma_start3A_243 : memref<1x128xi32, #tpu.memory_space<vmem>> -> memref<128xi32, #tpu.memory_space<vmem>>
    %dma_start3A_245 = arith.constant 0 : i32
    %dma_start3A_246 = arith.constant 0 : i32
    %dma_start3A_247 = tpu.memref_slice %arg3[%dma_start3A_245, %dma_start3A_246] : memref<1000000x64xf32, #tpu.memory_space<hbm>> -> memref<1000000x64xf32, #tpu.memory_space<hbm>>
    tpu.enqueue_indirect_dma source(%dma_start3A_247 : memref<1000000x64xf32, #tpu.memory_space<hbm>>) target(%dma_start3A_241 : memref<128x64xf32, #tpu.memory_space<vmem>>) offsets(%dma_start3A_244 : memref<128xi32, #tpu.memory_space<vmem>>) semaphore(%arg9 : memref<!tpu.dma_semaphore, #tpu.memory_space<semaphore_mem>>)
    %dma_start3A_248 = arith.constant 3 : i32
    %dma_start3A_249 = arith.constant 256 : i32
    %dma_start3A_250 = arith.constant 0 : i32
    %dma_start3A_251 = tpu.memref_slice %arg6[%dma_start3A_249, %dma_start3A_250] : memref<512x64xf32, #tpu.memory_space<vmem>> -> memref<128x64xf32, #tpu.memory_space<vmem>>
    %dma_start3A_252 = arith.constant 256 : i32
    %dma_start3A_253 = tpu.memref_slice %arg5[%dma_start3A_248, %dma_start3A_252] : memref<25x512xi32, #tpu.memory_space<vmem>> -> memref<1x128xi32, #tpu.memory_space<vmem>>
    %dma_start3A_254 = tpu.memref_squeeze %dma_start3A_253 : memref<1x128xi32, #tpu.memory_space<vmem>> -> memref<128xi32, #tpu.memory_space<vmem>>
    %dma_start3A_255 = arith.constant 0 : i32
    %dma_start3A_256 = arith.constant 0 : i32
    %dma_start3A_257 = tpu.memref_slice %arg3[%dma_start3A_255, %dma_start3A_256] : memref<1000000x64xf32, #tpu.memory_space<hbm>> -> memref<1000000x64xf32, #tpu.memory_space<hbm>>
    tpu.enqueue_indirect_dma source(%dma_start3A_257 : memref<1000000x64xf32, #tpu.memory_space<hbm>>) target(%dma_start3A_251 : memref<128x64xf32, #tpu.memory_space<vmem>>) offsets(%dma_start3A_254 : memref<128xi32, #tpu.memory_space<vmem>>) semaphore(%arg9 : memref<!tpu.dma_semaphore, #tpu.memory_space<semaphore_mem>>)
    %dma_start3A_258 = arith.constant 3 : i32
    %dma_start3A_259 = arith.constant 384 : i32
    %dma_start3A_260 = arith.constant 0 : i32
    %dma_start3A_261 = tpu.memref_slice %arg6[%dma_start3A_259, %dma_start3A_260] : memref<512x64xf32, #tpu.memory_space<vmem>> -> memref<128x64xf32, #tpu.memory_space<vmem>>
    %dma_start3A_262 = arith.constant 384 : i32
    %dma_start3A_263 = tpu.memref_slice %arg5[%dma_start3A_258, %dma_start3A_262] : memref<25x512xi32, #tpu.memory_space<vmem>> -> memref<1x128xi32, #tpu.memory_space<vmem>>
    %dma_start3A_264 = tpu.memref_squeeze %dma_start3A_263 : memref<1x128xi32, #tpu.memory_space<vmem>> -> memref<128xi32, #tpu.memory_space<vmem>>
    %dma_start3A_265 = arith.constant 0 : i32
    %dma_start3A_266 = arith.constant 0 : i32
    %dma_start3A_267 = tpu.memref_slice %arg3[%dma_start3A_265, %dma_start3A_266] : memref<1000000x64xf32, #tpu.memory_space<hbm>> -> memref<1000000x64xf32, #tpu.memory_space<hbm>>
    tpu.enqueue_indirect_dma source(%dma_start3A_267 : memref<1000000x64xf32, #tpu.memory_space<hbm>>) target(%dma_start3A_261 : memref<128x64xf32, #tpu.memory_space<vmem>>) offsets(%dma_start3A_264 : memref<128xi32, #tpu.memory_space<vmem>>) semaphore(%arg9 : memref<!tpu.dma_semaphore, #tpu.memory_space<semaphore_mem>>)
    %dma_wait3A_268 = arith.constant 2 : i32
    %dma_wait3A_269 = arith.constant 0 : i32
    %dma_wait3A_270 = arith.constant 0 : i32
    %dma_wait3A_271 = tpu.memref_slice %arg8[%dma_wait3A_269, %dma_wait3A_270] : memref<512x64xf32, #tpu.memory_space<vmem>> -> memref<128x64xf32, #tpu.memory_space<vmem>>
    %dma_wait3A_272 = arith.constant 0 : i32
    %dma_wait3A_273 = tpu.memref_slice %arg5[%dma_wait3A_268, %dma_wait3A_272] : memref<25x512xi32, #tpu.memory_space<vmem>> -> memref<1x128xi32, #tpu.memory_space<vmem>>
    %dma_wait3A_274 = tpu.memref_squeeze %dma_wait3A_273 : memref<1x128xi32, #tpu.memory_space<vmem>> -> memref<128xi32, #tpu.memory_space<vmem>>
    %dma_wait3A_275 = arith.constant 0 : i32
    %dma_wait3A_276 = arith.constant 0 : i32
    %dma_wait3A_277 = tpu.memref_slice %arg3[%dma_wait3A_275, %dma_wait3A_276] : memref<1000000x64xf32, #tpu.memory_space<hbm>> -> memref<1000000x64xf32, #tpu.memory_space<hbm>>
    tpu.wait_indirect_dma semaphore(%arg11 : memref<!tpu.dma_semaphore, #tpu.memory_space<semaphore_mem>>) src(%dma_wait3A_277 : memref<1000000x64xf32, #tpu.memory_space<hbm>>) dst(%dma_wait3A_271 : memref<128x64xf32, #tpu.memory_space<vmem>>)
    %dma_wait3A_278 = arith.constant 2 : i32
    %dma_wait3A_279 = arith.constant 128 : i32
    %dma_wait3A_280 = arith.constant 0 : i32
    %dma_wait3A_281 = tpu.memref_slice %arg8[%dma_wait3A_279, %dma_wait3A_280] : memref<512x64xf32, #tpu.memory_space<vmem>> -> memref<128x64xf32, #tpu.memory_space<vmem>>
    %dma_wait3A_282 = arith.constant 128 : i32
    %dma_wait3A_283 = tpu.memref_slice %arg5[%dma_wait3A_278, %dma_wait3A_282] : memref<25x512xi32, #tpu.memory_space<vmem>> -> memref<1x128xi32, #tpu.memory_space<vmem>>
    %dma_wait3A_284 = tpu.memref_squeeze %dma_wait3A_283 : memref<1x128xi32, #tpu.memory_space<vmem>> -> memref<128xi32, #tpu.memory_space<vmem>>
    %dma_wait3A_285 = arith.constant 0 : i32
    %dma_wait3A_286 = arith.constant 0 : i32
    %dma_wait3A_287 = tpu.memref_slice %arg3[%dma_wait3A_285, %dma_wait3A_286] : memref<1000000x64xf32, #tpu.memory_space<hbm>> -> memref<1000000x64xf32, #tpu.memory_space<hbm>>
    tpu.wait_indirect_dma semaphore(%arg11 : memref<!tpu.dma_semaphore, #tpu.memory_space<semaphore_mem>>) src(%dma_wait3A_287 : memref<1000000x64xf32, #tpu.memory_space<hbm>>) dst(%dma_wait3A_281 : memref<128x64xf32, #tpu.memory_space<vmem>>)
    %dma_wait3A_288 = arith.constant 2 : i32
    %dma_wait3A_289 = arith.constant 256 : i32
    %dma_wait3A_290 = arith.constant 0 : i32
    %dma_wait3A_291 = tpu.memref_slice %arg8[%dma_wait3A_289, %dma_wait3A_290] : memref<512x64xf32, #tpu.memory_space<vmem>> -> memref<128x64xf32, #tpu.memory_space<vmem>>
    %dma_wait3A_292 = arith.constant 256 : i32
    %dma_wait3A_293 = tpu.memref_slice %arg5[%dma_wait3A_288, %dma_wait3A_292] : memref<25x512xi32, #tpu.memory_space<vmem>> -> memref<1x128xi32, #tpu.memory_space<vmem>>
    %dma_wait3A_294 = tpu.memref_squeeze %dma_wait3A_293 : memref<1x128xi32, #tpu.memory_space<vmem>> -> memref<128xi32, #tpu.memory_space<vmem>>
    %dma_wait3A_295 = arith.constant 0 : i32
    %dma_wait3A_296 = arith.constant 0 : i32
    %dma_wait3A_297 = tpu.memref_slice %arg3[%dma_wait3A_295, %dma_wait3A_296] : memref<1000000x64xf32, #tpu.memory_space<hbm>> -> memref<1000000x64xf32, #tpu.memory_space<hbm>>
    tpu.wait_indirect_dma semaphore(%arg11 : memref<!tpu.dma_semaphore, #tpu.memory_space<semaphore_mem>>) src(%dma_wait3A_297 : memref<1000000x64xf32, #tpu.memory_space<hbm>>) dst(%dma_wait3A_291 : memref<128x64xf32, #tpu.memory_space<vmem>>)
    %dma_wait3A_298 = arith.constant 2 : i32
    %dma_wait3A_299 = arith.constant 384 : i32
    %dma_wait3A_300 = arith.constant 0 : i32
    %dma_wait3A_301 = tpu.memref_slice %arg8[%dma_wait3A_299, %dma_wait3A_300] : memref<512x64xf32, #tpu.memory_space<vmem>> -> memref<128x64xf32, #tpu.memory_space<vmem>>
    %dma_wait3A_302 = arith.constant 384 : i32
    %dma_wait3A_303 = tpu.memref_slice %arg5[%dma_wait3A_298, %dma_wait3A_302] : memref<25x512xi32, #tpu.memory_space<vmem>> -> memref<1x128xi32, #tpu.memory_space<vmem>>
    %dma_wait3A_304 = tpu.memref_squeeze %dma_wait3A_303 : memref<1x128xi32, #tpu.memory_space<vmem>> -> memref<128xi32, #tpu.memory_space<vmem>>
    %dma_wait3A_305 = arith.constant 0 : i32
    %dma_wait3A_306 = arith.constant 0 : i32
    %dma_wait3A_307 = tpu.memref_slice %arg3[%dma_wait3A_305, %dma_wait3A_306] : memref<1000000x64xf32, #tpu.memory_space<hbm>> -> memref<1000000x64xf32, #tpu.memory_space<hbm>>
    tpu.wait_indirect_dma semaphore(%arg11 : memref<!tpu.dma_semaphore, #tpu.memory_space<semaphore_mem>>) src(%dma_wait3A_307 : memref<1000000x64xf32, #tpu.memory_space<hbm>>) dst(%dma_wait3A_301 : memref<128x64xf32, #tpu.memory_space<vmem>>)
    %dma_wait3A_308 = arith.constant 1 : i32
    %dma_wait3A_309 = arith.constant 0 : i32
    %dma_wait3A_310 = arith.constant 0 : i32
    %dma_wait3A_311 = tpu.memref_slice %arg4[%add3A, %dma_wait3A_308, %dma_wait3A_309, %dma_wait3A_310] : memref<32x25x512x64xf32, #tpu.memory_space<hbm>> -> memref<1x1x512x64xf32, #tpu.memory_space<hbm>>
    %dma_wait3A_312 = tpu.memref_squeeze %dma_wait3A_311 : memref<1x1x512x64xf32, #tpu.memory_space<hbm>> -> memref<512x64xf32, #tpu.memory_space<hbm>>
    %dma_wait3A_313 = arith.constant 0 : i32
    %dma_wait3A_314 = arith.constant 0 : i32
    %dma_wait3A_315 = tpu.memref_slice %arg4[%add3A, %dma_wait3A_308, %dma_wait3A_313, %dma_wait3A_314] : memref<32x25x512x64xf32, #tpu.memory_space<hbm>> -> memref<1x1x512x64xf32, #tpu.memory_space<hbm>>
    %dma_wait3A_316 = tpu.memref_squeeze %dma_wait3A_315 : memref<1x1x512x64xf32, #tpu.memory_space<hbm>> -> memref<512x64xf32, #tpu.memory_space<hbm>>
    tpu.wait_dma2 semaphore(%arg13 : memref<!tpu.dma_semaphore, #tpu.memory_space<semaphore_mem>>) src(%arg7 : memref<512x64xf32, #tpu.memory_space<vmem>>) dst(%dma_wait3A_316 : memref<512x64xf32, #tpu.memory_space<hbm>>)
    %dma_start3A_317 = arith.constant 2 : i32
    %dma_start3A_318 = arith.constant 0 : i32
    %dma_start3A_319 = arith.constant 0 : i32
    %dma_start3A_320 = tpu.memref_slice %arg4[%add3A, %dma_start3A_317, %dma_start3A_318, %dma_start3A_319] : memref<32x25x512x64xf32, #tpu.memory_space<hbm>> -> memref<1x1x512x64xf32, #tpu.memory_space<hbm>>
    %dma_start3A_321 = tpu.memref_squeeze %dma_start3A_320 : memref<1x1x512x64xf32, #tpu.memory_space<hbm>> -> memref<512x64xf32, #tpu.memory_space<hbm>>
    %dma_start3A_322 = arith.constant 0 : i32
    %dma_start3A_323 = arith.constant 0 : i32
    %dma_start3A_324 = tpu.memref_slice %arg4[%add3A, %dma_start3A_317, %dma_start3A_322, %dma_start3A_323] : memref<32x25x512x64xf32, #tpu.memory_space<hbm>> -> memref<1x1x512x64xf32, #tpu.memory_space<hbm>>
    %dma_start3A_325 = tpu.memref_squeeze %dma_start3A_324 : memref<1x1x512x64xf32, #tpu.memory_space<hbm>> -> memref<512x64xf32, #tpu.memory_space<hbm>>
    tpu.enqueue_dma source(%arg8 : memref<512x64xf32, #tpu.memory_space<vmem>>) target(%dma_start3A_325 : memref<512x64xf32, #tpu.memory_space<hbm>>) target_semaphore(%arg14 : memref<!tpu.dma_semaphore, #tpu.memory_space<semaphore_mem>>)
    %dma_start3A_326 = arith.constant 4 : i32
    %dma_start3A_327 = arith.constant 0 : i32
    %dma_start3A_328 = arith.constant 0 : i32
    %dma_start3A_329 = tpu.memref_slice %arg7[%dma_start3A_327, %dma_start3A_328] : memref<512x64xf32, #tpu.memory_space<vmem>> -> memref<128x64xf32, #tpu.memory_space<vmem>>
    %dma_start3A_330 = arith.constant 0 : i32
    %dma_start3A_331 = tpu.memref_slice %arg5[%dma_start3A_326, %dma_start3A_330] : memref<25x512xi32, #tpu.memory_space<vmem>> -> memref<1x128xi32, #tpu.memory_space<vmem>>
    %dma_start3A_332 = tpu.memref_squeeze %dma_start3A_331 : memref<1x128xi32, #tpu.memory_space<vmem>> -> memref<128xi32, #tpu.memory_space<vmem>>
    %dma_start3A_333 = arith.constant 0 : i32
    %dma_start3A_334 = arith.constant 0 : i32
    %dma_start3A_335 = tpu.memref_slice %arg3[%dma_start3A_333, %dma_start3A_334] : memref<1000000x64xf32, #tpu.memory_space<hbm>> -> memref<1000000x64xf32, #tpu.memory_space<hbm>>
    tpu.enqueue_indirect_dma source(%dma_start3A_335 : memref<1000000x64xf32, #tpu.memory_space<hbm>>) target(%dma_start3A_329 : memref<128x64xf32, #tpu.memory_space<vmem>>) offsets(%dma_start3A_332 : memref<128xi32, #tpu.memory_space<vmem>>) semaphore(%arg10 : memref<!tpu.dma_semaphore, #tpu.memory_space<semaphore_mem>>)
    %dma_start3A_336 = arith.constant 4 : i32
    %dma_start3A_337 = arith.constant 128 : i32
    %dma_start3A_338 = arith.constant 0 : i32
    %dma_start3A_339 = tpu.memref_slice %arg7[%dma_start3A_337, %dma_start3A_338] : memref<512x64xf32, #tpu.memory_space<vmem>> -> memref<128x64xf32, #tpu.memory_space<vmem>>
    %dma_start3A_340 = arith.constant 128 : i32
    %dma_start3A_341 = tpu.memref_slice %arg5[%dma_start3A_336, %dma_start3A_340] : memref<25x512xi32, #tpu.memory_space<vmem>> -> memref<1x128xi32, #tpu.memory_space<vmem>>
    %dma_start3A_342 = tpu.memref_squeeze %dma_start3A_341 : memref<1x128xi32, #tpu.memory_space<vmem>> -> memref<128xi32, #tpu.memory_space<vmem>>
    %dma_start3A_343 = arith.constant 0 : i32
    %dma_start3A_344 = arith.constant 0 : i32
    %dma_start3A_345 = tpu.memref_slice %arg3[%dma_start3A_343, %dma_start3A_344] : memref<1000000x64xf32, #tpu.memory_space<hbm>> -> memref<1000000x64xf32, #tpu.memory_space<hbm>>
    tpu.enqueue_indirect_dma source(%dma_start3A_345 : memref<1000000x64xf32, #tpu.memory_space<hbm>>) target(%dma_start3A_339 : memref<128x64xf32, #tpu.memory_space<vmem>>) offsets(%dma_start3A_342 : memref<128xi32, #tpu.memory_space<vmem>>) semaphore(%arg10 : memref<!tpu.dma_semaphore, #tpu.memory_space<semaphore_mem>>)
    %dma_start3A_346 = arith.constant 4 : i32
    %dma_start3A_347 = arith.constant 256 : i32
    %dma_start3A_348 = arith.constant 0 : i32
    %dma_start3A_349 = tpu.memref_slice %arg7[%dma_start3A_347, %dma_start3A_348] : memref<512x64xf32, #tpu.memory_space<vmem>> -> memref<128x64xf32, #tpu.memory_space<vmem>>
    %dma_start3A_350 = arith.constant 256 : i32
    %dma_start3A_351 = tpu.memref_slice %arg5[%dma_start3A_346, %dma_start3A_350] : memref<25x512xi32, #tpu.memory_space<vmem>> -> memref<1x128xi32, #tpu.memory_space<vmem>>
    %dma_start3A_352 = tpu.memref_squeeze %dma_start3A_351 : memref<1x128xi32, #tpu.memory_space<vmem>> -> memref<128xi32, #tpu.memory_space<vmem>>
    %dma_start3A_353 = arith.constant 0 : i32
    %dma_start3A_354 = arith.constant 0 : i32
    %dma_start3A_355 = tpu.memref_slice %arg3[%dma_start3A_353, %dma_start3A_354] : memref<1000000x64xf32, #tpu.memory_space<hbm>> -> memref<1000000x64xf32, #tpu.memory_space<hbm>>
    tpu.enqueue_indirect_dma source(%dma_start3A_355 : memref<1000000x64xf32, #tpu.memory_space<hbm>>) target(%dma_start3A_349 : memref<128x64xf32, #tpu.memory_space<vmem>>) offsets(%dma_start3A_352 : memref<128xi32, #tpu.memory_space<vmem>>) semaphore(%arg10 : memref<!tpu.dma_semaphore, #tpu.memory_space<semaphore_mem>>)
    %dma_start3A_356 = arith.constant 4 : i32
    %dma_start3A_357 = arith.constant 384 : i32
    %dma_start3A_358 = arith.constant 0 : i32
    %dma_start3A_359 = tpu.memref_slice %arg7[%dma_start3A_357, %dma_start3A_358] : memref<512x64xf32, #tpu.memory_space<vmem>> -> memref<128x64xf32, #tpu.memory_space<vmem>>
    %dma_start3A_360 = arith.constant 384 : i32
    %dma_start3A_361 = tpu.memref_slice %arg5[%dma_start3A_356, %dma_start3A_360] : memref<25x512xi32, #tpu.memory_space<vmem>> -> memref<1x128xi32, #tpu.memory_space<vmem>>
    %dma_start3A_362 = tpu.memref_squeeze %dma_start3A_361 : memref<1x128xi32, #tpu.memory_space<vmem>> -> memref<128xi32, #tpu.memory_space<vmem>>
    %dma_start3A_363 = arith.constant 0 : i32
    %dma_start3A_364 = arith.constant 0 : i32
    %dma_start3A_365 = tpu.memref_slice %arg3[%dma_start3A_363, %dma_start3A_364] : memref<1000000x64xf32, #tpu.memory_space<hbm>> -> memref<1000000x64xf32, #tpu.memory_space<hbm>>
    tpu.enqueue_indirect_dma source(%dma_start3A_365 : memref<1000000x64xf32, #tpu.memory_space<hbm>>) target(%dma_start3A_359 : memref<128x64xf32, #tpu.memory_space<vmem>>) offsets(%dma_start3A_362 : memref<128xi32, #tpu.memory_space<vmem>>) semaphore(%arg10 : memref<!tpu.dma_semaphore, #tpu.memory_space<semaphore_mem>>)
    %scan3A = arith.constant 0 : i32
    %scan3A_366 = arith.constant 1 : i32
    %scan3A_367 = arith.constant 6 : i32
    %scan3A_368 = arith.addi %scan3A_366, %scan3A_367 : i32
    %scan3A_369 = arith.constant 1 : i32
    scf.for %scan3A_692 = %scan3A_366 to %scan3A_368 step %scan3A_369  : i32 {
      %mul3A_693 = arith.constant 3 : i32
      %mul3A_694 = arith.muli %mul3A_693, %scan3A_692 : i32
      %add3A_695 = arith.constant 0 : i32
      %add3A_696 = arith.addi %mul3A_694, %add3A_695 : i32
      %dma_wait3A_697 = arith.constant 0 : i32
      %dma_wait3A_698 = arith.constant 0 : i32
      %dma_wait3A_699 = tpu.memref_slice %arg6[%dma_wait3A_697, %dma_wait3A_698] : memref<512x64xf32, #tpu.memory_space<vmem>> -> memref<128x64xf32, #tpu.memory_space<vmem>>
      %dma_wait3A_700 = arith.constant 0 : i32
      %dma_wait3A_701 = tpu.memref_slice %arg5[%add3A_696, %dma_wait3A_700] : memref<25x512xi32, #tpu.memory_space<vmem>> -> memref<1x128xi32, #tpu.memory_space<vmem>>
      %dma_wait3A_702 = tpu.memref_squeeze %dma_wait3A_701 : memref<1x128xi32, #tpu.memory_space<vmem>> -> memref<128xi32, #tpu.memory_space<vmem>>
      %dma_wait3A_703 = arith.constant 0 : i32
      %dma_wait3A_704 = arith.constant 0 : i32
      %dma_wait3A_705 = tpu.memref_slice %arg3[%dma_wait3A_703, %dma_wait3A_704] : memref<1000000x64xf32, #tpu.memory_space<hbm>> -> memref<1000000x64xf32, #tpu.memory_space<hbm>>
      tpu.wait_indirect_dma semaphore(%arg9 : memref<!tpu.dma_semaphore, #tpu.memory_space<semaphore_mem>>) src(%dma_wait3A_705 : memref<1000000x64xf32, #tpu.memory_space<hbm>>) dst(%dma_wait3A_699 : memref<128x64xf32, #tpu.memory_space<vmem>>)
      %dma_wait3A_706 = arith.constant 128 : i32
      %dma_wait3A_707 = arith.constant 0 : i32
      %dma_wait3A_708 = tpu.memref_slice %arg6[%dma_wait3A_706, %dma_wait3A_707] : memref<512x64xf32, #tpu.memory_space<vmem>> -> memref<128x64xf32, #tpu.memory_space<vmem>>
      %dma_wait3A_709 = arith.constant 128 : i32
      %dma_wait3A_710 = tpu.memref_slice %arg5[%add3A_696, %dma_wait3A_709] : memref<25x512xi32, #tpu.memory_space<vmem>> -> memref<1x128xi32, #tpu.memory_space<vmem>>
      %dma_wait3A_711 = tpu.memref_squeeze %dma_wait3A_710 : memref<1x128xi32, #tpu.memory_space<vmem>> -> memref<128xi32, #tpu.memory_space<vmem>>
      %dma_wait3A_712 = arith.constant 0 : i32
      %dma_wait3A_713 = arith.constant 0 : i32
      %dma_wait3A_714 = tpu.memref_slice %arg3[%dma_wait3A_712, %dma_wait3A_713] : memref<1000000x64xf32, #tpu.memory_space<hbm>> -> memref<1000000x64xf32, #tpu.memory_space<hbm>>
      tpu.wait_indirect_dma semaphore(%arg9 : memref<!tpu.dma_semaphore, #tpu.memory_space<semaphore_mem>>) src(%dma_wait3A_714 : memref<1000000x64xf32, #tpu.memory_space<hbm>>) dst(%dma_wait3A_708 : memref<128x64xf32, #tpu.memory_space<vmem>>)
      %dma_wait3A_715 = arith.constant 256 : i32
      %dma_wait3A_716 = arith.constant 0 : i32
      %dma_wait3A_717 = tpu.memref_slice %arg6[%dma_wait3A_715, %dma_wait3A_716] : memref<512x64xf32, #tpu.memory_space<vmem>> -> memref<128x64xf32, #tpu.memory_space<vmem>>
      %dma_wait3A_718 = arith.constant 256 : i32
      %dma_wait3A_719 = tpu.memref_slice %arg5[%add3A_696, %dma_wait3A_718] : memref<25x512xi32, #tpu.memory_space<vmem>> -> memref<1x128xi32, #tpu.memory_space<vmem>>
      %dma_wait3A_720 = tpu.memref_squeeze %dma_wait3A_719 : memref<1x128xi32, #tpu.memory_space<vmem>> -> memref<128xi32, #tpu.memory_space<vmem>>
      %dma_wait3A_721 = arith.constant 0 : i32
      %dma_wait3A_722 = arith.constant 0 : i32
      %dma_wait3A_723 = tpu.memref_slice %arg3[%dma_wait3A_721, %dma_wait3A_722] : memref<1000000x64xf32, #tpu.memory_space<hbm>> -> memref<1000000x64xf32, #tpu.memory_space<hbm>>
      tpu.wait_indirect_dma semaphore(%arg9 : memref<!tpu.dma_semaphore, #tpu.memory_space<semaphore_mem>>) src(%dma_wait3A_723 : memref<1000000x64xf32, #tpu.memory_space<hbm>>) dst(%dma_wait3A_717 : memref<128x64xf32, #tpu.memory_space<vmem>>)
      %dma_wait3A_724 = arith.constant 384 : i32
      %dma_wait3A_725 = arith.constant 0 : i32
      %dma_wait3A_726 = tpu.memref_slice %arg6[%dma_wait3A_724, %dma_wait3A_725] : memref<512x64xf32, #tpu.memory_space<vmem>> -> memref<128x64xf32, #tpu.memory_space<vmem>>
      %dma_wait3A_727 = arith.constant 384 : i32
      %dma_wait3A_728 = tpu.memref_slice %arg5[%add3A_696, %dma_wait3A_727] : memref<25x512xi32, #tpu.memory_space<vmem>> -> memref<1x128xi32, #tpu.memory_space<vmem>>
      %dma_wait3A_729 = tpu.memref_squeeze %dma_wait3A_728 : memref<1x128xi32, #tpu.memory_space<vmem>> -> memref<128xi32, #tpu.memory_space<vmem>>
      %dma_wait3A_730 = arith.constant 0 : i32
      %dma_wait3A_731 = arith.constant 0 : i32
      %dma_wait3A_732 = tpu.memref_slice %arg3[%dma_wait3A_730, %dma_wait3A_731] : memref<1000000x64xf32, #tpu.memory_space<hbm>> -> memref<1000000x64xf32, #tpu.memory_space<hbm>>
      tpu.wait_indirect_dma semaphore(%arg9 : memref<!tpu.dma_semaphore, #tpu.memory_space<semaphore_mem>>) src(%dma_wait3A_732 : memref<1000000x64xf32, #tpu.memory_space<hbm>>) dst(%dma_wait3A_726 : memref<128x64xf32, #tpu.memory_space<vmem>>)
      %sub3A = arith.constant 1 : i32
      %sub3A_733 = arith.subi %add3A_696, %sub3A : i32
      %dma_wait3A_734 = arith.constant 0 : i32
      %dma_wait3A_735 = arith.constant 0 : i32
      %dma_wait3A_736 = tpu.memref_slice %arg4[%add3A, %sub3A_733, %dma_wait3A_734, %dma_wait3A_735] : memref<32x25x512x64xf32, #tpu.memory_space<hbm>> -> memref<1x1x512x64xf32, #tpu.memory_space<hbm>>
      %dma_wait3A_737 = tpu.memref_squeeze %dma_wait3A_736 : memref<1x1x512x64xf32, #tpu.memory_space<hbm>> -> memref<512x64xf32, #tpu.memory_space<hbm>>
      %dma_wait3A_738 = arith.constant 0 : i32
      %dma_wait3A_739 = arith.constant 0 : i32
      %dma_wait3A_740 = tpu.memref_slice %arg4[%add3A, %sub3A_733, %dma_wait3A_738, %dma_wait3A_739] : memref<32x25x512x64xf32, #tpu.memory_space<hbm>> -> memref<1x1x512x64xf32, #tpu.memory_space<hbm>>
      %dma_wait3A_741 = tpu.memref_squeeze %dma_wait3A_740 : memref<1x1x512x64xf32, #tpu.memory_space<hbm>> -> memref<512x64xf32, #tpu.memory_space<hbm>>
      tpu.wait_dma2 semaphore(%arg14 : memref<!tpu.dma_semaphore, #tpu.memory_space<semaphore_mem>>) src(%arg8 : memref<512x64xf32, #tpu.memory_space<vmem>>) dst(%dma_wait3A_741 : memref<512x64xf32, #tpu.memory_space<hbm>>)
      %dma_start3A_742 = arith.constant 0 : i32
      %dma_start3A_743 = arith.constant 0 : i32
      %dma_start3A_744 = tpu.memref_slice %arg4[%add3A, %add3A_696, %dma_start3A_742, %dma_start3A_743] : memref<32x25x512x64xf32, #tpu.memory_space<hbm>> -> memref<1x1x512x64xf32, #tpu.memory_space<hbm>>
      %dma_start3A_745 = tpu.memref_squeeze %dma_start3A_744 : memref<1x1x512x64xf32, #tpu.memory_space<hbm>> -> memref<512x64xf32, #tpu.memory_space<hbm>>
      %dma_start3A_746 = arith.constant 0 : i32
      %dma_start3A_747 = arith.constant 0 : i32
      %dma_start3A_748 = tpu.memref_slice %arg4[%add3A, %add3A_696, %dma_start3A_746, %dma_start3A_747] : memref<32x25x512x64xf32, #tpu.memory_space<hbm>> -> memref<1x1x512x64xf32, #tpu.memory_space<hbm>>
      %dma_start3A_749 = tpu.memref_squeeze %dma_start3A_748 : memref<1x1x512x64xf32, #tpu.memory_space<hbm>> -> memref<512x64xf32, #tpu.memory_space<hbm>>
      tpu.enqueue_dma source(%arg6 : memref<512x64xf32, #tpu.memory_space<vmem>>) target(%dma_start3A_749 : memref<512x64xf32, #tpu.memory_space<hbm>>) target_semaphore(%arg12 : memref<!tpu.dma_semaphore, #tpu.memory_space<semaphore_mem>>)
      %add3A_750 = arith.constant 2 : i32
      %add3A_751 = arith.addi %add3A_696, %add3A_750 : i32
      %dma_start3A_752 = arith.constant 0 : i32
      %dma_start3A_753 = arith.constant 0 : i32
      %dma_start3A_754 = tpu.memref_slice %arg8[%dma_start3A_752, %dma_start3A_753] : memref<512x64xf32, #tpu.memory_space<vmem>> -> memref<128x64xf32, #tpu.memory_space<vmem>>
      %dma_start3A_755 = arith.constant 0 : i32
      %dma_start3A_756 = tpu.memref_slice %arg5[%add3A_751, %dma_start3A_755] : memref<25x512xi32, #tpu.memory_space<vmem>> -> memref<1x128xi32, #tpu.memory_space<vmem>>
      %dma_start3A_757 = tpu.memref_squeeze %dma_start3A_756 : memref<1x128xi32, #tpu.memory_space<vmem>> -> memref<128xi32, #tpu.memory_space<vmem>>
      %dma_start3A_758 = arith.constant 0 : i32
      %dma_start3A_759 = arith.constant 0 : i32
      %dma_start3A_760 = tpu.memref_slice %arg3[%dma_start3A_758, %dma_start3A_759] : memref<1000000x64xf32, #tpu.memory_space<hbm>> -> memref<1000000x64xf32, #tpu.memory_space<hbm>>
      tpu.enqueue_indirect_dma source(%dma_start3A_760 : memref<1000000x64xf32, #tpu.memory_space<hbm>>) target(%dma_start3A_754 : memref<128x64xf32, #tpu.memory_space<vmem>>) offsets(%dma_start3A_757 : memref<128xi32, #tpu.memory_space<vmem>>) semaphore(%arg11 : memref<!tpu.dma_semaphore, #tpu.memory_space<semaphore_mem>>)
      %dma_start3A_761 = arith.constant 128 : i32
      %dma_start3A_762 = arith.constant 0 : i32
      %dma_start3A_763 = tpu.memref_slice %arg8[%dma_start3A_761, %dma_start3A_762] : memref<512x64xf32, #tpu.memory_space<vmem>> -> memref<128x64xf32, #tpu.memory_space<vmem>>
      %dma_start3A_764 = arith.constant 128 : i32
      %dma_start3A_765 = tpu.memref_slice %arg5[%add3A_751, %dma_start3A_764] : memref<25x512xi32, #tpu.memory_space<vmem>> -> memref<1x128xi32, #tpu.memory_space<vmem>>
      %dma_start3A_766 = tpu.memref_squeeze %dma_start3A_765 : memref<1x128xi32, #tpu.memory_space<vmem>> -> memref<128xi32, #tpu.memory_space<vmem>>
      %dma_start3A_767 = arith.constant 0 : i32
      %dma_start3A_768 = arith.constant 0 : i32
      %dma_start3A_769 = tpu.memref_slice %arg3[%dma_start3A_767, %dma_start3A_768] : memref<1000000x64xf32, #tpu.memory_space<hbm>> -> memref<1000000x64xf32, #tpu.memory_space<hbm>>
      tpu.enqueue_indirect_dma source(%dma_start3A_769 : memref<1000000x64xf32, #tpu.memory_space<hbm>>) target(%dma_start3A_763 : memref<128x64xf32, #tpu.memory_space<vmem>>) offsets(%dma_start3A_766 : memref<128xi32, #tpu.memory_space<vmem>>) semaphore(%arg11 : memref<!tpu.dma_semaphore, #tpu.memory_space<semaphore_mem>>)
      %dma_start3A_770 = arith.constant 256 : i32
      %dma_start3A_771 = arith.constant 0 : i32
      %dma_start3A_772 = tpu.memref_slice %arg8[%dma_start3A_770, %dma_start3A_771] : memref<512x64xf32, #tpu.memory_space<vmem>> -> memref<128x64xf32, #tpu.memory_space<vmem>>
      %dma_start3A_773 = arith.constant 256 : i32
      %dma_start3A_774 = tpu.memref_slice %arg5[%add3A_751, %dma_start3A_773] : memref<25x512xi32, #tpu.memory_space<vmem>> -> memref<1x128xi32, #tpu.memory_space<vmem>>
      %dma_start3A_775 = tpu.memref_squeeze %dma_start3A_774 : memref<1x128xi32, #tpu.memory_space<vmem>> -> memref<128xi32, #tpu.memory_space<vmem>>
      %dma_start3A_776 = arith.constant 0 : i32
      %dma_start3A_777 = arith.constant 0 : i32
      %dma_start3A_778 = tpu.memref_slice %arg3[%dma_start3A_776, %dma_start3A_777] : memref<1000000x64xf32, #tpu.memory_space<hbm>> -> memref<1000000x64xf32, #tpu.memory_space<hbm>>
      tpu.enqueue_indirect_dma source(%dma_start3A_778 : memref<1000000x64xf32, #tpu.memory_space<hbm>>) target(%dma_start3A_772 : memref<128x64xf32, #tpu.memory_space<vmem>>) offsets(%dma_start3A_775 : memref<128xi32, #tpu.memory_space<vmem>>) semaphore(%arg11 : memref<!tpu.dma_semaphore, #tpu.memory_space<semaphore_mem>>)
      %dma_start3A_779 = arith.constant 384 : i32
      %dma_start3A_780 = arith.constant 0 : i32
      %dma_start3A_781 = tpu.memref_slice %arg8[%dma_start3A_779, %dma_start3A_780] : memref<512x64xf32, #tpu.memory_space<vmem>> -> memref<128x64xf32, #tpu.memory_space<vmem>>
      %dma_start3A_782 = arith.constant 384 : i32
      %dma_start3A_783 = tpu.memref_slice %arg5[%add3A_751, %dma_start3A_782] : memref<25x512xi32, #tpu.memory_space<vmem>> -> memref<1x128xi32, #tpu.memory_space<vmem>>
      %dma_start3A_784 = tpu.memref_squeeze %dma_start3A_783 : memref<1x128xi32, #tpu.memory_space<vmem>> -> memref<128xi32, #tpu.memory_space<vmem>>
      %dma_start3A_785 = arith.constant 0 : i32
      %dma_start3A_786 = arith.constant 0 : i32
      %dma_start3A_787 = tpu.memref_slice %arg3[%dma_start3A_785, %dma_start3A_786] : memref<1000000x64xf32, #tpu.memory_space<hbm>> -> memref<1000000x64xf32, #tpu.memory_space<hbm>>
      tpu.enqueue_indirect_dma source(%dma_start3A_787 : memref<1000000x64xf32, #tpu.memory_space<hbm>>) target(%dma_start3A_781 : memref<128x64xf32, #tpu.memory_space<vmem>>) offsets(%dma_start3A_784 : memref<128xi32, #tpu.memory_space<vmem>>) semaphore(%arg11 : memref<!tpu.dma_semaphore, #tpu.memory_space<semaphore_mem>>)
      %mul3A_788 = arith.constant 3 : i32
      %mul3A_789 = arith.muli %mul3A_788, %scan3A_692 : i32
      %add3A_790 = arith.constant 1 : i32
      %add3A_791 = arith.addi %mul3A_789, %add3A_790 : i32
      %dma_wait3A_792 = arith.constant 0 : i32
      %dma_wait3A_793 = arith.constant 0 : i32
      %dma_wait3A_794 = tpu.memref_slice %arg7[%dma_wait3A_792, %dma_wait3A_793] : memref<512x64xf32, #tpu.memory_space<vmem>> -> memref<128x64xf32, #tpu.memory_space<vmem>>
      %dma_wait3A_795 = arith.constant 0 : i32
      %dma_wait3A_796 = tpu.memref_slice %arg5[%add3A_791, %dma_wait3A_795] : memref<25x512xi32, #tpu.memory_space<vmem>> -> memref<1x128xi32, #tpu.memory_space<vmem>>
      %dma_wait3A_797 = tpu.memref_squeeze %dma_wait3A_796 : memref<1x128xi32, #tpu.memory_space<vmem>> -> memref<128xi32, #tpu.memory_space<vmem>>
      %dma_wait3A_798 = arith.constant 0 : i32
      %dma_wait3A_799 = arith.constant 0 : i32
      %dma_wait3A_800 = tpu.memref_slice %arg3[%dma_wait3A_798, %dma_wait3A_799] : memref<1000000x64xf32, #tpu.memory_space<hbm>> -> memref<1000000x64xf32, #tpu.memory_space<hbm>>
      tpu.wait_indirect_dma semaphore(%arg10 : memref<!tpu.dma_semaphore, #tpu.memory_space<semaphore_mem>>) src(%dma_wait3A_800 : memref<1000000x64xf32, #tpu.memory_space<hbm>>) dst(%dma_wait3A_794 : memref<128x64xf32, #tpu.memory_space<vmem>>)
      %dma_wait3A_801 = arith.constant 128 : i32
      %dma_wait3A_802 = arith.constant 0 : i32
      %dma_wait3A_803 = tpu.memref_slice %arg7[%dma_wait3A_801, %dma_wait3A_802] : memref<512x64xf32, #tpu.memory_space<vmem>> -> memref<128x64xf32, #tpu.memory_space<vmem>>
      %dma_wait3A_804 = arith.constant 128 : i32
      %dma_wait3A_805 = tpu.memref_slice %arg5[%add3A_791, %dma_wait3A_804] : memref<25x512xi32, #tpu.memory_space<vmem>> -> memref<1x128xi32, #tpu.memory_space<vmem>>
      %dma_wait3A_806 = tpu.memref_squeeze %dma_wait3A_805 : memref<1x128xi32, #tpu.memory_space<vmem>> -> memref<128xi32, #tpu.memory_space<vmem>>
      %dma_wait3A_807 = arith.constant 0 : i32
      %dma_wait3A_808 = arith.constant 0 : i32
      %dma_wait3A_809 = tpu.memref_slice %arg3[%dma_wait3A_807, %dma_wait3A_808] : memref<1000000x64xf32, #tpu.memory_space<hbm>> -> memref<1000000x64xf32, #tpu.memory_space<hbm>>
      tpu.wait_indirect_dma semaphore(%arg10 : memref<!tpu.dma_semaphore, #tpu.memory_space<semaphore_mem>>) src(%dma_wait3A_809 : memref<1000000x64xf32, #tpu.memory_space<hbm>>) dst(%dma_wait3A_803 : memref<128x64xf32, #tpu.memory_space<vmem>>)
      %dma_wait3A_810 = arith.constant 256 : i32
      %dma_wait3A_811 = arith.constant 0 : i32
      %dma_wait3A_812 = tpu.memref_slice %arg7[%dma_wait3A_810, %dma_wait3A_811] : memref<512x64xf32, #tpu.memory_space<vmem>> -> memref<128x64xf32, #tpu.memory_space<vmem>>
      %dma_wait3A_813 = arith.constant 256 : i32
      %dma_wait3A_814 = tpu.memref_slice %arg5[%add3A_791, %dma_wait3A_813] : memref<25x512xi32, #tpu.memory_space<vmem>> -> memref<1x128xi32, #tpu.memory_space<vmem>>
      %dma_wait3A_815 = tpu.memref_squeeze %dma_wait3A_814 : memref<1x128xi32, #tpu.memory_space<vmem>> -> memref<128xi32, #tpu.memory_space<vmem>>
      %dma_wait3A_816 = arith.constant 0 : i32
      %dma_wait3A_817 = arith.constant 0 : i32
      %dma_wait3A_818 = tpu.memref_slice %arg3[%dma_wait3A_816, %dma_wait3A_817] : memref<1000000x64xf32, #tpu.memory_space<hbm>> -> memref<1000000x64xf32, #tpu.memory_space<hbm>>
      tpu.wait_indirect_dma semaphore(%arg10 : memref<!tpu.dma_semaphore, #tpu.memory_space<semaphore_mem>>) src(%dma_wait3A_818 : memref<1000000x64xf32, #tpu.memory_space<hbm>>) dst(%dma_wait3A_812 : memref<128x64xf32, #tpu.memory_space<vmem>>)
      %dma_wait3A_819 = arith.constant 384 : i32
      %dma_wait3A_820 = arith.constant 0 : i32
      %dma_wait3A_821 = tpu.memref_slice %arg7[%dma_wait3A_819, %dma_wait3A_820] : memref<512x64xf32, #tpu.memory_space<vmem>> -> memref<128x64xf32, #tpu.memory_space<vmem>>
      %dma_wait3A_822 = arith.constant 384 : i32
      %dma_wait3A_823 = tpu.memref_slice %arg5[%add3A_791, %dma_wait3A_822] : memref<25x512xi32, #tpu.memory_space<vmem>> -> memref<1x128xi32, #tpu.memory_space<vmem>>
      %dma_wait3A_824 = tpu.memref_squeeze %dma_wait3A_823 : memref<1x128xi32, #tpu.memory_space<vmem>> -> memref<128xi32, #tpu.memory_space<vmem>>
      %dma_wait3A_825 = arith.constant 0 : i32
      %dma_wait3A_826 = arith.constant 0 : i32
      %dma_wait3A_827 = tpu.memref_slice %arg3[%dma_wait3A_825, %dma_wait3A_826] : memref<1000000x64xf32, #tpu.memory_space<hbm>> -> memref<1000000x64xf32, #tpu.memory_space<hbm>>
      tpu.wait_indirect_dma semaphore(%arg10 : memref<!tpu.dma_semaphore, #tpu.memory_space<semaphore_mem>>) src(%dma_wait3A_827 : memref<1000000x64xf32, #tpu.memory_space<hbm>>) dst(%dma_wait3A_821 : memref<128x64xf32, #tpu.memory_space<vmem>>)
      %sub3A_828 = arith.constant 1 : i32
      %sub3A_829 = arith.subi %add3A_791, %sub3A_828 : i32
      %dma_wait3A_830 = arith.constant 0 : i32
      %dma_wait3A_831 = arith.constant 0 : i32
      %dma_wait3A_832 = tpu.memref_slice %arg4[%add3A, %sub3A_829, %dma_wait3A_830, %dma_wait3A_831] : memref<32x25x512x64xf32, #tpu.memory_space<hbm>> -> memref<1x1x512x64xf32, #tpu.memory_space<hbm>>
      %dma_wait3A_833 = tpu.memref_squeeze %dma_wait3A_832 : memref<1x1x512x64xf32, #tpu.memory_space<hbm>> -> memref<512x64xf32, #tpu.memory_space<hbm>>
      %dma_wait3A_834 = arith.constant 0 : i32
      %dma_wait3A_835 = arith.constant 0 : i32
      %dma_wait3A_836 = tpu.memref_slice %arg4[%add3A, %sub3A_829, %dma_wait3A_834, %dma_wait3A_835] : memref<32x25x512x64xf32, #tpu.memory_space<hbm>> -> memref<1x1x512x64xf32, #tpu.memory_space<hbm>>
      %dma_wait3A_837 = tpu.memref_squeeze %dma_wait3A_836 : memref<1x1x512x64xf32, #tpu.memory_space<hbm>> -> memref<512x64xf32, #tpu.memory_space<hbm>>
      tpu.wait_dma2 semaphore(%arg12 : memref<!tpu.dma_semaphore, #tpu.memory_space<semaphore_mem>>) src(%arg6 : memref<512x64xf32, #tpu.memory_space<vmem>>) dst(%dma_wait3A_837 : memref<512x64xf32, #tpu.memory_space<hbm>>)
      %dma_start3A_838 = arith.constant 0 : i32
      %dma_start3A_839 = arith.constant 0 : i32
      %dma_start3A_840 = tpu.memref_slice %arg4[%add3A, %add3A_791, %dma_start3A_838, %dma_start3A_839] : memref<32x25x512x64xf32, #tpu.memory_space<hbm>> -> memref<1x1x512x64xf32, #tpu.memory_space<hbm>>
      %dma_start3A_841 = tpu.memref_squeeze %dma_start3A_840 : memref<1x1x512x64xf32, #tpu.memory_space<hbm>> -> memref<512x64xf32, #tpu.memory_space<hbm>>
      %dma_start3A_842 = arith.constant 0 : i32
      %dma_start3A_843 = arith.constant 0 : i32
      %dma_start3A_844 = tpu.memref_slice %arg4[%add3A, %add3A_791, %dma_start3A_842, %dma_start3A_843] : memref<32x25x512x64xf32, #tpu.memory_space<hbm>> -> memref<1x1x512x64xf32, #tpu.memory_space<hbm>>
      %dma_start3A_845 = tpu.memref_squeeze %dma_start3A_844 : memref<1x1x512x64xf32, #tpu.memory_space<hbm>> -> memref<512x64xf32, #tpu.memory_space<hbm>>
      tpu.enqueue_dma source(%arg7 : memref<512x64xf32, #tpu.memory_space<vmem>>) target(%dma_start3A_845 : memref<512x64xf32, #tpu.memory_space<hbm>>) target_semaphore(%arg13 : memref<!tpu.dma_semaphore, #tpu.memory_space<semaphore_mem>>)
      %add3A_846 = arith.constant 2 : i32
      %add3A_847 = arith.addi %add3A_791, %add3A_846 : i32
      %dma_start3A_848 = arith.constant 0 : i32
      %dma_start3A_849 = arith.constant 0 : i32
      %dma_start3A_850 = tpu.memref_slice %arg6[%dma_start3A_848, %dma_start3A_849] : memref<512x64xf32, #tpu.memory_space<vmem>> -> memref<128x64xf32, #tpu.memory_space<vmem>>
      %dma_start3A_851 = arith.constant 0 : i32
      %dma_start3A_852 = tpu.memref_slice %arg5[%add3A_847, %dma_start3A_851] : memref<25x512xi32, #tpu.memory_space<vmem>> -> memref<1x128xi32, #tpu.memory_space<vmem>>
      %dma_start3A_853 = tpu.memref_squeeze %dma_start3A_852 : memref<1x128xi32, #tpu.memory_space<vmem>> -> memref<128xi32, #tpu.memory_space<vmem>>
      %dma_start3A_854 = arith.constant 0 : i32
      %dma_start3A_855 = arith.constant 0 : i32
      %dma_start3A_856 = tpu.memref_slice %arg3[%dma_start3A_854, %dma_start3A_855] : memref<1000000x64xf32, #tpu.memory_space<hbm>> -> memref<1000000x64xf32, #tpu.memory_space<hbm>>
      tpu.enqueue_indirect_dma source(%dma_start3A_856 : memref<1000000x64xf32, #tpu.memory_space<hbm>>) target(%dma_start3A_850 : memref<128x64xf32, #tpu.memory_space<vmem>>) offsets(%dma_start3A_853 : memref<128xi32, #tpu.memory_space<vmem>>) semaphore(%arg9 : memref<!tpu.dma_semaphore, #tpu.memory_space<semaphore_mem>>)
      %dma_start3A_857 = arith.constant 128 : i32
      %dma_start3A_858 = arith.constant 0 : i32
      %dma_start3A_859 = tpu.memref_slice %arg6[%dma_start3A_857, %dma_start3A_858] : memref<512x64xf32, #tpu.memory_space<vmem>> -> memref<128x64xf32, #tpu.memory_space<vmem>>
      %dma_start3A_860 = arith.constant 128 : i32
      %dma_start3A_861 = tpu.memref_slice %arg5[%add3A_847, %dma_start3A_860] : memref<25x512xi32, #tpu.memory_space<vmem>> -> memref<1x128xi32, #tpu.memory_space<vmem>>
      %dma_start3A_862 = tpu.memref_squeeze %dma_start3A_861 : memref<1x128xi32, #tpu.memory_space<vmem>> -> memref<128xi32, #tpu.memory_space<vmem>>
      %dma_start3A_863 = arith.constant 0 : i32
      %dma_start3A_864 = arith.constant 0 : i32
      %dma_start3A_865 = tpu.memref_slice %arg3[%dma_start3A_863, %dma_start3A_864] : memref<1000000x64xf32, #tpu.memory_space<hbm>> -> memref<1000000x64xf32, #tpu.memory_space<hbm>>
      tpu.enqueue_indirect_dma source(%dma_start3A_865 : memref<1000000x64xf32, #tpu.memory_space<hbm>>) target(%dma_start3A_859 : memref<128x64xf32, #tpu.memory_space<vmem>>) offsets(%dma_start3A_862 : memref<128xi32, #tpu.memory_space<vmem>>) semaphore(%arg9 : memref<!tpu.dma_semaphore, #tpu.memory_space<semaphore_mem>>)
      %dma_start3A_866 = arith.constant 256 : i32
      %dma_start3A_867 = arith.constant 0 : i32
      %dma_start3A_868 = tpu.memref_slice %arg6[%dma_start3A_866, %dma_start3A_867] : memref<512x64xf32, #tpu.memory_space<vmem>> -> memref<128x64xf32, #tpu.memory_space<vmem>>
      %dma_start3A_869 = arith.constant 256 : i32
      %dma_start3A_870 = tpu.memref_slice %arg5[%add3A_847, %dma_start3A_869] : memref<25x512xi32, #tpu.memory_space<vmem>> -> memref<1x128xi32, #tpu.memory_space<vmem>>
      %dma_start3A_871 = tpu.memref_squeeze %dma_start3A_870 : memref<1x128xi32, #tpu.memory_space<vmem>> -> memref<128xi32, #tpu.memory_space<vmem>>
      %dma_start3A_872 = arith.constant 0 : i32
      %dma_start3A_873 = arith.constant 0 : i32
      %dma_start3A_874 = tpu.memref_slice %arg3[%dma_start3A_872, %dma_start3A_873] : memref<1000000x64xf32, #tpu.memory_space<hbm>> -> memref<1000000x64xf32, #tpu.memory_space<hbm>>
      tpu.enqueue_indirect_dma source(%dma_start3A_874 : memref<1000000x64xf32, #tpu.memory_space<hbm>>) target(%dma_start3A_868 : memref<128x64xf32, #tpu.memory_space<vmem>>) offsets(%dma_start3A_871 : memref<128xi32, #tpu.memory_space<vmem>>) semaphore(%arg9 : memref<!tpu.dma_semaphore, #tpu.memory_space<semaphore_mem>>)
      %dma_start3A_875 = arith.constant 384 : i32
      %dma_start3A_876 = arith.constant 0 : i32
      %dma_start3A_877 = tpu.memref_slice %arg6[%dma_start3A_875, %dma_start3A_876] : memref<512x64xf32, #tpu.memory_space<vmem>> -> memref<128x64xf32, #tpu.memory_space<vmem>>
      %dma_start3A_878 = arith.constant 384 : i32
      %dma_start3A_879 = tpu.memref_slice %arg5[%add3A_847, %dma_start3A_878] : memref<25x512xi32, #tpu.memory_space<vmem>> -> memref<1x128xi32, #tpu.memory_space<vmem>>
      %dma_start3A_880 = tpu.memref_squeeze %dma_start3A_879 : memref<1x128xi32, #tpu.memory_space<vmem>> -> memref<128xi32, #tpu.memory_space<vmem>>
      %dma_start3A_881 = arith.constant 0 : i32
      %dma_start3A_882 = arith.constant 0 : i32
      %dma_start3A_883 = tpu.memref_slice %arg3[%dma_start3A_881, %dma_start3A_882] : memref<1000000x64xf32, #tpu.memory_space<hbm>> -> memref<1000000x64xf32, #tpu.memory_space<hbm>>
      tpu.enqueue_indirect_dma source(%dma_start3A_883 : memref<1000000x64xf32, #tpu.memory_space<hbm>>) target(%dma_start3A_877 : memref<128x64xf32, #tpu.memory_space<vmem>>) offsets(%dma_start3A_880 : memref<128xi32, #tpu.memory_space<vmem>>) semaphore(%arg9 : memref<!tpu.dma_semaphore, #tpu.memory_space<semaphore_mem>>)
      %mul3A_884 = arith.constant 3 : i32
      %mul3A_885 = arith.muli %mul3A_884, %scan3A_692 : i32
      %add3A_886 = arith.constant 2 : i32
      %add3A_887 = arith.addi %mul3A_885, %add3A_886 : i32
      %dma_wait3A_888 = arith.constant 0 : i32
      %dma_wait3A_889 = arith.constant 0 : i32
      %dma_wait3A_890 = tpu.memref_slice %arg8[%dma_wait3A_888, %dma_wait3A_889] : memref<512x64xf32, #tpu.memory_space<vmem>> -> memref<128x64xf32, #tpu.memory_space<vmem>>
      %dma_wait3A_891 = arith.constant 0 : i32
      %dma_wait3A_892 = tpu.memref_slice %arg5[%add3A_887, %dma_wait3A_891] : memref<25x512xi32, #tpu.memory_space<vmem>> -> memref<1x128xi32, #tpu.memory_space<vmem>>
      %dma_wait3A_893 = tpu.memref_squeeze %dma_wait3A_892 : memref<1x128xi32, #tpu.memory_space<vmem>> -> memref<128xi32, #tpu.memory_space<vmem>>
      %dma_wait3A_894 = arith.constant 0 : i32
      %dma_wait3A_895 = arith.constant 0 : i32
      %dma_wait3A_896 = tpu.memref_slice %arg3[%dma_wait3A_894, %dma_wait3A_895] : memref<1000000x64xf32, #tpu.memory_space<hbm>> -> memref<1000000x64xf32, #tpu.memory_space<hbm>>
      tpu.wait_indirect_dma semaphore(%arg11 : memref<!tpu.dma_semaphore, #tpu.memory_space<semaphore_mem>>) src(%dma_wait3A_896 : memref<1000000x64xf32, #tpu.memory_space<hbm>>) dst(%dma_wait3A_890 : memref<128x64xf32, #tpu.memory_space<vmem>>)
      %dma_wait3A_897 = arith.constant 128 : i32
      %dma_wait3A_898 = arith.constant 0 : i32
      %dma_wait3A_899 = tpu.memref_slice %arg8[%dma_wait3A_897, %dma_wait3A_898] : memref<512x64xf32, #tpu.memory_space<vmem>> -> memref<128x64xf32, #tpu.memory_space<vmem>>
      %dma_wait3A_900 = arith.constant 128 : i32
      %dma_wait3A_901 = tpu.memref_slice %arg5[%add3A_887, %dma_wait3A_900] : memref<25x512xi32, #tpu.memory_space<vmem>> -> memref<1x128xi32, #tpu.memory_space<vmem>>
      %dma_wait3A_902 = tpu.memref_squeeze %dma_wait3A_901 : memref<1x128xi32, #tpu.memory_space<vmem>> -> memref<128xi32, #tpu.memory_space<vmem>>
      %dma_wait3A_903 = arith.constant 0 : i32
      %dma_wait3A_904 = arith.constant 0 : i32
      %dma_wait3A_905 = tpu.memref_slice %arg3[%dma_wait3A_903, %dma_wait3A_904] : memref<1000000x64xf32, #tpu.memory_space<hbm>> -> memref<1000000x64xf32, #tpu.memory_space<hbm>>
      tpu.wait_indirect_dma semaphore(%arg11 : memref<!tpu.dma_semaphore, #tpu.memory_space<semaphore_mem>>) src(%dma_wait3A_905 : memref<1000000x64xf32, #tpu.memory_space<hbm>>) dst(%dma_wait3A_899 : memref<128x64xf32, #tpu.memory_space<vmem>>)
      %dma_wait3A_906 = arith.constant 256 : i32
      %dma_wait3A_907 = arith.constant 0 : i32
      %dma_wait3A_908 = tpu.memref_slice %arg8[%dma_wait3A_906, %dma_wait3A_907] : memref<512x64xf32, #tpu.memory_space<vmem>> -> memref<128x64xf32, #tpu.memory_space<vmem>>
      %dma_wait3A_909 = arith.constant 256 : i32
      %dma_wait3A_910 = tpu.memref_slice %arg5[%add3A_887, %dma_wait3A_909] : memref<25x512xi32, #tpu.memory_space<vmem>> -> memref<1x128xi32, #tpu.memory_space<vmem>>
      %dma_wait3A_911 = tpu.memref_squeeze %dma_wait3A_910 : memref<1x128xi32, #tpu.memory_space<vmem>> -> memref<128xi32, #tpu.memory_space<vmem>>
      %dma_wait3A_912 = arith.constant 0 : i32
      %dma_wait3A_913 = arith.constant 0 : i32
      %dma_wait3A_914 = tpu.memref_slice %arg3[%dma_wait3A_912, %dma_wait3A_913] : memref<1000000x64xf32, #tpu.memory_space<hbm>> -> memref<1000000x64xf32, #tpu.memory_space<hbm>>
      tpu.wait_indirect_dma semaphore(%arg11 : memref<!tpu.dma_semaphore, #tpu.memory_space<semaphore_mem>>) src(%dma_wait3A_914 : memref<1000000x64xf32, #tpu.memory_space<hbm>>) dst(%dma_wait3A_908 : memref<128x64xf32, #tpu.memory_space<vmem>>)
      %dma_wait3A_915 = arith.constant 384 : i32
      %dma_wait3A_916 = arith.constant 0 : i32
      %dma_wait3A_917 = tpu.memref_slice %arg8[%dma_wait3A_915, %dma_wait3A_916] : memref<512x64xf32, #tpu.memory_space<vmem>> -> memref<128x64xf32, #tpu.memory_space<vmem>>
      %dma_wait3A_918 = arith.constant 384 : i32
      %dma_wait3A_919 = tpu.memref_slice %arg5[%add3A_887, %dma_wait3A_918] : memref<25x512xi32, #tpu.memory_space<vmem>> -> memref<1x128xi32, #tpu.memory_space<vmem>>
      %dma_wait3A_920 = tpu.memref_squeeze %dma_wait3A_919 : memref<1x128xi32, #tpu.memory_space<vmem>> -> memref<128xi32, #tpu.memory_space<vmem>>
      %dma_wait3A_921 = arith.constant 0 : i32
      %dma_wait3A_922 = arith.constant 0 : i32
      %dma_wait3A_923 = tpu.memref_slice %arg3[%dma_wait3A_921, %dma_wait3A_922] : memref<1000000x64xf32, #tpu.memory_space<hbm>> -> memref<1000000x64xf32, #tpu.memory_space<hbm>>
      tpu.wait_indirect_dma semaphore(%arg11 : memref<!tpu.dma_semaphore, #tpu.memory_space<semaphore_mem>>) src(%dma_wait3A_923 : memref<1000000x64xf32, #tpu.memory_space<hbm>>) dst(%dma_wait3A_917 : memref<128x64xf32, #tpu.memory_space<vmem>>)
      %sub3A_924 = arith.constant 1 : i32
      %sub3A_925 = arith.subi %add3A_887, %sub3A_924 : i32
      %dma_wait3A_926 = arith.constant 0 : i32
      %dma_wait3A_927 = arith.constant 0 : i32
      %dma_wait3A_928 = tpu.memref_slice %arg4[%add3A, %sub3A_925, %dma_wait3A_926, %dma_wait3A_927] : memref<32x25x512x64xf32, #tpu.memory_space<hbm>> -> memref<1x1x512x64xf32, #tpu.memory_space<hbm>>
      %dma_wait3A_929 = tpu.memref_squeeze %dma_wait3A_928 : memref<1x1x512x64xf32, #tpu.memory_space<hbm>> -> memref<512x64xf32, #tpu.memory_space<hbm>>
      %dma_wait3A_930 = arith.constant 0 : i32
      %dma_wait3A_931 = arith.constant 0 : i32
      %dma_wait3A_932 = tpu.memref_slice %arg4[%add3A, %sub3A_925, %dma_wait3A_930, %dma_wait3A_931] : memref<32x25x512x64xf32, #tpu.memory_space<hbm>> -> memref<1x1x512x64xf32, #tpu.memory_space<hbm>>
      %dma_wait3A_933 = tpu.memref_squeeze %dma_wait3A_932 : memref<1x1x512x64xf32, #tpu.memory_space<hbm>> -> memref<512x64xf32, #tpu.memory_space<hbm>>
      tpu.wait_dma2 semaphore(%arg13 : memref<!tpu.dma_semaphore, #tpu.memory_space<semaphore_mem>>) src(%arg7 : memref<512x64xf32, #tpu.memory_space<vmem>>) dst(%dma_wait3A_933 : memref<512x64xf32, #tpu.memory_space<hbm>>)
      %dma_start3A_934 = arith.constant 0 : i32
      %dma_start3A_935 = arith.constant 0 : i32
      %dma_start3A_936 = tpu.memref_slice %arg4[%add3A, %add3A_887, %dma_start3A_934, %dma_start3A_935] : memref<32x25x512x64xf32, #tpu.memory_space<hbm>> -> memref<1x1x512x64xf32, #tpu.memory_space<hbm>>
      %dma_start3A_937 = tpu.memref_squeeze %dma_start3A_936 : memref<1x1x512x64xf32, #tpu.memory_space<hbm>> -> memref<512x64xf32, #tpu.memory_space<hbm>>
      %dma_start3A_938 = arith.constant 0 : i32
      %dma_start3A_939 = arith.constant 0 : i32
      %dma_start3A_940 = tpu.memref_slice %arg4[%add3A, %add3A_887, %dma_start3A_938, %dma_start3A_939] : memref<32x25x512x64xf32, #tpu.memory_space<hbm>> -> memref<1x1x512x64xf32, #tpu.memory_space<hbm>>
      %dma_start3A_941 = tpu.memref_squeeze %dma_start3A_940 : memref<1x1x512x64xf32, #tpu.memory_space<hbm>> -> memref<512x64xf32, #tpu.memory_space<hbm>>
      tpu.enqueue_dma source(%arg8 : memref<512x64xf32, #tpu.memory_space<vmem>>) target(%dma_start3A_941 : memref<512x64xf32, #tpu.memory_space<hbm>>) target_semaphore(%arg14 : memref<!tpu.dma_semaphore, #tpu.memory_space<semaphore_mem>>)
      %add3A_942 = arith.constant 2 : i32
      %add3A_943 = arith.addi %add3A_887, %add3A_942 : i32
      %dma_start3A_944 = arith.constant 0 : i32
      %dma_start3A_945 = arith.constant 0 : i32
      %dma_start3A_946 = tpu.memref_slice %arg7[%dma_start3A_944, %dma_start3A_945] : memref<512x64xf32, #tpu.memory_space<vmem>> -> memref<128x64xf32, #tpu.memory_space<vmem>>
      %dma_start3A_947 = arith.constant 0 : i32
      %dma_start3A_948 = tpu.memref_slice %arg5[%add3A_943, %dma_start3A_947] : memref<25x512xi32, #tpu.memory_space<vmem>> -> memref<1x128xi32, #tpu.memory_space<vmem>>
      %dma_start3A_949 = tpu.memref_squeeze %dma_start3A_948 : memref<1x128xi32, #tpu.memory_space<vmem>> -> memref<128xi32, #tpu.memory_space<vmem>>
      %dma_start3A_950 = arith.constant 0 : i32
      %dma_start3A_951 = arith.constant 0 : i32
      %dma_start3A_952 = tpu.memref_slice %arg3[%dma_start3A_950, %dma_start3A_951] : memref<1000000x64xf32, #tpu.memory_space<hbm>> -> memref<1000000x64xf32, #tpu.memory_space<hbm>>
      tpu.enqueue_indirect_dma source(%dma_start3A_952 : memref<1000000x64xf32, #tpu.memory_space<hbm>>) target(%dma_start3A_946 : memref<128x64xf32, #tpu.memory_space<vmem>>) offsets(%dma_start3A_949 : memref<128xi32, #tpu.memory_space<vmem>>) semaphore(%arg10 : memref<!tpu.dma_semaphore, #tpu.memory_space<semaphore_mem>>)
      %dma_start3A_953 = arith.constant 128 : i32
      %dma_start3A_954 = arith.constant 0 : i32
      %dma_start3A_955 = tpu.memref_slice %arg7[%dma_start3A_953, %dma_start3A_954] : memref<512x64xf32, #tpu.memory_space<vmem>> -> memref<128x64xf32, #tpu.memory_space<vmem>>
      %dma_start3A_956 = arith.constant 128 : i32
      %dma_start3A_957 = tpu.memref_slice %arg5[%add3A_943, %dma_start3A_956] : memref<25x512xi32, #tpu.memory_space<vmem>> -> memref<1x128xi32, #tpu.memory_space<vmem>>
      %dma_start3A_958 = tpu.memref_squeeze %dma_start3A_957 : memref<1x128xi32, #tpu.memory_space<vmem>> -> memref<128xi32, #tpu.memory_space<vmem>>
      %dma_start3A_959 = arith.constant 0 : i32
      %dma_start3A_960 = arith.constant 0 : i32
      %dma_start3A_961 = tpu.memref_slice %arg3[%dma_start3A_959, %dma_start3A_960] : memref<1000000x64xf32, #tpu.memory_space<hbm>> -> memref<1000000x64xf32, #tpu.memory_space<hbm>>
      tpu.enqueue_indirect_dma source(%dma_start3A_961 : memref<1000000x64xf32, #tpu.memory_space<hbm>>) target(%dma_start3A_955 : memref<128x64xf32, #tpu.memory_space<vmem>>) offsets(%dma_start3A_958 : memref<128xi32, #tpu.memory_space<vmem>>) semaphore(%arg10 : memref<!tpu.dma_semaphore, #tpu.memory_space<semaphore_mem>>)
      %dma_start3A_962 = arith.constant 256 : i32
      %dma_start3A_963 = arith.constant 0 : i32
      %dma_start3A_964 = tpu.memref_slice %arg7[%dma_start3A_962, %dma_start3A_963] : memref<512x64xf32, #tpu.memory_space<vmem>> -> memref<128x64xf32, #tpu.memory_space<vmem>>
      %dma_start3A_965 = arith.constant 256 : i32
      %dma_start3A_966 = tpu.memref_slice %arg5[%add3A_943, %dma_start3A_965] : memref<25x512xi32, #tpu.memory_space<vmem>> -> memref<1x128xi32, #tpu.memory_space<vmem>>
      %dma_start3A_967 = tpu.memref_squeeze %dma_start3A_966 : memref<1x128xi32, #tpu.memory_space<vmem>> -> memref<128xi32, #tpu.memory_space<vmem>>
      %dma_start3A_968 = arith.constant 0 : i32
      %dma_start3A_969 = arith.constant 0 : i32
      %dma_start3A_970 = tpu.memref_slice %arg3[%dma_start3A_968, %dma_start3A_969] : memref<1000000x64xf32, #tpu.memory_space<hbm>> -> memref<1000000x64xf32, #tpu.memory_space<hbm>>
      tpu.enqueue_indirect_dma source(%dma_start3A_970 : memref<1000000x64xf32, #tpu.memory_space<hbm>>) target(%dma_start3A_964 : memref<128x64xf32, #tpu.memory_space<vmem>>) offsets(%dma_start3A_967 : memref<128xi32, #tpu.memory_space<vmem>>) semaphore(%arg10 : memref<!tpu.dma_semaphore, #tpu.memory_space<semaphore_mem>>)
      %dma_start3A_971 = arith.constant 384 : i32
      %dma_start3A_972 = arith.constant 0 : i32
      %dma_start3A_973 = tpu.memref_slice %arg7[%dma_start3A_971, %dma_start3A_972] : memref<512x64xf32, #tpu.memory_space<vmem>> -> memref<128x64xf32, #tpu.memory_space<vmem>>
      %dma_start3A_974 = arith.constant 384 : i32
      %dma_start3A_975 = tpu.memref_slice %arg5[%add3A_943, %dma_start3A_974] : memref<25x512xi32, #tpu.memory_space<vmem>> -> memref<1x128xi32, #tpu.memory_space<vmem>>
      %dma_start3A_976 = tpu.memref_squeeze %dma_start3A_975 : memref<1x128xi32, #tpu.memory_space<vmem>> -> memref<128xi32, #tpu.memory_space<vmem>>
      %dma_start3A_977 = arith.constant 0 : i32
      %dma_start3A_978 = arith.constant 0 : i32
      %dma_start3A_979 = tpu.memref_slice %arg3[%dma_start3A_977, %dma_start3A_978] : memref<1000000x64xf32, #tpu.memory_space<hbm>> -> memref<1000000x64xf32, #tpu.memory_space<hbm>>
      tpu.enqueue_indirect_dma source(%dma_start3A_979 : memref<1000000x64xf32, #tpu.memory_space<hbm>>) target(%dma_start3A_973 : memref<128x64xf32, #tpu.memory_space<vmem>>) offsets(%dma_start3A_976 : memref<128xi32, #tpu.memory_space<vmem>>) semaphore(%arg10 : memref<!tpu.dma_semaphore, #tpu.memory_space<semaphore_mem>>)
    }
    %scan3A_370 = arith.constant 6 : i32
    %dma_wait3A_371 = arith.constant 21 : i32
    %dma_wait3A_372 = arith.constant 0 : i32
    %dma_wait3A_373 = arith.constant 0 : i32
    %dma_wait3A_374 = tpu.memref_slice %arg6[%dma_wait3A_372, %dma_wait3A_373] : memref<512x64xf32, #tpu.memory_space<vmem>> -> memref<128x64xf32, #tpu.memory_space<vmem>>
    %dma_wait3A_375 = arith.constant 0 : i32
    %dma_wait3A_376 = tpu.memref_slice %arg5[%dma_wait3A_371, %dma_wait3A_375] : memref<25x512xi32, #tpu.memory_space<vmem>> -> memref<1x128xi32, #tpu.memory_space<vmem>>
    %dma_wait3A_377 = tpu.memref_squeeze %dma_wait3A_376 : memref<1x128xi32, #tpu.memory_space<vmem>> -> memref<128xi32, #tpu.memory_space<vmem>>
    %dma_wait3A_378 = arith.constant 0 : i32
    %dma_wait3A_379 = arith.constant 0 : i32
    %dma_wait3A_380 = tpu.memref_slice %arg3[%dma_wait3A_378, %dma_wait3A_379] : memref<1000000x64xf32, #tpu.memory_space<hbm>> -> memref<1000000x64xf32, #tpu.memory_space<hbm>>
    tpu.wait_indirect_dma semaphore(%arg9 : memref<!tpu.dma_semaphore, #tpu.memory_space<semaphore_mem>>) src(%dma_wait3A_380 : memref<1000000x64xf32, #tpu.memory_space<hbm>>) dst(%dma_wait3A_374 : memref<128x64xf32, #tpu.memory_space<vmem>>)
    %dma_wait3A_381 = arith.constant 21 : i32
    %dma_wait3A_382 = arith.constant 128 : i32
    %dma_wait3A_383 = arith.constant 0 : i32
    %dma_wait3A_384 = tpu.memref_slice %arg6[%dma_wait3A_382, %dma_wait3A_383] : memref<512x64xf32, #tpu.memory_space<vmem>> -> memref<128x64xf32, #tpu.memory_space<vmem>>
    %dma_wait3A_385 = arith.constant 128 : i32
    %dma_wait3A_386 = tpu.memref_slice %arg5[%dma_wait3A_381, %dma_wait3A_385] : memref<25x512xi32, #tpu.memory_space<vmem>> -> memref<1x128xi32, #tpu.memory_space<vmem>>
    %dma_wait3A_387 = tpu.memref_squeeze %dma_wait3A_386 : memref<1x128xi32, #tpu.memory_space<vmem>> -> memref<128xi32, #tpu.memory_space<vmem>>
    %dma_wait3A_388 = arith.constant 0 : i32
    %dma_wait3A_389 = arith.constant 0 : i32
    %dma_wait3A_390 = tpu.memref_slice %arg3[%dma_wait3A_388, %dma_wait3A_389] : memref<1000000x64xf32, #tpu.memory_space<hbm>> -> memref<1000000x64xf32, #tpu.memory_space<hbm>>
    tpu.wait_indirect_dma semaphore(%arg9 : memref<!tpu.dma_semaphore, #tpu.memory_space<semaphore_mem>>) src(%dma_wait3A_390 : memref<1000000x64xf32, #tpu.memory_space<hbm>>) dst(%dma_wait3A_384 : memref<128x64xf32, #tpu.memory_space<vmem>>)
    %dma_wait3A_391 = arith.constant 21 : i32
    %dma_wait3A_392 = arith.constant 256 : i32
    %dma_wait3A_393 = arith.constant 0 : i32
    %dma_wait3A_394 = tpu.memref_slice %arg6[%dma_wait3A_392, %dma_wait3A_393] : memref<512x64xf32, #tpu.memory_space<vmem>> -> memref<128x64xf32, #tpu.memory_space<vmem>>
    %dma_wait3A_395 = arith.constant 256 : i32
    %dma_wait3A_396 = tpu.memref_slice %arg5[%dma_wait3A_391, %dma_wait3A_395] : memref<25x512xi32, #tpu.memory_space<vmem>> -> memref<1x128xi32, #tpu.memory_space<vmem>>
    %dma_wait3A_397 = tpu.memref_squeeze %dma_wait3A_396 : memref<1x128xi32, #tpu.memory_space<vmem>> -> memref<128xi32, #tpu.memory_space<vmem>>
    %dma_wait3A_398 = arith.constant 0 : i32
    %dma_wait3A_399 = arith.constant 0 : i32
    %dma_wait3A_400 = tpu.memref_slice %arg3[%dma_wait3A_398, %dma_wait3A_399] : memref<1000000x64xf32, #tpu.memory_space<hbm>> -> memref<1000000x64xf32, #tpu.memory_space<hbm>>
    tpu.wait_indirect_dma semaphore(%arg9 : memref<!tpu.dma_semaphore, #tpu.memory_space<semaphore_mem>>) src(%dma_wait3A_400 : memref<1000000x64xf32, #tpu.memory_space<hbm>>) dst(%dma_wait3A_394 : memref<128x64xf32, #tpu.memory_space<vmem>>)
    %dma_wait3A_401 = arith.constant 21 : i32
    %dma_wait3A_402 = arith.constant 384 : i32
    %dma_wait3A_403 = arith.constant 0 : i32
    %dma_wait3A_404 = tpu.memref_slice %arg6[%dma_wait3A_402, %dma_wait3A_403] : memref<512x64xf32, #tpu.memory_space<vmem>> -> memref<128x64xf32, #tpu.memory_space<vmem>>
    %dma_wait3A_405 = arith.constant 384 : i32
    %dma_wait3A_406 = tpu.memref_slice %arg5[%dma_wait3A_401, %dma_wait3A_405] : memref<25x512xi32, #tpu.memory_space<vmem>> -> memref<1x128xi32, #tpu.memory_space<vmem>>
    %dma_wait3A_407 = tpu.memref_squeeze %dma_wait3A_406 : memref<1x128xi32, #tpu.memory_space<vmem>> -> memref<128xi32, #tpu.memory_space<vmem>>
    %dma_wait3A_408 = arith.constant 0 : i32
    %dma_wait3A_409 = arith.constant 0 : i32
    %dma_wait3A_410 = tpu.memref_slice %arg3[%dma_wait3A_408, %dma_wait3A_409] : memref<1000000x64xf32, #tpu.memory_space<hbm>> -> memref<1000000x64xf32, #tpu.memory_space<hbm>>
    tpu.wait_indirect_dma semaphore(%arg9 : memref<!tpu.dma_semaphore, #tpu.memory_space<semaphore_mem>>) src(%dma_wait3A_410 : memref<1000000x64xf32, #tpu.memory_space<hbm>>) dst(%dma_wait3A_404 : memref<128x64xf32, #tpu.memory_space<vmem>>)
    %dma_wait3A_411 = arith.constant 20 : i32
    %dma_wait3A_412 = arith.constant 0 : i32
    %dma_wait3A_413 = arith.constant 0 : i32
    %dma_wait3A_414 = tpu.memref_slice %arg4[%add3A, %dma_wait3A_411, %dma_wait3A_412, %dma_wait3A_413] : memref<32x25x512x64xf32, #tpu.memory_space<hbm>> -> memref<1x1x512x64xf32, #tpu.memory_space<hbm>>
    %dma_wait3A_415 = tpu.memref_squeeze %dma_wait3A_414 : memref<1x1x512x64xf32, #tpu.memory_space<hbm>> -> memref<512x64xf32, #tpu.memory_space<hbm>>
    %dma_wait3A_416 = arith.constant 0 : i32
    %dma_wait3A_417 = arith.constant 0 : i32
    %dma_wait3A_418 = tpu.memref_slice %arg4[%add3A, %dma_wait3A_411, %dma_wait3A_416, %dma_wait3A_417] : memref<32x25x512x64xf32, #tpu.memory_space<hbm>> -> memref<1x1x512x64xf32, #tpu.memory_space<hbm>>
    %dma_wait3A_419 = tpu.memref_squeeze %dma_wait3A_418 : memref<1x1x512x64xf32, #tpu.memory_space<hbm>> -> memref<512x64xf32, #tpu.memory_space<hbm>>
    tpu.wait_dma2 semaphore(%arg14 : memref<!tpu.dma_semaphore, #tpu.memory_space<semaphore_mem>>) src(%arg8 : memref<512x64xf32, #tpu.memory_space<vmem>>) dst(%dma_wait3A_419 : memref<512x64xf32, #tpu.memory_space<hbm>>)
    %dma_start3A_420 = arith.constant 21 : i32
    %dma_start3A_421 = arith.constant 0 : i32
    %dma_start3A_422 = arith.constant 0 : i32
    %dma_start3A_423 = tpu.memref_slice %arg4[%add3A, %dma_start3A_420, %dma_start3A_421, %dma_start3A_422] : memref<32x25x512x64xf32, #tpu.memory_space<hbm>> -> memref<1x1x512x64xf32, #tpu.memory_space<hbm>>
    %dma_start3A_424 = tpu.memref_squeeze %dma_start3A_423 : memref<1x1x512x64xf32, #tpu.memory_space<hbm>> -> memref<512x64xf32, #tpu.memory_space<hbm>>
    %dma_start3A_425 = arith.constant 0 : i32
    %dma_start3A_426 = arith.constant 0 : i32
    %dma_start3A_427 = tpu.memref_slice %arg4[%add3A, %dma_start3A_420, %dma_start3A_425, %dma_start3A_426] : memref<32x25x512x64xf32, #tpu.memory_space<hbm>> -> memref<1x1x512x64xf32, #tpu.memory_space<hbm>>
    %dma_start3A_428 = tpu.memref_squeeze %dma_start3A_427 : memref<1x1x512x64xf32, #tpu.memory_space<hbm>> -> memref<512x64xf32, #tpu.memory_space<hbm>>
    tpu.enqueue_dma source(%arg6 : memref<512x64xf32, #tpu.memory_space<vmem>>) target(%dma_start3A_428 : memref<512x64xf32, #tpu.memory_space<hbm>>) target_semaphore(%arg12 : memref<!tpu.dma_semaphore, #tpu.memory_space<semaphore_mem>>)
    %dma_start3A_429 = arith.constant 23 : i32
    %dma_start3A_430 = arith.constant 0 : i32
    %dma_start3A_431 = arith.constant 0 : i32
    %dma_start3A_432 = tpu.memref_slice %arg8[%dma_start3A_430, %dma_start3A_431] : memref<512x64xf32, #tpu.memory_space<vmem>> -> memref<128x64xf32, #tpu.memory_space<vmem>>
    %dma_start3A_433 = arith.constant 0 : i32
    %dma_start3A_434 = tpu.memref_slice %arg5[%dma_start3A_429, %dma_start3A_433] : memref<25x512xi32, #tpu.memory_space<vmem>> -> memref<1x128xi32, #tpu.memory_space<vmem>>
    %dma_start3A_435 = tpu.memref_squeeze %dma_start3A_434 : memref<1x128xi32, #tpu.memory_space<vmem>> -> memref<128xi32, #tpu.memory_space<vmem>>
    %dma_start3A_436 = arith.constant 0 : i32
    %dma_start3A_437 = arith.constant 0 : i32
    %dma_start3A_438 = tpu.memref_slice %arg3[%dma_start3A_436, %dma_start3A_437] : memref<1000000x64xf32, #tpu.memory_space<hbm>> -> memref<1000000x64xf32, #tpu.memory_space<hbm>>
    tpu.enqueue_indirect_dma source(%dma_start3A_438 : memref<1000000x64xf32, #tpu.memory_space<hbm>>) target(%dma_start3A_432 : memref<128x64xf32, #tpu.memory_space<vmem>>) offsets(%dma_start3A_435 : memref<128xi32, #tpu.memory_space<vmem>>) semaphore(%arg11 : memref<!tpu.dma_semaphore, #tpu.memory_space<semaphore_mem>>)
    %dma_start3A_439 = arith.constant 23 : i32
    %dma_start3A_440 = arith.constant 128 : i32
    %dma_start3A_441 = arith.constant 0 : i32
    %dma_start3A_442 = tpu.memref_slice %arg8[%dma_start3A_440, %dma_start3A_441] : memref<512x64xf32, #tpu.memory_space<vmem>> -> memref<128x64xf32, #tpu.memory_space<vmem>>
    %dma_start3A_443 = arith.constant 128 : i32
    %dma_start3A_444 = tpu.memref_slice %arg5[%dma_start3A_439, %dma_start3A_443] : memref<25x512xi32, #tpu.memory_space<vmem>> -> memref<1x128xi32, #tpu.memory_space<vmem>>
    %dma_start3A_445 = tpu.memref_squeeze %dma_start3A_444 : memref<1x128xi32, #tpu.memory_space<vmem>> -> memref<128xi32, #tpu.memory_space<vmem>>
    %dma_start3A_446 = arith.constant 0 : i32
    %dma_start3A_447 = arith.constant 0 : i32
    %dma_start3A_448 = tpu.memref_slice %arg3[%dma_start3A_446, %dma_start3A_447] : memref<1000000x64xf32, #tpu.memory_space<hbm>> -> memref<1000000x64xf32, #tpu.memory_space<hbm>>
    tpu.enqueue_indirect_dma source(%dma_start3A_448 : memref<1000000x64xf32, #tpu.memory_space<hbm>>) target(%dma_start3A_442 : memref<128x64xf32, #tpu.memory_space<vmem>>) offsets(%dma_start3A_445 : memref<128xi32, #tpu.memory_space<vmem>>) semaphore(%arg11 : memref<!tpu.dma_semaphore, #tpu.memory_space<semaphore_mem>>)
    %dma_start3A_449 = arith.constant 23 : i32
    %dma_start3A_450 = arith.constant 256 : i32
    %dma_start3A_451 = arith.constant 0 : i32
    %dma_start3A_452 = tpu.memref_slice %arg8[%dma_start3A_450, %dma_start3A_451] : memref<512x64xf32, #tpu.memory_space<vmem>> -> memref<128x64xf32, #tpu.memory_space<vmem>>
    %dma_start3A_453 = arith.constant 256 : i32
    %dma_start3A_454 = tpu.memref_slice %arg5[%dma_start3A_449, %dma_start3A_453] : memref<25x512xi32, #tpu.memory_space<vmem>> -> memref<1x128xi32, #tpu.memory_space<vmem>>
    %dma_start3A_455 = tpu.memref_squeeze %dma_start3A_454 : memref<1x128xi32, #tpu.memory_space<vmem>> -> memref<128xi32, #tpu.memory_space<vmem>>
    %dma_start3A_456 = arith.constant 0 : i32
    %dma_start3A_457 = arith.constant 0 : i32
    %dma_start3A_458 = tpu.memref_slice %arg3[%dma_start3A_456, %dma_start3A_457] : memref<1000000x64xf32, #tpu.memory_space<hbm>> -> memref<1000000x64xf32, #tpu.memory_space<hbm>>
    tpu.enqueue_indirect_dma source(%dma_start3A_458 : memref<1000000x64xf32, #tpu.memory_space<hbm>>) target(%dma_start3A_452 : memref<128x64xf32, #tpu.memory_space<vmem>>) offsets(%dma_start3A_455 : memref<128xi32, #tpu.memory_space<vmem>>) semaphore(%arg11 : memref<!tpu.dma_semaphore, #tpu.memory_space<semaphore_mem>>)
    %dma_start3A_459 = arith.constant 23 : i32
    %dma_start3A_460 = arith.constant 384 : i32
    %dma_start3A_461 = arith.constant 0 : i32
    %dma_start3A_462 = tpu.memref_slice %arg8[%dma_start3A_460, %dma_start3A_461] : memref<512x64xf32, #tpu.memory_space<vmem>> -> memref<128x64xf32, #tpu.memory_space<vmem>>
    %dma_start3A_463 = arith.constant 384 : i32
    %dma_start3A_464 = tpu.memref_slice %arg5[%dma_start3A_459, %dma_start3A_463] : memref<25x512xi32, #tpu.memory_space<vmem>> -> memref<1x128xi32, #tpu.memory_space<vmem>>
    %dma_start3A_465 = tpu.memref_squeeze %dma_start3A_464 : memref<1x128xi32, #tpu.memory_space<vmem>> -> memref<128xi32, #tpu.memory_space<vmem>>
    %dma_start3A_466 = arith.constant 0 : i32
    %dma_start3A_467 = arith.constant 0 : i32
    %dma_start3A_468 = tpu.memref_slice %arg3[%dma_start3A_466, %dma_start3A_467] : memref<1000000x64xf32, #tpu.memory_space<hbm>> -> memref<1000000x64xf32, #tpu.memory_space<hbm>>
    tpu.enqueue_indirect_dma source(%dma_start3A_468 : memref<1000000x64xf32, #tpu.memory_space<hbm>>) target(%dma_start3A_462 : memref<128x64xf32, #tpu.memory_space<vmem>>) offsets(%dma_start3A_465 : memref<128xi32, #tpu.memory_space<vmem>>) semaphore(%arg11 : memref<!tpu.dma_semaphore, #tpu.memory_space<semaphore_mem>>)
    %dma_wait3A_469 = arith.constant 22 : i32
    %dma_wait3A_470 = arith.constant 0 : i32
    %dma_wait3A_471 = arith.constant 0 : i32
    %dma_wait3A_472 = tpu.memref_slice %arg7[%dma_wait3A_470, %dma_wait3A_471] : memref<512x64xf32, #tpu.memory_space<vmem>> -> memref<128x64xf32, #tpu.memory_space<vmem>>
    %dma_wait3A_473 = arith.constant 0 : i32
    %dma_wait3A_474 = tpu.memref_slice %arg5[%dma_wait3A_469, %dma_wait3A_473] : memref<25x512xi32, #tpu.memory_space<vmem>> -> memref<1x128xi32, #tpu.memory_space<vmem>>
    %dma_wait3A_475 = tpu.memref_squeeze %dma_wait3A_474 : memref<1x128xi32, #tpu.memory_space<vmem>> -> memref<128xi32, #tpu.memory_space<vmem>>
    %dma_wait3A_476 = arith.constant 0 : i32
    %dma_wait3A_477 = arith.constant 0 : i32
    %dma_wait3A_478 = tpu.memref_slice %arg3[%dma_wait3A_476, %dma_wait3A_477] : memref<1000000x64xf32, #tpu.memory_space<hbm>> -> memref<1000000x64xf32, #tpu.memory_space<hbm>>
    tpu.wait_indirect_dma semaphore(%arg10 : memref<!tpu.dma_semaphore, #tpu.memory_space<semaphore_mem>>) src(%dma_wait3A_478 : memref<1000000x64xf32, #tpu.memory_space<hbm>>) dst(%dma_wait3A_472 : memref<128x64xf32, #tpu.memory_space<vmem>>)
    %dma_wait3A_479 = arith.constant 22 : i32
    %dma_wait3A_480 = arith.constant 128 : i32
    %dma_wait3A_481 = arith.constant 0 : i32
    %dma_wait3A_482 = tpu.memref_slice %arg7[%dma_wait3A_480, %dma_wait3A_481] : memref<512x64xf32, #tpu.memory_space<vmem>> -> memref<128x64xf32, #tpu.memory_space<vmem>>
    %dma_wait3A_483 = arith.constant 128 : i32
    %dma_wait3A_484 = tpu.memref_slice %arg5[%dma_wait3A_479, %dma_wait3A_483] : memref<25x512xi32, #tpu.memory_space<vmem>> -> memref<1x128xi32, #tpu.memory_space<vmem>>
    %dma_wait3A_485 = tpu.memref_squeeze %dma_wait3A_484 : memref<1x128xi32, #tpu.memory_space<vmem>> -> memref<128xi32, #tpu.memory_space<vmem>>
    %dma_wait3A_486 = arith.constant 0 : i32
    %dma_wait3A_487 = arith.constant 0 : i32
    %dma_wait3A_488 = tpu.memref_slice %arg3[%dma_wait3A_486, %dma_wait3A_487] : memref<1000000x64xf32, #tpu.memory_space<hbm>> -> memref<1000000x64xf32, #tpu.memory_space<hbm>>
    tpu.wait_indirect_dma semaphore(%arg10 : memref<!tpu.dma_semaphore, #tpu.memory_space<semaphore_mem>>) src(%dma_wait3A_488 : memref<1000000x64xf32, #tpu.memory_space<hbm>>) dst(%dma_wait3A_482 : memref<128x64xf32, #tpu.memory_space<vmem>>)
    %dma_wait3A_489 = arith.constant 22 : i32
    %dma_wait3A_490 = arith.constant 256 : i32
    %dma_wait3A_491 = arith.constant 0 : i32
    %dma_wait3A_492 = tpu.memref_slice %arg7[%dma_wait3A_490, %dma_wait3A_491] : memref<512x64xf32, #tpu.memory_space<vmem>> -> memref<128x64xf32, #tpu.memory_space<vmem>>
    %dma_wait3A_493 = arith.constant 256 : i32
    %dma_wait3A_494 = tpu.memref_slice %arg5[%dma_wait3A_489, %dma_wait3A_493] : memref<25x512xi32, #tpu.memory_space<vmem>> -> memref<1x128xi32, #tpu.memory_space<vmem>>
    %dma_wait3A_495 = tpu.memref_squeeze %dma_wait3A_494 : memref<1x128xi32, #tpu.memory_space<vmem>> -> memref<128xi32, #tpu.memory_space<vmem>>
    %dma_wait3A_496 = arith.constant 0 : i32
    %dma_wait3A_497 = arith.constant 0 : i32
    %dma_wait3A_498 = tpu.memref_slice %arg3[%dma_wait3A_496, %dma_wait3A_497] : memref<1000000x64xf32, #tpu.memory_space<hbm>> -> memref<1000000x64xf32, #tpu.memory_space<hbm>>
    tpu.wait_indirect_dma semaphore(%arg10 : memref<!tpu.dma_semaphore, #tpu.memory_space<semaphore_mem>>) src(%dma_wait3A_498 : memref<1000000x64xf32, #tpu.memory_space<hbm>>) dst(%dma_wait3A_492 : memref<128x64xf32, #tpu.memory_space<vmem>>)
    %dma_wait3A_499 = arith.constant 22 : i32
    %dma_wait3A_500 = arith.constant 384 : i32
    %dma_wait3A_501 = arith.constant 0 : i32
    %dma_wait3A_502 = tpu.memref_slice %arg7[%dma_wait3A_500, %dma_wait3A_501] : memref<512x64xf32, #tpu.memory_space<vmem>> -> memref<128x64xf32, #tpu.memory_space<vmem>>
    %dma_wait3A_503 = arith.constant 384 : i32
    %dma_wait3A_504 = tpu.memref_slice %arg5[%dma_wait3A_499, %dma_wait3A_503] : memref<25x512xi32, #tpu.memory_space<vmem>> -> memref<1x128xi32, #tpu.memory_space<vmem>>
    %dma_wait3A_505 = tpu.memref_squeeze %dma_wait3A_504 : memref<1x128xi32, #tpu.memory_space<vmem>> -> memref<128xi32, #tpu.memory_space<vmem>>
    %dma_wait3A_506 = arith.constant 0 : i32
    %dma_wait3A_507 = arith.constant 0 : i32
    %dma_wait3A_508 = tpu.memref_slice %arg3[%dma_wait3A_506, %dma_wait3A_507] : memref<1000000x64xf32, #tpu.memory_space<hbm>> -> memref<1000000x64xf32, #tpu.memory_space<hbm>>
    tpu.wait_indirect_dma semaphore(%arg10 : memref<!tpu.dma_semaphore, #tpu.memory_space<semaphore_mem>>) src(%dma_wait3A_508 : memref<1000000x64xf32, #tpu.memory_space<hbm>>) dst(%dma_wait3A_502 : memref<128x64xf32, #tpu.memory_space<vmem>>)
    %dma_wait3A_509 = arith.constant 21 : i32
    %dma_wait3A_510 = arith.constant 0 : i32
    %dma_wait3A_511 = arith.constant 0 : i32
    %dma_wait3A_512 = tpu.memref_slice %arg4[%add3A, %dma_wait3A_509, %dma_wait3A_510, %dma_wait3A_511] : memref<32x25x512x64xf32, #tpu.memory_space<hbm>> -> memref<1x1x512x64xf32, #tpu.memory_space<hbm>>
    %dma_wait3A_513 = tpu.memref_squeeze %dma_wait3A_512 : memref<1x1x512x64xf32, #tpu.memory_space<hbm>> -> memref<512x64xf32, #tpu.memory_space<hbm>>
    %dma_wait3A_514 = arith.constant 0 : i32
    %dma_wait3A_515 = arith.constant 0 : i32
    %dma_wait3A_516 = tpu.memref_slice %arg4[%add3A, %dma_wait3A_509, %dma_wait3A_514, %dma_wait3A_515] : memref<32x25x512x64xf32, #tpu.memory_space<hbm>> -> memref<1x1x512x64xf32, #tpu.memory_space<hbm>>
    %dma_wait3A_517 = tpu.memref_squeeze %dma_wait3A_516 : memref<1x1x512x64xf32, #tpu.memory_space<hbm>> -> memref<512x64xf32, #tpu.memory_space<hbm>>
    tpu.wait_dma2 semaphore(%arg12 : memref<!tpu.dma_semaphore, #tpu.memory_space<semaphore_mem>>) src(%arg6 : memref<512x64xf32, #tpu.memory_space<vmem>>) dst(%dma_wait3A_517 : memref<512x64xf32, #tpu.memory_space<hbm>>)
    %dma_start3A_518 = arith.constant 22 : i32
    %dma_start3A_519 = arith.constant 0 : i32
    %dma_start3A_520 = arith.constant 0 : i32
    %dma_start3A_521 = tpu.memref_slice %arg4[%add3A, %dma_start3A_518, %dma_start3A_519, %dma_start3A_520] : memref<32x25x512x64xf32, #tpu.memory_space<hbm>> -> memref<1x1x512x64xf32, #tpu.memory_space<hbm>>
    %dma_start3A_522 = tpu.memref_squeeze %dma_start3A_521 : memref<1x1x512x64xf32, #tpu.memory_space<hbm>> -> memref<512x64xf32, #tpu.memory_space<hbm>>
    %dma_start3A_523 = arith.constant 0 : i32
    %dma_start3A_524 = arith.constant 0 : i32
    %dma_start3A_525 = tpu.memref_slice %arg4[%add3A, %dma_start3A_518, %dma_start3A_523, %dma_start3A_524] : memref<32x25x512x64xf32, #tpu.memory_space<hbm>> -> memref<1x1x512x64xf32, #tpu.memory_space<hbm>>
    %dma_start3A_526 = tpu.memref_squeeze %dma_start3A_525 : memref<1x1x512x64xf32, #tpu.memory_space<hbm>> -> memref<512x64xf32, #tpu.memory_space<hbm>>
    tpu.enqueue_dma source(%arg7 : memref<512x64xf32, #tpu.memory_space<vmem>>) target(%dma_start3A_526 : memref<512x64xf32, #tpu.memory_space<hbm>>) target_semaphore(%arg13 : memref<!tpu.dma_semaphore, #tpu.memory_space<semaphore_mem>>)
    %dma_start3A_527 = arith.constant 24 : i32
    %dma_start3A_528 = arith.constant 0 : i32
    %dma_start3A_529 = arith.constant 0 : i32
    %dma_start3A_530 = tpu.memref_slice %arg6[%dma_start3A_528, %dma_start3A_529] : memref<512x64xf32, #tpu.memory_space<vmem>> -> memref<128x64xf32, #tpu.memory_space<vmem>>
    %dma_start3A_531 = arith.constant 0 : i32
    %dma_start3A_532 = tpu.memref_slice %arg5[%dma_start3A_527, %dma_start3A_531] : memref<25x512xi32, #tpu.memory_space<vmem>> -> memref<1x128xi32, #tpu.memory_space<vmem>>
    %dma_start3A_533 = tpu.memref_squeeze %dma_start3A_532 : memref<1x128xi32, #tpu.memory_space<vmem>> -> memref<128xi32, #tpu.memory_space<vmem>>
    %dma_start3A_534 = arith.constant 0 : i32
    %dma_start3A_535 = arith.constant 0 : i32
    %dma_start3A_536 = tpu.memref_slice %arg3[%dma_start3A_534, %dma_start3A_535] : memref<1000000x64xf32, #tpu.memory_space<hbm>> -> memref<1000000x64xf32, #tpu.memory_space<hbm>>
    tpu.enqueue_indirect_dma source(%dma_start3A_536 : memref<1000000x64xf32, #tpu.memory_space<hbm>>) target(%dma_start3A_530 : memref<128x64xf32, #tpu.memory_space<vmem>>) offsets(%dma_start3A_533 : memref<128xi32, #tpu.memory_space<vmem>>) semaphore(%arg9 : memref<!tpu.dma_semaphore, #tpu.memory_space<semaphore_mem>>)
    %dma_start3A_537 = arith.constant 24 : i32
    %dma_start3A_538 = arith.constant 128 : i32
    %dma_start3A_539 = arith.constant 0 : i32
    %dma_start3A_540 = tpu.memref_slice %arg6[%dma_start3A_538, %dma_start3A_539] : memref<512x64xf32, #tpu.memory_space<vmem>> -> memref<128x64xf32, #tpu.memory_space<vmem>>
    %dma_start3A_541 = arith.constant 128 : i32
    %dma_start3A_542 = tpu.memref_slice %arg5[%dma_start3A_537, %dma_start3A_541] : memref<25x512xi32, #tpu.memory_space<vmem>> -> memref<1x128xi32, #tpu.memory_space<vmem>>
    %dma_start3A_543 = tpu.memref_squeeze %dma_start3A_542 : memref<1x128xi32, #tpu.memory_space<vmem>> -> memref<128xi32, #tpu.memory_space<vmem>>
    %dma_start3A_544 = arith.constant 0 : i32
    %dma_start3A_545 = arith.constant 0 : i32
    %dma_start3A_546 = tpu.memref_slice %arg3[%dma_start3A_544, %dma_start3A_545] : memref<1000000x64xf32, #tpu.memory_space<hbm>> -> memref<1000000x64xf32, #tpu.memory_space<hbm>>
    tpu.enqueue_indirect_dma source(%dma_start3A_546 : memref<1000000x64xf32, #tpu.memory_space<hbm>>) target(%dma_start3A_540 : memref<128x64xf32, #tpu.memory_space<vmem>>) offsets(%dma_start3A_543 : memref<128xi32, #tpu.memory_space<vmem>>) semaphore(%arg9 : memref<!tpu.dma_semaphore, #tpu.memory_space<semaphore_mem>>)
    %dma_start3A_547 = arith.constant 24 : i32
    %dma_start3A_548 = arith.constant 256 : i32
    %dma_start3A_549 = arith.constant 0 : i32
    %dma_start3A_550 = tpu.memref_slice %arg6[%dma_start3A_548, %dma_start3A_549] : memref<512x64xf32, #tpu.memory_space<vmem>> -> memref<128x64xf32, #tpu.memory_space<vmem>>
    %dma_start3A_551 = arith.constant 256 : i32
    %dma_start3A_552 = tpu.memref_slice %arg5[%dma_start3A_547, %dma_start3A_551] : memref<25x512xi32, #tpu.memory_space<vmem>> -> memref<1x128xi32, #tpu.memory_space<vmem>>
    %dma_start3A_553 = tpu.memref_squeeze %dma_start3A_552 : memref<1x128xi32, #tpu.memory_space<vmem>> -> memref<128xi32, #tpu.memory_space<vmem>>
    %dma_start3A_554 = arith.constant 0 : i32
    %dma_start3A_555 = arith.constant 0 : i32
    %dma_start3A_556 = tpu.memref_slice %arg3[%dma_start3A_554, %dma_start3A_555] : memref<1000000x64xf32, #tpu.memory_space<hbm>> -> memref<1000000x64xf32, #tpu.memory_space<hbm>>
    tpu.enqueue_indirect_dma source(%dma_start3A_556 : memref<1000000x64xf32, #tpu.memory_space<hbm>>) target(%dma_start3A_550 : memref<128x64xf32, #tpu.memory_space<vmem>>) offsets(%dma_start3A_553 : memref<128xi32, #tpu.memory_space<vmem>>) semaphore(%arg9 : memref<!tpu.dma_semaphore, #tpu.memory_space<semaphore_mem>>)
    %dma_start3A_557 = arith.constant 24 : i32
    %dma_start3A_558 = arith.constant 384 : i32
    %dma_start3A_559 = arith.constant 0 : i32
    %dma_start3A_560 = tpu.memref_slice %arg6[%dma_start3A_558, %dma_start3A_559] : memref<512x64xf32, #tpu.memory_space<vmem>> -> memref<128x64xf32, #tpu.memory_space<vmem>>
    %dma_start3A_561 = arith.constant 384 : i32
    %dma_start3A_562 = tpu.memref_slice %arg5[%dma_start3A_557, %dma_start3A_561] : memref<25x512xi32, #tpu.memory_space<vmem>> -> memref<1x128xi32, #tpu.memory_space<vmem>>
    %dma_start3A_563 = tpu.memref_squeeze %dma_start3A_562 : memref<1x128xi32, #tpu.memory_space<vmem>> -> memref<128xi32, #tpu.memory_space<vmem>>
    %dma_start3A_564 = arith.constant 0 : i32
    %dma_start3A_565 = arith.constant 0 : i32
    %dma_start3A_566 = tpu.memref_slice %arg3[%dma_start3A_564, %dma_start3A_565] : memref<1000000x64xf32, #tpu.memory_space<hbm>> -> memref<1000000x64xf32, #tpu.memory_space<hbm>>
    tpu.enqueue_indirect_dma source(%dma_start3A_566 : memref<1000000x64xf32, #tpu.memory_space<hbm>>) target(%dma_start3A_560 : memref<128x64xf32, #tpu.memory_space<vmem>>) offsets(%dma_start3A_563 : memref<128xi32, #tpu.memory_space<vmem>>) semaphore(%arg9 : memref<!tpu.dma_semaphore, #tpu.memory_space<semaphore_mem>>)
    %dma_wait3A_567 = arith.constant 23 : i32
    %dma_wait3A_568 = arith.constant 0 : i32
    %dma_wait3A_569 = arith.constant 0 : i32
    %dma_wait3A_570 = tpu.memref_slice %arg8[%dma_wait3A_568, %dma_wait3A_569] : memref<512x64xf32, #tpu.memory_space<vmem>> -> memref<128x64xf32, #tpu.memory_space<vmem>>
    %dma_wait3A_571 = arith.constant 0 : i32
    %dma_wait3A_572 = tpu.memref_slice %arg5[%dma_wait3A_567, %dma_wait3A_571] : memref<25x512xi32, #tpu.memory_space<vmem>> -> memref<1x128xi32, #tpu.memory_space<vmem>>
    %dma_wait3A_573 = tpu.memref_squeeze %dma_wait3A_572 : memref<1x128xi32, #tpu.memory_space<vmem>> -> memref<128xi32, #tpu.memory_space<vmem>>
    %dma_wait3A_574 = arith.constant 0 : i32
    %dma_wait3A_575 = arith.constant 0 : i32
    %dma_wait3A_576 = tpu.memref_slice %arg3[%dma_wait3A_574, %dma_wait3A_575] : memref<1000000x64xf32, #tpu.memory_space<hbm>> -> memref<1000000x64xf32, #tpu.memory_space<hbm>>
    tpu.wait_indirect_dma semaphore(%arg11 : memref<!tpu.dma_semaphore, #tpu.memory_space<semaphore_mem>>) src(%dma_wait3A_576 : memref<1000000x64xf32, #tpu.memory_space<hbm>>) dst(%dma_wait3A_570 : memref<128x64xf32, #tpu.memory_space<vmem>>)
    %dma_wait3A_577 = arith.constant 23 : i32
    %dma_wait3A_578 = arith.constant 128 : i32
    %dma_wait3A_579 = arith.constant 0 : i32
    %dma_wait3A_580 = tpu.memref_slice %arg8[%dma_wait3A_578, %dma_wait3A_579] : memref<512x64xf32, #tpu.memory_space<vmem>> -> memref<128x64xf32, #tpu.memory_space<vmem>>
    %dma_wait3A_581 = arith.constant 128 : i32
    %dma_wait3A_582 = tpu.memref_slice %arg5[%dma_wait3A_577, %dma_wait3A_581] : memref<25x512xi32, #tpu.memory_space<vmem>> -> memref<1x128xi32, #tpu.memory_space<vmem>>
    %dma_wait3A_583 = tpu.memref_squeeze %dma_wait3A_582 : memref<1x128xi32, #tpu.memory_space<vmem>> -> memref<128xi32, #tpu.memory_space<vmem>>
    %dma_wait3A_584 = arith.constant 0 : i32
    %dma_wait3A_585 = arith.constant 0 : i32
    %dma_wait3A_586 = tpu.memref_slice %arg3[%dma_wait3A_584, %dma_wait3A_585] : memref<1000000x64xf32, #tpu.memory_space<hbm>> -> memref<1000000x64xf32, #tpu.memory_space<hbm>>
    tpu.wait_indirect_dma semaphore(%arg11 : memref<!tpu.dma_semaphore, #tpu.memory_space<semaphore_mem>>) src(%dma_wait3A_586 : memref<1000000x64xf32, #tpu.memory_space<hbm>>) dst(%dma_wait3A_580 : memref<128x64xf32, #tpu.memory_space<vmem>>)
    %dma_wait3A_587 = arith.constant 23 : i32
    %dma_wait3A_588 = arith.constant 256 : i32
    %dma_wait3A_589 = arith.constant 0 : i32
    %dma_wait3A_590 = tpu.memref_slice %arg8[%dma_wait3A_588, %dma_wait3A_589] : memref<512x64xf32, #tpu.memory_space<vmem>> -> memref<128x64xf32, #tpu.memory_space<vmem>>
    %dma_wait3A_591 = arith.constant 256 : i32
    %dma_wait3A_592 = tpu.memref_slice %arg5[%dma_wait3A_587, %dma_wait3A_591] : memref<25x512xi32, #tpu.memory_space<vmem>> -> memref<1x128xi32, #tpu.memory_space<vmem>>
    %dma_wait3A_593 = tpu.memref_squeeze %dma_wait3A_592 : memref<1x128xi32, #tpu.memory_space<vmem>> -> memref<128xi32, #tpu.memory_space<vmem>>
    %dma_wait3A_594 = arith.constant 0 : i32
    %dma_wait3A_595 = arith.constant 0 : i32
    %dma_wait3A_596 = tpu.memref_slice %arg3[%dma_wait3A_594, %dma_wait3A_595] : memref<1000000x64xf32, #tpu.memory_space<hbm>> -> memref<1000000x64xf32, #tpu.memory_space<hbm>>
    tpu.wait_indirect_dma semaphore(%arg11 : memref<!tpu.dma_semaphore, #tpu.memory_space<semaphore_mem>>) src(%dma_wait3A_596 : memref<1000000x64xf32, #tpu.memory_space<hbm>>) dst(%dma_wait3A_590 : memref<128x64xf32, #tpu.memory_space<vmem>>)
    %dma_wait3A_597 = arith.constant 23 : i32
    %dma_wait3A_598 = arith.constant 384 : i32
    %dma_wait3A_599 = arith.constant 0 : i32
    %dma_wait3A_600 = tpu.memref_slice %arg8[%dma_wait3A_598, %dma_wait3A_599] : memref<512x64xf32, #tpu.memory_space<vmem>> -> memref<128x64xf32, #tpu.memory_space<vmem>>
    %dma_wait3A_601 = arith.constant 384 : i32
    %dma_wait3A_602 = tpu.memref_slice %arg5[%dma_wait3A_597, %dma_wait3A_601] : memref<25x512xi32, #tpu.memory_space<vmem>> -> memref<1x128xi32, #tpu.memory_space<vmem>>
    %dma_wait3A_603 = tpu.memref_squeeze %dma_wait3A_602 : memref<1x128xi32, #tpu.memory_space<vmem>> -> memref<128xi32, #tpu.memory_space<vmem>>
    %dma_wait3A_604 = arith.constant 0 : i32
    %dma_wait3A_605 = arith.constant 0 : i32
    %dma_wait3A_606 = tpu.memref_slice %arg3[%dma_wait3A_604, %dma_wait3A_605] : memref<1000000x64xf32, #tpu.memory_space<hbm>> -> memref<1000000x64xf32, #tpu.memory_space<hbm>>
    tpu.wait_indirect_dma semaphore(%arg11 : memref<!tpu.dma_semaphore, #tpu.memory_space<semaphore_mem>>) src(%dma_wait3A_606 : memref<1000000x64xf32, #tpu.memory_space<hbm>>) dst(%dma_wait3A_600 : memref<128x64xf32, #tpu.memory_space<vmem>>)
    %dma_wait3A_607 = arith.constant 22 : i32
    %dma_wait3A_608 = arith.constant 0 : i32
    %dma_wait3A_609 = arith.constant 0 : i32
    %dma_wait3A_610 = tpu.memref_slice %arg4[%add3A, %dma_wait3A_607, %dma_wait3A_608, %dma_wait3A_609] : memref<32x25x512x64xf32, #tpu.memory_space<hbm>> -> memref<1x1x512x64xf32, #tpu.memory_space<hbm>>
    %dma_wait3A_611 = tpu.memref_squeeze %dma_wait3A_610 : memref<1x1x512x64xf32, #tpu.memory_space<hbm>> -> memref<512x64xf32, #tpu.memory_space<hbm>>
    %dma_wait3A_612 = arith.constant 0 : i32
    %dma_wait3A_613 = arith.constant 0 : i32
    %dma_wait3A_614 = tpu.memref_slice %arg4[%add3A, %dma_wait3A_607, %dma_wait3A_612, %dma_wait3A_613] : memref<32x25x512x64xf32, #tpu.memory_space<hbm>> -> memref<1x1x512x64xf32, #tpu.memory_space<hbm>>
    %dma_wait3A_615 = tpu.memref_squeeze %dma_wait3A_614 : memref<1x1x512x64xf32, #tpu.memory_space<hbm>> -> memref<512x64xf32, #tpu.memory_space<hbm>>
    tpu.wait_dma2 semaphore(%arg13 : memref<!tpu.dma_semaphore, #tpu.memory_space<semaphore_mem>>) src(%arg7 : memref<512x64xf32, #tpu.memory_space<vmem>>) dst(%dma_wait3A_615 : memref<512x64xf32, #tpu.memory_space<hbm>>)
    %dma_start3A_616 = arith.constant 23 : i32
    %dma_start3A_617 = arith.constant 0 : i32
    %dma_start3A_618 = arith.constant 0 : i32
    %dma_start3A_619 = tpu.memref_slice %arg4[%add3A, %dma_start3A_616, %dma_start3A_617, %dma_start3A_618] : memref<32x25x512x64xf32, #tpu.memory_space<hbm>> -> memref<1x1x512x64xf32, #tpu.memory_space<hbm>>
    %dma_start3A_620 = tpu.memref_squeeze %dma_start3A_619 : memref<1x1x512x64xf32, #tpu.memory_space<hbm>> -> memref<512x64xf32, #tpu.memory_space<hbm>>
    %dma_start3A_621 = arith.constant 0 : i32
    %dma_start3A_622 = arith.constant 0 : i32
    %dma_start3A_623 = tpu.memref_slice %arg4[%add3A, %dma_start3A_616, %dma_start3A_621, %dma_start3A_622] : memref<32x25x512x64xf32, #tpu.memory_space<hbm>> -> memref<1x1x512x64xf32, #tpu.memory_space<hbm>>
    %dma_start3A_624 = tpu.memref_squeeze %dma_start3A_623 : memref<1x1x512x64xf32, #tpu.memory_space<hbm>> -> memref<512x64xf32, #tpu.memory_space<hbm>>
    tpu.enqueue_dma source(%arg8 : memref<512x64xf32, #tpu.memory_space<vmem>>) target(%dma_start3A_624 : memref<512x64xf32, #tpu.memory_space<hbm>>) target_semaphore(%arg14 : memref<!tpu.dma_semaphore, #tpu.memory_space<semaphore_mem>>)
    %dma_wait3A_625 = arith.constant 24 : i32
    %dma_wait3A_626 = arith.constant 0 : i32
    %dma_wait3A_627 = arith.constant 0 : i32
    %dma_wait3A_628 = tpu.memref_slice %arg6[%dma_wait3A_626, %dma_wait3A_627] : memref<512x64xf32, #tpu.memory_space<vmem>> -> memref<128x64xf32, #tpu.memory_space<vmem>>
    %dma_wait3A_629 = arith.constant 0 : i32
    %dma_wait3A_630 = tpu.memref_slice %arg5[%dma_wait3A_625, %dma_wait3A_629] : memref<25x512xi32, #tpu.memory_space<vmem>> -> memref<1x128xi32, #tpu.memory_space<vmem>>
    %dma_wait3A_631 = tpu.memref_squeeze %dma_wait3A_630 : memref<1x128xi32, #tpu.memory_space<vmem>> -> memref<128xi32, #tpu.memory_space<vmem>>
    %dma_wait3A_632 = arith.constant 0 : i32
    %dma_wait3A_633 = arith.constant 0 : i32
    %dma_wait3A_634 = tpu.memref_slice %arg3[%dma_wait3A_632, %dma_wait3A_633] : memref<1000000x64xf32, #tpu.memory_space<hbm>> -> memref<1000000x64xf32, #tpu.memory_space<hbm>>
    tpu.wait_indirect_dma semaphore(%arg9 : memref<!tpu.dma_semaphore, #tpu.memory_space<semaphore_mem>>) src(%dma_wait3A_634 : memref<1000000x64xf32, #tpu.memory_space<hbm>>) dst(%dma_wait3A_628 : memref<128x64xf32, #tpu.memory_space<vmem>>)
    %dma_wait3A_635 = arith.constant 24 : i32
    %dma_wait3A_636 = arith.constant 128 : i32
    %dma_wait3A_637 = arith.constant 0 : i32
    %dma_wait3A_638 = tpu.memref_slice %arg6[%dma_wait3A_636, %dma_wait3A_637] : memref<512x64xf32, #tpu.memory_space<vmem>> -> memref<128x64xf32, #tpu.memory_space<vmem>>
    %dma_wait3A_639 = arith.constant 128 : i32
    %dma_wait3A_640 = tpu.memref_slice %arg5[%dma_wait3A_635, %dma_wait3A_639] : memref<25x512xi32, #tpu.memory_space<vmem>> -> memref<1x128xi32, #tpu.memory_space<vmem>>
    %dma_wait3A_641 = tpu.memref_squeeze %dma_wait3A_640 : memref<1x128xi32, #tpu.memory_space<vmem>> -> memref<128xi32, #tpu.memory_space<vmem>>
    %dma_wait3A_642 = arith.constant 0 : i32
    %dma_wait3A_643 = arith.constant 0 : i32
    %dma_wait3A_644 = tpu.memref_slice %arg3[%dma_wait3A_642, %dma_wait3A_643] : memref<1000000x64xf32, #tpu.memory_space<hbm>> -> memref<1000000x64xf32, #tpu.memory_space<hbm>>
    tpu.wait_indirect_dma semaphore(%arg9 : memref<!tpu.dma_semaphore, #tpu.memory_space<semaphore_mem>>) src(%dma_wait3A_644 : memref<1000000x64xf32, #tpu.memory_space<hbm>>) dst(%dma_wait3A_638 : memref<128x64xf32, #tpu.memory_space<vmem>>)
    %dma_wait3A_645 = arith.constant 24 : i32
    %dma_wait3A_646 = arith.constant 256 : i32
    %dma_wait3A_647 = arith.constant 0 : i32
    %dma_wait3A_648 = tpu.memref_slice %arg6[%dma_wait3A_646, %dma_wait3A_647] : memref<512x64xf32, #tpu.memory_space<vmem>> -> memref<128x64xf32, #tpu.memory_space<vmem>>
    %dma_wait3A_649 = arith.constant 256 : i32
    %dma_wait3A_650 = tpu.memref_slice %arg5[%dma_wait3A_645, %dma_wait3A_649] : memref<25x512xi32, #tpu.memory_space<vmem>> -> memref<1x128xi32, #tpu.memory_space<vmem>>
    %dma_wait3A_651 = tpu.memref_squeeze %dma_wait3A_650 : memref<1x128xi32, #tpu.memory_space<vmem>> -> memref<128xi32, #tpu.memory_space<vmem>>
    %dma_wait3A_652 = arith.constant 0 : i32
    %dma_wait3A_653 = arith.constant 0 : i32
    %dma_wait3A_654 = tpu.memref_slice %arg3[%dma_wait3A_652, %dma_wait3A_653] : memref<1000000x64xf32, #tpu.memory_space<hbm>> -> memref<1000000x64xf32, #tpu.memory_space<hbm>>
    tpu.wait_indirect_dma semaphore(%arg9 : memref<!tpu.dma_semaphore, #tpu.memory_space<semaphore_mem>>) src(%dma_wait3A_654 : memref<1000000x64xf32, #tpu.memory_space<hbm>>) dst(%dma_wait3A_648 : memref<128x64xf32, #tpu.memory_space<vmem>>)
    %dma_wait3A_655 = arith.constant 24 : i32
    %dma_wait3A_656 = arith.constant 384 : i32
    %dma_wait3A_657 = arith.constant 0 : i32
    %dma_wait3A_658 = tpu.memref_slice %arg6[%dma_wait3A_656, %dma_wait3A_657] : memref<512x64xf32, #tpu.memory_space<vmem>> -> memref<128x64xf32, #tpu.memory_space<vmem>>
    %dma_wait3A_659 = arith.constant 384 : i32
    %dma_wait3A_660 = tpu.memref_slice %arg5[%dma_wait3A_655, %dma_wait3A_659] : memref<25x512xi32, #tpu.memory_space<vmem>> -> memref<1x128xi32, #tpu.memory_space<vmem>>
    %dma_wait3A_661 = tpu.memref_squeeze %dma_wait3A_660 : memref<1x128xi32, #tpu.memory_space<vmem>> -> memref<128xi32, #tpu.memory_space<vmem>>
    %dma_wait3A_662 = arith.constant 0 : i32
    %dma_wait3A_663 = arith.constant 0 : i32
    %dma_wait3A_664 = tpu.memref_slice %arg3[%dma_wait3A_662, %dma_wait3A_663] : memref<1000000x64xf32, #tpu.memory_space<hbm>> -> memref<1000000x64xf32, #tpu.memory_space<hbm>>
    tpu.wait_indirect_dma semaphore(%arg9 : memref<!tpu.dma_semaphore, #tpu.memory_space<semaphore_mem>>) src(%dma_wait3A_664 : memref<1000000x64xf32, #tpu.memory_space<hbm>>) dst(%dma_wait3A_658 : memref<128x64xf32, #tpu.memory_space<vmem>>)
    %dma_wait3A_665 = arith.constant 23 : i32
    %dma_wait3A_666 = arith.constant 0 : i32
    %dma_wait3A_667 = arith.constant 0 : i32
    %dma_wait3A_668 = tpu.memref_slice %arg4[%add3A, %dma_wait3A_665, %dma_wait3A_666, %dma_wait3A_667] : memref<32x25x512x64xf32, #tpu.memory_space<hbm>> -> memref<1x1x512x64xf32, #tpu.memory_space<hbm>>
    %dma_wait3A_669 = tpu.memref_squeeze %dma_wait3A_668 : memref<1x1x512x64xf32, #tpu.memory_space<hbm>> -> memref<512x64xf32, #tpu.memory_space<hbm>>
    %dma_wait3A_670 = arith.constant 0 : i32
    %dma_wait3A_671 = arith.constant 0 : i32
    %dma_wait3A_672 = tpu.memref_slice %arg4[%add3A, %dma_wait3A_665, %dma_wait3A_670, %dma_wait3A_671] : memref<32x25x512x64xf32, #tpu.memory_space<hbm>> -> memref<1x1x512x64xf32, #tpu.memory_space<hbm>>
    %dma_wait3A_673 = tpu.memref_squeeze %dma_wait3A_672 : memref<1x1x512x64xf32, #tpu.memory_space<hbm>> -> memref<512x64xf32, #tpu.memory_space<hbm>>
    tpu.wait_dma2 semaphore(%arg14 : memref<!tpu.dma_semaphore, #tpu.memory_space<semaphore_mem>>) src(%arg8 : memref<512x64xf32, #tpu.memory_space<vmem>>) dst(%dma_wait3A_673 : memref<512x64xf32, #tpu.memory_space<hbm>>)
    %dma_start3A_674 = arith.constant 24 : i32
    %dma_start3A_675 = arith.constant 0 : i32
    %dma_start3A_676 = arith.constant 0 : i32
    %dma_start3A_677 = tpu.memref_slice %arg4[%add3A, %dma_start3A_674, %dma_start3A_675, %dma_start3A_676] : memref<32x25x512x64xf32, #tpu.memory_space<hbm>> -> memref<1x1x512x64xf32, #tpu.memory_space<hbm>>
    %dma_start3A_678 = tpu.memref_squeeze %dma_start3A_677 : memref<1x1x512x64xf32, #tpu.memory_space<hbm>> -> memref<512x64xf32, #tpu.memory_space<hbm>>
    %dma_start3A_679 = arith.constant 0 : i32
    %dma_start3A_680 = arith.constant 0 : i32
    %dma_start3A_681 = tpu.memref_slice %arg4[%add3A, %dma_start3A_674, %dma_start3A_679, %dma_start3A_680] : memref<32x25x512x64xf32, #tpu.memory_space<hbm>> -> memref<1x1x512x64xf32, #tpu.memory_space<hbm>>
    %dma_start3A_682 = tpu.memref_squeeze %dma_start3A_681 : memref<1x1x512x64xf32, #tpu.memory_space<hbm>> -> memref<512x64xf32, #tpu.memory_space<hbm>>
    tpu.enqueue_dma source(%arg6 : memref<512x64xf32, #tpu.memory_space<vmem>>) target(%dma_start3A_682 : memref<512x64xf32, #tpu.memory_space<hbm>>) target_semaphore(%arg12 : memref<!tpu.dma_semaphore, #tpu.memory_space<semaphore_mem>>)
    %dma_wait3A_683 = arith.constant 24 : i32
    %dma_wait3A_684 = arith.constant 0 : i32
    %dma_wait3A_685 = arith.constant 0 : i32
    %dma_wait3A_686 = tpu.memref_slice %arg4[%add3A, %dma_wait3A_683, %dma_wait3A_684, %dma_wait3A_685] : memref<32x25x512x64xf32, #tpu.memory_space<hbm>> -> memref<1x1x512x64xf32, #tpu.memory_space<hbm>>
    %dma_wait3A_687 = tpu.memref_squeeze %dma_wait3A_686 : memref<1x1x512x64xf32, #tpu.memory_space<hbm>> -> memref<512x64xf32, #tpu.memory_space<hbm>>
    %dma_wait3A_688 = arith.constant 0 : i32
    %dma_wait3A_689 = arith.constant 0 : i32
    %dma_wait3A_690 = tpu.memref_slice %arg4[%add3A, %dma_wait3A_683, %dma_wait3A_688, %dma_wait3A_689] : memref<32x25x512x64xf32, #tpu.memory_space<hbm>> -> memref<1x1x512x64xf32, #tpu.memory_space<hbm>>
    %dma_wait3A_691 = tpu.memref_squeeze %dma_wait3A_690 : memref<1x1x512x64xf32, #tpu.memory_space<hbm>> -> memref<512x64xf32, #tpu.memory_space<hbm>>
    tpu.wait_dma2 semaphore(%arg12 : memref<!tpu.dma_semaphore, #tpu.memory_space<semaphore_mem>>) src(%arg6 : memref<512x64xf32, #tpu.memory_space<vmem>>) dst(%dma_wait3A_691 : memref<512x64xf32, #tpu.memory_space<hbm>>)
    return
  }
}

#map = affine_map<(d0, d1) -> (0, 0)>
#map1 = affine_map<(d0, d1) -> (0, 0, 0, 0)>
module attributes {stable_mosaic.version = 14 : i64} {
  func.func @_gather_body(%arg0: i32, %arg1: i32, %arg2: memref<25x16384xi32, #tpu.memory_space<hbm>>, %arg3: memref<1000000x64xf32, #tpu.memory_space<hbm>>, %arg4: memref<32x25x512x64xf32, #tpu.memory_space<hbm>>, %arg5: memref<25x512xi32, #tpu.memory_space<vmem>>, %arg6: memref<512x64xf32, #tpu.memory_space<vmem>>, %arg7: memref<512x64xf32, #tpu.memory_space<vmem>>, %arg8: memref<512x64xf32, #tpu.memory_space<vmem>>, %arg9: memref<!tpu.dma_semaphore, #tpu.memory_space<semaphore_mem>>, %arg10: memref<!tpu.dma_semaphore, #tpu.memory_space<semaphore_mem>>, %arg11: memref<!tpu.dma_semaphore, #tpu.memory_space<semaphore_mem>>, %arg12: memref<!tpu.dma_semaphore, #tpu.memory_space<semaphore_mem>>, %arg13: memref<!tpu.dma_semaphore, #tpu.memory_space<semaphore_mem>>, %arg14: memref<!tpu.dma_semaphore, #tpu.memory_space<semaphore_mem>>) attributes {dimension_semantics = [#tpu.dimension_semantics<core_parallel>, #tpu.dimension_semantics<subcore_parallel>], iteration_bounds = array<i64: 2, 16>, scalar_prefetch = 0 : i64, scratch_operands = 10 : i64, tpu.core_type = #tpu.core_type<sc_vector_subcore>, window_params = [{transform_indices = #map}, {transform_indices = #map}, {transform_indices = #map1}]} {
    %mul3A = arith.constant 2 : i32
    %mul3A_0 = arith.muli %arg1, %mul3A : i32
    %add3A = arith.addi %mul3A_0, %arg0 : i32
    %mul3A_1 = arith.constant 512 : i32
    %mul3A_2 = arith.muli %add3A, %mul3A_1 : i32
    "tpu.region"() ({
      %run_scoped3A = tpu.sem_alloc : memref<!tpu.dma_semaphore, #tpu.memory_space<semaphore_mem>>
      %dma_start3A_692 = arith.constant 0 : i32
      %dma_start3A_693 = tpu.memref_slice %arg2[%dma_start3A_692, %mul3A_2] : memref<25x16384xi32, #tpu.memory_space<hbm>> -> memref<25x512xi32, #tpu.memory_space<hbm>>
      %dma_start3A_694 = arith.constant 0 : i32
      %dma_start3A_695 = tpu.memref_slice %arg2[%dma_start3A_694, %mul3A_2] : memref<25x16384xi32, #tpu.memory_space<hbm>> -> memref<25x512xi32, #tpu.memory_space<hbm>>
      tpu.enqueue_dma source(%dma_start3A_695 : memref<25x512xi32, #tpu.memory_space<hbm>>) target(%arg5 : memref<25x512xi32, #tpu.memory_space<vmem>>) target_semaphore(%run_scoped3A : memref<!tpu.dma_semaphore, #tpu.memory_space<semaphore_mem>>)
      %dma_wait3A_696 = arith.constant 0 : i32
      %dma_wait3A_697 = tpu.memref_slice %arg2[%dma_wait3A_696, %mul3A_2] : memref<25x16384xi32, #tpu.memory_space<hbm>> -> memref<25x512xi32, #tpu.memory_space<hbm>>
      %dma_wait3A_698 = arith.constant 0 : i32
      %dma_wait3A_699 = tpu.memref_slice %arg2[%dma_wait3A_698, %mul3A_2] : memref<25x16384xi32, #tpu.memory_space<hbm>> -> memref<25x512xi32, #tpu.memory_space<hbm>>
      tpu.wait_dma2 semaphore(%run_scoped3A : memref<!tpu.dma_semaphore, #tpu.memory_space<semaphore_mem>>) src(%dma_wait3A_699 : memref<25x512xi32, #tpu.memory_space<hbm>>) dst(%arg5 : memref<25x512xi32, #tpu.memory_space<vmem>>)
      tpu.yield
    }) : () -> ()
    %dma_start3A = arith.constant 0 : i32
    %dma_start3A_3 = arith.constant 0 : i32
    %dma_start3A_4 = arith.constant 0 : i32
    %dma_start3A_5 = tpu.memref_slice %arg6[%dma_start3A_3, %dma_start3A_4] : memref<512x64xf32, #tpu.memory_space<vmem>> -> memref<128x64xf32, #tpu.memory_space<vmem>>
    %dma_start3A_6 = arith.constant 0 : i32
    %dma_start3A_7 = tpu.memref_slice %arg5[%dma_start3A, %dma_start3A_6] : memref<25x512xi32, #tpu.memory_space<vmem>> -> memref<1x128xi32, #tpu.memory_space<vmem>>
    %dma_start3A_8 = tpu.memref_squeeze %dma_start3A_7 : memref<1x128xi32, #tpu.memory_space<vmem>> -> memref<128xi32, #tpu.memory_space<vmem>>
    %dma_start3A_9 = arith.constant 0 : i32
    %dma_start3A_10 = arith.constant 0 : i32
    %dma_start3A_11 = tpu.memref_slice %arg3[%dma_start3A_9, %dma_start3A_10] : memref<1000000x64xf32, #tpu.memory_space<hbm>> -> memref<1000000x64xf32, #tpu.memory_space<hbm>>
    tpu.enqueue_indirect_dma source(%dma_start3A_11 : memref<1000000x64xf32, #tpu.memory_space<hbm>>) target(%dma_start3A_5 : memref<128x64xf32, #tpu.memory_space<vmem>>) offsets(%dma_start3A_8 : memref<128xi32, #tpu.memory_space<vmem>>) semaphore(%arg9 : memref<!tpu.dma_semaphore, #tpu.memory_space<semaphore_mem>>)
    %dma_start3A_12 = arith.constant 0 : i32
    %dma_start3A_13 = arith.constant 128 : i32
    %dma_start3A_14 = arith.constant 0 : i32
    %dma_start3A_15 = tpu.memref_slice %arg6[%dma_start3A_13, %dma_start3A_14] : memref<512x64xf32, #tpu.memory_space<vmem>> -> memref<128x64xf32, #tpu.memory_space<vmem>>
    %dma_start3A_16 = arith.constant 128 : i32
    %dma_start3A_17 = tpu.memref_slice %arg5[%dma_start3A_12, %dma_start3A_16] : memref<25x512xi32, #tpu.memory_space<vmem>> -> memref<1x128xi32, #tpu.memory_space<vmem>>
    %dma_start3A_18 = tpu.memref_squeeze %dma_start3A_17 : memref<1x128xi32, #tpu.memory_space<vmem>> -> memref<128xi32, #tpu.memory_space<vmem>>
    %dma_start3A_19 = arith.constant 0 : i32
    %dma_start3A_20 = arith.constant 0 : i32
    %dma_start3A_21 = tpu.memref_slice %arg3[%dma_start3A_19, %dma_start3A_20] : memref<1000000x64xf32, #tpu.memory_space<hbm>> -> memref<1000000x64xf32, #tpu.memory_space<hbm>>
    tpu.enqueue_indirect_dma source(%dma_start3A_21 : memref<1000000x64xf32, #tpu.memory_space<hbm>>) target(%dma_start3A_15 : memref<128x64xf32, #tpu.memory_space<vmem>>) offsets(%dma_start3A_18 : memref<128xi32, #tpu.memory_space<vmem>>) semaphore(%arg9 : memref<!tpu.dma_semaphore, #tpu.memory_space<semaphore_mem>>)
    %dma_start3A_22 = arith.constant 0 : i32
    %dma_start3A_23 = arith.constant 256 : i32
    %dma_start3A_24 = arith.constant 0 : i32
    %dma_start3A_25 = tpu.memref_slice %arg6[%dma_start3A_23, %dma_start3A_24] : memref<512x64xf32, #tpu.memory_space<vmem>> -> memref<128x64xf32, #tpu.memory_space<vmem>>
    %dma_start3A_26 = arith.constant 256 : i32
    %dma_start3A_27 = tpu.memref_slice %arg5[%dma_start3A_22, %dma_start3A_26] : memref<25x512xi32, #tpu.memory_space<vmem>> -> memref<1x128xi32, #tpu.memory_space<vmem>>
    %dma_start3A_28 = tpu.memref_squeeze %dma_start3A_27 : memref<1x128xi32, #tpu.memory_space<vmem>> -> memref<128xi32, #tpu.memory_space<vmem>>
    %dma_start3A_29 = arith.constant 0 : i32
    %dma_start3A_30 = arith.constant 0 : i32
    %dma_start3A_31 = tpu.memref_slice %arg3[%dma_start3A_29, %dma_start3A_30] : memref<1000000x64xf32, #tpu.memory_space<hbm>> -> memref<1000000x64xf32, #tpu.memory_space<hbm>>
    tpu.enqueue_indirect_dma source(%dma_start3A_31 : memref<1000000x64xf32, #tpu.memory_space<hbm>>) target(%dma_start3A_25 : memref<128x64xf32, #tpu.memory_space<vmem>>) offsets(%dma_start3A_28 : memref<128xi32, #tpu.memory_space<vmem>>) semaphore(%arg9 : memref<!tpu.dma_semaphore, #tpu.memory_space<semaphore_mem>>)
    %dma_start3A_32 = arith.constant 0 : i32
    %dma_start3A_33 = arith.constant 384 : i32
    %dma_start3A_34 = arith.constant 0 : i32
    %dma_start3A_35 = tpu.memref_slice %arg6[%dma_start3A_33, %dma_start3A_34] : memref<512x64xf32, #tpu.memory_space<vmem>> -> memref<128x64xf32, #tpu.memory_space<vmem>>
    %dma_start3A_36 = arith.constant 384 : i32
    %dma_start3A_37 = tpu.memref_slice %arg5[%dma_start3A_32, %dma_start3A_36] : memref<25x512xi32, #tpu.memory_space<vmem>> -> memref<1x128xi32, #tpu.memory_space<vmem>>
    %dma_start3A_38 = tpu.memref_squeeze %dma_start3A_37 : memref<1x128xi32, #tpu.memory_space<vmem>> -> memref<128xi32, #tpu.memory_space<vmem>>
    %dma_start3A_39 = arith.constant 0 : i32
    %dma_start3A_40 = arith.constant 0 : i32
    %dma_start3A_41 = tpu.memref_slice %arg3[%dma_start3A_39, %dma_start3A_40] : memref<1000000x64xf32, #tpu.memory_space<hbm>> -> memref<1000000x64xf32, #tpu.memory_space<hbm>>
    tpu.enqueue_indirect_dma source(%dma_start3A_41 : memref<1000000x64xf32, #tpu.memory_space<hbm>>) target(%dma_start3A_35 : memref<128x64xf32, #tpu.memory_space<vmem>>) offsets(%dma_start3A_38 : memref<128xi32, #tpu.memory_space<vmem>>) semaphore(%arg9 : memref<!tpu.dma_semaphore, #tpu.memory_space<semaphore_mem>>)
    %dma_start3A_42 = arith.constant 1 : i32
    %dma_start3A_43 = arith.constant 0 : i32
    %dma_start3A_44 = arith.constant 0 : i32
    %dma_start3A_45 = tpu.memref_slice %arg7[%dma_start3A_43, %dma_start3A_44] : memref<512x64xf32, #tpu.memory_space<vmem>> -> memref<128x64xf32, #tpu.memory_space<vmem>>
    %dma_start3A_46 = arith.constant 0 : i32
    %dma_start3A_47 = tpu.memref_slice %arg5[%dma_start3A_42, %dma_start3A_46] : memref<25x512xi32, #tpu.memory_space<vmem>> -> memref<1x128xi32, #tpu.memory_space<vmem>>
    %dma_start3A_48 = tpu.memref_squeeze %dma_start3A_47 : memref<1x128xi32, #tpu.memory_space<vmem>> -> memref<128xi32, #tpu.memory_space<vmem>>
    %dma_start3A_49 = arith.constant 0 : i32
    %dma_start3A_50 = arith.constant 0 : i32
    %dma_start3A_51 = tpu.memref_slice %arg3[%dma_start3A_49, %dma_start3A_50] : memref<1000000x64xf32, #tpu.memory_space<hbm>> -> memref<1000000x64xf32, #tpu.memory_space<hbm>>
    tpu.enqueue_indirect_dma source(%dma_start3A_51 : memref<1000000x64xf32, #tpu.memory_space<hbm>>) target(%dma_start3A_45 : memref<128x64xf32, #tpu.memory_space<vmem>>) offsets(%dma_start3A_48 : memref<128xi32, #tpu.memory_space<vmem>>) semaphore(%arg10 : memref<!tpu.dma_semaphore, #tpu.memory_space<semaphore_mem>>)
    %dma_start3A_52 = arith.constant 1 : i32
    %dma_start3A_53 = arith.constant 128 : i32
    %dma_start3A_54 = arith.constant 0 : i32
    %dma_start3A_55 = tpu.memref_slice %arg7[%dma_start3A_53, %dma_start3A_54] : memref<512x64xf32, #tpu.memory_space<vmem>> -> memref<128x64xf32, #tpu.memory_space<vmem>>
    %dma_start3A_56 = arith.constant 128 : i32
    %dma_start3A_57 = tpu.memref_slice %arg5[%dma_start3A_52, %dma_start3A_56] : memref<25x512xi32, #tpu.memory_space<vmem>> -> memref<1x128xi32, #tpu.memory_space<vmem>>
    %dma_start3A_58 = tpu.memref_squeeze %dma_start3A_57 : memref<1x128xi32, #tpu.memory_space<vmem>> -> memref<128xi32, #tpu.memory_space<vmem>>
    %dma_start3A_59 = arith.constant 0 : i32
    %dma_start3A_60 = arith.constant 0 : i32
    %dma_start3A_61 = tpu.memref_slice %arg3[%dma_start3A_59, %dma_start3A_60] : memref<1000000x64xf32, #tpu.memory_space<hbm>> -> memref<1000000x64xf32, #tpu.memory_space<hbm>>
    tpu.enqueue_indirect_dma source(%dma_start3A_61 : memref<1000000x64xf32, #tpu.memory_space<hbm>>) target(%dma_start3A_55 : memref<128x64xf32, #tpu.memory_space<vmem>>) offsets(%dma_start3A_58 : memref<128xi32, #tpu.memory_space<vmem>>) semaphore(%arg10 : memref<!tpu.dma_semaphore, #tpu.memory_space<semaphore_mem>>)
    %dma_start3A_62 = arith.constant 1 : i32
    %dma_start3A_63 = arith.constant 256 : i32
    %dma_start3A_64 = arith.constant 0 : i32
    %dma_start3A_65 = tpu.memref_slice %arg7[%dma_start3A_63, %dma_start3A_64] : memref<512x64xf32, #tpu.memory_space<vmem>> -> memref<128x64xf32, #tpu.memory_space<vmem>>
    %dma_start3A_66 = arith.constant 256 : i32
    %dma_start3A_67 = tpu.memref_slice %arg5[%dma_start3A_62, %dma_start3A_66] : memref<25x512xi32, #tpu.memory_space<vmem>> -> memref<1x128xi32, #tpu.memory_space<vmem>>
    %dma_start3A_68 = tpu.memref_squeeze %dma_start3A_67 : memref<1x128xi32, #tpu.memory_space<vmem>> -> memref<128xi32, #tpu.memory_space<vmem>>
    %dma_start3A_69 = arith.constant 0 : i32
    %dma_start3A_70 = arith.constant 0 : i32
    %dma_start3A_71 = tpu.memref_slice %arg3[%dma_start3A_69, %dma_start3A_70] : memref<1000000x64xf32, #tpu.memory_space<hbm>> -> memref<1000000x64xf32, #tpu.memory_space<hbm>>
    tpu.enqueue_indirect_dma source(%dma_start3A_71 : memref<1000000x64xf32, #tpu.memory_space<hbm>>) target(%dma_start3A_65 : memref<128x64xf32, #tpu.memory_space<vmem>>) offsets(%dma_start3A_68 : memref<128xi32, #tpu.memory_space<vmem>>) semaphore(%arg10 : memref<!tpu.dma_semaphore, #tpu.memory_space<semaphore_mem>>)
    %dma_start3A_72 = arith.constant 1 : i32
    %dma_start3A_73 = arith.constant 384 : i32
    %dma_start3A_74 = arith.constant 0 : i32
    %dma_start3A_75 = tpu.memref_slice %arg7[%dma_start3A_73, %dma_start3A_74] : memref<512x64xf32, #tpu.memory_space<vmem>> -> memref<128x64xf32, #tpu.memory_space<vmem>>
    %dma_start3A_76 = arith.constant 384 : i32
    %dma_start3A_77 = tpu.memref_slice %arg5[%dma_start3A_72, %dma_start3A_76] : memref<25x512xi32, #tpu.memory_space<vmem>> -> memref<1x128xi32, #tpu.memory_space<vmem>>
    %dma_start3A_78 = tpu.memref_squeeze %dma_start3A_77 : memref<1x128xi32, #tpu.memory_space<vmem>> -> memref<128xi32, #tpu.memory_space<vmem>>
    %dma_start3A_79 = arith.constant 0 : i32
    %dma_start3A_80 = arith.constant 0 : i32
    %dma_start3A_81 = tpu.memref_slice %arg3[%dma_start3A_79, %dma_start3A_80] : memref<1000000x64xf32, #tpu.memory_space<hbm>> -> memref<1000000x64xf32, #tpu.memory_space<hbm>>
    tpu.enqueue_indirect_dma source(%dma_start3A_81 : memref<1000000x64xf32, #tpu.memory_space<hbm>>) target(%dma_start3A_75 : memref<128x64xf32, #tpu.memory_space<vmem>>) offsets(%dma_start3A_78 : memref<128xi32, #tpu.memory_space<vmem>>) semaphore(%arg10 : memref<!tpu.dma_semaphore, #tpu.memory_space<semaphore_mem>>)
    %dma_wait3A = arith.constant 0 : i32
    %dma_wait3A_82 = arith.constant 0 : i32
    %dma_wait3A_83 = arith.constant 0 : i32
    %dma_wait3A_84 = tpu.memref_slice %arg6[%dma_wait3A_82, %dma_wait3A_83] : memref<512x64xf32, #tpu.memory_space<vmem>> -> memref<128x64xf32, #tpu.memory_space<vmem>>
    %dma_wait3A_85 = arith.constant 0 : i32
    %dma_wait3A_86 = tpu.memref_slice %arg5[%dma_wait3A, %dma_wait3A_85] : memref<25x512xi32, #tpu.memory_space<vmem>> -> memref<1x128xi32, #tpu.memory_space<vmem>>
    %dma_wait3A_87 = tpu.memref_squeeze %dma_wait3A_86 : memref<1x128xi32, #tpu.memory_space<vmem>> -> memref<128xi32, #tpu.memory_space<vmem>>
    %dma_wait3A_88 = arith.constant 0 : i32
    %dma_wait3A_89 = arith.constant 0 : i32
    %dma_wait3A_90 = tpu.memref_slice %arg3[%dma_wait3A_88, %dma_wait3A_89] : memref<1000000x64xf32, #tpu.memory_space<hbm>> -> memref<1000000x64xf32, #tpu.memory_space<hbm>>
    tpu.wait_indirect_dma semaphore(%arg9 : memref<!tpu.dma_semaphore, #tpu.memory_space<semaphore_mem>>) src(%dma_wait3A_90 : memref<1000000x64xf32, #tpu.memory_space<hbm>>) dst(%dma_wait3A_84 : memref<128x64xf32, #tpu.memory_space<vmem>>)
    %dma_wait3A_91 = arith.constant 0 : i32
    %dma_wait3A_92 = arith.constant 128 : i32
    %dma_wait3A_93 = arith.constant 0 : i32
    %dma_wait3A_94 = tpu.memref_slice %arg6[%dma_wait3A_92, %dma_wait3A_93] : memref<512x64xf32, #tpu.memory_space<vmem>> -> memref<128x64xf32, #tpu.memory_space<vmem>>
    %dma_wait3A_95 = arith.constant 128 : i32
    %dma_wait3A_96 = tpu.memref_slice %arg5[%dma_wait3A_91, %dma_wait3A_95] : memref<25x512xi32, #tpu.memory_space<vmem>> -> memref<1x128xi32, #tpu.memory_space<vmem>>
    %dma_wait3A_97 = tpu.memref_squeeze %dma_wait3A_96 : memref<1x128xi32, #tpu.memory_space<vmem>> -> memref<128xi32, #tpu.memory_space<vmem>>
    %dma_wait3A_98 = arith.constant 0 : i32
    %dma_wait3A_99 = arith.constant 0 : i32
    %dma_wait3A_100 = tpu.memref_slice %arg3[%dma_wait3A_98, %dma_wait3A_99] : memref<1000000x64xf32, #tpu.memory_space<hbm>> -> memref<1000000x64xf32, #tpu.memory_space<hbm>>
    tpu.wait_indirect_dma semaphore(%arg9 : memref<!tpu.dma_semaphore, #tpu.memory_space<semaphore_mem>>) src(%dma_wait3A_100 : memref<1000000x64xf32, #tpu.memory_space<hbm>>) dst(%dma_wait3A_94 : memref<128x64xf32, #tpu.memory_space<vmem>>)
    %dma_wait3A_101 = arith.constant 0 : i32
    %dma_wait3A_102 = arith.constant 256 : i32
    %dma_wait3A_103 = arith.constant 0 : i32
    %dma_wait3A_104 = tpu.memref_slice %arg6[%dma_wait3A_102, %dma_wait3A_103] : memref<512x64xf32, #tpu.memory_space<vmem>> -> memref<128x64xf32, #tpu.memory_space<vmem>>
    %dma_wait3A_105 = arith.constant 256 : i32
    %dma_wait3A_106 = tpu.memref_slice %arg5[%dma_wait3A_101, %dma_wait3A_105] : memref<25x512xi32, #tpu.memory_space<vmem>> -> memref<1x128xi32, #tpu.memory_space<vmem>>
    %dma_wait3A_107 = tpu.memref_squeeze %dma_wait3A_106 : memref<1x128xi32, #tpu.memory_space<vmem>> -> memref<128xi32, #tpu.memory_space<vmem>>
    %dma_wait3A_108 = arith.constant 0 : i32
    %dma_wait3A_109 = arith.constant 0 : i32
    %dma_wait3A_110 = tpu.memref_slice %arg3[%dma_wait3A_108, %dma_wait3A_109] : memref<1000000x64xf32, #tpu.memory_space<hbm>> -> memref<1000000x64xf32, #tpu.memory_space<hbm>>
    tpu.wait_indirect_dma semaphore(%arg9 : memref<!tpu.dma_semaphore, #tpu.memory_space<semaphore_mem>>) src(%dma_wait3A_110 : memref<1000000x64xf32, #tpu.memory_space<hbm>>) dst(%dma_wait3A_104 : memref<128x64xf32, #tpu.memory_space<vmem>>)
    %dma_wait3A_111 = arith.constant 0 : i32
    %dma_wait3A_112 = arith.constant 384 : i32
    %dma_wait3A_113 = arith.constant 0 : i32
    %dma_wait3A_114 = tpu.memref_slice %arg6[%dma_wait3A_112, %dma_wait3A_113] : memref<512x64xf32, #tpu.memory_space<vmem>> -> memref<128x64xf32, #tpu.memory_space<vmem>>
    %dma_wait3A_115 = arith.constant 384 : i32
    %dma_wait3A_116 = tpu.memref_slice %arg5[%dma_wait3A_111, %dma_wait3A_115] : memref<25x512xi32, #tpu.memory_space<vmem>> -> memref<1x128xi32, #tpu.memory_space<vmem>>
    %dma_wait3A_117 = tpu.memref_squeeze %dma_wait3A_116 : memref<1x128xi32, #tpu.memory_space<vmem>> -> memref<128xi32, #tpu.memory_space<vmem>>
    %dma_wait3A_118 = arith.constant 0 : i32
    %dma_wait3A_119 = arith.constant 0 : i32
    %dma_wait3A_120 = tpu.memref_slice %arg3[%dma_wait3A_118, %dma_wait3A_119] : memref<1000000x64xf32, #tpu.memory_space<hbm>> -> memref<1000000x64xf32, #tpu.memory_space<hbm>>
    tpu.wait_indirect_dma semaphore(%arg9 : memref<!tpu.dma_semaphore, #tpu.memory_space<semaphore_mem>>) src(%dma_wait3A_120 : memref<1000000x64xf32, #tpu.memory_space<hbm>>) dst(%dma_wait3A_114 : memref<128x64xf32, #tpu.memory_space<vmem>>)
    %dma_start3A_121 = arith.constant 0 : i32
    %dma_start3A_122 = arith.constant 0 : i32
    %dma_start3A_123 = arith.constant 0 : i32
    %dma_start3A_124 = tpu.memref_slice %arg4[%add3A, %dma_start3A_121, %dma_start3A_122, %dma_start3A_123] : memref<32x25x512x64xf32, #tpu.memory_space<hbm>> -> memref<1x1x512x64xf32, #tpu.memory_space<hbm>>
    %dma_start3A_125 = tpu.memref_squeeze %dma_start3A_124 : memref<1x1x512x64xf32, #tpu.memory_space<hbm>> -> memref<512x64xf32, #tpu.memory_space<hbm>>
    %dma_start3A_126 = arith.constant 0 : i32
    %dma_start3A_127 = arith.constant 0 : i32
    %dma_start3A_128 = tpu.memref_slice %arg4[%add3A, %dma_start3A_121, %dma_start3A_126, %dma_start3A_127] : memref<32x25x512x64xf32, #tpu.memory_space<hbm>> -> memref<1x1x512x64xf32, #tpu.memory_space<hbm>>
    %dma_start3A_129 = tpu.memref_squeeze %dma_start3A_128 : memref<1x1x512x64xf32, #tpu.memory_space<hbm>> -> memref<512x64xf32, #tpu.memory_space<hbm>>
    tpu.enqueue_dma source(%arg6 : memref<512x64xf32, #tpu.memory_space<vmem>>) target(%dma_start3A_129 : memref<512x64xf32, #tpu.memory_space<hbm>>) target_semaphore(%arg12 : memref<!tpu.dma_semaphore, #tpu.memory_space<semaphore_mem>>)
    %dma_start3A_130 = arith.constant 2 : i32
    %dma_start3A_131 = arith.constant 0 : i32
    %dma_start3A_132 = arith.constant 0 : i32
    %dma_start3A_133 = tpu.memref_slice %arg8[%dma_start3A_131, %dma_start3A_132] : memref<512x64xf32, #tpu.memory_space<vmem>> -> memref<128x64xf32, #tpu.memory_space<vmem>>
    %dma_start3A_134 = arith.constant 0 : i32
    %dma_start3A_135 = tpu.memref_slice %arg5[%dma_start3A_130, %dma_start3A_134] : memref<25x512xi32, #tpu.memory_space<vmem>> -> memref<1x128xi32, #tpu.memory_space<vmem>>
    %dma_start3A_136 = tpu.memref_squeeze %dma_start3A_135 : memref<1x128xi32, #tpu.memory_space<vmem>> -> memref<128xi32, #tpu.memory_space<vmem>>
    %dma_start3A_137 = arith.constant 0 : i32
    %dma_start3A_138 = arith.constant 0 : i32
    %dma_start3A_139 = tpu.memref_slice %arg3[%dma_start3A_137, %dma_start3A_138] : memref<1000000x64xf32, #tpu.memory_space<hbm>> -> memref<1000000x64xf32, #tpu.memory_space<hbm>>
    tpu.enqueue_indirect_dma source(%dma_start3A_139 : memref<1000000x64xf32, #tpu.memory_space<hbm>>) target(%dma_start3A_133 : memref<128x64xf32, #tpu.memory_space<vmem>>) offsets(%dma_start3A_136 : memref<128xi32, #tpu.memory_space<vmem>>) semaphore(%arg11 : memref<!tpu.dma_semaphore, #tpu.memory_space<semaphore_mem>>)
    %dma_start3A_140 = arith.constant 2 : i32
    %dma_start3A_141 = arith.constant 128 : i32
    %dma_start3A_142 = arith.constant 0 : i32
    %dma_start3A_143 = tpu.memref_slice %arg8[%dma_start3A_141, %dma_start3A_142] : memref<512x64xf32, #tpu.memory_space<vmem>> -> memref<128x64xf32, #tpu.memory_space<vmem>>
    %dma_start3A_144 = arith.constant 128 : i32
    %dma_start3A_145 = tpu.memref_slice %arg5[%dma_start3A_140, %dma_start3A_144] : memref<25x512xi32, #tpu.memory_space<vmem>> -> memref<1x128xi32, #tpu.memory_space<vmem>>
    %dma_start3A_146 = tpu.memref_squeeze %dma_start3A_145 : memref<1x128xi32, #tpu.memory_space<vmem>> -> memref<128xi32, #tpu.memory_space<vmem>>
    %dma_start3A_147 = arith.constant 0 : i32
    %dma_start3A_148 = arith.constant 0 : i32
    %dma_start3A_149 = tpu.memref_slice %arg3[%dma_start3A_147, %dma_start3A_148] : memref<1000000x64xf32, #tpu.memory_space<hbm>> -> memref<1000000x64xf32, #tpu.memory_space<hbm>>
    tpu.enqueue_indirect_dma source(%dma_start3A_149 : memref<1000000x64xf32, #tpu.memory_space<hbm>>) target(%dma_start3A_143 : memref<128x64xf32, #tpu.memory_space<vmem>>) offsets(%dma_start3A_146 : memref<128xi32, #tpu.memory_space<vmem>>) semaphore(%arg11 : memref<!tpu.dma_semaphore, #tpu.memory_space<semaphore_mem>>)
    %dma_start3A_150 = arith.constant 2 : i32
    %dma_start3A_151 = arith.constant 256 : i32
    %dma_start3A_152 = arith.constant 0 : i32
    %dma_start3A_153 = tpu.memref_slice %arg8[%dma_start3A_151, %dma_start3A_152] : memref<512x64xf32, #tpu.memory_space<vmem>> -> memref<128x64xf32, #tpu.memory_space<vmem>>
    %dma_start3A_154 = arith.constant 256 : i32
    %dma_start3A_155 = tpu.memref_slice %arg5[%dma_start3A_150, %dma_start3A_154] : memref<25x512xi32, #tpu.memory_space<vmem>> -> memref<1x128xi32, #tpu.memory_space<vmem>>
    %dma_start3A_156 = tpu.memref_squeeze %dma_start3A_155 : memref<1x128xi32, #tpu.memory_space<vmem>> -> memref<128xi32, #tpu.memory_space<vmem>>
    %dma_start3A_157 = arith.constant 0 : i32
    %dma_start3A_158 = arith.constant 0 : i32
    %dma_start3A_159 = tpu.memref_slice %arg3[%dma_start3A_157, %dma_start3A_158] : memref<1000000x64xf32, #tpu.memory_space<hbm>> -> memref<1000000x64xf32, #tpu.memory_space<hbm>>
    tpu.enqueue_indirect_dma source(%dma_start3A_159 : memref<1000000x64xf32, #tpu.memory_space<hbm>>) target(%dma_start3A_153 : memref<128x64xf32, #tpu.memory_space<vmem>>) offsets(%dma_start3A_156 : memref<128xi32, #tpu.memory_space<vmem>>) semaphore(%arg11 : memref<!tpu.dma_semaphore, #tpu.memory_space<semaphore_mem>>)
    %dma_start3A_160 = arith.constant 2 : i32
    %dma_start3A_161 = arith.constant 384 : i32
    %dma_start3A_162 = arith.constant 0 : i32
    %dma_start3A_163 = tpu.memref_slice %arg8[%dma_start3A_161, %dma_start3A_162] : memref<512x64xf32, #tpu.memory_space<vmem>> -> memref<128x64xf32, #tpu.memory_space<vmem>>
    %dma_start3A_164 = arith.constant 384 : i32
    %dma_start3A_165 = tpu.memref_slice %arg5[%dma_start3A_160, %dma_start3A_164] : memref<25x512xi32, #tpu.memory_space<vmem>> -> memref<1x128xi32, #tpu.memory_space<vmem>>
    %dma_start3A_166 = tpu.memref_squeeze %dma_start3A_165 : memref<1x128xi32, #tpu.memory_space<vmem>> -> memref<128xi32, #tpu.memory_space<vmem>>
    %dma_start3A_167 = arith.constant 0 : i32
    %dma_start3A_168 = arith.constant 0 : i32
    %dma_start3A_169 = tpu.memref_slice %arg3[%dma_start3A_167, %dma_start3A_168] : memref<1000000x64xf32, #tpu.memory_space<hbm>> -> memref<1000000x64xf32, #tpu.memory_space<hbm>>
    tpu.enqueue_indirect_dma source(%dma_start3A_169 : memref<1000000x64xf32, #tpu.memory_space<hbm>>) target(%dma_start3A_163 : memref<128x64xf32, #tpu.memory_space<vmem>>) offsets(%dma_start3A_166 : memref<128xi32, #tpu.memory_space<vmem>>) semaphore(%arg11 : memref<!tpu.dma_semaphore, #tpu.memory_space<semaphore_mem>>)
    %dma_wait3A_170 = arith.constant 1 : i32
    %dma_wait3A_171 = arith.constant 0 : i32
    %dma_wait3A_172 = arith.constant 0 : i32
    %dma_wait3A_173 = tpu.memref_slice %arg7[%dma_wait3A_171, %dma_wait3A_172] : memref<512x64xf32, #tpu.memory_space<vmem>> -> memref<128x64xf32, #tpu.memory_space<vmem>>
    %dma_wait3A_174 = arith.constant 0 : i32
    %dma_wait3A_175 = tpu.memref_slice %arg5[%dma_wait3A_170, %dma_wait3A_174] : memref<25x512xi32, #tpu.memory_space<vmem>> -> memref<1x128xi32, #tpu.memory_space<vmem>>
    %dma_wait3A_176 = tpu.memref_squeeze %dma_wait3A_175 : memref<1x128xi32, #tpu.memory_space<vmem>> -> memref<128xi32, #tpu.memory_space<vmem>>
    %dma_wait3A_177 = arith.constant 0 : i32
    %dma_wait3A_178 = arith.constant 0 : i32
    %dma_wait3A_179 = tpu.memref_slice %arg3[%dma_wait3A_177, %dma_wait3A_178] : memref<1000000x64xf32, #tpu.memory_space<hbm>> -> memref<1000000x64xf32, #tpu.memory_space<hbm>>
    tpu.wait_indirect_dma semaphore(%arg10 : memref<!tpu.dma_semaphore, #tpu.memory_space<semaphore_mem>>) src(%dma_wait3A_179 : memref<1000000x64xf32, #tpu.memory_space<hbm>>) dst(%dma_wait3A_173 : memref<128x64xf32, #tpu.memory_space<vmem>>)
    %dma_wait3A_180 = arith.constant 1 : i32
    %dma_wait3A_181 = arith.constant 128 : i32
    %dma_wait3A_182 = arith.constant 0 : i32
    %dma_wait3A_183 = tpu.memref_slice %arg7[%dma_wait3A_181, %dma_wait3A_182] : memref<512x64xf32, #tpu.memory_space<vmem>> -> memref<128x64xf32, #tpu.memory_space<vmem>>
    %dma_wait3A_184 = arith.constant 128 : i32
    %dma_wait3A_185 = tpu.memref_slice %arg5[%dma_wait3A_180, %dma_wait3A_184] : memref<25x512xi32, #tpu.memory_space<vmem>> -> memref<1x128xi32, #tpu.memory_space<vmem>>
    %dma_wait3A_186 = tpu.memref_squeeze %dma_wait3A_185 : memref<1x128xi32, #tpu.memory_space<vmem>> -> memref<128xi32, #tpu.memory_space<vmem>>
    %dma_wait3A_187 = arith.constant 0 : i32
    %dma_wait3A_188 = arith.constant 0 : i32
    %dma_wait3A_189 = tpu.memref_slice %arg3[%dma_wait3A_187, %dma_wait3A_188] : memref<1000000x64xf32, #tpu.memory_space<hbm>> -> memref<1000000x64xf32, #tpu.memory_space<hbm>>
    tpu.wait_indirect_dma semaphore(%arg10 : memref<!tpu.dma_semaphore, #tpu.memory_space<semaphore_mem>>) src(%dma_wait3A_189 : memref<1000000x64xf32, #tpu.memory_space<hbm>>) dst(%dma_wait3A_183 : memref<128x64xf32, #tpu.memory_space<vmem>>)
    %dma_wait3A_190 = arith.constant 1 : i32
    %dma_wait3A_191 = arith.constant 256 : i32
    %dma_wait3A_192 = arith.constant 0 : i32
    %dma_wait3A_193 = tpu.memref_slice %arg7[%dma_wait3A_191, %dma_wait3A_192] : memref<512x64xf32, #tpu.memory_space<vmem>> -> memref<128x64xf32, #tpu.memory_space<vmem>>
    %dma_wait3A_194 = arith.constant 256 : i32
    %dma_wait3A_195 = tpu.memref_slice %arg5[%dma_wait3A_190, %dma_wait3A_194] : memref<25x512xi32, #tpu.memory_space<vmem>> -> memref<1x128xi32, #tpu.memory_space<vmem>>
    %dma_wait3A_196 = tpu.memref_squeeze %dma_wait3A_195 : memref<1x128xi32, #tpu.memory_space<vmem>> -> memref<128xi32, #tpu.memory_space<vmem>>
    %dma_wait3A_197 = arith.constant 0 : i32
    %dma_wait3A_198 = arith.constant 0 : i32
    %dma_wait3A_199 = tpu.memref_slice %arg3[%dma_wait3A_197, %dma_wait3A_198] : memref<1000000x64xf32, #tpu.memory_space<hbm>> -> memref<1000000x64xf32, #tpu.memory_space<hbm>>
    tpu.wait_indirect_dma semaphore(%arg10 : memref<!tpu.dma_semaphore, #tpu.memory_space<semaphore_mem>>) src(%dma_wait3A_199 : memref<1000000x64xf32, #tpu.memory_space<hbm>>) dst(%dma_wait3A_193 : memref<128x64xf32, #tpu.memory_space<vmem>>)
    %dma_wait3A_200 = arith.constant 1 : i32
    %dma_wait3A_201 = arith.constant 384 : i32
    %dma_wait3A_202 = arith.constant 0 : i32
    %dma_wait3A_203 = tpu.memref_slice %arg7[%dma_wait3A_201, %dma_wait3A_202] : memref<512x64xf32, #tpu.memory_space<vmem>> -> memref<128x64xf32, #tpu.memory_space<vmem>>
    %dma_wait3A_204 = arith.constant 384 : i32
    %dma_wait3A_205 = tpu.memref_slice %arg5[%dma_wait3A_200, %dma_wait3A_204] : memref<25x512xi32, #tpu.memory_space<vmem>> -> memref<1x128xi32, #tpu.memory_space<vmem>>
    %dma_wait3A_206 = tpu.memref_squeeze %dma_wait3A_205 : memref<1x128xi32, #tpu.memory_space<vmem>> -> memref<128xi32, #tpu.memory_space<vmem>>
    %dma_wait3A_207 = arith.constant 0 : i32
    %dma_wait3A_208 = arith.constant 0 : i32
    %dma_wait3A_209 = tpu.memref_slice %arg3[%dma_wait3A_207, %dma_wait3A_208] : memref<1000000x64xf32, #tpu.memory_space<hbm>> -> memref<1000000x64xf32, #tpu.memory_space<hbm>>
    tpu.wait_indirect_dma semaphore(%arg10 : memref<!tpu.dma_semaphore, #tpu.memory_space<semaphore_mem>>) src(%dma_wait3A_209 : memref<1000000x64xf32, #tpu.memory_space<hbm>>) dst(%dma_wait3A_203 : memref<128x64xf32, #tpu.memory_space<vmem>>)
    %dma_wait3A_210 = arith.constant 0 : i32
    %dma_wait3A_211 = arith.constant 0 : i32
    %dma_wait3A_212 = arith.constant 0 : i32
    %dma_wait3A_213 = tpu.memref_slice %arg4[%add3A, %dma_wait3A_210, %dma_wait3A_211, %dma_wait3A_212] : memref<32x25x512x64xf32, #tpu.memory_space<hbm>> -> memref<1x1x512x64xf32, #tpu.memory_space<hbm>>
    %dma_wait3A_214 = tpu.memref_squeeze %dma_wait3A_213 : memref<1x1x512x64xf32, #tpu.memory_space<hbm>> -> memref<512x64xf32, #tpu.memory_space<hbm>>
    %dma_wait3A_215 = arith.constant 0 : i32
    %dma_wait3A_216 = arith.constant 0 : i32
    %dma_wait3A_217 = tpu.memref_slice %arg4[%add3A, %dma_wait3A_210, %dma_wait3A_215, %dma_wait3A_216] : memref<32x25x512x64xf32, #tpu.memory_space<hbm>> -> memref<1x1x512x64xf32, #tpu.memory_space<hbm>>
    %dma_wait3A_218 = tpu.memref_squeeze %dma_wait3A_217 : memref<1x1x512x64xf32, #tpu.memory_space<hbm>> -> memref<512x64xf32, #tpu.memory_space<hbm>>
    tpu.wait_dma2 semaphore(%arg12 : memref<!tpu.dma_semaphore, #tpu.memory_space<semaphore_mem>>) src(%arg6 : memref<512x64xf32, #tpu.memory_space<vmem>>) dst(%dma_wait3A_218 : memref<512x64xf32, #tpu.memory_space<hbm>>)
    %dma_start3A_219 = arith.constant 1 : i32
    %dma_start3A_220 = arith.constant 0 : i32
    %dma_start3A_221 = arith.constant 0 : i32
    %dma_start3A_222 = tpu.memref_slice %arg4[%add3A, %dma_start3A_219, %dma_start3A_220, %dma_start3A_221] : memref<32x25x512x64xf32, #tpu.memory_space<hbm>> -> memref<1x1x512x64xf32, #tpu.memory_space<hbm>>
    %dma_start3A_223 = tpu.memref_squeeze %dma_start3A_222 : memref<1x1x512x64xf32, #tpu.memory_space<hbm>> -> memref<512x64xf32, #tpu.memory_space<hbm>>
    %dma_start3A_224 = arith.constant 0 : i32
    %dma_start3A_225 = arith.constant 0 : i32
    %dma_start3A_226 = tpu.memref_slice %arg4[%add3A, %dma_start3A_219, %dma_start3A_224, %dma_start3A_225] : memref<32x25x512x64xf32, #tpu.memory_space<hbm>> -> memref<1x1x512x64xf32, #tpu.memory_space<hbm>>
    %dma_start3A_227 = tpu.memref_squeeze %dma_start3A_226 : memref<1x1x512x64xf32, #tpu.memory_space<hbm>> -> memref<512x64xf32, #tpu.memory_space<hbm>>
    tpu.enqueue_dma source(%arg7 : memref<512x64xf32, #tpu.memory_space<vmem>>) target(%dma_start3A_227 : memref<512x64xf32, #tpu.memory_space<hbm>>) target_semaphore(%arg13 : memref<!tpu.dma_semaphore, #tpu.memory_space<semaphore_mem>>)
    %dma_start3A_228 = arith.constant 3 : i32
    %dma_start3A_229 = arith.constant 0 : i32
    %dma_start3A_230 = arith.constant 0 : i32
    %dma_start3A_231 = tpu.memref_slice %arg6[%dma_start3A_229, %dma_start3A_230] : memref<512x64xf32, #tpu.memory_space<vmem>> -> memref<128x64xf32, #tpu.memory_space<vmem>>
    %dma_start3A_232 = arith.constant 0 : i32
    %dma_start3A_233 = tpu.memref_slice %arg5[%dma_start3A_228, %dma_start3A_232] : memref<25x512xi32, #tpu.memory_space<vmem>> -> memref<1x128xi32, #tpu.memory_space<vmem>>
    %dma_start3A_234 = tpu.memref_squeeze %dma_start3A_233 : memref<1x128xi32, #tpu.memory_space<vmem>> -> memref<128xi32, #tpu.memory_space<vmem>>
    %dma_start3A_235 = arith.constant 0 : i32
    %dma_start3A_236 = arith.constant 0 : i32
    %dma_start3A_237 = tpu.memref_slice %arg3[%dma_start3A_235, %dma_start3A_236] : memref<1000000x64xf32, #tpu.memory_space<hbm>> -> memref<1000000x64xf32, #tpu.memory_space<hbm>>
    tpu.enqueue_indirect_dma source(%dma_start3A_237 : memref<1000000x64xf32, #tpu.memory_space<hbm>>) target(%dma_start3A_231 : memref<128x64xf32, #tpu.memory_space<vmem>>) offsets(%dma_start3A_234 : memref<128xi32, #tpu.memory_space<vmem>>) semaphore(%arg9 : memref<!tpu.dma_semaphore, #tpu.memory_space<semaphore_mem>>)
    %dma_start3A_238 = arith.constant 3 : i32
    %dma_start3A_239 = arith.constant 128 : i32
    %dma_start3A_240 = arith.constant 0 : i32
    %dma_start3A_241 = tpu.memref_slice %arg6[%dma_start3A_239, %dma_start3A_240] : memref<512x64xf32, #tpu.memory_space<vmem>> -> memref<128x64xf32, #tpu.memory_space<vmem>>
    %dma_start3A_242 = arith.constant 128 : i32
    %dma_start3A_243 = tpu.memref_slice %arg5[%dma_start3A_238, %dma_start3A_242] : memref<25x512xi32, #tpu.memory_space<vmem>> -> memref<1x128xi32, #tpu.memory_space<vmem>>
    %dma_start3A_244 = tpu.memref_squeeze %dma_start3A_243 : memref<1x128xi32, #tpu.memory_space<vmem>> -> memref<128xi32, #tpu.memory_space<vmem>>
    %dma_start3A_245 = arith.constant 0 : i32
    %dma_start3A_246 = arith.constant 0 : i32
    %dma_start3A_247 = tpu.memref_slice %arg3[%dma_start3A_245, %dma_start3A_246] : memref<1000000x64xf32, #tpu.memory_space<hbm>> -> memref<1000000x64xf32, #tpu.memory_space<hbm>>
    tpu.enqueue_indirect_dma source(%dma_start3A_247 : memref<1000000x64xf32, #tpu.memory_space<hbm>>) target(%dma_start3A_241 : memref<128x64xf32, #tpu.memory_space<vmem>>) offsets(%dma_start3A_244 : memref<128xi32, #tpu.memory_space<vmem>>) semaphore(%arg9 : memref<!tpu.dma_semaphore, #tpu.memory_space<semaphore_mem>>)
    %dma_start3A_248 = arith.constant 3 : i32
    %dma_start3A_249 = arith.constant 256 : i32
    %dma_start3A_250 = arith.constant 0 : i32
    %dma_start3A_251 = tpu.memref_slice %arg6[%dma_start3A_249, %dma_start3A_250] : memref<512x64xf32, #tpu.memory_space<vmem>> -> memref<128x64xf32, #tpu.memory_space<vmem>>
    %dma_start3A_252 = arith.constant 256 : i32
    %dma_start3A_253 = tpu.memref_slice %arg5[%dma_start3A_248, %dma_start3A_252] : memref<25x512xi32, #tpu.memory_space<vmem>> -> memref<1x128xi32, #tpu.memory_space<vmem>>
    %dma_start3A_254 = tpu.memref_squeeze %dma_start3A_253 : memref<1x128xi32, #tpu.memory_space<vmem>> -> memref<128xi32, #tpu.memory_space<vmem>>
    %dma_start3A_255 = arith.constant 0 : i32
    %dma_start3A_256 = arith.constant 0 : i32
    %dma_start3A_257 = tpu.memref_slice %arg3[%dma_start3A_255, %dma_start3A_256] : memref<1000000x64xf32, #tpu.memory_space<hbm>> -> memref<1000000x64xf32, #tpu.memory_space<hbm>>
    tpu.enqueue_indirect_dma source(%dma_start3A_257 : memref<1000000x64xf32, #tpu.memory_space<hbm>>) target(%dma_start3A_251 : memref<128x64xf32, #tpu.memory_space<vmem>>) offsets(%dma_start3A_254 : memref<128xi32, #tpu.memory_space<vmem>>) semaphore(%arg9 : memref<!tpu.dma_semaphore, #tpu.memory_space<semaphore_mem>>)
    %dma_start3A_258 = arith.constant 3 : i32
    %dma_start3A_259 = arith.constant 384 : i32
    %dma_start3A_260 = arith.constant 0 : i32
    %dma_start3A_261 = tpu.memref_slice %arg6[%dma_start3A_259, %dma_start3A_260] : memref<512x64xf32, #tpu.memory_space<vmem>> -> memref<128x64xf32, #tpu.memory_space<vmem>>
    %dma_start3A_262 = arith.constant 384 : i32
    %dma_start3A_263 = tpu.memref_slice %arg5[%dma_start3A_258, %dma_start3A_262] : memref<25x512xi32, #tpu.memory_space<vmem>> -> memref<1x128xi32, #tpu.memory_space<vmem>>
    %dma_start3A_264 = tpu.memref_squeeze %dma_start3A_263 : memref<1x128xi32, #tpu.memory_space<vmem>> -> memref<128xi32, #tpu.memory_space<vmem>>
    %dma_start3A_265 = arith.constant 0 : i32
    %dma_start3A_266 = arith.constant 0 : i32
    %dma_start3A_267 = tpu.memref_slice %arg3[%dma_start3A_265, %dma_start3A_266] : memref<1000000x64xf32, #tpu.memory_space<hbm>> -> memref<1000000x64xf32, #tpu.memory_space<hbm>>
    tpu.enqueue_indirect_dma source(%dma_start3A_267 : memref<1000000x64xf32, #tpu.memory_space<hbm>>) target(%dma_start3A_261 : memref<128x64xf32, #tpu.memory_space<vmem>>) offsets(%dma_start3A_264 : memref<128xi32, #tpu.memory_space<vmem>>) semaphore(%arg9 : memref<!tpu.dma_semaphore, #tpu.memory_space<semaphore_mem>>)
    %dma_wait3A_268 = arith.constant 2 : i32
    %dma_wait3A_269 = arith.constant 0 : i32
    %dma_wait3A_270 = arith.constant 0 : i32
    %dma_wait3A_271 = tpu.memref_slice %arg8[%dma_wait3A_269, %dma_wait3A_270] : memref<512x64xf32, #tpu.memory_space<vmem>> -> memref<128x64xf32, #tpu.memory_space<vmem>>
    %dma_wait3A_272 = arith.constant 0 : i32
    %dma_wait3A_273 = tpu.memref_slice %arg5[%dma_wait3A_268, %dma_wait3A_272] : memref<25x512xi32, #tpu.memory_space<vmem>> -> memref<1x128xi32, #tpu.memory_space<vmem>>
    %dma_wait3A_274 = tpu.memref_squeeze %dma_wait3A_273 : memref<1x128xi32, #tpu.memory_space<vmem>> -> memref<128xi32, #tpu.memory_space<vmem>>
    %dma_wait3A_275 = arith.constant 0 : i32
    %dma_wait3A_276 = arith.constant 0 : i32
    %dma_wait3A_277 = tpu.memref_slice %arg3[%dma_wait3A_275, %dma_wait3A_276] : memref<1000000x64xf32, #tpu.memory_space<hbm>> -> memref<1000000x64xf32, #tpu.memory_space<hbm>>
    tpu.wait_indirect_dma semaphore(%arg11 : memref<!tpu.dma_semaphore, #tpu.memory_space<semaphore_mem>>) src(%dma_wait3A_277 : memref<1000000x64xf32, #tpu.memory_space<hbm>>) dst(%dma_wait3A_271 : memref<128x64xf32, #tpu.memory_space<vmem>>)
    %dma_wait3A_278 = arith.constant 2 : i32
    %dma_wait3A_279 = arith.constant 128 : i32
    %dma_wait3A_280 = arith.constant 0 : i32
    %dma_wait3A_281 = tpu.memref_slice %arg8[%dma_wait3A_279, %dma_wait3A_280] : memref<512x64xf32, #tpu.memory_space<vmem>> -> memref<128x64xf32, #tpu.memory_space<vmem>>
    %dma_wait3A_282 = arith.constant 128 : i32
    %dma_wait3A_283 = tpu.memref_slice %arg5[%dma_wait3A_278, %dma_wait3A_282] : memref<25x512xi32, #tpu.memory_space<vmem>> -> memref<1x128xi32, #tpu.memory_space<vmem>>
    %dma_wait3A_284 = tpu.memref_squeeze %dma_wait3A_283 : memref<1x128xi32, #tpu.memory_space<vmem>> -> memref<128xi32, #tpu.memory_space<vmem>>
    %dma_wait3A_285 = arith.constant 0 : i32
    %dma_wait3A_286 = arith.constant 0 : i32
    %dma_wait3A_287 = tpu.memref_slice %arg3[%dma_wait3A_285, %dma_wait3A_286] : memref<1000000x64xf32, #tpu.memory_space<hbm>> -> memref<1000000x64xf32, #tpu.memory_space<hbm>>
    tpu.wait_indirect_dma semaphore(%arg11 : memref<!tpu.dma_semaphore, #tpu.memory_space<semaphore_mem>>) src(%dma_wait3A_287 : memref<1000000x64xf32, #tpu.memory_space<hbm>>) dst(%dma_wait3A_281 : memref<128x64xf32, #tpu.memory_space<vmem>>)
    %dma_wait3A_288 = arith.constant 2 : i32
    %dma_wait3A_289 = arith.constant 256 : i32
    %dma_wait3A_290 = arith.constant 0 : i32
    %dma_wait3A_291 = tpu.memref_slice %arg8[%dma_wait3A_289, %dma_wait3A_290] : memref<512x64xf32, #tpu.memory_space<vmem>> -> memref<128x64xf32, #tpu.memory_space<vmem>>
    %dma_wait3A_292 = arith.constant 256 : i32
    %dma_wait3A_293 = tpu.memref_slice %arg5[%dma_wait3A_288, %dma_wait3A_292] : memref<25x512xi32, #tpu.memory_space<vmem>> -> memref<1x128xi32, #tpu.memory_space<vmem>>
    %dma_wait3A_294 = tpu.memref_squeeze %dma_wait3A_293 : memref<1x128xi32, #tpu.memory_space<vmem>> -> memref<128xi32, #tpu.memory_space<vmem>>
    %dma_wait3A_295 = arith.constant 0 : i32
    %dma_wait3A_296 = arith.constant 0 : i32
    %dma_wait3A_297 = tpu.memref_slice %arg3[%dma_wait3A_295, %dma_wait3A_296] : memref<1000000x64xf32, #tpu.memory_space<hbm>> -> memref<1000000x64xf32, #tpu.memory_space<hbm>>
    tpu.wait_indirect_dma semaphore(%arg11 : memref<!tpu.dma_semaphore, #tpu.memory_space<semaphore_mem>>) src(%dma_wait3A_297 : memref<1000000x64xf32, #tpu.memory_space<hbm>>) dst(%dma_wait3A_291 : memref<128x64xf32, #tpu.memory_space<vmem>>)
    %dma_wait3A_298 = arith.constant 2 : i32
    %dma_wait3A_299 = arith.constant 384 : i32
    %dma_wait3A_300 = arith.constant 0 : i32
    %dma_wait3A_301 = tpu.memref_slice %arg8[%dma_wait3A_299, %dma_wait3A_300] : memref<512x64xf32, #tpu.memory_space<vmem>> -> memref<128x64xf32, #tpu.memory_space<vmem>>
    %dma_wait3A_302 = arith.constant 384 : i32
    %dma_wait3A_303 = tpu.memref_slice %arg5[%dma_wait3A_298, %dma_wait3A_302] : memref<25x512xi32, #tpu.memory_space<vmem>> -> memref<1x128xi32, #tpu.memory_space<vmem>>
    %dma_wait3A_304 = tpu.memref_squeeze %dma_wait3A_303 : memref<1x128xi32, #tpu.memory_space<vmem>> -> memref<128xi32, #tpu.memory_space<vmem>>
    %dma_wait3A_305 = arith.constant 0 : i32
    %dma_wait3A_306 = arith.constant 0 : i32
    %dma_wait3A_307 = tpu.memref_slice %arg3[%dma_wait3A_305, %dma_wait3A_306] : memref<1000000x64xf32, #tpu.memory_space<hbm>> -> memref<1000000x64xf32, #tpu.memory_space<hbm>>
    tpu.wait_indirect_dma semaphore(%arg11 : memref<!tpu.dma_semaphore, #tpu.memory_space<semaphore_mem>>) src(%dma_wait3A_307 : memref<1000000x64xf32, #tpu.memory_space<hbm>>) dst(%dma_wait3A_301 : memref<128x64xf32, #tpu.memory_space<vmem>>)
    %dma_wait3A_308 = arith.constant 1 : i32
    %dma_wait3A_309 = arith.constant 0 : i32
    %dma_wait3A_310 = arith.constant 0 : i32
    %dma_wait3A_311 = tpu.memref_slice %arg4[%add3A, %dma_wait3A_308, %dma_wait3A_309, %dma_wait3A_310] : memref<32x25x512x64xf32, #tpu.memory_space<hbm>> -> memref<1x1x512x64xf32, #tpu.memory_space<hbm>>
    %dma_wait3A_312 = tpu.memref_squeeze %dma_wait3A_311 : memref<1x1x512x64xf32, #tpu.memory_space<hbm>> -> memref<512x64xf32, #tpu.memory_space<hbm>>
    %dma_wait3A_313 = arith.constant 0 : i32
    %dma_wait3A_314 = arith.constant 0 : i32
    %dma_wait3A_315 = tpu.memref_slice %arg4[%add3A, %dma_wait3A_308, %dma_wait3A_313, %dma_wait3A_314] : memref<32x25x512x64xf32, #tpu.memory_space<hbm>> -> memref<1x1x512x64xf32, #tpu.memory_space<hbm>>
    %dma_wait3A_316 = tpu.memref_squeeze %dma_wait3A_315 : memref<1x1x512x64xf32, #tpu.memory_space<hbm>> -> memref<512x64xf32, #tpu.memory_space<hbm>>
    tpu.wait_dma2 semaphore(%arg13 : memref<!tpu.dma_semaphore, #tpu.memory_space<semaphore_mem>>) src(%arg7 : memref<512x64xf32, #tpu.memory_space<vmem>>) dst(%dma_wait3A_316 : memref<512x64xf32, #tpu.memory_space<hbm>>)
    %dma_start3A_317 = arith.constant 2 : i32
    %dma_start3A_318 = arith.constant 0 : i32
    %dma_start3A_319 = arith.constant 0 : i32
    %dma_start3A_320 = tpu.memref_slice %arg4[%add3A, %dma_start3A_317, %dma_start3A_318, %dma_start3A_319] : memref<32x25x512x64xf32, #tpu.memory_space<hbm>> -> memref<1x1x512x64xf32, #tpu.memory_space<hbm>>
    %dma_start3A_321 = tpu.memref_squeeze %dma_start3A_320 : memref<1x1x512x64xf32, #tpu.memory_space<hbm>> -> memref<512x64xf32, #tpu.memory_space<hbm>>
    %dma_start3A_322 = arith.constant 0 : i32
    %dma_start3A_323 = arith.constant 0 : i32
    %dma_start3A_324 = tpu.memref_slice %arg4[%add3A, %dma_start3A_317, %dma_start3A_322, %dma_start3A_323] : memref<32x25x512x64xf32, #tpu.memory_space<hbm>> -> memref<1x1x512x64xf32, #tpu.memory_space<hbm>>
    %dma_start3A_325 = tpu.memref_squeeze %dma_start3A_324 : memref<1x1x512x64xf32, #tpu.memory_space<hbm>> -> memref<512x64xf32, #tpu.memory_space<hbm>>
    tpu.enqueue_dma source(%arg8 : memref<512x64xf32, #tpu.memory_space<vmem>>) target(%dma_start3A_325 : memref<512x64xf32, #tpu.memory_space<hbm>>) target_semaphore(%arg14 : memref<!tpu.dma_semaphore, #tpu.memory_space<semaphore_mem>>)
    %dma_start3A_326 = arith.constant 4 : i32
    %dma_start3A_327 = arith.constant 0 : i32
    %dma_start3A_328 = arith.constant 0 : i32
    %dma_start3A_329 = tpu.memref_slice %arg7[%dma_start3A_327, %dma_start3A_328] : memref<512x64xf32, #tpu.memory_space<vmem>> -> memref<128x64xf32, #tpu.memory_space<vmem>>
    %dma_start3A_330 = arith.constant 0 : i32
    %dma_start3A_331 = tpu.memref_slice %arg5[%dma_start3A_326, %dma_start3A_330] : memref<25x512xi32, #tpu.memory_space<vmem>> -> memref<1x128xi32, #tpu.memory_space<vmem>>
    %dma_start3A_332 = tpu.memref_squeeze %dma_start3A_331 : memref<1x128xi32, #tpu.memory_space<vmem>> -> memref<128xi32, #tpu.memory_space<vmem>>
    %dma_start3A_333 = arith.constant 0 : i32
    %dma_start3A_334 = arith.constant 0 : i32
    %dma_start3A_335 = tpu.memref_slice %arg3[%dma_start3A_333, %dma_start3A_334] : memref<1000000x64xf32, #tpu.memory_space<hbm>> -> memref<1000000x64xf32, #tpu.memory_space<hbm>>
    tpu.enqueue_indirect_dma source(%dma_start3A_335 : memref<1000000x64xf32, #tpu.memory_space<hbm>>) target(%dma_start3A_329 : memref<128x64xf32, #tpu.memory_space<vmem>>) offsets(%dma_start3A_332 : memref<128xi32, #tpu.memory_space<vmem>>) semaphore(%arg10 : memref<!tpu.dma_semaphore, #tpu.memory_space<semaphore_mem>>)
    %dma_start3A_336 = arith.constant 4 : i32
    %dma_start3A_337 = arith.constant 128 : i32
    %dma_start3A_338 = arith.constant 0 : i32
    %dma_start3A_339 = tpu.memref_slice %arg7[%dma_start3A_337, %dma_start3A_338] : memref<512x64xf32, #tpu.memory_space<vmem>> -> memref<128x64xf32, #tpu.memory_space<vmem>>
    %dma_start3A_340 = arith.constant 128 : i32
    %dma_start3A_341 = tpu.memref_slice %arg5[%dma_start3A_336, %dma_start3A_340] : memref<25x512xi32, #tpu.memory_space<vmem>> -> memref<1x128xi32, #tpu.memory_space<vmem>>
    %dma_start3A_342 = tpu.memref_squeeze %dma_start3A_341 : memref<1x128xi32, #tpu.memory_space<vmem>> -> memref<128xi32, #tpu.memory_space<vmem>>
    %dma_start3A_343 = arith.constant 0 : i32
    %dma_start3A_344 = arith.constant 0 : i32
    %dma_start3A_345 = tpu.memref_slice %arg3[%dma_start3A_343, %dma_start3A_344] : memref<1000000x64xf32, #tpu.memory_space<hbm>> -> memref<1000000x64xf32, #tpu.memory_space<hbm>>
    tpu.enqueue_indirect_dma source(%dma_start3A_345 : memref<1000000x64xf32, #tpu.memory_space<hbm>>) target(%dma_start3A_339 : memref<128x64xf32, #tpu.memory_space<vmem>>) offsets(%dma_start3A_342 : memref<128xi32, #tpu.memory_space<vmem>>) semaphore(%arg10 : memref<!tpu.dma_semaphore, #tpu.memory_space<semaphore_mem>>)
    %dma_start3A_346 = arith.constant 4 : i32
    %dma_start3A_347 = arith.constant 256 : i32
    %dma_start3A_348 = arith.constant 0 : i32
    %dma_start3A_349 = tpu.memref_slice %arg7[%dma_start3A_347, %dma_start3A_348] : memref<512x64xf32, #tpu.memory_space<vmem>> -> memref<128x64xf32, #tpu.memory_space<vmem>>
    %dma_start3A_350 = arith.constant 256 : i32
    %dma_start3A_351 = tpu.memref_slice %arg5[%dma_start3A_346, %dma_start3A_350] : memref<25x512xi32, #tpu.memory_space<vmem>> -> memref<1x128xi32, #tpu.memory_space<vmem>>
    %dma_start3A_352 = tpu.memref_squeeze %dma_start3A_351 : memref<1x128xi32, #tpu.memory_space<vmem>> -> memref<128xi32, #tpu.memory_space<vmem>>
    %dma_start3A_353 = arith.constant 0 : i32
    %dma_start3A_354 = arith.constant 0 : i32
    %dma_start3A_355 = tpu.memref_slice %arg3[%dma_start3A_353, %dma_start3A_354] : memref<1000000x64xf32, #tpu.memory_space<hbm>> -> memref<1000000x64xf32, #tpu.memory_space<hbm>>
    tpu.enqueue_indirect_dma source(%dma_start3A_355 : memref<1000000x64xf32, #tpu.memory_space<hbm>>) target(%dma_start3A_349 : memref<128x64xf32, #tpu.memory_space<vmem>>) offsets(%dma_start3A_352 : memref<128xi32, #tpu.memory_space<vmem>>) semaphore(%arg10 : memref<!tpu.dma_semaphore, #tpu.memory_space<semaphore_mem>>)
    %dma_start3A_356 = arith.constant 4 : i32
    %dma_start3A_357 = arith.constant 384 : i32
    %dma_start3A_358 = arith.constant 0 : i32
    %dma_start3A_359 = tpu.memref_slice %arg7[%dma_start3A_357, %dma_start3A_358] : memref<512x64xf32, #tpu.memory_space<vmem>> -> memref<128x64xf32, #tpu.memory_space<vmem>>
    %dma_start3A_360 = arith.constant 384 : i32
    %dma_start3A_361 = tpu.memref_slice %arg5[%dma_start3A_356, %dma_start3A_360] : memref<25x512xi32, #tpu.memory_space<vmem>> -> memref<1x128xi32, #tpu.memory_space<vmem>>
    %dma_start3A_362 = tpu.memref_squeeze %dma_start3A_361 : memref<1x128xi32, #tpu.memory_space<vmem>> -> memref<128xi32, #tpu.memory_space<vmem>>
    %dma_start3A_363 = arith.constant 0 : i32
    %dma_start3A_364 = arith.constant 0 : i32
    %dma_start3A_365 = tpu.memref_slice %arg3[%dma_start3A_363, %dma_start3A_364] : memref<1000000x64xf32, #tpu.memory_space<hbm>> -> memref<1000000x64xf32, #tpu.memory_space<hbm>>
    tpu.enqueue_indirect_dma source(%dma_start3A_365 : memref<1000000x64xf32, #tpu.memory_space<hbm>>) target(%dma_start3A_359 : memref<128x64xf32, #tpu.memory_space<vmem>>) offsets(%dma_start3A_362 : memref<128xi32, #tpu.memory_space<vmem>>) semaphore(%arg10 : memref<!tpu.dma_semaphore, #tpu.memory_space<semaphore_mem>>)
    %scan3A = arith.constant 0 : i32
    %scan3A_366 = arith.constant 1 : i32
    %scan3A_367 = arith.constant 6 : i32
    %scan3A_368 = arith.addi %scan3A_366, %scan3A_367 : i32
    %scan3A_369 = arith.constant 1 : i32
    scf.for %scan3A_692 = %scan3A_366 to %scan3A_368 step %scan3A_369  : i32 {
      %mul3A_693 = arith.constant 3 : i32
      %mul3A_694 = arith.muli %mul3A_693, %scan3A_692 : i32
      %add3A_695 = arith.constant 0 : i32
      %add3A_696 = arith.addi %mul3A_694, %add3A_695 : i32
      %dma_wait3A_697 = arith.constant 0 : i32
      %dma_wait3A_698 = arith.constant 0 : i32
      %dma_wait3A_699 = tpu.memref_slice %arg6[%dma_wait3A_697, %dma_wait3A_698] : memref<512x64xf32, #tpu.memory_space<vmem>> -> memref<128x64xf32, #tpu.memory_space<vmem>>
      %dma_wait3A_700 = arith.constant 0 : i32
      %dma_wait3A_701 = tpu.memref_slice %arg5[%add3A_696, %dma_wait3A_700] : memref<25x512xi32, #tpu.memory_space<vmem>> -> memref<1x128xi32, #tpu.memory_space<vmem>>
      %dma_wait3A_702 = tpu.memref_squeeze %dma_wait3A_701 : memref<1x128xi32, #tpu.memory_space<vmem>> -> memref<128xi32, #tpu.memory_space<vmem>>
      %dma_wait3A_703 = arith.constant 0 : i32
      %dma_wait3A_704 = arith.constant 0 : i32
      %dma_wait3A_705 = tpu.memref_slice %arg3[%dma_wait3A_703, %dma_wait3A_704] : memref<1000000x64xf32, #tpu.memory_space<hbm>> -> memref<1000000x64xf32, #tpu.memory_space<hbm>>
      tpu.wait_indirect_dma semaphore(%arg9 : memref<!tpu.dma_semaphore, #tpu.memory_space<semaphore_mem>>) src(%dma_wait3A_705 : memref<1000000x64xf32, #tpu.memory_space<hbm>>) dst(%dma_wait3A_699 : memref<128x64xf32, #tpu.memory_space<vmem>>)
      %dma_wait3A_706 = arith.constant 128 : i32
      %dma_wait3A_707 = arith.constant 0 : i32
      %dma_wait3A_708 = tpu.memref_slice %arg6[%dma_wait3A_706, %dma_wait3A_707] : memref<512x64xf32, #tpu.memory_space<vmem>> -> memref<128x64xf32, #tpu.memory_space<vmem>>
      %dma_wait3A_709 = arith.constant 128 : i32
      %dma_wait3A_710 = tpu.memref_slice %arg5[%add3A_696, %dma_wait3A_709] : memref<25x512xi32, #tpu.memory_space<vmem>> -> memref<1x128xi32, #tpu.memory_space<vmem>>
      %dma_wait3A_711 = tpu.memref_squeeze %dma_wait3A_710 : memref<1x128xi32, #tpu.memory_space<vmem>> -> memref<128xi32, #tpu.memory_space<vmem>>
      %dma_wait3A_712 = arith.constant 0 : i32
      %dma_wait3A_713 = arith.constant 0 : i32
      %dma_wait3A_714 = tpu.memref_slice %arg3[%dma_wait3A_712, %dma_wait3A_713] : memref<1000000x64xf32, #tpu.memory_space<hbm>> -> memref<1000000x64xf32, #tpu.memory_space<hbm>>
      tpu.wait_indirect_dma semaphore(%arg9 : memref<!tpu.dma_semaphore, #tpu.memory_space<semaphore_mem>>) src(%dma_wait3A_714 : memref<1000000x64xf32, #tpu.memory_space<hbm>>) dst(%dma_wait3A_708 : memref<128x64xf32, #tpu.memory_space<vmem>>)
      %dma_wait3A_715 = arith.constant 256 : i32
      %dma_wait3A_716 = arith.constant 0 : i32
      %dma_wait3A_717 = tpu.memref_slice %arg6[%dma_wait3A_715, %dma_wait3A_716] : memref<512x64xf32, #tpu.memory_space<vmem>> -> memref<128x64xf32, #tpu.memory_space<vmem>>
      %dma_wait3A_718 = arith.constant 256 : i32
      %dma_wait3A_719 = tpu.memref_slice %arg5[%add3A_696, %dma_wait3A_718] : memref<25x512xi32, #tpu.memory_space<vmem>> -> memref<1x128xi32, #tpu.memory_space<vmem>>
      %dma_wait3A_720 = tpu.memref_squeeze %dma_wait3A_719 : memref<1x128xi32, #tpu.memory_space<vmem>> -> memref<128xi32, #tpu.memory_space<vmem>>
      %dma_wait3A_721 = arith.constant 0 : i32
      %dma_wait3A_722 = arith.constant 0 : i32
      %dma_wait3A_723 = tpu.memref_slice %arg3[%dma_wait3A_721, %dma_wait3A_722] : memref<1000000x64xf32, #tpu.memory_space<hbm>> -> memref<1000000x64xf32, #tpu.memory_space<hbm>>
      tpu.wait_indirect_dma semaphore(%arg9 : memref<!tpu.dma_semaphore, #tpu.memory_space<semaphore_mem>>) src(%dma_wait3A_723 : memref<1000000x64xf32, #tpu.memory_space<hbm>>) dst(%dma_wait3A_717 : memref<128x64xf32, #tpu.memory_space<vmem>>)
      %dma_wait3A_724 = arith.constant 384 : i32
      %dma_wait3A_725 = arith.constant 0 : i32
      %dma_wait3A_726 = tpu.memref_slice %arg6[%dma_wait3A_724, %dma_wait3A_725] : memref<512x64xf32, #tpu.memory_space<vmem>> -> memref<128x64xf32, #tpu.memory_space<vmem>>
      %dma_wait3A_727 = arith.constant 384 : i32
      %dma_wait3A_728 = tpu.memref_slice %arg5[%add3A_696, %dma_wait3A_727] : memref<25x512xi32, #tpu.memory_space<vmem>> -> memref<1x128xi32, #tpu.memory_space<vmem>>
      %dma_wait3A_729 = tpu.memref_squeeze %dma_wait3A_728 : memref<1x128xi32, #tpu.memory_space<vmem>> -> memref<128xi32, #tpu.memory_space<vmem>>
      %dma_wait3A_730 = arith.constant 0 : i32
      %dma_wait3A_731 = arith.constant 0 : i32
      %dma_wait3A_732 = tpu.memref_slice %arg3[%dma_wait3A_730, %dma_wait3A_731] : memref<1000000x64xf32, #tpu.memory_space<hbm>> -> memref<1000000x64xf32, #tpu.memory_space<hbm>>
      tpu.wait_indirect_dma semaphore(%arg9 : memref<!tpu.dma_semaphore, #tpu.memory_space<semaphore_mem>>) src(%dma_wait3A_732 : memref<1000000x64xf32, #tpu.memory_space<hbm>>) dst(%dma_wait3A_726 : memref<128x64xf32, #tpu.memory_space<vmem>>)
      %sub3A = arith.constant 1 : i32
      %sub3A_733 = arith.subi %add3A_696, %sub3A : i32
      %dma_wait3A_734 = arith.constant 0 : i32
      %dma_wait3A_735 = arith.constant 0 : i32
      %dma_wait3A_736 = tpu.memref_slice %arg4[%add3A, %sub3A_733, %dma_wait3A_734, %dma_wait3A_735] : memref<32x25x512x64xf32, #tpu.memory_space<hbm>> -> memref<1x1x512x64xf32, #tpu.memory_space<hbm>>
      %dma_wait3A_737 = tpu.memref_squeeze %dma_wait3A_736 : memref<1x1x512x64xf32, #tpu.memory_space<hbm>> -> memref<512x64xf32, #tpu.memory_space<hbm>>
      %dma_wait3A_738 = arith.constant 0 : i32
      %dma_wait3A_739 = arith.constant 0 : i32
      %dma_wait3A_740 = tpu.memref_slice %arg4[%add3A, %sub3A_733, %dma_wait3A_738, %dma_wait3A_739] : memref<32x25x512x64xf32, #tpu.memory_space<hbm>> -> memref<1x1x512x64xf32, #tpu.memory_space<hbm>>
      %dma_wait3A_741 = tpu.memref_squeeze %dma_wait3A_740 : memref<1x1x512x64xf32, #tpu.memory_space<hbm>> -> memref<512x64xf32, #tpu.memory_space<hbm>>
      tpu.wait_dma2 semaphore(%arg14 : memref<!tpu.dma_semaphore, #tpu.memory_space<semaphore_mem>>) src(%arg8 : memref<512x64xf32, #tpu.memory_space<vmem>>) dst(%dma_wait3A_741 : memref<512x64xf32, #tpu.memory_space<hbm>>)
      %dma_start3A_742 = arith.constant 0 : i32
      %dma_start3A_743 = arith.constant 0 : i32
      %dma_start3A_744 = tpu.memref_slice %arg4[%add3A, %add3A_696, %dma_start3A_742, %dma_start3A_743] : memref<32x25x512x64xf32, #tpu.memory_space<hbm>> -> memref<1x1x512x64xf32, #tpu.memory_space<hbm>>
      %dma_start3A_745 = tpu.memref_squeeze %dma_start3A_744 : memref<1x1x512x64xf32, #tpu.memory_space<hbm>> -> memref<512x64xf32, #tpu.memory_space<hbm>>
      %dma_start3A_746 = arith.constant 0 : i32
      %dma_start3A_747 = arith.constant 0 : i32
      %dma_start3A_748 = tpu.memref_slice %arg4[%add3A, %add3A_696, %dma_start3A_746, %dma_start3A_747] : memref<32x25x512x64xf32, #tpu.memory_space<hbm>> -> memref<1x1x512x64xf32, #tpu.memory_space<hbm>>
      %dma_start3A_749 = tpu.memref_squeeze %dma_start3A_748 : memref<1x1x512x64xf32, #tpu.memory_space<hbm>> -> memref<512x64xf32, #tpu.memory_space<hbm>>
      tpu.enqueue_dma source(%arg6 : memref<512x64xf32, #tpu.memory_space<vmem>>) target(%dma_start3A_749 : memref<512x64xf32, #tpu.memory_space<hbm>>) target_semaphore(%arg12 : memref<!tpu.dma_semaphore, #tpu.memory_space<semaphore_mem>>)
      %add3A_750 = arith.constant 2 : i32
      %add3A_751 = arith.addi %add3A_696, %add3A_750 : i32
      %dma_start3A_752 = arith.constant 0 : i32
      %dma_start3A_753 = arith.constant 0 : i32
      %dma_start3A_754 = tpu.memref_slice %arg8[%dma_start3A_752, %dma_start3A_753] : memref<512x64xf32, #tpu.memory_space<vmem>> -> memref<128x64xf32, #tpu.memory_space<vmem>>
      %dma_start3A_755 = arith.constant 0 : i32
      %dma_start3A_756 = tpu.memref_slice %arg5[%add3A_751, %dma_start3A_755] : memref<25x512xi32, #tpu.memory_space<vmem>> -> memref<1x128xi32, #tpu.memory_space<vmem>>
      %dma_start3A_757 = tpu.memref_squeeze %dma_start3A_756 : memref<1x128xi32, #tpu.memory_space<vmem>> -> memref<128xi32, #tpu.memory_space<vmem>>
      %dma_start3A_758 = arith.constant 0 : i32
      %dma_start3A_759 = arith.constant 0 : i32
      %dma_start3A_760 = tpu.memref_slice %arg3[%dma_start3A_758, %dma_start3A_759] : memref<1000000x64xf32, #tpu.memory_space<hbm>> -> memref<1000000x64xf32, #tpu.memory_space<hbm>>
      tpu.enqueue_indirect_dma source(%dma_start3A_760 : memref<1000000x64xf32, #tpu.memory_space<hbm>>) target(%dma_start3A_754 : memref<128x64xf32, #tpu.memory_space<vmem>>) offsets(%dma_start3A_757 : memref<128xi32, #tpu.memory_space<vmem>>) semaphore(%arg11 : memref<!tpu.dma_semaphore, #tpu.memory_space<semaphore_mem>>)
      %dma_start3A_761 = arith.constant 128 : i32
      %dma_start3A_762 = arith.constant 0 : i32
      %dma_start3A_763 = tpu.memref_slice %arg8[%dma_start3A_761, %dma_start3A_762] : memref<512x64xf32, #tpu.memory_space<vmem>> -> memref<128x64xf32, #tpu.memory_space<vmem>>
      %dma_start3A_764 = arith.constant 128 : i32
      %dma_start3A_765 = tpu.memref_slice %arg5[%add3A_751, %dma_start3A_764] : memref<25x512xi32, #tpu.memory_space<vmem>> -> memref<1x128xi32, #tpu.memory_space<vmem>>
      %dma_start3A_766 = tpu.memref_squeeze %dma_start3A_765 : memref<1x128xi32, #tpu.memory_space<vmem>> -> memref<128xi32, #tpu.memory_space<vmem>>
      %dma_start3A_767 = arith.constant 0 : i32
      %dma_start3A_768 = arith.constant 0 : i32
      %dma_start3A_769 = tpu.memref_slice %arg3[%dma_start3A_767, %dma_start3A_768] : memref<1000000x64xf32, #tpu.memory_space<hbm>> -> memref<1000000x64xf32, #tpu.memory_space<hbm>>
      tpu.enqueue_indirect_dma source(%dma_start3A_769 : memref<1000000x64xf32, #tpu.memory_space<hbm>>) target(%dma_start3A_763 : memref<128x64xf32, #tpu.memory_space<vmem>>) offsets(%dma_start3A_766 : memref<128xi32, #tpu.memory_space<vmem>>) semaphore(%arg11 : memref<!tpu.dma_semaphore, #tpu.memory_space<semaphore_mem>>)
      %dma_start3A_770 = arith.constant 256 : i32
      %dma_start3A_771 = arith.constant 0 : i32
      %dma_start3A_772 = tpu.memref_slice %arg8[%dma_start3A_770, %dma_start3A_771] : memref<512x64xf32, #tpu.memory_space<vmem>> -> memref<128x64xf32, #tpu.memory_space<vmem>>
      %dma_start3A_773 = arith.constant 256 : i32
      %dma_start3A_774 = tpu.memref_slice %arg5[%add3A_751, %dma_start3A_773] : memref<25x512xi32, #tpu.memory_space<vmem>> -> memref<1x128xi32, #tpu.memory_space<vmem>>
      %dma_start3A_775 = tpu.memref_squeeze %dma_start3A_774 : memref<1x128xi32, #tpu.memory_space<vmem>> -> memref<128xi32, #tpu.memory_space<vmem>>
      %dma_start3A_776 = arith.constant 0 : i32
      %dma_start3A_777 = arith.constant 0 : i32
      %dma_start3A_778 = tpu.memref_slice %arg3[%dma_start3A_776, %dma_start3A_777] : memref<1000000x64xf32, #tpu.memory_space<hbm>> -> memref<1000000x64xf32, #tpu.memory_space<hbm>>
      tpu.enqueue_indirect_dma source(%dma_start3A_778 : memref<1000000x64xf32, #tpu.memory_space<hbm>>) target(%dma_start3A_772 : memref<128x64xf32, #tpu.memory_space<vmem>>) offsets(%dma_start3A_775 : memref<128xi32, #tpu.memory_space<vmem>>) semaphore(%arg11 : memref<!tpu.dma_semaphore, #tpu.memory_space<semaphore_mem>>)
      %dma_start3A_779 = arith.constant 384 : i32
      %dma_start3A_780 = arith.constant 0 : i32
      %dma_start3A_781 = tpu.memref_slice %arg8[%dma_start3A_779, %dma_start3A_780] : memref<512x64xf32, #tpu.memory_space<vmem>> -> memref<128x64xf32, #tpu.memory_space<vmem>>
      %dma_start3A_782 = arith.constant 384 : i32
      %dma_start3A_783 = tpu.memref_slice %arg5[%add3A_751, %dma_start3A_782] : memref<25x512xi32, #tpu.memory_space<vmem>> -> memref<1x128xi32, #tpu.memory_space<vmem>>
      %dma_start3A_784 = tpu.memref_squeeze %dma_start3A_783 : memref<1x128xi32, #tpu.memory_space<vmem>> -> memref<128xi32, #tpu.memory_space<vmem>>
      %dma_start3A_785 = arith.constant 0 : i32
      %dma_start3A_786 = arith.constant 0 : i32
      %dma_start3A_787 = tpu.memref_slice %arg3[%dma_start3A_785, %dma_start3A_786] : memref<1000000x64xf32, #tpu.memory_space<hbm>> -> memref<1000000x64xf32, #tpu.memory_space<hbm>>
      tpu.enqueue_indirect_dma source(%dma_start3A_787 : memref<1000000x64xf32, #tpu.memory_space<hbm>>) target(%dma_start3A_781 : memref<128x64xf32, #tpu.memory_space<vmem>>) offsets(%dma_start3A_784 : memref<128xi32, #tpu.memory_space<vmem>>) semaphore(%arg11 : memref<!tpu.dma_semaphore, #tpu.memory_space<semaphore_mem>>)
      %mul3A_788 = arith.constant 3 : i32
      %mul3A_789 = arith.muli %mul3A_788, %scan3A_692 : i32
      %add3A_790 = arith.constant 1 : i32
      %add3A_791 = arith.addi %mul3A_789, %add3A_790 : i32
      %dma_wait3A_792 = arith.constant 0 : i32
      %dma_wait3A_793 = arith.constant 0 : i32
      %dma_wait3A_794 = tpu.memref_slice %arg7[%dma_wait3A_792, %dma_wait3A_793] : memref<512x64xf32, #tpu.memory_space<vmem>> -> memref<128x64xf32, #tpu.memory_space<vmem>>
      %dma_wait3A_795 = arith.constant 0 : i32
      %dma_wait3A_796 = tpu.memref_slice %arg5[%add3A_791, %dma_wait3A_795] : memref<25x512xi32, #tpu.memory_space<vmem>> -> memref<1x128xi32, #tpu.memory_space<vmem>>
      %dma_wait3A_797 = tpu.memref_squeeze %dma_wait3A_796 : memref<1x128xi32, #tpu.memory_space<vmem>> -> memref<128xi32, #tpu.memory_space<vmem>>
      %dma_wait3A_798 = arith.constant 0 : i32
      %dma_wait3A_799 = arith.constant 0 : i32
      %dma_wait3A_800 = tpu.memref_slice %arg3[%dma_wait3A_798, %dma_wait3A_799] : memref<1000000x64xf32, #tpu.memory_space<hbm>> -> memref<1000000x64xf32, #tpu.memory_space<hbm>>
      tpu.wait_indirect_dma semaphore(%arg10 : memref<!tpu.dma_semaphore, #tpu.memory_space<semaphore_mem>>) src(%dma_wait3A_800 : memref<1000000x64xf32, #tpu.memory_space<hbm>>) dst(%dma_wait3A_794 : memref<128x64xf32, #tpu.memory_space<vmem>>)
      %dma_wait3A_801 = arith.constant 128 : i32
      %dma_wait3A_802 = arith.constant 0 : i32
      %dma_wait3A_803 = tpu.memref_slice %arg7[%dma_wait3A_801, %dma_wait3A_802] : memref<512x64xf32, #tpu.memory_space<vmem>> -> memref<128x64xf32, #tpu.memory_space<vmem>>
      %dma_wait3A_804 = arith.constant 128 : i32
      %dma_wait3A_805 = tpu.memref_slice %arg5[%add3A_791, %dma_wait3A_804] : memref<25x512xi32, #tpu.memory_space<vmem>> -> memref<1x128xi32, #tpu.memory_space<vmem>>
      %dma_wait3A_806 = tpu.memref_squeeze %dma_wait3A_805 : memref<1x128xi32, #tpu.memory_space<vmem>> -> memref<128xi32, #tpu.memory_space<vmem>>
      %dma_wait3A_807 = arith.constant 0 : i32
      %dma_wait3A_808 = arith.constant 0 : i32
      %dma_wait3A_809 = tpu.memref_slice %arg3[%dma_wait3A_807, %dma_wait3A_808] : memref<1000000x64xf32, #tpu.memory_space<hbm>> -> memref<1000000x64xf32, #tpu.memory_space<hbm>>
      tpu.wait_indirect_dma semaphore(%arg10 : memref<!tpu.dma_semaphore, #tpu.memory_space<semaphore_mem>>) src(%dma_wait3A_809 : memref<1000000x64xf32, #tpu.memory_space<hbm>>) dst(%dma_wait3A_803 : memref<128x64xf32, #tpu.memory_space<vmem>>)
      %dma_wait3A_810 = arith.constant 256 : i32
      %dma_wait3A_811 = arith.constant 0 : i32
      %dma_wait3A_812 = tpu.memref_slice %arg7[%dma_wait3A_810, %dma_wait3A_811] : memref<512x64xf32, #tpu.memory_space<vmem>> -> memref<128x64xf32, #tpu.memory_space<vmem>>
      %dma_wait3A_813 = arith.constant 256 : i32
      %dma_wait3A_814 = tpu.memref_slice %arg5[%add3A_791, %dma_wait3A_813] : memref<25x512xi32, #tpu.memory_space<vmem>> -> memref<1x128xi32, #tpu.memory_space<vmem>>
      %dma_wait3A_815 = tpu.memref_squeeze %dma_wait3A_814 : memref<1x128xi32, #tpu.memory_space<vmem>> -> memref<128xi32, #tpu.memory_space<vmem>>
      %dma_wait3A_816 = arith.constant 0 : i32
      %dma_wait3A_817 = arith.constant 0 : i32
      %dma_wait3A_818 = tpu.memref_slice %arg3[%dma_wait3A_816, %dma_wait3A_817] : memref<1000000x64xf32, #tpu.memory_space<hbm>> -> memref<1000000x64xf32, #tpu.memory_space<hbm>>
      tpu.wait_indirect_dma semaphore(%arg10 : memref<!tpu.dma_semaphore, #tpu.memory_space<semaphore_mem>>) src(%dma_wait3A_818 : memref<1000000x64xf32, #tpu.memory_space<hbm>>) dst(%dma_wait3A_812 : memref<128x64xf32, #tpu.memory_space<vmem>>)
      %dma_wait3A_819 = arith.constant 384 : i32
      %dma_wait3A_820 = arith.constant 0 : i32
      %dma_wait3A_821 = tpu.memref_slice %arg7[%dma_wait3A_819, %dma_wait3A_820] : memref<512x64xf32, #tpu.memory_space<vmem>> -> memref<128x64xf32, #tpu.memory_space<vmem>>
      %dma_wait3A_822 = arith.constant 384 : i32
      %dma_wait3A_823 = tpu.memref_slice %arg5[%add3A_791, %dma_wait3A_822] : memref<25x512xi32, #tpu.memory_space<vmem>> -> memref<1x128xi32, #tpu.memory_space<vmem>>
      %dma_wait3A_824 = tpu.memref_squeeze %dma_wait3A_823 : memref<1x128xi32, #tpu.memory_space<vmem>> -> memref<128xi32, #tpu.memory_space<vmem>>
      %dma_wait3A_825 = arith.constant 0 : i32
      %dma_wait3A_826 = arith.constant 0 : i32
      %dma_wait3A_827 = tpu.memref_slice %arg3[%dma_wait3A_825, %dma_wait3A_826] : memref<1000000x64xf32, #tpu.memory_space<hbm>> -> memref<1000000x64xf32, #tpu.memory_space<hbm>>
      tpu.wait_indirect_dma semaphore(%arg10 : memref<!tpu.dma_semaphore, #tpu.memory_space<semaphore_mem>>) src(%dma_wait3A_827 : memref<1000000x64xf32, #tpu.memory_space<hbm>>) dst(%dma_wait3A_821 : memref<128x64xf32, #tpu.memory_space<vmem>>)
      %sub3A_828 = arith.constant 1 : i32
      %sub3A_829 = arith.subi %add3A_791, %sub3A_828 : i32
      %dma_wait3A_830 = arith.constant 0 : i32
      %dma_wait3A_831 = arith.constant 0 : i32
      %dma_wait3A_832 = tpu.memref_slice %arg4[%add3A, %sub3A_829, %dma_wait3A_830, %dma_wait3A_831] : memref<32x25x512x64xf32, #tpu.memory_space<hbm>> -> memref<1x1x512x64xf32, #tpu.memory_space<hbm>>
      %dma_wait3A_833 = tpu.memref_squeeze %dma_wait3A_832 : memref<1x1x512x64xf32, #tpu.memory_space<hbm>> -> memref<512x64xf32, #tpu.memory_space<hbm>>
      %dma_wait3A_834 = arith.constant 0 : i32
      %dma_wait3A_835 = arith.constant 0 : i32
      %dma_wait3A_836 = tpu.memref_slice %arg4[%add3A, %sub3A_829, %dma_wait3A_834, %dma_wait3A_835] : memref<32x25x512x64xf32, #tpu.memory_space<hbm>> -> memref<1x1x512x64xf32, #tpu.memory_space<hbm>>
      %dma_wait3A_837 = tpu.memref_squeeze %dma_wait3A_836 : memref<1x1x512x64xf32, #tpu.memory_space<hbm>> -> memref<512x64xf32, #tpu.memory_space<hbm>>
      tpu.wait_dma2 semaphore(%arg12 : memref<!tpu.dma_semaphore, #tpu.memory_space<semaphore_mem>>) src(%arg6 : memref<512x64xf32, #tpu.memory_space<vmem>>) dst(%dma_wait3A_837 : memref<512x64xf32, #tpu.memory_space<hbm>>)
      %dma_start3A_838 = arith.constant 0 : i32
      %dma_start3A_839 = arith.constant 0 : i32
      %dma_start3A_840 = tpu.memref_slice %arg4[%add3A, %add3A_791, %dma_start3A_838, %dma_start3A_839] : memref<32x25x512x64xf32, #tpu.memory_space<hbm>> -> memref<1x1x512x64xf32, #tpu.memory_space<hbm>>
      %dma_start3A_841 = tpu.memref_squeeze %dma_start3A_840 : memref<1x1x512x64xf32, #tpu.memory_space<hbm>> -> memref<512x64xf32, #tpu.memory_space<hbm>>
      %dma_start3A_842 = arith.constant 0 : i32
      %dma_start3A_843 = arith.constant 0 : i32
      %dma_start3A_844 = tpu.memref_slice %arg4[%add3A, %add3A_791, %dma_start3A_842, %dma_start3A_843] : memref<32x25x512x64xf32, #tpu.memory_space<hbm>> -> memref<1x1x512x64xf32, #tpu.memory_space<hbm>>
      %dma_start3A_845 = tpu.memref_squeeze %dma_start3A_844 : memref<1x1x512x64xf32, #tpu.memory_space<hbm>> -> memref<512x64xf32, #tpu.memory_space<hbm>>
      tpu.enqueue_dma source(%arg7 : memref<512x64xf32, #tpu.memory_space<vmem>>) target(%dma_start3A_845 : memref<512x64xf32, #tpu.memory_space<hbm>>) target_semaphore(%arg13 : memref<!tpu.dma_semaphore, #tpu.memory_space<semaphore_mem>>)
      %add3A_846 = arith.constant 2 : i32
      %add3A_847 = arith.addi %add3A_791, %add3A_846 : i32
      %dma_start3A_848 = arith.constant 0 : i32
      %dma_start3A_849 = arith.constant 0 : i32
      %dma_start3A_850 = tpu.memref_slice %arg6[%dma_start3A_848, %dma_start3A_849] : memref<512x64xf32, #tpu.memory_space<vmem>> -> memref<128x64xf32, #tpu.memory_space<vmem>>
      %dma_start3A_851 = arith.constant 0 : i32
      %dma_start3A_852 = tpu.memref_slice %arg5[%add3A_847, %dma_start3A_851] : memref<25x512xi32, #tpu.memory_space<vmem>> -> memref<1x128xi32, #tpu.memory_space<vmem>>
      %dma_start3A_853 = tpu.memref_squeeze %dma_start3A_852 : memref<1x128xi32, #tpu.memory_space<vmem>> -> memref<128xi32, #tpu.memory_space<vmem>>
      %dma_start3A_854 = arith.constant 0 : i32
      %dma_start3A_855 = arith.constant 0 : i32
      %dma_start3A_856 = tpu.memref_slice %arg3[%dma_start3A_854, %dma_start3A_855] : memref<1000000x64xf32, #tpu.memory_space<hbm>> -> memref<1000000x64xf32, #tpu.memory_space<hbm>>
      tpu.enqueue_indirect_dma source(%dma_start3A_856 : memref<1000000x64xf32, #tpu.memory_space<hbm>>) target(%dma_start3A_850 : memref<128x64xf32, #tpu.memory_space<vmem>>) offsets(%dma_start3A_853 : memref<128xi32, #tpu.memory_space<vmem>>) semaphore(%arg9 : memref<!tpu.dma_semaphore, #tpu.memory_space<semaphore_mem>>)
      %dma_start3A_857 = arith.constant 128 : i32
      %dma_start3A_858 = arith.constant 0 : i32
      %dma_start3A_859 = tpu.memref_slice %arg6[%dma_start3A_857, %dma_start3A_858] : memref<512x64xf32, #tpu.memory_space<vmem>> -> memref<128x64xf32, #tpu.memory_space<vmem>>
      %dma_start3A_860 = arith.constant 128 : i32
      %dma_start3A_861 = tpu.memref_slice %arg5[%add3A_847, %dma_start3A_860] : memref<25x512xi32, #tpu.memory_space<vmem>> -> memref<1x128xi32, #tpu.memory_space<vmem>>
      %dma_start3A_862 = tpu.memref_squeeze %dma_start3A_861 : memref<1x128xi32, #tpu.memory_space<vmem>> -> memref<128xi32, #tpu.memory_space<vmem>>
      %dma_start3A_863 = arith.constant 0 : i32
      %dma_start3A_864 = arith.constant 0 : i32
      %dma_start3A_865 = tpu.memref_slice %arg3[%dma_start3A_863, %dma_start3A_864] : memref<1000000x64xf32, #tpu.memory_space<hbm>> -> memref<1000000x64xf32, #tpu.memory_space<hbm>>
      tpu.enqueue_indirect_dma source(%dma_start3A_865 : memref<1000000x64xf32, #tpu.memory_space<hbm>>) target(%dma_start3A_859 : memref<128x64xf32, #tpu.memory_space<vmem>>) offsets(%dma_start3A_862 : memref<128xi32, #tpu.memory_space<vmem>>) semaphore(%arg9 : memref<!tpu.dma_semaphore, #tpu.memory_space<semaphore_mem>>)
      %dma_start3A_866 = arith.constant 256 : i32
      %dma_start3A_867 = arith.constant 0 : i32
      %dma_start3A_868 = tpu.memref_slice %arg6[%dma_start3A_866, %dma_start3A_867] : memref<512x64xf32, #tpu.memory_space<vmem>> -> memref<128x64xf32, #tpu.memory_space<vmem>>
      %dma_start3A_869 = arith.constant 256 : i32
      %dma_start3A_870 = tpu.memref_slice %arg5[%add3A_847, %dma_start3A_869] : memref<25x512xi32, #tpu.memory_space<vmem>> -> memref<1x128xi32, #tpu.memory_space<vmem>>
      %dma_start3A_871 = tpu.memref_squeeze %dma_start3A_870 : memref<1x128xi32, #tpu.memory_space<vmem>> -> memref<128xi32, #tpu.memory_space<vmem>>
      %dma_start3A_872 = arith.constant 0 : i32
      %dma_start3A_873 = arith.constant 0 : i32
      %dma_start3A_874 = tpu.memref_slice %arg3[%dma_start3A_872, %dma_start3A_873] : memref<1000000x64xf32, #tpu.memory_space<hbm>> -> memref<1000000x64xf32, #tpu.memory_space<hbm>>
      tpu.enqueue_indirect_dma source(%dma_start3A_874 : memref<1000000x64xf32, #tpu.memory_space<hbm>>) target(%dma_start3A_868 : memref<128x64xf32, #tpu.memory_space<vmem>>) offsets(%dma_start3A_871 : memref<128xi32, #tpu.memory_space<vmem>>) semaphore(%arg9 : memref<!tpu.dma_semaphore, #tpu.memory_space<semaphore_mem>>)
      %dma_start3A_875 = arith.constant 384 : i32
      %dma_start3A_876 = arith.constant 0 : i32
      %dma_start3A_877 = tpu.memref_slice %arg6[%dma_start3A_875, %dma_start3A_876] : memref<512x64xf32, #tpu.memory_space<vmem>> -> memref<128x64xf32, #tpu.memory_space<vmem>>
      %dma_start3A_878 = arith.constant 384 : i32
      %dma_start3A_879 = tpu.memref_slice %arg5[%add3A_847, %dma_start3A_878] : memref<25x512xi32, #tpu.memory_space<vmem>> -> memref<1x128xi32, #tpu.memory_space<vmem>>
      %dma_start3A_880 = tpu.memref_squeeze %dma_start3A_879 : memref<1x128xi32, #tpu.memory_space<vmem>> -> memref<128xi32, #tpu.memory_space<vmem>>
      %dma_start3A_881 = arith.constant 0 : i32
      %dma_start3A_882 = arith.constant 0 : i32
      %dma_start3A_883 = tpu.memref_slice %arg3[%dma_start3A_881, %dma_start3A_882] : memref<1000000x64xf32, #tpu.memory_space<hbm>> -> memref<1000000x64xf32, #tpu.memory_space<hbm>>
      tpu.enqueue_indirect_dma source(%dma_start3A_883 : memref<1000000x64xf32, #tpu.memory_space<hbm>>) target(%dma_start3A_877 : memref<128x64xf32, #tpu.memory_space<vmem>>) offsets(%dma_start3A_880 : memref<128xi32, #tpu.memory_space<vmem>>) semaphore(%arg9 : memref<!tpu.dma_semaphore, #tpu.memory_space<semaphore_mem>>)
      %mul3A_884 = arith.constant 3 : i32
      %mul3A_885 = arith.muli %mul3A_884, %scan3A_692 : i32
      %add3A_886 = arith.constant 2 : i32
      %add3A_887 = arith.addi %mul3A_885, %add3A_886 : i32
      %dma_wait3A_888 = arith.constant 0 : i32
      %dma_wait3A_889 = arith.constant 0 : i32
      %dma_wait3A_890 = tpu.memref_slice %arg8[%dma_wait3A_888, %dma_wait3A_889] : memref<512x64xf32, #tpu.memory_space<vmem>> -> memref<128x64xf32, #tpu.memory_space<vmem>>
      %dma_wait3A_891 = arith.constant 0 : i32
      %dma_wait3A_892 = tpu.memref_slice %arg5[%add3A_887, %dma_wait3A_891] : memref<25x512xi32, #tpu.memory_space<vmem>> -> memref<1x128xi32, #tpu.memory_space<vmem>>
      %dma_wait3A_893 = tpu.memref_squeeze %dma_wait3A_892 : memref<1x128xi32, #tpu.memory_space<vmem>> -> memref<128xi32, #tpu.memory_space<vmem>>
      %dma_wait3A_894 = arith.constant 0 : i32
      %dma_wait3A_895 = arith.constant 0 : i32
      %dma_wait3A_896 = tpu.memref_slice %arg3[%dma_wait3A_894, %dma_wait3A_895] : memref<1000000x64xf32, #tpu.memory_space<hbm>> -> memref<1000000x64xf32, #tpu.memory_space<hbm>>
      tpu.wait_indirect_dma semaphore(%arg11 : memref<!tpu.dma_semaphore, #tpu.memory_space<semaphore_mem>>) src(%dma_wait3A_896 : memref<1000000x64xf32, #tpu.memory_space<hbm>>) dst(%dma_wait3A_890 : memref<128x64xf32, #tpu.memory_space<vmem>>)
      %dma_wait3A_897 = arith.constant 128 : i32
      %dma_wait3A_898 = arith.constant 0 : i32
      %dma_wait3A_899 = tpu.memref_slice %arg8[%dma_wait3A_897, %dma_wait3A_898] : memref<512x64xf32, #tpu.memory_space<vmem>> -> memref<128x64xf32, #tpu.memory_space<vmem>>
      %dma_wait3A_900 = arith.constant 128 : i32
      %dma_wait3A_901 = tpu.memref_slice %arg5[%add3A_887, %dma_wait3A_900] : memref<25x512xi32, #tpu.memory_space<vmem>> -> memref<1x128xi32, #tpu.memory_space<vmem>>
      %dma_wait3A_902 = tpu.memref_squeeze %dma_wait3A_901 : memref<1x128xi32, #tpu.memory_space<vmem>> -> memref<128xi32, #tpu.memory_space<vmem>>
      %dma_wait3A_903 = arith.constant 0 : i32
      %dma_wait3A_904 = arith.constant 0 : i32
      %dma_wait3A_905 = tpu.memref_slice %arg3[%dma_wait3A_903, %dma_wait3A_904] : memref<1000000x64xf32, #tpu.memory_space<hbm>> -> memref<1000000x64xf32, #tpu.memory_space<hbm>>
      tpu.wait_indirect_dma semaphore(%arg11 : memref<!tpu.dma_semaphore, #tpu.memory_space<semaphore_mem>>) src(%dma_wait3A_905 : memref<1000000x64xf32, #tpu.memory_space<hbm>>) dst(%dma_wait3A_899 : memref<128x64xf32, #tpu.memory_space<vmem>>)
      %dma_wait3A_906 = arith.constant 256 : i32
      %dma_wait3A_907 = arith.constant 0 : i32
      %dma_wait3A_908 = tpu.memref_slice %arg8[%dma_wait3A_906, %dma_wait3A_907] : memref<512x64xf32, #tpu.memory_space<vmem>> -> memref<128x64xf32, #tpu.memory_space<vmem>>
      %dma_wait3A_909 = arith.constant 256 : i32
      %dma_wait3A_910 = tpu.memref_slice %arg5[%add3A_887, %dma_wait3A_909] : memref<25x512xi32, #tpu.memory_space<vmem>> -> memref<1x128xi32, #tpu.memory_space<vmem>>
      %dma_wait3A_911 = tpu.memref_squeeze %dma_wait3A_910 : memref<1x128xi32, #tpu.memory_space<vmem>> -> memref<128xi32, #tpu.memory_space<vmem>>
      %dma_wait3A_912 = arith.constant 0 : i32
      %dma_wait3A_913 = arith.constant 0 : i32
      %dma_wait3A_914 = tpu.memref_slice %arg3[%dma_wait3A_912, %dma_wait3A_913] : memref<1000000x64xf32, #tpu.memory_space<hbm>> -> memref<1000000x64xf32, #tpu.memory_space<hbm>>
      tpu.wait_indirect_dma semaphore(%arg11 : memref<!tpu.dma_semaphore, #tpu.memory_space<semaphore_mem>>) src(%dma_wait3A_914 : memref<1000000x64xf32, #tpu.memory_space<hbm>>) dst(%dma_wait3A_908 : memref<128x64xf32, #tpu.memory_space<vmem>>)
      %dma_wait3A_915 = arith.constant 384 : i32
      %dma_wait3A_916 = arith.constant 0 : i32
      %dma_wait3A_917 = tpu.memref_slice %arg8[%dma_wait3A_915, %dma_wait3A_916] : memref<512x64xf32, #tpu.memory_space<vmem>> -> memref<128x64xf32, #tpu.memory_space<vmem>>
      %dma_wait3A_918 = arith.constant 384 : i32
      %dma_wait3A_919 = tpu.memref_slice %arg5[%add3A_887, %dma_wait3A_918] : memref<25x512xi32, #tpu.memory_space<vmem>> -> memref<1x128xi32, #tpu.memory_space<vmem>>
      %dma_wait3A_920 = tpu.memref_squeeze %dma_wait3A_919 : memref<1x128xi32, #tpu.memory_space<vmem>> -> memref<128xi32, #tpu.memory_space<vmem>>
      %dma_wait3A_921 = arith.constant 0 : i32
      %dma_wait3A_922 = arith.constant 0 : i32
      %dma_wait3A_923 = tpu.memref_slice %arg3[%dma_wait3A_921, %dma_wait3A_922] : memref<1000000x64xf32, #tpu.memory_space<hbm>> -> memref<1000000x64xf32, #tpu.memory_space<hbm>>
      tpu.wait_indirect_dma semaphore(%arg11 : memref<!tpu.dma_semaphore, #tpu.memory_space<semaphore_mem>>) src(%dma_wait3A_923 : memref<1000000x64xf32, #tpu.memory_space<hbm>>) dst(%dma_wait3A_917 : memref<128x64xf32, #tpu.memory_space<vmem>>)
      %sub3A_924 = arith.constant 1 : i32
      %sub3A_925 = arith.subi %add3A_887, %sub3A_924 : i32
      %dma_wait3A_926 = arith.constant 0 : i32
      %dma_wait3A_927 = arith.constant 0 : i32
      %dma_wait3A_928 = tpu.memref_slice %arg4[%add3A, %sub3A_925, %dma_wait3A_926, %dma_wait3A_927] : memref<32x25x512x64xf32, #tpu.memory_space<hbm>> -> memref<1x1x512x64xf32, #tpu.memory_space<hbm>>
      %dma_wait3A_929 = tpu.memref_squeeze %dma_wait3A_928 : memref<1x1x512x64xf32, #tpu.memory_space<hbm>> -> memref<512x64xf32, #tpu.memory_space<hbm>>
      %dma_wait3A_930 = arith.constant 0 : i32
      %dma_wait3A_931 = arith.constant 0 : i32
      %dma_wait3A_932 = tpu.memref_slice %arg4[%add3A, %sub3A_925, %dma_wait3A_930, %dma_wait3A_931] : memref<32x25x512x64xf32, #tpu.memory_space<hbm>> -> memref<1x1x512x64xf32, #tpu.memory_space<hbm>>
      %dma_wait3A_933 = tpu.memref_squeeze %dma_wait3A_932 : memref<1x1x512x64xf32, #tpu.memory_space<hbm>> -> memref<512x64xf32, #tpu.memory_space<hbm>>
      tpu.wait_dma2 semaphore(%arg13 : memref<!tpu.dma_semaphore, #tpu.memory_space<semaphore_mem>>) src(%arg7 : memref<512x64xf32, #tpu.memory_space<vmem>>) dst(%dma_wait3A_933 : memref<512x64xf32, #tpu.memory_space<hbm>>)
      %dma_start3A_934 = arith.constant 0 : i32
      %dma_start3A_935 = arith.constant 0 : i32
      %dma_start3A_936 = tpu.memref_slice %arg4[%add3A, %add3A_887, %dma_start3A_934, %dma_start3A_935] : memref<32x25x512x64xf32, #tpu.memory_space<hbm>> -> memref<1x1x512x64xf32, #tpu.memory_space<hbm>>
      %dma_start3A_937 = tpu.memref_squeeze %dma_start3A_936 : memref<1x1x512x64xf32, #tpu.memory_space<hbm>> -> memref<512x64xf32, #tpu.memory_space<hbm>>
      %dma_start3A_938 = arith.constant 0 : i32
      %dma_start3A_939 = arith.constant 0 : i32
      %dma_start3A_940 = tpu.memref_slice %arg4[%add3A, %add3A_887, %dma_start3A_938, %dma_start3A_939] : memref<32x25x512x64xf32, #tpu.memory_space<hbm>> -> memref<1x1x512x64xf32, #tpu.memory_space<hbm>>
      %dma_start3A_941 = tpu.memref_squeeze %dma_start3A_940 : memref<1x1x512x64xf32, #tpu.memory_space<hbm>> -> memref<512x64xf32, #tpu.memory_space<hbm>>
      tpu.enqueue_dma source(%arg8 : memref<512x64xf32, #tpu.memory_space<vmem>>) target(%dma_start3A_941 : memref<512x64xf32, #tpu.memory_space<hbm>>) target_semaphore(%arg14 : memref<!tpu.dma_semaphore, #tpu.memory_space<semaphore_mem>>)
      %add3A_942 = arith.constant 2 : i32
      %add3A_943 = arith.addi %add3A_887, %add3A_942 : i32
      %dma_start3A_944 = arith.constant 0 : i32
      %dma_start3A_945 = arith.constant 0 : i32
      %dma_start3A_946 = tpu.memref_slice %arg7[%dma_start3A_944, %dma_start3A_945] : memref<512x64xf32, #tpu.memory_space<vmem>> -> memref<128x64xf32, #tpu.memory_space<vmem>>
      %dma_start3A_947 = arith.constant 0 : i32
      %dma_start3A_948 = tpu.memref_slice %arg5[%add3A_943, %dma_start3A_947] : memref<25x512xi32, #tpu.memory_space<vmem>> -> memref<1x128xi32, #tpu.memory_space<vmem>>
      %dma_start3A_949 = tpu.memref_squeeze %dma_start3A_948 : memref<1x128xi32, #tpu.memory_space<vmem>> -> memref<128xi32, #tpu.memory_space<vmem>>
      %dma_start3A_950 = arith.constant 0 : i32
      %dma_start3A_951 = arith.constant 0 : i32
      %dma_start3A_952 = tpu.memref_slice %arg3[%dma_start3A_950, %dma_start3A_951] : memref<1000000x64xf32, #tpu.memory_space<hbm>> -> memref<1000000x64xf32, #tpu.memory_space<hbm>>
      tpu.enqueue_indirect_dma source(%dma_start3A_952 : memref<1000000x64xf32, #tpu.memory_space<hbm>>) target(%dma_start3A_946 : memref<128x64xf32, #tpu.memory_space<vmem>>) offsets(%dma_start3A_949 : memref<128xi32, #tpu.memory_space<vmem>>) semaphore(%arg10 : memref<!tpu.dma_semaphore, #tpu.memory_space<semaphore_mem>>)
      %dma_start3A_953 = arith.constant 128 : i32
      %dma_start3A_954 = arith.constant 0 : i32
      %dma_start3A_955 = tpu.memref_slice %arg7[%dma_start3A_953, %dma_start3A_954] : memref<512x64xf32, #tpu.memory_space<vmem>> -> memref<128x64xf32, #tpu.memory_space<vmem>>
      %dma_start3A_956 = arith.constant 128 : i32
      %dma_start3A_957 = tpu.memref_slice %arg5[%add3A_943, %dma_start3A_956] : memref<25x512xi32, #tpu.memory_space<vmem>> -> memref<1x128xi32, #tpu.memory_space<vmem>>
      %dma_start3A_958 = tpu.memref_squeeze %dma_start3A_957 : memref<1x128xi32, #tpu.memory_space<vmem>> -> memref<128xi32, #tpu.memory_space<vmem>>
      %dma_start3A_959 = arith.constant 0 : i32
      %dma_start3A_960 = arith.constant 0 : i32
      %dma_start3A_961 = tpu.memref_slice %arg3[%dma_start3A_959, %dma_start3A_960] : memref<1000000x64xf32, #tpu.memory_space<hbm>> -> memref<1000000x64xf32, #tpu.memory_space<hbm>>
      tpu.enqueue_indirect_dma source(%dma_start3A_961 : memref<1000000x64xf32, #tpu.memory_space<hbm>>) target(%dma_start3A_955 : memref<128x64xf32, #tpu.memory_space<vmem>>) offsets(%dma_start3A_958 : memref<128xi32, #tpu.memory_space<vmem>>) semaphore(%arg10 : memref<!tpu.dma_semaphore, #tpu.memory_space<semaphore_mem>>)
      %dma_start3A_962 = arith.constant 256 : i32
      %dma_start3A_963 = arith.constant 0 : i32
      %dma_start3A_964 = tpu.memref_slice %arg7[%dma_start3A_962, %dma_start3A_963] : memref<512x64xf32, #tpu.memory_space<vmem>> -> memref<128x64xf32, #tpu.memory_space<vmem>>
      %dma_start3A_965 = arith.constant 256 : i32
      %dma_start3A_966 = tpu.memref_slice %arg5[%add3A_943, %dma_start3A_965] : memref<25x512xi32, #tpu.memory_space<vmem>> -> memref<1x128xi32, #tpu.memory_space<vmem>>
      %dma_start3A_967 = tpu.memref_squeeze %dma_start3A_966 : memref<1x128xi32, #tpu.memory_space<vmem>> -> memref<128xi32, #tpu.memory_space<vmem>>
      %dma_start3A_968 = arith.constant 0 : i32
      %dma_start3A_969 = arith.constant 0 : i32
      %dma_start3A_970 = tpu.memref_slice %arg3[%dma_start3A_968, %dma_start3A_969] : memref<1000000x64xf32, #tpu.memory_space<hbm>> -> memref<1000000x64xf32, #tpu.memory_space<hbm>>
      tpu.enqueue_indirect_dma source(%dma_start3A_970 : memref<1000000x64xf32, #tpu.memory_space<hbm>>) target(%dma_start3A_964 : memref<128x64xf32, #tpu.memory_space<vmem>>) offsets(%dma_start3A_967 : memref<128xi32, #tpu.memory_space<vmem>>) semaphore(%arg10 : memref<!tpu.dma_semaphore, #tpu.memory_space<semaphore_mem>>)
      %dma_start3A_971 = arith.constant 384 : i32
      %dma_start3A_972 = arith.constant 0 : i32
      %dma_start3A_973 = tpu.memref_slice %arg7[%dma_start3A_971, %dma_start3A_972] : memref<512x64xf32, #tpu.memory_space<vmem>> -> memref<128x64xf32, #tpu.memory_space<vmem>>
      %dma_start3A_974 = arith.constant 384 : i32
      %dma_start3A_975 = tpu.memref_slice %arg5[%add3A_943, %dma_start3A_974] : memref<25x512xi32, #tpu.memory_space<vmem>> -> memref<1x128xi32, #tpu.memory_space<vmem>>
      %dma_start3A_976 = tpu.memref_squeeze %dma_start3A_975 : memref<1x128xi32, #tpu.memory_space<vmem>> -> memref<128xi32, #tpu.memory_space<vmem>>
      %dma_start3A_977 = arith.constant 0 : i32
      %dma_start3A_978 = arith.constant 0 : i32
      %dma_start3A_979 = tpu.memref_slice %arg3[%dma_start3A_977, %dma_start3A_978] : memref<1000000x64xf32, #tpu.memory_space<hbm>> -> memref<1000000x64xf32, #tpu.memory_space<hbm>>
      tpu.enqueue_indirect_dma source(%dma_start3A_979 : memref<1000000x64xf32, #tpu.memory_space<hbm>>) target(%dma_start3A_973 : memref<128x64xf32, #tpu.memory_space<vmem>>) offsets(%dma_start3A_976 : memref<128xi32, #tpu.memory_space<vmem>>) semaphore(%arg10 : memref<!tpu.dma_semaphore, #tpu.memory_space<semaphore_mem>>)
    }
    %scan3A_370 = arith.constant 6 : i32
    %dma_wait3A_371 = arith.constant 21 : i32
    %dma_wait3A_372 = arith.constant 0 : i32
    %dma_wait3A_373 = arith.constant 0 : i32
    %dma_wait3A_374 = tpu.memref_slice %arg6[%dma_wait3A_372, %dma_wait3A_373] : memref<512x64xf32, #tpu.memory_space<vmem>> -> memref<128x64xf32, #tpu.memory_space<vmem>>
    %dma_wait3A_375 = arith.constant 0 : i32
    %dma_wait3A_376 = tpu.memref_slice %arg5[%dma_wait3A_371, %dma_wait3A_375] : memref<25x512xi32, #tpu.memory_space<vmem>> -> memref<1x128xi32, #tpu.memory_space<vmem>>
    %dma_wait3A_377 = tpu.memref_squeeze %dma_wait3A_376 : memref<1x128xi32, #tpu.memory_space<vmem>> -> memref<128xi32, #tpu.memory_space<vmem>>
    %dma_wait3A_378 = arith.constant 0 : i32
    %dma_wait3A_379 = arith.constant 0 : i32
    %dma_wait3A_380 = tpu.memref_slice %arg3[%dma_wait3A_378, %dma_wait3A_379] : memref<1000000x64xf32, #tpu.memory_space<hbm>> -> memref<1000000x64xf32, #tpu.memory_space<hbm>>
    tpu.wait_indirect_dma semaphore(%arg9 : memref<!tpu.dma_semaphore, #tpu.memory_space<semaphore_mem>>) src(%dma_wait3A_380 : memref<1000000x64xf32, #tpu.memory_space<hbm>>) dst(%dma_wait3A_374 : memref<128x64xf32, #tpu.memory_space<vmem>>)
    %dma_wait3A_381 = arith.constant 21 : i32
    %dma_wait3A_382 = arith.constant 128 : i32
    %dma_wait3A_383 = arith.constant 0 : i32
    %dma_wait3A_384 = tpu.memref_slice %arg6[%dma_wait3A_382, %dma_wait3A_383] : memref<512x64xf32, #tpu.memory_space<vmem>> -> memref<128x64xf32, #tpu.memory_space<vmem>>
    %dma_wait3A_385 = arith.constant 128 : i32
    %dma_wait3A_386 = tpu.memref_slice %arg5[%dma_wait3A_381, %dma_wait3A_385] : memref<25x512xi32, #tpu.memory_space<vmem>> -> memref<1x128xi32, #tpu.memory_space<vmem>>
    %dma_wait3A_387 = tpu.memref_squeeze %dma_wait3A_386 : memref<1x128xi32, #tpu.memory_space<vmem>> -> memref<128xi32, #tpu.memory_space<vmem>>
    %dma_wait3A_388 = arith.constant 0 : i32
    %dma_wait3A_389 = arith.constant 0 : i32
    %dma_wait3A_390 = tpu.memref_slice %arg3[%dma_wait3A_388, %dma_wait3A_389] : memref<1000000x64xf32, #tpu.memory_space<hbm>> -> memref<1000000x64xf32, #tpu.memory_space<hbm>>
    tpu.wait_indirect_dma semaphore(%arg9 : memref<!tpu.dma_semaphore, #tpu.memory_space<semaphore_mem>>) src(%dma_wait3A_390 : memref<1000000x64xf32, #tpu.memory_space<hbm>>) dst(%dma_wait3A_384 : memref<128x64xf32, #tpu.memory_space<vmem>>)
    %dma_wait3A_391 = arith.constant 21 : i32
    %dma_wait3A_392 = arith.constant 256 : i32
    %dma_wait3A_393 = arith.constant 0 : i32
    %dma_wait3A_394 = tpu.memref_slice %arg6[%dma_wait3A_392, %dma_wait3A_393] : memref<512x64xf32, #tpu.memory_space<vmem>> -> memref<128x64xf32, #tpu.memory_space<vmem>>
    %dma_wait3A_395 = arith.constant 256 : i32
    %dma_wait3A_396 = tpu.memref_slice %arg5[%dma_wait3A_391, %dma_wait3A_395] : memref<25x512xi32, #tpu.memory_space<vmem>> -> memref<1x128xi32, #tpu.memory_space<vmem>>
    %dma_wait3A_397 = tpu.memref_squeeze %dma_wait3A_396 : memref<1x128xi32, #tpu.memory_space<vmem>> -> memref<128xi32, #tpu.memory_space<vmem>>
    %dma_wait3A_398 = arith.constant 0 : i32
    %dma_wait3A_399 = arith.constant 0 : i32
    %dma_wait3A_400 = tpu.memref_slice %arg3[%dma_wait3A_398, %dma_wait3A_399] : memref<1000000x64xf32, #tpu.memory_space<hbm>> -> memref<1000000x64xf32, #tpu.memory_space<hbm>>
    tpu.wait_indirect_dma semaphore(%arg9 : memref<!tpu.dma_semaphore, #tpu.memory_space<semaphore_mem>>) src(%dma_wait3A_400 : memref<1000000x64xf32, #tpu.memory_space<hbm>>) dst(%dma_wait3A_394 : memref<128x64xf32, #tpu.memory_space<vmem>>)
    %dma_wait3A_401 = arith.constant 21 : i32
    %dma_wait3A_402 = arith.constant 384 : i32
    %dma_wait3A_403 = arith.constant 0 : i32
    %dma_wait3A_404 = tpu.memref_slice %arg6[%dma_wait3A_402, %dma_wait3A_403] : memref<512x64xf32, #tpu.memory_space<vmem>> -> memref<128x64xf32, #tpu.memory_space<vmem>>
    %dma_wait3A_405 = arith.constant 384 : i32
    %dma_wait3A_406 = tpu.memref_slice %arg5[%dma_wait3A_401, %dma_wait3A_405] : memref<25x512xi32, #tpu.memory_space<vmem>> -> memref<1x128xi32, #tpu.memory_space<vmem>>
    %dma_wait3A_407 = tpu.memref_squeeze %dma_wait3A_406 : memref<1x128xi32, #tpu.memory_space<vmem>> -> memref<128xi32, #tpu.memory_space<vmem>>
    %dma_wait3A_408 = arith.constant 0 : i32
    %dma_wait3A_409 = arith.constant 0 : i32
    %dma_wait3A_410 = tpu.memref_slice %arg3[%dma_wait3A_408, %dma_wait3A_409] : memref<1000000x64xf32, #tpu.memory_space<hbm>> -> memref<1000000x64xf32, #tpu.memory_space<hbm>>
    tpu.wait_indirect_dma semaphore(%arg9 : memref<!tpu.dma_semaphore, #tpu.memory_space<semaphore_mem>>) src(%dma_wait3A_410 : memref<1000000x64xf32, #tpu.memory_space<hbm>>) dst(%dma_wait3A_404 : memref<128x64xf32, #tpu.memory_space<vmem>>)
    %dma_wait3A_411 = arith.constant 20 : i32
    %dma_wait3A_412 = arith.constant 0 : i32
    %dma_wait3A_413 = arith.constant 0 : i32
    %dma_wait3A_414 = tpu.memref_slice %arg4[%add3A, %dma_wait3A_411, %dma_wait3A_412, %dma_wait3A_413] : memref<32x25x512x64xf32, #tpu.memory_space<hbm>> -> memref<1x1x512x64xf32, #tpu.memory_space<hbm>>
    %dma_wait3A_415 = tpu.memref_squeeze %dma_wait3A_414 : memref<1x1x512x64xf32, #tpu.memory_space<hbm>> -> memref<512x64xf32, #tpu.memory_space<hbm>>
    %dma_wait3A_416 = arith.constant 0 : i32
    %dma_wait3A_417 = arith.constant 0 : i32
    %dma_wait3A_418 = tpu.memref_slice %arg4[%add3A, %dma_wait3A_411, %dma_wait3A_416, %dma_wait3A_417] : memref<32x25x512x64xf32, #tpu.memory_space<hbm>> -> memref<1x1x512x64xf32, #tpu.memory_space<hbm>>
    %dma_wait3A_419 = tpu.memref_squeeze %dma_wait3A_418 : memref<1x1x512x64xf32, #tpu.memory_space<hbm>> -> memref<512x64xf32, #tpu.memory_space<hbm>>
    tpu.wait_dma2 semaphore(%arg14 : memref<!tpu.dma_semaphore, #tpu.memory_space<semaphore_mem>>) src(%arg8 : memref<512x64xf32, #tpu.memory_space<vmem>>) dst(%dma_wait3A_419 : memref<512x64xf32, #tpu.memory_space<hbm>>)
    %dma_start3A_420 = arith.constant 21 : i32
    %dma_start3A_421 = arith.constant 0 : i32
    %dma_start3A_422 = arith.constant 0 : i32
    %dma_start3A_423 = tpu.memref_slice %arg4[%add3A, %dma_start3A_420, %dma_start3A_421, %dma_start3A_422] : memref<32x25x512x64xf32, #tpu.memory_space<hbm>> -> memref<1x1x512x64xf32, #tpu.memory_space<hbm>>
    %dma_start3A_424 = tpu.memref_squeeze %dma_start3A_423 : memref<1x1x512x64xf32, #tpu.memory_space<hbm>> -> memref<512x64xf32, #tpu.memory_space<hbm>>
    %dma_start3A_425 = arith.constant 0 : i32
    %dma_start3A_426 = arith.constant 0 : i32
    %dma_start3A_427 = tpu.memref_slice %arg4[%add3A, %dma_start3A_420, %dma_start3A_425, %dma_start3A_426] : memref<32x25x512x64xf32, #tpu.memory_space<hbm>> -> memref<1x1x512x64xf32, #tpu.memory_space<hbm>>
    %dma_start3A_428 = tpu.memref_squeeze %dma_start3A_427 : memref<1x1x512x64xf32, #tpu.memory_space<hbm>> -> memref<512x64xf32, #tpu.memory_space<hbm>>
    tpu.enqueue_dma source(%arg6 : memref<512x64xf32, #tpu.memory_space<vmem>>) target(%dma_start3A_428 : memref<512x64xf32, #tpu.memory_space<hbm>>) target_semaphore(%arg12 : memref<!tpu.dma_semaphore, #tpu.memory_space<semaphore_mem>>)
    %dma_start3A_429 = arith.constant 23 : i32
    %dma_start3A_430 = arith.constant 0 : i32
    %dma_start3A_431 = arith.constant 0 : i32
    %dma_start3A_432 = tpu.memref_slice %arg8[%dma_start3A_430, %dma_start3A_431] : memref<512x64xf32, #tpu.memory_space<vmem>> -> memref<128x64xf32, #tpu.memory_space<vmem>>
    %dma_start3A_433 = arith.constant 0 : i32
    %dma_start3A_434 = tpu.memref_slice %arg5[%dma_start3A_429, %dma_start3A_433] : memref<25x512xi32, #tpu.memory_space<vmem>> -> memref<1x128xi32, #tpu.memory_space<vmem>>
    %dma_start3A_435 = tpu.memref_squeeze %dma_start3A_434 : memref<1x128xi32, #tpu.memory_space<vmem>> -> memref<128xi32, #tpu.memory_space<vmem>>
    %dma_start3A_436 = arith.constant 0 : i32
    %dma_start3A_437 = arith.constant 0 : i32
    %dma_start3A_438 = tpu.memref_slice %arg3[%dma_start3A_436, %dma_start3A_437] : memref<1000000x64xf32, #tpu.memory_space<hbm>> -> memref<1000000x64xf32, #tpu.memory_space<hbm>>
    tpu.enqueue_indirect_dma source(%dma_start3A_438 : memref<1000000x64xf32, #tpu.memory_space<hbm>>) target(%dma_start3A_432 : memref<128x64xf32, #tpu.memory_space<vmem>>) offsets(%dma_start3A_435 : memref<128xi32, #tpu.memory_space<vmem>>) semaphore(%arg11 : memref<!tpu.dma_semaphore, #tpu.memory_space<semaphore_mem>>)
    %dma_start3A_439 = arith.constant 23 : i32
    %dma_start3A_440 = arith.constant 128 : i32
    %dma_start3A_441 = arith.constant 0 : i32
    %dma_start3A_442 = tpu.memref_slice %arg8[%dma_start3A_440, %dma_start3A_441] : memref<512x64xf32, #tpu.memory_space<vmem>> -> memref<128x64xf32, #tpu.memory_space<vmem>>
    %dma_start3A_443 = arith.constant 128 : i32
    %dma_start3A_444 = tpu.memref_slice %arg5[%dma_start3A_439, %dma_start3A_443] : memref<25x512xi32, #tpu.memory_space<vmem>> -> memref<1x128xi32, #tpu.memory_space<vmem>>
    %dma_start3A_445 = tpu.memref_squeeze %dma_start3A_444 : memref<1x128xi32, #tpu.memory_space<vmem>> -> memref<128xi32, #tpu.memory_space<vmem>>
    %dma_start3A_446 = arith.constant 0 : i32
    %dma_start3A_447 = arith.constant 0 : i32
    %dma_start3A_448 = tpu.memref_slice %arg3[%dma_start3A_446, %dma_start3A_447] : memref<1000000x64xf32, #tpu.memory_space<hbm>> -> memref<1000000x64xf32, #tpu.memory_space<hbm>>
    tpu.enqueue_indirect_dma source(%dma_start3A_448 : memref<1000000x64xf32, #tpu.memory_space<hbm>>) target(%dma_start3A_442 : memref<128x64xf32, #tpu.memory_space<vmem>>) offsets(%dma_start3A_445 : memref<128xi32, #tpu.memory_space<vmem>>) semaphore(%arg11 : memref<!tpu.dma_semaphore, #tpu.memory_space<semaphore_mem>>)
    %dma_start3A_449 = arith.constant 23 : i32
    %dma_start3A_450 = arith.constant 256 : i32
    %dma_start3A_451 = arith.constant 0 : i32
    %dma_start3A_452 = tpu.memref_slice %arg8[%dma_start3A_450, %dma_start3A_451] : memref<512x64xf32, #tpu.memory_space<vmem>> -> memref<128x64xf32, #tpu.memory_space<vmem>>
    %dma_start3A_453 = arith.constant 256 : i32
    %dma_start3A_454 = tpu.memref_slice %arg5[%dma_start3A_449, %dma_start3A_453] : memref<25x512xi32, #tpu.memory_space<vmem>> -> memref<1x128xi32, #tpu.memory_space<vmem>>
    %dma_start3A_455 = tpu.memref_squeeze %dma_start3A_454 : memref<1x128xi32, #tpu.memory_space<vmem>> -> memref<128xi32, #tpu.memory_space<vmem>>
    %dma_start3A_456 = arith.constant 0 : i32
    %dma_start3A_457 = arith.constant 0 : i32
    %dma_start3A_458 = tpu.memref_slice %arg3[%dma_start3A_456, %dma_start3A_457] : memref<1000000x64xf32, #tpu.memory_space<hbm>> -> memref<1000000x64xf32, #tpu.memory_space<hbm>>
    tpu.enqueue_indirect_dma source(%dma_start3A_458 : memref<1000000x64xf32, #tpu.memory_space<hbm>>) target(%dma_start3A_452 : memref<128x64xf32, #tpu.memory_space<vmem>>) offsets(%dma_start3A_455 : memref<128xi32, #tpu.memory_space<vmem>>) semaphore(%arg11 : memref<!tpu.dma_semaphore, #tpu.memory_space<semaphore_mem>>)
    %dma_start3A_459 = arith.constant 23 : i32
    %dma_start3A_460 = arith.constant 384 : i32
    %dma_start3A_461 = arith.constant 0 : i32
    %dma_start3A_462 = tpu.memref_slice %arg8[%dma_start3A_460, %dma_start3A_461] : memref<512x64xf32, #tpu.memory_space<vmem>> -> memref<128x64xf32, #tpu.memory_space<vmem>>
    %dma_start3A_463 = arith.constant 384 : i32
    %dma_start3A_464 = tpu.memref_slice %arg5[%dma_start3A_459, %dma_start3A_463] : memref<25x512xi32, #tpu.memory_space<vmem>> -> memref<1x128xi32, #tpu.memory_space<vmem>>
    %dma_start3A_465 = tpu.memref_squeeze %dma_start3A_464 : memref<1x128xi32, #tpu.memory_space<vmem>> -> memref<128xi32, #tpu.memory_space<vmem>>
    %dma_start3A_466 = arith.constant 0 : i32
    %dma_start3A_467 = arith.constant 0 : i32
    %dma_start3A_468 = tpu.memref_slice %arg3[%dma_start3A_466, %dma_start3A_467] : memref<1000000x64xf32, #tpu.memory_space<hbm>> -> memref<1000000x64xf32, #tpu.memory_space<hbm>>
    tpu.enqueue_indirect_dma source(%dma_start3A_468 : memref<1000000x64xf32, #tpu.memory_space<hbm>>) target(%dma_start3A_462 : memref<128x64xf32, #tpu.memory_space<vmem>>) offsets(%dma_start3A_465 : memref<128xi32, #tpu.memory_space<vmem>>) semaphore(%arg11 : memref<!tpu.dma_semaphore, #tpu.memory_space<semaphore_mem>>)
    %dma_wait3A_469 = arith.constant 22 : i32
    %dma_wait3A_470 = arith.constant 0 : i32
    %dma_wait3A_471 = arith.constant 0 : i32
    %dma_wait3A_472 = tpu.memref_slice %arg7[%dma_wait3A_470, %dma_wait3A_471] : memref<512x64xf32, #tpu.memory_space<vmem>> -> memref<128x64xf32, #tpu.memory_space<vmem>>
    %dma_wait3A_473 = arith.constant 0 : i32
    %dma_wait3A_474 = tpu.memref_slice %arg5[%dma_wait3A_469, %dma_wait3A_473] : memref<25x512xi32, #tpu.memory_space<vmem>> -> memref<1x128xi32, #tpu.memory_space<vmem>>
    %dma_wait3A_475 = tpu.memref_squeeze %dma_wait3A_474 : memref<1x128xi32, #tpu.memory_space<vmem>> -> memref<128xi32, #tpu.memory_space<vmem>>
    %dma_wait3A_476 = arith.constant 0 : i32
    %dma_wait3A_477 = arith.constant 0 : i32
    %dma_wait3A_478 = tpu.memref_slice %arg3[%dma_wait3A_476, %dma_wait3A_477] : memref<1000000x64xf32, #tpu.memory_space<hbm>> -> memref<1000000x64xf32, #tpu.memory_space<hbm>>
    tpu.wait_indirect_dma semaphore(%arg10 : memref<!tpu.dma_semaphore, #tpu.memory_space<semaphore_mem>>) src(%dma_wait3A_478 : memref<1000000x64xf32, #tpu.memory_space<hbm>>) dst(%dma_wait3A_472 : memref<128x64xf32, #tpu.memory_space<vmem>>)
    %dma_wait3A_479 = arith.constant 22 : i32
    %dma_wait3A_480 = arith.constant 128 : i32
    %dma_wait3A_481 = arith.constant 0 : i32
    %dma_wait3A_482 = tpu.memref_slice %arg7[%dma_wait3A_480, %dma_wait3A_481] : memref<512x64xf32, #tpu.memory_space<vmem>> -> memref<128x64xf32, #tpu.memory_space<vmem>>
    %dma_wait3A_483 = arith.constant 128 : i32
    %dma_wait3A_484 = tpu.memref_slice %arg5[%dma_wait3A_479, %dma_wait3A_483] : memref<25x512xi32, #tpu.memory_space<vmem>> -> memref<1x128xi32, #tpu.memory_space<vmem>>
    %dma_wait3A_485 = tpu.memref_squeeze %dma_wait3A_484 : memref<1x128xi32, #tpu.memory_space<vmem>> -> memref<128xi32, #tpu.memory_space<vmem>>
    %dma_wait3A_486 = arith.constant 0 : i32
    %dma_wait3A_487 = arith.constant 0 : i32
    %dma_wait3A_488 = tpu.memref_slice %arg3[%dma_wait3A_486, %dma_wait3A_487] : memref<1000000x64xf32, #tpu.memory_space<hbm>> -> memref<1000000x64xf32, #tpu.memory_space<hbm>>
    tpu.wait_indirect_dma semaphore(%arg10 : memref<!tpu.dma_semaphore, #tpu.memory_space<semaphore_mem>>) src(%dma_wait3A_488 : memref<1000000x64xf32, #tpu.memory_space<hbm>>) dst(%dma_wait3A_482 : memref<128x64xf32, #tpu.memory_space<vmem>>)
    %dma_wait3A_489 = arith.constant 22 : i32
    %dma_wait3A_490 = arith.constant 256 : i32
    %dma_wait3A_491 = arith.constant 0 : i32
    %dma_wait3A_492 = tpu.memref_slice %arg7[%dma_wait3A_490, %dma_wait3A_491] : memref<512x64xf32, #tpu.memory_space<vmem>> -> memref<128x64xf32, #tpu.memory_space<vmem>>
    %dma_wait3A_493 = arith.constant 256 : i32
    %dma_wait3A_494 = tpu.memref_slice %arg5[%dma_wait3A_489, %dma_wait3A_493] : memref<25x512xi32, #tpu.memory_space<vmem>> -> memref<1x128xi32, #tpu.memory_space<vmem>>
    %dma_wait3A_495 = tpu.memref_squeeze %dma_wait3A_494 : memref<1x128xi32, #tpu.memory_space<vmem>> -> memref<128xi32, #tpu.memory_space<vmem>>
    %dma_wait3A_496 = arith.constant 0 : i32
    %dma_wait3A_497 = arith.constant 0 : i32
    %dma_wait3A_498 = tpu.memref_slice %arg3[%dma_wait3A_496, %dma_wait3A_497] : memref<1000000x64xf32, #tpu.memory_space<hbm>> -> memref<1000000x64xf32, #tpu.memory_space<hbm>>
    tpu.wait_indirect_dma semaphore(%arg10 : memref<!tpu.dma_semaphore, #tpu.memory_space<semaphore_mem>>) src(%dma_wait3A_498 : memref<1000000x64xf32, #tpu.memory_space<hbm>>) dst(%dma_wait3A_492 : memref<128x64xf32, #tpu.memory_space<vmem>>)
    %dma_wait3A_499 = arith.constant 22 : i32
    %dma_wait3A_500 = arith.constant 384 : i32
    %dma_wait3A_501 = arith.constant 0 : i32
    %dma_wait3A_502 = tpu.memref_slice %arg7[%dma_wait3A_500, %dma_wait3A_501] : memref<512x64xf32, #tpu.memory_space<vmem>> -> memref<128x64xf32, #tpu.memory_space<vmem>>
    %dma_wait3A_503 = arith.constant 384 : i32
    %dma_wait3A_504 = tpu.memref_slice %arg5[%dma_wait3A_499, %dma_wait3A_503] : memref<25x512xi32, #tpu.memory_space<vmem>> -> memref<1x128xi32, #tpu.memory_space<vmem>>
    %dma_wait3A_505 = tpu.memref_squeeze %dma_wait3A_504 : memref<1x128xi32, #tpu.memory_space<vmem>> -> memref<128xi32, #tpu.memory_space<vmem>>
    %dma_wait3A_506 = arith.constant 0 : i32
    %dma_wait3A_507 = arith.constant 0 : i32
    %dma_wait3A_508 = tpu.memref_slice %arg3[%dma_wait3A_506, %dma_wait3A_507] : memref<1000000x64xf32, #tpu.memory_space<hbm>> -> memref<1000000x64xf32, #tpu.memory_space<hbm>>
    tpu.wait_indirect_dma semaphore(%arg10 : memref<!tpu.dma_semaphore, #tpu.memory_space<semaphore_mem>>) src(%dma_wait3A_508 : memref<1000000x64xf32, #tpu.memory_space<hbm>>) dst(%dma_wait3A_502 : memref<128x64xf32, #tpu.memory_space<vmem>>)
    %dma_wait3A_509 = arith.constant 21 : i32
    %dma_wait3A_510 = arith.constant 0 : i32
    %dma_wait3A_511 = arith.constant 0 : i32
    %dma_wait3A_512 = tpu.memref_slice %arg4[%add3A, %dma_wait3A_509, %dma_wait3A_510, %dma_wait3A_511] : memref<32x25x512x64xf32, #tpu.memory_space<hbm>> -> memref<1x1x512x64xf32, #tpu.memory_space<hbm>>
    %dma_wait3A_513 = tpu.memref_squeeze %dma_wait3A_512 : memref<1x1x512x64xf32, #tpu.memory_space<hbm>> -> memref<512x64xf32, #tpu.memory_space<hbm>>
    %dma_wait3A_514 = arith.constant 0 : i32
    %dma_wait3A_515 = arith.constant 0 : i32
    %dma_wait3A_516 = tpu.memref_slice %arg4[%add3A, %dma_wait3A_509, %dma_wait3A_514, %dma_wait3A_515] : memref<32x25x512x64xf32, #tpu.memory_space<hbm>> -> memref<1x1x512x64xf32, #tpu.memory_space<hbm>>
    %dma_wait3A_517 = tpu.memref_squeeze %dma_wait3A_516 : memref<1x1x512x64xf32, #tpu.memory_space<hbm>> -> memref<512x64xf32, #tpu.memory_space<hbm>>
    tpu.wait_dma2 semaphore(%arg12 : memref<!tpu.dma_semaphore, #tpu.memory_space<semaphore_mem>>) src(%arg6 : memref<512x64xf32, #tpu.memory_space<vmem>>) dst(%dma_wait3A_517 : memref<512x64xf32, #tpu.memory_space<hbm>>)
    %dma_start3A_518 = arith.constant 22 : i32
    %dma_start3A_519 = arith.constant 0 : i32
    %dma_start3A_520 = arith.constant 0 : i32
    %dma_start3A_521 = tpu.memref_slice %arg4[%add3A, %dma_start3A_518, %dma_start3A_519, %dma_start3A_520] : memref<32x25x512x64xf32, #tpu.memory_space<hbm>> -> memref<1x1x512x64xf32, #tpu.memory_space<hbm>>
    %dma_start3A_522 = tpu.memref_squeeze %dma_start3A_521 : memref<1x1x512x64xf32, #tpu.memory_space<hbm>> -> memref<512x64xf32, #tpu.memory_space<hbm>>
    %dma_start3A_523 = arith.constant 0 : i32
    %dma_start3A_524 = arith.constant 0 : i32
    %dma_start3A_525 = tpu.memref_slice %arg4[%add3A, %dma_start3A_518, %dma_start3A_523, %dma_start3A_524] : memref<32x25x512x64xf32, #tpu.memory_space<hbm>> -> memref<1x1x512x64xf32, #tpu.memory_space<hbm>>
    %dma_start3A_526 = tpu.memref_squeeze %dma_start3A_525 : memref<1x1x512x64xf32, #tpu.memory_space<hbm>> -> memref<512x64xf32, #tpu.memory_space<hbm>>
    tpu.enqueue_dma source(%arg7 : memref<512x64xf32, #tpu.memory_space<vmem>>) target(%dma_start3A_526 : memref<512x64xf32, #tpu.memory_space<hbm>>) target_semaphore(%arg13 : memref<!tpu.dma_semaphore, #tpu.memory_space<semaphore_mem>>)
    %dma_start3A_527 = arith.constant 24 : i32
    %dma_start3A_528 = arith.constant 0 : i32
    %dma_start3A_529 = arith.constant 0 : i32
    %dma_start3A_530 = tpu.memref_slice %arg6[%dma_start3A_528, %dma_start3A_529] : memref<512x64xf32, #tpu.memory_space<vmem>> -> memref<128x64xf32, #tpu.memory_space<vmem>>
    %dma_start3A_531 = arith.constant 0 : i32
    %dma_start3A_532 = tpu.memref_slice %arg5[%dma_start3A_527, %dma_start3A_531] : memref<25x512xi32, #tpu.memory_space<vmem>> -> memref<1x128xi32, #tpu.memory_space<vmem>>
    %dma_start3A_533 = tpu.memref_squeeze %dma_start3A_532 : memref<1x128xi32, #tpu.memory_space<vmem>> -> memref<128xi32, #tpu.memory_space<vmem>>
    %dma_start3A_534 = arith.constant 0 : i32
    %dma_start3A_535 = arith.constant 0 : i32
    %dma_start3A_536 = tpu.memref_slice %arg3[%dma_start3A_534, %dma_start3A_535] : memref<1000000x64xf32, #tpu.memory_space<hbm>> -> memref<1000000x64xf32, #tpu.memory_space<hbm>>
    tpu.enqueue_indirect_dma source(%dma_start3A_536 : memref<1000000x64xf32, #tpu.memory_space<hbm>>) target(%dma_start3A_530 : memref<128x64xf32, #tpu.memory_space<vmem>>) offsets(%dma_start3A_533 : memref<128xi32, #tpu.memory_space<vmem>>) semaphore(%arg9 : memref<!tpu.dma_semaphore, #tpu.memory_space<semaphore_mem>>)
    %dma_start3A_537 = arith.constant 24 : i32
    %dma_start3A_538 = arith.constant 128 : i32
    %dma_start3A_539 = arith.constant 0 : i32
    %dma_start3A_540 = tpu.memref_slice %arg6[%dma_start3A_538, %dma_start3A_539] : memref<512x64xf32, #tpu.memory_space<vmem>> -> memref<128x64xf32, #tpu.memory_space<vmem>>
    %dma_start3A_541 = arith.constant 128 : i32
    %dma_start3A_542 = tpu.memref_slice %arg5[%dma_start3A_537, %dma_start3A_541] : memref<25x512xi32, #tpu.memory_space<vmem>> -> memref<1x128xi32, #tpu.memory_space<vmem>>
    %dma_start3A_543 = tpu.memref_squeeze %dma_start3A_542 : memref<1x128xi32, #tpu.memory_space<vmem>> -> memref<128xi32, #tpu.memory_space<vmem>>
    %dma_start3A_544 = arith.constant 0 : i32
    %dma_start3A_545 = arith.constant 0 : i32
    %dma_start3A_546 = tpu.memref_slice %arg3[%dma_start3A_544, %dma_start3A_545] : memref<1000000x64xf32, #tpu.memory_space<hbm>> -> memref<1000000x64xf32, #tpu.memory_space<hbm>>
    tpu.enqueue_indirect_dma source(%dma_start3A_546 : memref<1000000x64xf32, #tpu.memory_space<hbm>>) target(%dma_start3A_540 : memref<128x64xf32, #tpu.memory_space<vmem>>) offsets(%dma_start3A_543 : memref<128xi32, #tpu.memory_space<vmem>>) semaphore(%arg9 : memref<!tpu.dma_semaphore, #tpu.memory_space<semaphore_mem>>)
    %dma_start3A_547 = arith.constant 24 : i32
    %dma_start3A_548 = arith.constant 256 : i32
    %dma_start3A_549 = arith.constant 0 : i32
    %dma_start3A_550 = tpu.memref_slice %arg6[%dma_start3A_548, %dma_start3A_549] : memref<512x64xf32, #tpu.memory_space<vmem>> -> memref<128x64xf32, #tpu.memory_space<vmem>>
    %dma_start3A_551 = arith.constant 256 : i32
    %dma_start3A_552 = tpu.memref_slice %arg5[%dma_start3A_547, %dma_start3A_551] : memref<25x512xi32, #tpu.memory_space<vmem>> -> memref<1x128xi32, #tpu.memory_space<vmem>>
    %dma_start3A_553 = tpu.memref_squeeze %dma_start3A_552 : memref<1x128xi32, #tpu.memory_space<vmem>> -> memref<128xi32, #tpu.memory_space<vmem>>
    %dma_start3A_554 = arith.constant 0 : i32
    %dma_start3A_555 = arith.constant 0 : i32
    %dma_start3A_556 = tpu.memref_slice %arg3[%dma_start3A_554, %dma_start3A_555] : memref<1000000x64xf32, #tpu.memory_space<hbm>> -> memref<1000000x64xf32, #tpu.memory_space<hbm>>
    tpu.enqueue_indirect_dma source(%dma_start3A_556 : memref<1000000x64xf32, #tpu.memory_space<hbm>>) target(%dma_start3A_550 : memref<128x64xf32, #tpu.memory_space<vmem>>) offsets(%dma_start3A_553 : memref<128xi32, #tpu.memory_space<vmem>>) semaphore(%arg9 : memref<!tpu.dma_semaphore, #tpu.memory_space<semaphore_mem>>)
    %dma_start3A_557 = arith.constant 24 : i32
    %dma_start3A_558 = arith.constant 384 : i32
    %dma_start3A_559 = arith.constant 0 : i32
    %dma_start3A_560 = tpu.memref_slice %arg6[%dma_start3A_558, %dma_start3A_559] : memref<512x64xf32, #tpu.memory_space<vmem>> -> memref<128x64xf32, #tpu.memory_space<vmem>>
    %dma_start3A_561 = arith.constant 384 : i32
    %dma_start3A_562 = tpu.memref_slice %arg5[%dma_start3A_557, %dma_start3A_561] : memref<25x512xi32, #tpu.memory_space<vmem>> -> memref<1x128xi32, #tpu.memory_space<vmem>>
    %dma_start3A_563 = tpu.memref_squeeze %dma_start3A_562 : memref<1x128xi32, #tpu.memory_space<vmem>> -> memref<128xi32, #tpu.memory_space<vmem>>
    %dma_start3A_564 = arith.constant 0 : i32
    %dma_start3A_565 = arith.constant 0 : i32
    %dma_start3A_566 = tpu.memref_slice %arg3[%dma_start3A_564, %dma_start3A_565] : memref<1000000x64xf32, #tpu.memory_space<hbm>> -> memref<1000000x64xf32, #tpu.memory_space<hbm>>
    tpu.enqueue_indirect_dma source(%dma_start3A_566 : memref<1000000x64xf32, #tpu.memory_space<hbm>>) target(%dma_start3A_560 : memref<128x64xf32, #tpu.memory_space<vmem>>) offsets(%dma_start3A_563 : memref<128xi32, #tpu.memory_space<vmem>>) semaphore(%arg9 : memref<!tpu.dma_semaphore, #tpu.memory_space<semaphore_mem>>)
    %dma_wait3A_567 = arith.constant 23 : i32
    %dma_wait3A_568 = arith.constant 0 : i32
    %dma_wait3A_569 = arith.constant 0 : i32
    %dma_wait3A_570 = tpu.memref_slice %arg8[%dma_wait3A_568, %dma_wait3A_569] : memref<512x64xf32, #tpu.memory_space<vmem>> -> memref<128x64xf32, #tpu.memory_space<vmem>>
    %dma_wait3A_571 = arith.constant 0 : i32
    %dma_wait3A_572 = tpu.memref_slice %arg5[%dma_wait3A_567, %dma_wait3A_571] : memref<25x512xi32, #tpu.memory_space<vmem>> -> memref<1x128xi32, #tpu.memory_space<vmem>>
    %dma_wait3A_573 = tpu.memref_squeeze %dma_wait3A_572 : memref<1x128xi32, #tpu.memory_space<vmem>> -> memref<128xi32, #tpu.memory_space<vmem>>
    %dma_wait3A_574 = arith.constant 0 : i32
    %dma_wait3A_575 = arith.constant 0 : i32
    %dma_wait3A_576 = tpu.memref_slice %arg3[%dma_wait3A_574, %dma_wait3A_575] : memref<1000000x64xf32, #tpu.memory_space<hbm>> -> memref<1000000x64xf32, #tpu.memory_space<hbm>>
    tpu.wait_indirect_dma semaphore(%arg11 : memref<!tpu.dma_semaphore, #tpu.memory_space<semaphore_mem>>) src(%dma_wait3A_576 : memref<1000000x64xf32, #tpu.memory_space<hbm>>) dst(%dma_wait3A_570 : memref<128x64xf32, #tpu.memory_space<vmem>>)
    %dma_wait3A_577 = arith.constant 23 : i32
    %dma_wait3A_578 = arith.constant 128 : i32
    %dma_wait3A_579 = arith.constant 0 : i32
    %dma_wait3A_580 = tpu.memref_slice %arg8[%dma_wait3A_578, %dma_wait3A_579] : memref<512x64xf32, #tpu.memory_space<vmem>> -> memref<128x64xf32, #tpu.memory_space<vmem>>
    %dma_wait3A_581 = arith.constant 128 : i32
    %dma_wait3A_582 = tpu.memref_slice %arg5[%dma_wait3A_577, %dma_wait3A_581] : memref<25x512xi32, #tpu.memory_space<vmem>> -> memref<1x128xi32, #tpu.memory_space<vmem>>
    %dma_wait3A_583 = tpu.memref_squeeze %dma_wait3A_582 : memref<1x128xi32, #tpu.memory_space<vmem>> -> memref<128xi32, #tpu.memory_space<vmem>>
    %dma_wait3A_584 = arith.constant 0 : i32
    %dma_wait3A_585 = arith.constant 0 : i32
    %dma_wait3A_586 = tpu.memref_slice %arg3[%dma_wait3A_584, %dma_wait3A_585] : memref<1000000x64xf32, #tpu.memory_space<hbm>> -> memref<1000000x64xf32, #tpu.memory_space<hbm>>
    tpu.wait_indirect_dma semaphore(%arg11 : memref<!tpu.dma_semaphore, #tpu.memory_space<semaphore_mem>>) src(%dma_wait3A_586 : memref<1000000x64xf32, #tpu.memory_space<hbm>>) dst(%dma_wait3A_580 : memref<128x64xf32, #tpu.memory_space<vmem>>)
    %dma_wait3A_587 = arith.constant 23 : i32
    %dma_wait3A_588 = arith.constant 256 : i32
    %dma_wait3A_589 = arith.constant 0 : i32
    %dma_wait3A_590 = tpu.memref_slice %arg8[%dma_wait3A_588, %dma_wait3A_589] : memref<512x64xf32, #tpu.memory_space<vmem>> -> memref<128x64xf32, #tpu.memory_space<vmem>>
    %dma_wait3A_591 = arith.constant 256 : i32
    %dma_wait3A_592 = tpu.memref_slice %arg5[%dma_wait3A_587, %dma_wait3A_591] : memref<25x512xi32, #tpu.memory_space<vmem>> -> memref<1x128xi32, #tpu.memory_space<vmem>>
    %dma_wait3A_593 = tpu.memref_squeeze %dma_wait3A_592 : memref<1x128xi32, #tpu.memory_space<vmem>> -> memref<128xi32, #tpu.memory_space<vmem>>
    %dma_wait3A_594 = arith.constant 0 : i32
    %dma_wait3A_595 = arith.constant 0 : i32
    %dma_wait3A_596 = tpu.memref_slice %arg3[%dma_wait3A_594, %dma_wait3A_595] : memref<1000000x64xf32, #tpu.memory_space<hbm>> -> memref<1000000x64xf32, #tpu.memory_space<hbm>>
    tpu.wait_indirect_dma semaphore(%arg11 : memref<!tpu.dma_semaphore, #tpu.memory_space<semaphore_mem>>) src(%dma_wait3A_596 : memref<1000000x64xf32, #tpu.memory_space<hbm>>) dst(%dma_wait3A_590 : memref<128x64xf32, #tpu.memory_space<vmem>>)
    %dma_wait3A_597 = arith.constant 23 : i32
    %dma_wait3A_598 = arith.constant 384 : i32
    %dma_wait3A_599 = arith.constant 0 : i32
    %dma_wait3A_600 = tpu.memref_slice %arg8[%dma_wait3A_598, %dma_wait3A_599] : memref<512x64xf32, #tpu.memory_space<vmem>> -> memref<128x64xf32, #tpu.memory_space<vmem>>
    %dma_wait3A_601 = arith.constant 384 : i32
    %dma_wait3A_602 = tpu.memref_slice %arg5[%dma_wait3A_597, %dma_wait3A_601] : memref<25x512xi32, #tpu.memory_space<vmem>> -> memref<1x128xi32, #tpu.memory_space<vmem>>
    %dma_wait3A_603 = tpu.memref_squeeze %dma_wait3A_602 : memref<1x128xi32, #tpu.memory_space<vmem>> -> memref<128xi32, #tpu.memory_space<vmem>>
    %dma_wait3A_604 = arith.constant 0 : i32
    %dma_wait3A_605 = arith.constant 0 : i32
    %dma_wait3A_606 = tpu.memref_slice %arg3[%dma_wait3A_604, %dma_wait3A_605] : memref<1000000x64xf32, #tpu.memory_space<hbm>> -> memref<1000000x64xf32, #tpu.memory_space<hbm>>
    tpu.wait_indirect_dma semaphore(%arg11 : memref<!tpu.dma_semaphore, #tpu.memory_space<semaphore_mem>>) src(%dma_wait3A_606 : memref<1000000x64xf32, #tpu.memory_space<hbm>>) dst(%dma_wait3A_600 : memref<128x64xf32, #tpu.memory_space<vmem>>)
    %dma_wait3A_607 = arith.constant 22 : i32
    %dma_wait3A_608 = arith.constant 0 : i32
    %dma_wait3A_609 = arith.constant 0 : i32
    %dma_wait3A_610 = tpu.memref_slice %arg4[%add3A, %dma_wait3A_607, %dma_wait3A_608, %dma_wait3A_609] : memref<32x25x512x64xf32, #tpu.memory_space<hbm>> -> memref<1x1x512x64xf32, #tpu.memory_space<hbm>>
    %dma_wait3A_611 = tpu.memref_squeeze %dma_wait3A_610 : memref<1x1x512x64xf32, #tpu.memory_space<hbm>> -> memref<512x64xf32, #tpu.memory_space<hbm>>
    %dma_wait3A_612 = arith.constant 0 : i32
    %dma_wait3A_613 = arith.constant 0 : i32
    %dma_wait3A_614 = tpu.memref_slice %arg4[%add3A, %dma_wait3A_607, %dma_wait3A_612, %dma_wait3A_613] : memref<32x25x512x64xf32, #tpu.memory_space<hbm>> -> memref<1x1x512x64xf32, #tpu.memory_space<hbm>>
    %dma_wait3A_615 = tpu.memref_squeeze %dma_wait3A_614 : memref<1x1x512x64xf32, #tpu.memory_space<hbm>> -> memref<512x64xf32, #tpu.memory_space<hbm>>
    tpu.wait_dma2 semaphore(%arg13 : memref<!tpu.dma_semaphore, #tpu.memory_space<semaphore_mem>>) src(%arg7 : memref<512x64xf32, #tpu.memory_space<vmem>>) dst(%dma_wait3A_615 : memref<512x64xf32, #tpu.memory_space<hbm>>)
    %dma_start3A_616 = arith.constant 23 : i32
    %dma_start3A_617 = arith.constant 0 : i32
    %dma_start3A_618 = arith.constant 0 : i32
    %dma_start3A_619 = tpu.memref_slice %arg4[%add3A, %dma_start3A_616, %dma_start3A_617, %dma_start3A_618] : memref<32x25x512x64xf32, #tpu.memory_space<hbm>> -> memref<1x1x512x64xf32, #tpu.memory_space<hbm>>
    %dma_start3A_620 = tpu.memref_squeeze %dma_start3A_619 : memref<1x1x512x64xf32, #tpu.memory_space<hbm>> -> memref<512x64xf32, #tpu.memory_space<hbm>>
    %dma_start3A_621 = arith.constant 0 : i32
    %dma_start3A_622 = arith.constant 0 : i32
    %dma_start3A_623 = tpu.memref_slice %arg4[%add3A, %dma_start3A_616, %dma_start3A_621, %dma_start3A_622] : memref<32x25x512x64xf32, #tpu.memory_space<hbm>> -> memref<1x1x512x64xf32, #tpu.memory_space<hbm>>
    %dma_start3A_624 = tpu.memref_squeeze %dma_start3A_623 : memref<1x1x512x64xf32, #tpu.memory_space<hbm>> -> memref<512x64xf32, #tpu.memory_space<hbm>>
    tpu.enqueue_dma source(%arg8 : memref<512x64xf32, #tpu.memory_space<vmem>>) target(%dma_start3A_624 : memref<512x64xf32, #tpu.memory_space<hbm>>) target_semaphore(%arg14 : memref<!tpu.dma_semaphore, #tpu.memory_space<semaphore_mem>>)
    %dma_wait3A_625 = arith.constant 24 : i32
    %dma_wait3A_626 = arith.constant 0 : i32
    %dma_wait3A_627 = arith.constant 0 : i32
    %dma_wait3A_628 = tpu.memref_slice %arg6[%dma_wait3A_626, %dma_wait3A_627] : memref<512x64xf32, #tpu.memory_space<vmem>> -> memref<128x64xf32, #tpu.memory_space<vmem>>
    %dma_wait3A_629 = arith.constant 0 : i32
    %dma_wait3A_630 = tpu.memref_slice %arg5[%dma_wait3A_625, %dma_wait3A_629] : memref<25x512xi32, #tpu.memory_space<vmem>> -> memref<1x128xi32, #tpu.memory_space<vmem>>
    %dma_wait3A_631 = tpu.memref_squeeze %dma_wait3A_630 : memref<1x128xi32, #tpu.memory_space<vmem>> -> memref<128xi32, #tpu.memory_space<vmem>>
    %dma_wait3A_632 = arith.constant 0 : i32
    %dma_wait3A_633 = arith.constant 0 : i32
    %dma_wait3A_634 = tpu.memref_slice %arg3[%dma_wait3A_632, %dma_wait3A_633] : memref<1000000x64xf32, #tpu.memory_space<hbm>> -> memref<1000000x64xf32, #tpu.memory_space<hbm>>
    tpu.wait_indirect_dma semaphore(%arg9 : memref<!tpu.dma_semaphore, #tpu.memory_space<semaphore_mem>>) src(%dma_wait3A_634 : memref<1000000x64xf32, #tpu.memory_space<hbm>>) dst(%dma_wait3A_628 : memref<128x64xf32, #tpu.memory_space<vmem>>)
    %dma_wait3A_635 = arith.constant 24 : i32
    %dma_wait3A_636 = arith.constant 128 : i32
    %dma_wait3A_637 = arith.constant 0 : i32
    %dma_wait3A_638 = tpu.memref_slice %arg6[%dma_wait3A_636, %dma_wait3A_637] : memref<512x64xf32, #tpu.memory_space<vmem>> -> memref<128x64xf32, #tpu.memory_space<vmem>>
    %dma_wait3A_639 = arith.constant 128 : i32
    %dma_wait3A_640 = tpu.memref_slice %arg5[%dma_wait3A_635, %dma_wait3A_639] : memref<25x512xi32, #tpu.memory_space<vmem>> -> memref<1x128xi32, #tpu.memory_space<vmem>>
    %dma_wait3A_641 = tpu.memref_squeeze %dma_wait3A_640 : memref<1x128xi32, #tpu.memory_space<vmem>> -> memref<128xi32, #tpu.memory_space<vmem>>
    %dma_wait3A_642 = arith.constant 0 : i32
    %dma_wait3A_643 = arith.constant 0 : i32
    %dma_wait3A_644 = tpu.memref_slice %arg3[%dma_wait3A_642, %dma_wait3A_643] : memref<1000000x64xf32, #tpu.memory_space<hbm>> -> memref<1000000x64xf32, #tpu.memory_space<hbm>>
    tpu.wait_indirect_dma semaphore(%arg9 : memref<!tpu.dma_semaphore, #tpu.memory_space<semaphore_mem>>) src(%dma_wait3A_644 : memref<1000000x64xf32, #tpu.memory_space<hbm>>) dst(%dma_wait3A_638 : memref<128x64xf32, #tpu.memory_space<vmem>>)
    %dma_wait3A_645 = arith.constant 24 : i32
    %dma_wait3A_646 = arith.constant 256 : i32
    %dma_wait3A_647 = arith.constant 0 : i32
    %dma_wait3A_648 = tpu.memref_slice %arg6[%dma_wait3A_646, %dma_wait3A_647] : memref<512x64xf32, #tpu.memory_space<vmem>> -> memref<128x64xf32, #tpu.memory_space<vmem>>
    %dma_wait3A_649 = arith.constant 256 : i32
    %dma_wait3A_650 = tpu.memref_slice %arg5[%dma_wait3A_645, %dma_wait3A_649] : memref<25x512xi32, #tpu.memory_space<vmem>> -> memref<1x128xi32, #tpu.memory_space<vmem>>
    %dma_wait3A_651 = tpu.memref_squeeze %dma_wait3A_650 : memref<1x128xi32, #tpu.memory_space<vmem>> -> memref<128xi32, #tpu.memory_space<vmem>>
    %dma_wait3A_652 = arith.constant 0 : i32
    %dma_wait3A_653 = arith.constant 0 : i32
    %dma_wait3A_654 = tpu.memref_slice %arg3[%dma_wait3A_652, %dma_wait3A_653] : memref<1000000x64xf32, #tpu.memory_space<hbm>> -> memref<1000000x64xf32, #tpu.memory_space<hbm>>
    tpu.wait_indirect_dma semaphore(%arg9 : memref<!tpu.dma_semaphore, #tpu.memory_space<semaphore_mem>>) src(%dma_wait3A_654 : memref<1000000x64xf32, #tpu.memory_space<hbm>>) dst(%dma_wait3A_648 : memref<128x64xf32, #tpu.memory_space<vmem>>)
    %dma_wait3A_655 = arith.constant 24 : i32
    %dma_wait3A_656 = arith.constant 384 : i32
    %dma_wait3A_657 = arith.constant 0 : i32
    %dma_wait3A_658 = tpu.memref_slice %arg6[%dma_wait3A_656, %dma_wait3A_657] : memref<512x64xf32, #tpu.memory_space<vmem>> -> memref<128x64xf32, #tpu.memory_space<vmem>>
    %dma_wait3A_659 = arith.constant 384 : i32
    %dma_wait3A_660 = tpu.memref_slice %arg5[%dma_wait3A_655, %dma_wait3A_659] : memref<25x512xi32, #tpu.memory_space<vmem>> -> memref<1x128xi32, #tpu.memory_space<vmem>>
    %dma_wait3A_661 = tpu.memref_squeeze %dma_wait3A_660 : memref<1x128xi32, #tpu.memory_space<vmem>> -> memref<128xi32, #tpu.memory_space<vmem>>
    %dma_wait3A_662 = arith.constant 0 : i32
    %dma_wait3A_663 = arith.constant 0 : i32
    %dma_wait3A_664 = tpu.memref_slice %arg3[%dma_wait3A_662, %dma_wait3A_663] : memref<1000000x64xf32, #tpu.memory_space<hbm>> -> memref<1000000x64xf32, #tpu.memory_space<hbm>>
    tpu.wait_indirect_dma semaphore(%arg9 : memref<!tpu.dma_semaphore, #tpu.memory_space<semaphore_mem>>) src(%dma_wait3A_664 : memref<1000000x64xf32, #tpu.memory_space<hbm>>) dst(%dma_wait3A_658 : memref<128x64xf32, #tpu.memory_space<vmem>>)
    %dma_wait3A_665 = arith.constant 23 : i32
    %dma_wait3A_666 = arith.constant 0 : i32
    %dma_wait3A_667 = arith.constant 0 : i32
    %dma_wait3A_668 = tpu.memref_slice %arg4[%add3A, %dma_wait3A_665, %dma_wait3A_666, %dma_wait3A_667] : memref<32x25x512x64xf32, #tpu.memory_space<hbm>> -> memref<1x1x512x64xf32, #tpu.memory_space<hbm>>
    %dma_wait3A_669 = tpu.memref_squeeze %dma_wait3A_668 : memref<1x1x512x64xf32, #tpu.memory_space<hbm>> -> memref<512x64xf32, #tpu.memory_space<hbm>>
    %dma_wait3A_670 = arith.constant 0 : i32
    %dma_wait3A_671 = arith.constant 0 : i32
    %dma_wait3A_672 = tpu.memref_slice %arg4[%add3A, %dma_wait3A_665, %dma_wait3A_670, %dma_wait3A_671] : memref<32x25x512x64xf32, #tpu.memory_space<hbm>> -> memref<1x1x512x64xf32, #tpu.memory_space<hbm>>
    %dma_wait3A_673 = tpu.memref_squeeze %dma_wait3A_672 : memref<1x1x512x64xf32, #tpu.memory_space<hbm>> -> memref<512x64xf32, #tpu.memory_space<hbm>>
    tpu.wait_dma2 semaphore(%arg14 : memref<!tpu.dma_semaphore, #tpu.memory_space<semaphore_mem>>) src(%arg8 : memref<512x64xf32, #tpu.memory_space<vmem>>) dst(%dma_wait3A_673 : memref<512x64xf32, #tpu.memory_space<hbm>>)
    %dma_start3A_674 = arith.constant 24 : i32
    %dma_start3A_675 = arith.constant 0 : i32
    %dma_start3A_676 = arith.constant 0 : i32
    %dma_start3A_677 = tpu.memref_slice %arg4[%add3A, %dma_start3A_674, %dma_start3A_675, %dma_start3A_676] : memref<32x25x512x64xf32, #tpu.memory_space<hbm>> -> memref<1x1x512x64xf32, #tpu.memory_space<hbm>>
    %dma_start3A_678 = tpu.memref_squeeze %dma_start3A_677 : memref<1x1x512x64xf32, #tpu.memory_space<hbm>> -> memref<512x64xf32, #tpu.memory_space<hbm>>
    %dma_start3A_679 = arith.constant 0 : i32
    %dma_start3A_680 = arith.constant 0 : i32
    %dma_start3A_681 = tpu.memref_slice %arg4[%add3A, %dma_start3A_674, %dma_start3A_679, %dma_start3A_680] : memref<32x25x512x64xf32, #tpu.memory_space<hbm>> -> memref<1x1x512x64xf32, #tpu.memory_space<hbm>>
    %dma_start3A_682 = tpu.memref_squeeze %dma_start3A_681 : memref<1x1x512x64xf32, #tpu.memory_space<hbm>> -> memref<512x64xf32, #tpu.memory_space<hbm>>
    tpu.enqueue_dma source(%arg6 : memref<512x64xf32, #tpu.memory_space<vmem>>) target(%dma_start3A_682 : memref<512x64xf32, #tpu.memory_space<hbm>>) target_semaphore(%arg12 : memref<!tpu.dma_semaphore, #tpu.memory_space<semaphore_mem>>)
    %dma_wait3A_683 = arith.constant 24 : i32
    %dma_wait3A_684 = arith.constant 0 : i32
    %dma_wait3A_685 = arith.constant 0 : i32
    %dma_wait3A_686 = tpu.memref_slice %arg4[%add3A, %dma_wait3A_683, %dma_wait3A_684, %dma_wait3A_685] : memref<32x25x512x64xf32, #tpu.memory_space<hbm>> -> memref<1x1x512x64xf32, #tpu.memory_space<hbm>>
    %dma_wait3A_687 = tpu.memref_squeeze %dma_wait3A_686 : memref<1x1x512x64xf32, #tpu.memory_space<hbm>> -> memref<512x64xf32, #tpu.memory_space<hbm>>
    %dma_wait3A_688 = arith.constant 0 : i32
    %dma_wait3A_689 = arith.constant 0 : i32
    %dma_wait3A_690 = tpu.memref_slice %arg4[%add3A, %dma_wait3A_683, %dma_wait3A_688, %dma_wait3A_689] : memref<32x25x512x64xf32, #tpu.memory_space<hbm>> -> memref<1x1x512x64xf32, #tpu.memory_space<hbm>>
    %dma_wait3A_691 = tpu.memref_squeeze %dma_wait3A_690 : memref<1x1x512x64xf32, #tpu.memory_space<hbm>> -> memref<512x64xf32, #tpu.memory_space<hbm>>
    tpu.wait_dma2 semaphore(%arg12 : memref<!tpu.dma_semaphore, #tpu.memory_space<semaphore_mem>>) src(%arg6 : memref<512x64xf32, #tpu.memory_space<vmem>>) dst(%dma_wait3A_691 : memref<512x64xf32, #tpu.memory_space<hbm>>)
    return
  }
}

module attributes {stable_mosaic.version = 14 : i64} {
  func.func @_tr_body_first(%arg0: i32, %arg1: memref<32x1x512x64xf32, #tpu.memory_space<vmem>>, %arg2: memref<1x64x16384xf32, #tpu.memory_space<vmem>>) attributes {dimension_semantics = [#tpu.dimension_semantics<arbitrary>], iteration_bounds = array<i64: 25>, scalar_prefetch = 0 : i64, scratch_operands = 0 : i64, tpu.core_type = #tpu.core_type<tc>, window_params = [{transform_indices = @transform_0, window_bounds = array<i64: 32, 1, 512, 64>}, {transform_indices = @transform_1, window_bounds = array<i64: 1, 64, 16384>}]} {
    %get3A = arith.constant 0 : index
    %get3A_0 = arith.constant 0 : index
    %get3A_1 = arith.constant 0 : index
    %get3A_2 = arith.constant 0 : index
    %get3A_3 = vector.load %arg1[%get3A, %get3A_0, %get3A_1, %get3A_2] : memref<32x1x512x64xf32, #tpu.memory_space<vmem>>, vector<1x1x512x64xf32>
    %get3A_4 = vector.shape_cast %get3A_3 : vector<1x1x512x64xf32> to vector<512x64xf32>
    %transpose3A = tpu.transpose %get3A_4, [1, 0] : vector<512x64xf32> -> vector<64x512xf32>
    %mul3A = arith.constant 8.000000e+00 : f32
    %mul3A_5 = vector.broadcast %mul3A : f32 to vector<64x512xf32>
    %mul3A_6 = arith.mulf %transpose3A, %mul3A_5 : vector<64x512xf32>
    %swap3A = arith.constant 0 : index
    %swap3A_7 = arith.constant 0 : index
    %swap3A_8 = arith.constant 0 : index
    %swap3A_9 = vector.load %arg2[%swap3A, %swap3A_7, %swap3A_8] : memref<1x64x16384xf32, #tpu.memory_space<vmem>>, vector<1x64x512xf32>
    %swap3A_10 = vector.shape_cast %swap3A_9 : vector<1x64x512xf32> to vector<64x512xf32>
    %swap3A_11 = vector.shape_cast %mul3A_6 : vector<64x512xf32> to vector<1x64x512xf32>
    tpu.vector_store %arg2[%swap3A, %swap3A_7, %swap3A_8], %swap3A_11 {strides = array<i32>} : memref<1x64x16384xf32, #tpu.memory_space<vmem>>, vector<1x64x512xf32>,
    %get3A_12 = arith.constant 1 : index
    %get3A_13 = arith.constant 0 : index
    %get3A_14 = arith.constant 0 : index
    %get3A_15 = arith.constant 0 : index
    %get3A_16 = vector.load %arg1[%get3A_12, %get3A_13, %get3A_14, %get3A_15] : memref<32x1x512x64xf32, #tpu.memory_space<vmem>>, vector<1x1x512x64xf32>
    %get3A_17 = vector.shape_cast %get3A_16 : vector<1x1x512x64xf32> to vector<512x64xf32>
    %transpose3A_18 = tpu.transpose %get3A_17, [1, 0] : vector<512x64xf32> -> vector<64x512xf32>
    %mul3A_19 = arith.constant 8.000000e+00 : f32
    %mul3A_20 = vector.broadcast %mul3A_19 : f32 to vector<64x512xf32>
    %mul3A_21 = arith.mulf %transpose3A_18, %mul3A_20 : vector<64x512xf32>
    %swap3A_22 = arith.constant 0 : index
    %swap3A_23 = arith.constant 0 : index
    %swap3A_24 = arith.constant 512 : index
    %swap3A_25 = vector.load %arg2[%swap3A_22, %swap3A_23, %swap3A_24] : memref<1x64x16384xf32, #tpu.memory_space<vmem>>, vector<1x64x512xf32>
    %swap3A_26 = vector.shape_cast %swap3A_25 : vector<1x64x512xf32> to vector<64x512xf32>
    %swap3A_27 = vector.shape_cast %mul3A_21 : vector<64x512xf32> to vector<1x64x512xf32>
    tpu.vector_store %arg2[%swap3A_22, %swap3A_23, %swap3A_24], %swap3A_27 {strides = array<i32>} : memref<1x64x16384xf32, #tpu.memory_space<vmem>>, vector<1x64x512xf32>,
    %get3A_28 = arith.constant 2 : index
    %get3A_29 = arith.constant 0 : index
    %get3A_30 = arith.constant 0 : index
    %get3A_31 = arith.constant 0 : index
    %get3A_32 = vector.load %arg1[%get3A_28, %get3A_29, %get3A_30, %get3A_31] : memref<32x1x512x64xf32, #tpu.memory_space<vmem>>, vector<1x1x512x64xf32>
    %get3A_33 = vector.shape_cast %get3A_32 : vector<1x1x512x64xf32> to vector<512x64xf32>
    %transpose3A_34 = tpu.transpose %get3A_33, [1, 0] : vector<512x64xf32> -> vector<64x512xf32>
    %mul3A_35 = arith.constant 8.000000e+00 : f32
    %mul3A_36 = vector.broadcast %mul3A_35 : f32 to vector<64x512xf32>
    %mul3A_37 = arith.mulf %transpose3A_34, %mul3A_36 : vector<64x512xf32>
    %swap3A_38 = arith.constant 0 : index
    %swap3A_39 = arith.constant 0 : index
    %swap3A_40 = arith.constant 1024 : index
    %swap3A_41 = vector.load %arg2[%swap3A_38, %swap3A_39, %swap3A_40] : memref<1x64x16384xf32, #tpu.memory_space<vmem>>, vector<1x64x512xf32>
    %swap3A_42 = vector.shape_cast %swap3A_41 : vector<1x64x512xf32> to vector<64x512xf32>
    %swap3A_43 = vector.shape_cast %mul3A_37 : vector<64x512xf32> to vector<1x64x512xf32>
    tpu.vector_store %arg2[%swap3A_38, %swap3A_39, %swap3A_40], %swap3A_43 {strides = array<i32>} : memref<1x64x16384xf32, #tpu.memory_space<vmem>>, vector<1x64x512xf32>,
    %get3A_44 = arith.constant 3 : index
    %get3A_45 = arith.constant 0 : index
    %get3A_46 = arith.constant 0 : index
    %get3A_47 = arith.constant 0 : index
    %get3A_48 = vector.load %arg1[%get3A_44, %get3A_45, %get3A_46, %get3A_47] : memref<32x1x512x64xf32, #tpu.memory_space<vmem>>, vector<1x1x512x64xf32>
    %get3A_49 = vector.shape_cast %get3A_48 : vector<1x1x512x64xf32> to vector<512x64xf32>
    %transpose3A_50 = tpu.transpose %get3A_49, [1, 0] : vector<512x64xf32> -> vector<64x512xf32>
    %mul3A_51 = arith.constant 8.000000e+00 : f32
    %mul3A_52 = vector.broadcast %mul3A_51 : f32 to vector<64x512xf32>
    %mul3A_53 = arith.mulf %transpose3A_50, %mul3A_52 : vector<64x512xf32>
    %swap3A_54 = arith.constant 0 : index
    %swap3A_55 = arith.constant 0 : index
    %swap3A_56 = arith.constant 1536 : index
    %swap3A_57 = vector.load %arg2[%swap3A_54, %swap3A_55, %swap3A_56] : memref<1x64x16384xf32, #tpu.memory_space<vmem>>, vector<1x64x512xf32>
    %swap3A_58 = vector.shape_cast %swap3A_57 : vector<1x64x512xf32> to vector<64x512xf32>
    %swap3A_59 = vector.shape_cast %mul3A_53 : vector<64x512xf32> to vector<1x64x512xf32>
    tpu.vector_store %arg2[%swap3A_54, %swap3A_55, %swap3A_56], %swap3A_59 {strides = array<i32>} : memref<1x64x16384xf32, #tpu.memory_space<vmem>>, vector<1x64x512xf32>,
    %get3A_60 = arith.constant 4 : index
    %get3A_61 = arith.constant 0 : index
    %get3A_62 = arith.constant 0 : index
    %get3A_63 = arith.constant 0 : index
    %get3A_64 = vector.load %arg1[%get3A_60, %get3A_61, %get3A_62, %get3A_63] : memref<32x1x512x64xf32, #tpu.memory_space<vmem>>, vector<1x1x512x64xf32>
    %get3A_65 = vector.shape_cast %get3A_64 : vector<1x1x512x64xf32> to vector<512x64xf32>
    %transpose3A_66 = tpu.transpose %get3A_65, [1, 0] : vector<512x64xf32> -> vector<64x512xf32>
    %mul3A_67 = arith.constant 8.000000e+00 : f32
    %mul3A_68 = vector.broadcast %mul3A_67 : f32 to vector<64x512xf32>
    %mul3A_69 = arith.mulf %transpose3A_66, %mul3A_68 : vector<64x512xf32>
    %swap3A_70 = arith.constant 0 : index
    %swap3A_71 = arith.constant 0 : index
    %swap3A_72 = arith.constant 2048 : index
    %swap3A_73 = vector.load %arg2[%swap3A_70, %swap3A_71, %swap3A_72] : memref<1x64x16384xf32, #tpu.memory_space<vmem>>, vector<1x64x512xf32>
    %swap3A_74 = vector.shape_cast %swap3A_73 : vector<1x64x512xf32> to vector<64x512xf32>
    %swap3A_75 = vector.shape_cast %mul3A_69 : vector<64x512xf32> to vector<1x64x512xf32>
    tpu.vector_store %arg2[%swap3A_70, %swap3A_71, %swap3A_72], %swap3A_75 {strides = array<i32>} : memref<1x64x16384xf32, #tpu.memory_space<vmem>>, vector<1x64x512xf32>,
    %get3A_76 = arith.constant 5 : index
    %get3A_77 = arith.constant 0 : index
    %get3A_78 = arith.constant 0 : index
    %get3A_79 = arith.constant 0 : index
    %get3A_80 = vector.load %arg1[%get3A_76, %get3A_77, %get3A_78, %get3A_79] : memref<32x1x512x64xf32, #tpu.memory_space<vmem>>, vector<1x1x512x64xf32>
    %get3A_81 = vector.shape_cast %get3A_80 : vector<1x1x512x64xf32> to vector<512x64xf32>
    %transpose3A_82 = tpu.transpose %get3A_81, [1, 0] : vector<512x64xf32> -> vector<64x512xf32>
    %mul3A_83 = arith.constant 8.000000e+00 : f32
    %mul3A_84 = vector.broadcast %mul3A_83 : f32 to vector<64x512xf32>
    %mul3A_85 = arith.mulf %transpose3A_82, %mul3A_84 : vector<64x512xf32>
    %swap3A_86 = arith.constant 0 : index
    %swap3A_87 = arith.constant 0 : index
    %swap3A_88 = arith.constant 2560 : index
    %swap3A_89 = vector.load %arg2[%swap3A_86, %swap3A_87, %swap3A_88] : memref<1x64x16384xf32, #tpu.memory_space<vmem>>, vector<1x64x512xf32>
    %swap3A_90 = vector.shape_cast %swap3A_89 : vector<1x64x512xf32> to vector<64x512xf32>
    %swap3A_91 = vector.shape_cast %mul3A_85 : vector<64x512xf32> to vector<1x64x512xf32>
    tpu.vector_store %arg2[%swap3A_86, %swap3A_87, %swap3A_88], %swap3A_91 {strides = array<i32>} : memref<1x64x16384xf32, #tpu.memory_space<vmem>>, vector<1x64x512xf32>,
    %get3A_92 = arith.constant 6 : index
    %get3A_93 = arith.constant 0 : index
    %get3A_94 = arith.constant 0 : index
    %get3A_95 = arith.constant 0 : index
    %get3A_96 = vector.load %arg1[%get3A_92, %get3A_93, %get3A_94, %get3A_95] : memref<32x1x512x64xf32, #tpu.memory_space<vmem>>, vector<1x1x512x64xf32>
    %get3A_97 = vector.shape_cast %get3A_96 : vector<1x1x512x64xf32> to vector<512x64xf32>
    %transpose3A_98 = tpu.transpose %get3A_97, [1, 0] : vector<512x64xf32> -> vector<64x512xf32>
    %mul3A_99 = arith.constant 8.000000e+00 : f32
    %mul3A_100 = vector.broadcast %mul3A_99 : f32 to vector<64x512xf32>
    %mul3A_101 = arith.mulf %transpose3A_98, %mul3A_100 : vector<64x512xf32>
    %swap3A_102 = arith.constant 0 : index
    %swap3A_103 = arith.constant 0 : index
    %swap3A_104 = arith.constant 3072 : index
    %swap3A_105 = vector.load %arg2[%swap3A_102, %swap3A_103, %swap3A_104] : memref<1x64x16384xf32, #tpu.memory_space<vmem>>, vector<1x64x512xf32>
    %swap3A_106 = vector.shape_cast %swap3A_105 : vector<1x64x512xf32> to vector<64x512xf32>
    %swap3A_107 = vector.shape_cast %mul3A_101 : vector<64x512xf32> to vector<1x64x512xf32>
    tpu.vector_store %arg2[%swap3A_102, %swap3A_103, %swap3A_104], %swap3A_107 {strides = array<i32>} : memref<1x64x16384xf32, #tpu.memory_space<vmem>>, vector<1x64x512xf32>,
    %get3A_108 = arith.constant 7 : index
    %get3A_109 = arith.constant 0 : index
    %get3A_110 = arith.constant 0 : index
    %get3A_111 = arith.constant 0 : index
    %get3A_112 = vector.load %arg1[%get3A_108, %get3A_109, %get3A_110, %get3A_111] : memref<32x1x512x64xf32, #tpu.memory_space<vmem>>, vector<1x1x512x64xf32>
    %get3A_113 = vector.shape_cast %get3A_112 : vector<1x1x512x64xf32> to vector<512x64xf32>
    %transpose3A_114 = tpu.transpose %get3A_113, [1, 0] : vector<512x64xf32> -> vector<64x512xf32>
    %mul3A_115 = arith.constant 8.000000e+00 : f32
    %mul3A_116 = vector.broadcast %mul3A_115 : f32 to vector<64x512xf32>
    %mul3A_117 = arith.mulf %transpose3A_114, %mul3A_116 : vector<64x512xf32>
    %swap3A_118 = arith.constant 0 : index
    %swap3A_119 = arith.constant 0 : index
    %swap3A_120 = arith.constant 3584 : index
    %swap3A_121 = vector.load %arg2[%swap3A_118, %swap3A_119, %swap3A_120] : memref<1x64x16384xf32, #tpu.memory_space<vmem>>, vector<1x64x512xf32>
    %swap3A_122 = vector.shape_cast %swap3A_121 : vector<1x64x512xf32> to vector<64x512xf32>
    %swap3A_123 = vector.shape_cast %mul3A_117 : vector<64x512xf32> to vector<1x64x512xf32>
    tpu.vector_store %arg2[%swap3A_118, %swap3A_119, %swap3A_120], %swap3A_123 {strides = array<i32>} : memref<1x64x16384xf32, #tpu.memory_space<vmem>>, vector<1x64x512xf32>,
    %get3A_124 = arith.constant 8 : index
    %get3A_125 = arith.constant 0 : index
    %get3A_126 = arith.constant 0 : index
    %get3A_127 = arith.constant 0 : index
    %get3A_128 = vector.load %arg1[%get3A_124, %get3A_125, %get3A_126, %get3A_127] : memref<32x1x512x64xf32, #tpu.memory_space<vmem>>, vector<1x1x512x64xf32>
    %get3A_129 = vector.shape_cast %get3A_128 : vector<1x1x512x64xf32> to vector<512x64xf32>
    %transpose3A_130 = tpu.transpose %get3A_129, [1, 0] : vector<512x64xf32> -> vector<64x512xf32>
    %mul3A_131 = arith.constant 8.000000e+00 : f32
    %mul3A_132 = vector.broadcast %mul3A_131 : f32 to vector<64x512xf32>
    %mul3A_133 = arith.mulf %transpose3A_130, %mul3A_132 : vector<64x512xf32>
    %swap3A_134 = arith.constant 0 : index
    %swap3A_135 = arith.constant 0 : index
    %swap3A_136 = arith.constant 4096 : index
    %swap3A_137 = vector.load %arg2[%swap3A_134, %swap3A_135, %swap3A_136] : memref<1x64x16384xf32, #tpu.memory_space<vmem>>, vector<1x64x512xf32>
    %swap3A_138 = vector.shape_cast %swap3A_137 : vector<1x64x512xf32> to vector<64x512xf32>
    %swap3A_139 = vector.shape_cast %mul3A_133 : vector<64x512xf32> to vector<1x64x512xf32>
    tpu.vector_store %arg2[%swap3A_134, %swap3A_135, %swap3A_136], %swap3A_139 {strides = array<i32>} : memref<1x64x16384xf32, #tpu.memory_space<vmem>>, vector<1x64x512xf32>,
    %get3A_140 = arith.constant 9 : index
    %get3A_141 = arith.constant 0 : index
    %get3A_142 = arith.constant 0 : index
    %get3A_143 = arith.constant 0 : index
    %get3A_144 = vector.load %arg1[%get3A_140, %get3A_141, %get3A_142, %get3A_143] : memref<32x1x512x64xf32, #tpu.memory_space<vmem>>, vector<1x1x512x64xf32>
    %get3A_145 = vector.shape_cast %get3A_144 : vector<1x1x512x64xf32> to vector<512x64xf32>
    %transpose3A_146 = tpu.transpose %get3A_145, [1, 0] : vector<512x64xf32> -> vector<64x512xf32>
    %mul3A_147 = arith.constant 8.000000e+00 : f32
    %mul3A_148 = vector.broadcast %mul3A_147 : f32 to vector<64x512xf32>
    %mul3A_149 = arith.mulf %transpose3A_146, %mul3A_148 : vector<64x512xf32>
    %swap3A_150 = arith.constant 0 : index
    %swap3A_151 = arith.constant 0 : index
    %swap3A_152 = arith.constant 4608 : index
    %swap3A_153 = vector.load %arg2[%swap3A_150, %swap3A_151, %swap3A_152] : memref<1x64x16384xf32, #tpu.memory_space<vmem>>, vector<1x64x512xf32>
    %swap3A_154 = vector.shape_cast %swap3A_153 : vector<1x64x512xf32> to vector<64x512xf32>
    %swap3A_155 = vector.shape_cast %mul3A_149 : vector<64x512xf32> to vector<1x64x512xf32>
    tpu.vector_store %arg2[%swap3A_150, %swap3A_151, %swap3A_152], %swap3A_155 {strides = array<i32>} : memref<1x64x16384xf32, #tpu.memory_space<vmem>>, vector<1x64x512xf32>,
    %get3A_156 = arith.constant 10 : index
    %get3A_157 = arith.constant 0 : index
    %get3A_158 = arith.constant 0 : index
    %get3A_159 = arith.constant 0 : index
    %get3A_160 = vector.load %arg1[%get3A_156, %get3A_157, %get3A_158, %get3A_159] : memref<32x1x512x64xf32, #tpu.memory_space<vmem>>, vector<1x1x512x64xf32>
    %get3A_161 = vector.shape_cast %get3A_160 : vector<1x1x512x64xf32> to vector<512x64xf32>
    %transpose3A_162 = tpu.transpose %get3A_161, [1, 0] : vector<512x64xf32> -> vector<64x512xf32>
    %mul3A_163 = arith.constant 8.000000e+00 : f32
    %mul3A_164 = vector.broadcast %mul3A_163 : f32 to vector<64x512xf32>
    %mul3A_165 = arith.mulf %transpose3A_162, %mul3A_164 : vector<64x512xf32>
    %swap3A_166 = arith.constant 0 : index
    %swap3A_167 = arith.constant 0 : index
    %swap3A_168 = arith.constant 5120 : index
    %swap3A_169 = vector.load %arg2[%swap3A_166, %swap3A_167, %swap3A_168] : memref<1x64x16384xf32, #tpu.memory_space<vmem>>, vector<1x64x512xf32>
    %swap3A_170 = vector.shape_cast %swap3A_169 : vector<1x64x512xf32> to vector<64x512xf32>
    %swap3A_171 = vector.shape_cast %mul3A_165 : vector<64x512xf32> to vector<1x64x512xf32>
    tpu.vector_store %arg2[%swap3A_166, %swap3A_167, %swap3A_168], %swap3A_171 {strides = array<i32>} : memref<1x64x16384xf32, #tpu.memory_space<vmem>>, vector<1x64x512xf32>,
    %get3A_172 = arith.constant 11 : index
    %get3A_173 = arith.constant 0 : index
    %get3A_174 = arith.constant 0 : index
    %get3A_175 = arith.constant 0 : index
    %get3A_176 = vector.load %arg1[%get3A_172, %get3A_173, %get3A_174, %get3A_175] : memref<32x1x512x64xf32, #tpu.memory_space<vmem>>, vector<1x1x512x64xf32>
    %get3A_177 = vector.shape_cast %get3A_176 : vector<1x1x512x64xf32> to vector<512x64xf32>
    %transpose3A_178 = tpu.transpose %get3A_177, [1, 0] : vector<512x64xf32> -> vector<64x512xf32>
    %mul3A_179 = arith.constant 8.000000e+00 : f32
    %mul3A_180 = vector.broadcast %mul3A_179 : f32 to vector<64x512xf32>
    %mul3A_181 = arith.mulf %transpose3A_178, %mul3A_180 : vector<64x512xf32>
    %swap3A_182 = arith.constant 0 : index
    %swap3A_183 = arith.constant 0 : index
    %swap3A_184 = arith.constant 5632 : index
    %swap3A_185 = vector.load %arg2[%swap3A_182, %swap3A_183, %swap3A_184] : memref<1x64x16384xf32, #tpu.memory_space<vmem>>, vector<1x64x512xf32>
    %swap3A_186 = vector.shape_cast %swap3A_185 : vector<1x64x512xf32> to vector<64x512xf32>
    %swap3A_187 = vector.shape_cast %mul3A_181 : vector<64x512xf32> to vector<1x64x512xf32>
    tpu.vector_store %arg2[%swap3A_182, %swap3A_183, %swap3A_184], %swap3A_187 {strides = array<i32>} : memref<1x64x16384xf32, #tpu.memory_space<vmem>>, vector<1x64x512xf32>,
    %get3A_188 = arith.constant 12 : index
    %get3A_189 = arith.constant 0 : index
    %get3A_190 = arith.constant 0 : index
    %get3A_191 = arith.constant 0 : index
    %get3A_192 = vector.load %arg1[%get3A_188, %get3A_189, %get3A_190, %get3A_191] : memref<32x1x512x64xf32, #tpu.memory_space<vmem>>, vector<1x1x512x64xf32>
    %get3A_193 = vector.shape_cast %get3A_192 : vector<1x1x512x64xf32> to vector<512x64xf32>
    %transpose3A_194 = tpu.transpose %get3A_193, [1, 0] : vector<512x64xf32> -> vector<64x512xf32>
    %mul3A_195 = arith.constant 8.000000e+00 : f32
    %mul3A_196 = vector.broadcast %mul3A_195 : f32 to vector<64x512xf32>
    %mul3A_197 = arith.mulf %transpose3A_194, %mul3A_196 : vector<64x512xf32>
    %swap3A_198 = arith.constant 0 : index
    %swap3A_199 = arith.constant 0 : index
    %swap3A_200 = arith.constant 6144 : index
    %swap3A_201 = vector.load %arg2[%swap3A_198, %swap3A_199, %swap3A_200] : memref<1x64x16384xf32, #tpu.memory_space<vmem>>, vector<1x64x512xf32>
    %swap3A_202 = vector.shape_cast %swap3A_201 : vector<1x64x512xf32> to vector<64x512xf32>
    %swap3A_203 = vector.shape_cast %mul3A_197 : vector<64x512xf32> to vector<1x64x512xf32>
    tpu.vector_store %arg2[%swap3A_198, %swap3A_199, %swap3A_200], %swap3A_203 {strides = array<i32>} : memref<1x64x16384xf32, #tpu.memory_space<vmem>>, vector<1x64x512xf32>,
    %get3A_204 = arith.constant 13 : index
    %get3A_205 = arith.constant 0 : index
    %get3A_206 = arith.constant 0 : index
    %get3A_207 = arith.constant 0 : index
    %get3A_208 = vector.load %arg1[%get3A_204, %get3A_205, %get3A_206, %get3A_207] : memref<32x1x512x64xf32, #tpu.memory_space<vmem>>, vector<1x1x512x64xf32>
    %get3A_209 = vector.shape_cast %get3A_208 : vector<1x1x512x64xf32> to vector<512x64xf32>
    %transpose3A_210 = tpu.transpose %get3A_209, [1, 0] : vector<512x64xf32> -> vector<64x512xf32>
    %mul3A_211 = arith.constant 8.000000e+00 : f32
    %mul3A_212 = vector.broadcast %mul3A_211 : f32 to vector<64x512xf32>
    %mul3A_213 = arith.mulf %transpose3A_210, %mul3A_212 : vector<64x512xf32>
    %swap3A_214 = arith.constant 0 : index
    %swap3A_215 = arith.constant 0 : index
    %swap3A_216 = arith.constant 6656 : index
    %swap3A_217 = vector.load %arg2[%swap3A_214, %swap3A_215, %swap3A_216] : memref<1x64x16384xf32, #tpu.memory_space<vmem>>, vector<1x64x512xf32>
    %swap3A_218 = vector.shape_cast %swap3A_217 : vector<1x64x512xf32> to vector<64x512xf32>
    %swap3A_219 = vector.shape_cast %mul3A_213 : vector<64x512xf32> to vector<1x64x512xf32>
    tpu.vector_store %arg2[%swap3A_214, %swap3A_215, %swap3A_216], %swap3A_219 {strides = array<i32>} : memref<1x64x16384xf32, #tpu.memory_space<vmem>>, vector<1x64x512xf32>,
    %get3A_220 = arith.constant 14 : index
    %get3A_221 = arith.constant 0 : index
    %get3A_222 = arith.constant 0 : index
    %get3A_223 = arith.constant 0 : index
    %get3A_224 = vector.load %arg1[%get3A_220, %get3A_221, %get3A_222, %get3A_223] : memref<32x1x512x64xf32, #tpu.memory_space<vmem>>, vector<1x1x512x64xf32>
    %get3A_225 = vector.shape_cast %get3A_224 : vector<1x1x512x64xf32> to vector<512x64xf32>
    %transpose3A_226 = tpu.transpose %get3A_225, [1, 0] : vector<512x64xf32> -> vector<64x512xf32>
    %mul3A_227 = arith.constant 8.000000e+00 : f32
    %mul3A_228 = vector.broadcast %mul3A_227 : f32 to vector<64x512xf32>
    %mul3A_229 = arith.mulf %transpose3A_226, %mul3A_228 : vector<64x512xf32>
    %swap3A_230 = arith.constant 0 : index
    %swap3A_231 = arith.constant 0 : index
    %swap3A_232 = arith.constant 7168 : index
    %swap3A_233 = vector.load %arg2[%swap3A_230, %swap3A_231, %swap3A_232] : memref<1x64x16384xf32, #tpu.memory_space<vmem>>, vector<1x64x512xf32>
    %swap3A_234 = vector.shape_cast %swap3A_233 : vector<1x64x512xf32> to vector<64x512xf32>
    %swap3A_235 = vector.shape_cast %mul3A_229 : vector<64x512xf32> to vector<1x64x512xf32>
    tpu.vector_store %arg2[%swap3A_230, %swap3A_231, %swap3A_232], %swap3A_235 {strides = array<i32>} : memref<1x64x16384xf32, #tpu.memory_space<vmem>>, vector<1x64x512xf32>,
    %get3A_236 = arith.constant 15 : index
    %get3A_237 = arith.constant 0 : index
    %get3A_238 = arith.constant 0 : index
    %get3A_239 = arith.constant 0 : index
    %get3A_240 = vector.load %arg1[%get3A_236, %get3A_237, %get3A_238, %get3A_239] : memref<32x1x512x64xf32, #tpu.memory_space<vmem>>, vector<1x1x512x64xf32>
    %get3A_241 = vector.shape_cast %get3A_240 : vector<1x1x512x64xf32> to vector<512x64xf32>
    %transpose3A_242 = tpu.transpose %get3A_241, [1, 0] : vector<512x64xf32> -> vector<64x512xf32>
    %mul3A_243 = arith.constant 8.000000e+00 : f32
    %mul3A_244 = vector.broadcast %mul3A_243 : f32 to vector<64x512xf32>
    %mul3A_245 = arith.mulf %transpose3A_242, %mul3A_244 : vector<64x512xf32>
    %swap3A_246 = arith.constant 0 : index
    %swap3A_247 = arith.constant 0 : index
    %swap3A_248 = arith.constant 7680 : index
    %swap3A_249 = vector.load %arg2[%swap3A_246, %swap3A_247, %swap3A_248] : memref<1x64x16384xf32, #tpu.memory_space<vmem>>, vector<1x64x512xf32>
    %swap3A_250 = vector.shape_cast %swap3A_249 : vector<1x64x512xf32> to vector<64x512xf32>
    %swap3A_251 = vector.shape_cast %mul3A_245 : vector<64x512xf32> to vector<1x64x512xf32>
    tpu.vector_store %arg2[%swap3A_246, %swap3A_247, %swap3A_248], %swap3A_251 {strides = array<i32>} : memref<1x64x16384xf32, #tpu.memory_space<vmem>>, vector<1x64x512xf32>,
    %get3A_252 = arith.constant 16 : index
    %get3A_253 = arith.constant 0 : index
    %get3A_254 = arith.constant 0 : index
    %get3A_255 = arith.constant 0 : index
    %get3A_256 = vector.load %arg1[%get3A_252, %get3A_253, %get3A_254, %get3A_255] : memref<32x1x512x64xf32, #tpu.memory_space<vmem>>, vector<1x1x512x64xf32>
    %get3A_257 = vector.shape_cast %get3A_256 : vector<1x1x512x64xf32> to vector<512x64xf32>
    %transpose3A_258 = tpu.transpose %get3A_257, [1, 0] : vector<512x64xf32> -> vector<64x512xf32>
    %mul3A_259 = arith.constant 8.000000e+00 : f32
    %mul3A_260 = vector.broadcast %mul3A_259 : f32 to vector<64x512xf32>
    %mul3A_261 = arith.mulf %transpose3A_258, %mul3A_260 : vector<64x512xf32>
    %swap3A_262 = arith.constant 0 : index
    %swap3A_263 = arith.constant 0 : index
    %swap3A_264 = arith.constant 8192 : index
    %swap3A_265 = vector.load %arg2[%swap3A_262, %swap3A_263, %swap3A_264] : memref<1x64x16384xf32, #tpu.memory_space<vmem>>, vector<1x64x512xf32>
    %swap3A_266 = vector.shape_cast %swap3A_265 : vector<1x64x512xf32> to vector<64x512xf32>
    %swap3A_267 = vector.shape_cast %mul3A_261 : vector<64x512xf32> to vector<1x64x512xf32>
    tpu.vector_store %arg2[%swap3A_262, %swap3A_263, %swap3A_264], %swap3A_267 {strides = array<i32>} : memref<1x64x16384xf32, #tpu.memory_space<vmem>>, vector<1x64x512xf32>,
    %get3A_268 = arith.constant 17 : index
    %get3A_269 = arith.constant 0 : index
    %get3A_270 = arith.constant 0 : index
    %get3A_271 = arith.constant 0 : index
    %get3A_272 = vector.load %arg1[%get3A_268, %get3A_269, %get3A_270, %get3A_271] : memref<32x1x512x64xf32, #tpu.memory_space<vmem>>, vector<1x1x512x64xf32>
    %get3A_273 = vector.shape_cast %get3A_272 : vector<1x1x512x64xf32> to vector<512x64xf32>
    %transpose3A_274 = tpu.transpose %get3A_273, [1, 0] : vector<512x64xf32> -> vector<64x512xf32>
    %mul3A_275 = arith.constant 8.000000e+00 : f32
    %mul3A_276 = vector.broadcast %mul3A_275 : f32 to vector<64x512xf32>
    %mul3A_277 = arith.mulf %transpose3A_274, %mul3A_276 : vector<64x512xf32>
    %swap3A_278 = arith.constant 0 : index
    %swap3A_279 = arith.constant 0 : index
    %swap3A_280 = arith.constant 8704 : index
    %swap3A_281 = vector.load %arg2[%swap3A_278, %swap3A_279, %swap3A_280] : memref<1x64x16384xf32, #tpu.memory_space<vmem>>, vector<1x64x512xf32>
    %swap3A_282 = vector.shape_cast %swap3A_281 : vector<1x64x512xf32> to vector<64x512xf32>
    %swap3A_283 = vector.shape_cast %mul3A_277 : vector<64x512xf32> to vector<1x64x512xf32>
    tpu.vector_store %arg2[%swap3A_278, %swap3A_279, %swap3A_280], %swap3A_283 {strides = array<i32>} : memref<1x64x16384xf32, #tpu.memory_space<vmem>>, vector<1x64x512xf32>,
    %get3A_284 = arith.constant 18 : index
    %get3A_285 = arith.constant 0 : index
    %get3A_286 = arith.constant 0 : index
    %get3A_287 = arith.constant 0 : index
    %get3A_288 = vector.load %arg1[%get3A_284, %get3A_285, %get3A_286, %get3A_287] : memref<32x1x512x64xf32, #tpu.memory_space<vmem>>, vector<1x1x512x64xf32>
    %get3A_289 = vector.shape_cast %get3A_288 : vector<1x1x512x64xf32> to vector<512x64xf32>
    %transpose3A_290 = tpu.transpose %get3A_289, [1, 0] : vector<512x64xf32> -> vector<64x512xf32>
    %mul3A_291 = arith.constant 8.000000e+00 : f32
    %mul3A_292 = vector.broadcast %mul3A_291 : f32 to vector<64x512xf32>
    %mul3A_293 = arith.mulf %transpose3A_290, %mul3A_292 : vector<64x512xf32>
    %swap3A_294 = arith.constant 0 : index
    %swap3A_295 = arith.constant 0 : index
    %swap3A_296 = arith.constant 9216 : index
    %swap3A_297 = vector.load %arg2[%swap3A_294, %swap3A_295, %swap3A_296] : memref<1x64x16384xf32, #tpu.memory_space<vmem>>, vector<1x64x512xf32>
    %swap3A_298 = vector.shape_cast %swap3A_297 : vector<1x64x512xf32> to vector<64x512xf32>
    %swap3A_299 = vector.shape_cast %mul3A_293 : vector<64x512xf32> to vector<1x64x512xf32>
    tpu.vector_store %arg2[%swap3A_294, %swap3A_295, %swap3A_296], %swap3A_299 {strides = array<i32>} : memref<1x64x16384xf32, #tpu.memory_space<vmem>>, vector<1x64x512xf32>,
    %get3A_300 = arith.constant 19 : index
    %get3A_301 = arith.constant 0 : index
    %get3A_302 = arith.constant 0 : index
    %get3A_303 = arith.constant 0 : index
    %get3A_304 = vector.load %arg1[%get3A_300, %get3A_301, %get3A_302, %get3A_303] : memref<32x1x512x64xf32, #tpu.memory_space<vmem>>, vector<1x1x512x64xf32>
    %get3A_305 = vector.shape_cast %get3A_304 : vector<1x1x512x64xf32> to vector<512x64xf32>
    %transpose3A_306 = tpu.transpose %get3A_305, [1, 0] : vector<512x64xf32> -> vector<64x512xf32>
    %mul3A_307 = arith.constant 8.000000e+00 : f32
    %mul3A_308 = vector.broadcast %mul3A_307 : f32 to vector<64x512xf32>
    %mul3A_309 = arith.mulf %transpose3A_306, %mul3A_308 : vector<64x512xf32>
    %swap3A_310 = arith.constant 0 : index
    %swap3A_311 = arith.constant 0 : index
    %swap3A_312 = arith.constant 9728 : index
    %swap3A_313 = vector.load %arg2[%swap3A_310, %swap3A_311, %swap3A_312] : memref<1x64x16384xf32, #tpu.memory_space<vmem>>, vector<1x64x512xf32>
    %swap3A_314 = vector.shape_cast %swap3A_313 : vector<1x64x512xf32> to vector<64x512xf32>
    %swap3A_315 = vector.shape_cast %mul3A_309 : vector<64x512xf32> to vector<1x64x512xf32>
    tpu.vector_store %arg2[%swap3A_310, %swap3A_311, %swap3A_312], %swap3A_315 {strides = array<i32>} : memref<1x64x16384xf32, #tpu.memory_space<vmem>>, vector<1x64x512xf32>,
    %get3A_316 = arith.constant 20 : index
    %get3A_317 = arith.constant 0 : index
    %get3A_318 = arith.constant 0 : index
    %get3A_319 = arith.constant 0 : index
    %get3A_320 = vector.load %arg1[%get3A_316, %get3A_317, %get3A_318, %get3A_319] : memref<32x1x512x64xf32, #tpu.memory_space<vmem>>, vector<1x1x512x64xf32>
    %get3A_321 = vector.shape_cast %get3A_320 : vector<1x1x512x64xf32> to vector<512x64xf32>
    %transpose3A_322 = tpu.transpose %get3A_321, [1, 0] : vector<512x64xf32> -> vector<64x512xf32>
    %mul3A_323 = arith.constant 8.000000e+00 : f32
    %mul3A_324 = vector.broadcast %mul3A_323 : f32 to vector<64x512xf32>
    %mul3A_325 = arith.mulf %transpose3A_322, %mul3A_324 : vector<64x512xf32>
    %swap3A_326 = arith.constant 0 : index
    %swap3A_327 = arith.constant 0 : index
    %swap3A_328 = arith.constant 10240 : index
    %swap3A_329 = vector.load %arg2[%swap3A_326, %swap3A_327, %swap3A_328] : memref<1x64x16384xf32, #tpu.memory_space<vmem>>, vector<1x64x512xf32>
    %swap3A_330 = vector.shape_cast %swap3A_329 : vector<1x64x512xf32> to vector<64x512xf32>
    %swap3A_331 = vector.shape_cast %mul3A_325 : vector<64x512xf32> to vector<1x64x512xf32>
    tpu.vector_store %arg2[%swap3A_326, %swap3A_327, %swap3A_328], %swap3A_331 {strides = array<i32>} : memref<1x64x16384xf32, #tpu.memory_space<vmem>>, vector<1x64x512xf32>,
    %get3A_332 = arith.constant 21 : index
    %get3A_333 = arith.constant 0 : index
    %get3A_334 = arith.constant 0 : index
    %get3A_335 = arith.constant 0 : index
    %get3A_336 = vector.load %arg1[%get3A_332, %get3A_333, %get3A_334, %get3A_335] : memref<32x1x512x64xf32, #tpu.memory_space<vmem>>, vector<1x1x512x64xf32>
    %get3A_337 = vector.shape_cast %get3A_336 : vector<1x1x512x64xf32> to vector<512x64xf32>
    %transpose3A_338 = tpu.transpose %get3A_337, [1, 0] : vector<512x64xf32> -> vector<64x512xf32>
    %mul3A_339 = arith.constant 8.000000e+00 : f32
    %mul3A_340 = vector.broadcast %mul3A_339 : f32 to vector<64x512xf32>
    %mul3A_341 = arith.mulf %transpose3A_338, %mul3A_340 : vector<64x512xf32>
    %swap3A_342 = arith.constant 0 : index
    %swap3A_343 = arith.constant 0 : index
    %swap3A_344 = arith.constant 10752 : index
    %swap3A_345 = vector.load %arg2[%swap3A_342, %swap3A_343, %swap3A_344] : memref<1x64x16384xf32, #tpu.memory_space<vmem>>, vector<1x64x512xf32>
    %swap3A_346 = vector.shape_cast %swap3A_345 : vector<1x64x512xf32> to vector<64x512xf32>
    %swap3A_347 = vector.shape_cast %mul3A_341 : vector<64x512xf32> to vector<1x64x512xf32>
    tpu.vector_store %arg2[%swap3A_342, %swap3A_343, %swap3A_344], %swap3A_347 {strides = array<i32>} : memref<1x64x16384xf32, #tpu.memory_space<vmem>>, vector<1x64x512xf32>,
    %get3A_348 = arith.constant 22 : index
    %get3A_349 = arith.constant 0 : index
    %get3A_350 = arith.constant 0 : index
    %get3A_351 = arith.constant 0 : index
    %get3A_352 = vector.load %arg1[%get3A_348, %get3A_349, %get3A_350, %get3A_351] : memref<32x1x512x64xf32, #tpu.memory_space<vmem>>, vector<1x1x512x64xf32>
    %get3A_353 = vector.shape_cast %get3A_352 : vector<1x1x512x64xf32> to vector<512x64xf32>
    %transpose3A_354 = tpu.transpose %get3A_353, [1, 0] : vector<512x64xf32> -> vector<64x512xf32>
    %mul3A_355 = arith.constant 8.000000e+00 : f32
    %mul3A_356 = vector.broadcast %mul3A_355 : f32 to vector<64x512xf32>
    %mul3A_357 = arith.mulf %transpose3A_354, %mul3A_356 : vector<64x512xf32>
    %swap3A_358 = arith.constant 0 : index
    %swap3A_359 = arith.constant 0 : index
    %swap3A_360 = arith.constant 11264 : index
    %swap3A_361 = vector.load %arg2[%swap3A_358, %swap3A_359, %swap3A_360] : memref<1x64x16384xf32, #tpu.memory_space<vmem>>, vector<1x64x512xf32>
    %swap3A_362 = vector.shape_cast %swap3A_361 : vector<1x64x512xf32> to vector<64x512xf32>
    %swap3A_363 = vector.shape_cast %mul3A_357 : vector<64x512xf32> to vector<1x64x512xf32>
    tpu.vector_store %arg2[%swap3A_358, %swap3A_359, %swap3A_360], %swap3A_363 {strides = array<i32>} : memref<1x64x16384xf32, #tpu.memory_space<vmem>>, vector<1x64x512xf32>,
    %get3A_364 = arith.constant 23 : index
    %get3A_365 = arith.constant 0 : index
    %get3A_366 = arith.constant 0 : index
    %get3A_367 = arith.constant 0 : index
    %get3A_368 = vector.load %arg1[%get3A_364, %get3A_365, %get3A_366, %get3A_367] : memref<32x1x512x64xf32, #tpu.memory_space<vmem>>, vector<1x1x512x64xf32>
    %get3A_369 = vector.shape_cast %get3A_368 : vector<1x1x512x64xf32> to vector<512x64xf32>
    %transpose3A_370 = tpu.transpose %get3A_369, [1, 0] : vector<512x64xf32> -> vector<64x512xf32>
    %mul3A_371 = arith.constant 8.000000e+00 : f32
    %mul3A_372 = vector.broadcast %mul3A_371 : f32 to vector<64x512xf32>
    %mul3A_373 = arith.mulf %transpose3A_370, %mul3A_372 : vector<64x512xf32>
    %swap3A_374 = arith.constant 0 : index
    %swap3A_375 = arith.constant 0 : index
    %swap3A_376 = arith.constant 11776 : index
    %swap3A_377 = vector.load %arg2[%swap3A_374, %swap3A_375, %swap3A_376] : memref<1x64x16384xf32, #tpu.memory_space<vmem>>, vector<1x64x512xf32>
    %swap3A_378 = vector.shape_cast %swap3A_377 : vector<1x64x512xf32> to vector<64x512xf32>
    %swap3A_379 = vector.shape_cast %mul3A_373 : vector<64x512xf32> to vector<1x64x512xf32>
    tpu.vector_store %arg2[%swap3A_374, %swap3A_375, %swap3A_376], %swap3A_379 {strides = array<i32>} : memref<1x64x16384xf32, #tpu.memory_space<vmem>>, vector<1x64x512xf32>,
    %get3A_380 = arith.constant 24 : index
    %get3A_381 = arith.constant 0 : index
    %get3A_382 = arith.constant 0 : index
    %get3A_383 = arith.constant 0 : index
    %get3A_384 = vector.load %arg1[%get3A_380, %get3A_381, %get3A_382, %get3A_383] : memref<32x1x512x64xf32, #tpu.memory_space<vmem>>, vector<1x1x512x64xf32>
    %get3A_385 = vector.shape_cast %get3A_384 : vector<1x1x512x64xf32> to vector<512x64xf32>
    %transpose3A_386 = tpu.transpose %get3A_385, [1, 0] : vector<512x64xf32> -> vector<64x512xf32>
    %mul3A_387 = arith.constant 8.000000e+00 : f32
    %mul3A_388 = vector.broadcast %mul3A_387 : f32 to vector<64x512xf32>
    %mul3A_389 = arith.mulf %transpose3A_386, %mul3A_388 : vector<64x512xf32>
    %swap3A_390 = arith.constant 0 : index
    %swap3A_391 = arith.constant 0 : index
    %swap3A_392 = arith.constant 12288 : index
    %swap3A_393 = vector.load %arg2[%swap3A_390, %swap3A_391, %swap3A_392] : memref<1x64x16384xf32, #tpu.memory_space<vmem>>, vector<1x64x512xf32>
    %swap3A_394 = vector.shape_cast %swap3A_393 : vector<1x64x512xf32> to vector<64x512xf32>
    %swap3A_395 = vector.shape_cast %mul3A_389 : vector<64x512xf32> to vector<1x64x512xf32>
    tpu.vector_store %arg2[%swap3A_390, %swap3A_391, %swap3A_392], %swap3A_395 {strides = array<i32>} : memref<1x64x16384xf32, #tpu.memory_space<vmem>>, vector<1x64x512xf32>,
    %get3A_396 = arith.constant 25 : index
    %get3A_397 = arith.constant 0 : index
    %get3A_398 = arith.constant 0 : index
    %get3A_399 = arith.constant 0 : index
    %get3A_400 = vector.load %arg1[%get3A_396, %get3A_397, %get3A_398, %get3A_399] : memref<32x1x512x64xf32, #tpu.memory_space<vmem>>, vector<1x1x512x64xf32>
    %get3A_401 = vector.shape_cast %get3A_400 : vector<1x1x512x64xf32> to vector<512x64xf32>
    %transpose3A_402 = tpu.transpose %get3A_401, [1, 0] : vector<512x64xf32> -> vector<64x512xf32>
    %mul3A_403 = arith.constant 8.000000e+00 : f32
    %mul3A_404 = vector.broadcast %mul3A_403 : f32 to vector<64x512xf32>
    %mul3A_405 = arith.mulf %transpose3A_402, %mul3A_404 : vector<64x512xf32>
    %swap3A_406 = arith.constant 0 : index
    %swap3A_407 = arith.constant 0 : index
    %swap3A_408 = arith.constant 12800 : index
    %swap3A_409 = vector.load %arg2[%swap3A_406, %swap3A_407, %swap3A_408] : memref<1x64x16384xf32, #tpu.memory_space<vmem>>, vector<1x64x512xf32>
    %swap3A_410 = vector.shape_cast %swap3A_409 : vector<1x64x512xf32> to vector<64x512xf32>
    %swap3A_411 = vector.shape_cast %mul3A_405 : vector<64x512xf32> to vector<1x64x512xf32>
    tpu.vector_store %arg2[%swap3A_406, %swap3A_407, %swap3A_408], %swap3A_411 {strides = array<i32>} : memref<1x64x16384xf32, #tpu.memory_space<vmem>>, vector<1x64x512xf32>,
    %get3A_412 = arith.constant 26 : index
    %get3A_413 = arith.constant 0 : index
    %get3A_414 = arith.constant 0 : index
    %get3A_415 = arith.constant 0 : index
    %get3A_416 = vector.load %arg1[%get3A_412, %get3A_413, %get3A_414, %get3A_415] : memref<32x1x512x64xf32, #tpu.memory_space<vmem>>, vector<1x1x512x64xf32>
    %get3A_417 = vector.shape_cast %get3A_416 : vector<1x1x512x64xf32> to vector<512x64xf32>
    %transpose3A_418 = tpu.transpose %get3A_417, [1, 0] : vector<512x64xf32> -> vector<64x512xf32>
    %mul3A_419 = arith.constant 8.000000e+00 : f32
    %mul3A_420 = vector.broadcast %mul3A_419 : f32 to vector<64x512xf32>
    %mul3A_421 = arith.mulf %transpose3A_418, %mul3A_420 : vector<64x512xf32>
    %swap3A_422 = arith.constant 0 : index
    %swap3A_423 = arith.constant 0 : index
    %swap3A_424 = arith.constant 13312 : index
    %swap3A_425 = vector.load %arg2[%swap3A_422, %swap3A_423, %swap3A_424] : memref<1x64x16384xf32, #tpu.memory_space<vmem>>, vector<1x64x512xf32>
    %swap3A_426 = vector.shape_cast %swap3A_425 : vector<1x64x512xf32> to vector<64x512xf32>
    %swap3A_427 = vector.shape_cast %mul3A_421 : vector<64x512xf32> to vector<1x64x512xf32>
    tpu.vector_store %arg2[%swap3A_422, %swap3A_423, %swap3A_424], %swap3A_427 {strides = array<i32>} : memref<1x64x16384xf32, #tpu.memory_space<vmem>>, vector<1x64x512xf32>,
    %get3A_428 = arith.constant 27 : index
    %get3A_429 = arith.constant 0 : index
    %get3A_430 = arith.constant 0 : index
    %get3A_431 = arith.constant 0 : index
    %get3A_432 = vector.load %arg1[%get3A_428, %get3A_429, %get3A_430, %get3A_431] : memref<32x1x512x64xf32, #tpu.memory_space<vmem>>, vector<1x1x512x64xf32>
    %get3A_433 = vector.shape_cast %get3A_432 : vector<1x1x512x64xf32> to vector<512x64xf32>
    %transpose3A_434 = tpu.transpose %get3A_433, [1, 0] : vector<512x64xf32> -> vector<64x512xf32>
    %mul3A_435 = arith.constant 8.000000e+00 : f32
    %mul3A_436 = vector.broadcast %mul3A_435 : f32 to vector<64x512xf32>
    %mul3A_437 = arith.mulf %transpose3A_434, %mul3A_436 : vector<64x512xf32>
    %swap3A_438 = arith.constant 0 : index
    %swap3A_439 = arith.constant 0 : index
    %swap3A_440 = arith.constant 13824 : index
    %swap3A_441 = vector.load %arg2[%swap3A_438, %swap3A_439, %swap3A_440] : memref<1x64x16384xf32, #tpu.memory_space<vmem>>, vector<1x64x512xf32>
    %swap3A_442 = vector.shape_cast %swap3A_441 : vector<1x64x512xf32> to vector<64x512xf32>
    %swap3A_443 = vector.shape_cast %mul3A_437 : vector<64x512xf32> to vector<1x64x512xf32>
    tpu.vector_store %arg2[%swap3A_438, %swap3A_439, %swap3A_440], %swap3A_443 {strides = array<i32>} : memref<1x64x16384xf32, #tpu.memory_space<vmem>>, vector<1x64x512xf32>,
    %get3A_444 = arith.constant 28 : index
    %get3A_445 = arith.constant 0 : index
    %get3A_446 = arith.constant 0 : index
    %get3A_447 = arith.constant 0 : index
    %get3A_448 = vector.load %arg1[%get3A_444, %get3A_445, %get3A_446, %get3A_447] : memref<32x1x512x64xf32, #tpu.memory_space<vmem>>, vector<1x1x512x64xf32>
    %get3A_449 = vector.shape_cast %get3A_448 : vector<1x1x512x64xf32> to vector<512x64xf32>
    %transpose3A_450 = tpu.transpose %get3A_449, [1, 0] : vector<512x64xf32> -> vector<64x512xf32>
    %mul3A_451 = arith.constant 8.000000e+00 : f32
    %mul3A_452 = vector.broadcast %mul3A_451 : f32 to vector<64x512xf32>
    %mul3A_453 = arith.mulf %transpose3A_450, %mul3A_452 : vector<64x512xf32>
    %swap3A_454 = arith.constant 0 : index
    %swap3A_455 = arith.constant 0 : index
    %swap3A_456 = arith.constant 14336 : index
    %swap3A_457 = vector.load %arg2[%swap3A_454, %swap3A_455, %swap3A_456] : memref<1x64x16384xf32, #tpu.memory_space<vmem>>, vector<1x64x512xf32>
    %swap3A_458 = vector.shape_cast %swap3A_457 : vector<1x64x512xf32> to vector<64x512xf32>
    %swap3A_459 = vector.shape_cast %mul3A_453 : vector<64x512xf32> to vector<1x64x512xf32>
    tpu.vector_store %arg2[%swap3A_454, %swap3A_455, %swap3A_456], %swap3A_459 {strides = array<i32>} : memref<1x64x16384xf32, #tpu.memory_space<vmem>>, vector<1x64x512xf32>,
    %get3A_460 = arith.constant 29 : index
    %get3A_461 = arith.constant 0 : index
    %get3A_462 = arith.constant 0 : index
    %get3A_463 = arith.constant 0 : index
    %get3A_464 = vector.load %arg1[%get3A_460, %get3A_461, %get3A_462, %get3A_463] : memref<32x1x512x64xf32, #tpu.memory_space<vmem>>, vector<1x1x512x64xf32>
    %get3A_465 = vector.shape_cast %get3A_464 : vector<1x1x512x64xf32> to vector<512x64xf32>
    %transpose3A_466 = tpu.transpose %get3A_465, [1, 0] : vector<512x64xf32> -> vector<64x512xf32>
    %mul3A_467 = arith.constant 8.000000e+00 : f32
    %mul3A_468 = vector.broadcast %mul3A_467 : f32 to vector<64x512xf32>
    %mul3A_469 = arith.mulf %transpose3A_466, %mul3A_468 : vector<64x512xf32>
    %swap3A_470 = arith.constant 0 : index
    %swap3A_471 = arith.constant 0 : index
    %swap3A_472 = arith.constant 14848 : index
    %swap3A_473 = vector.load %arg2[%swap3A_470, %swap3A_471, %swap3A_472] : memref<1x64x16384xf32, #tpu.memory_space<vmem>>, vector<1x64x512xf32>
    %swap3A_474 = vector.shape_cast %swap3A_473 : vector<1x64x512xf32> to vector<64x512xf32>
    %swap3A_475 = vector.shape_cast %mul3A_469 : vector<64x512xf32> to vector<1x64x512xf32>
    tpu.vector_store %arg2[%swap3A_470, %swap3A_471, %swap3A_472], %swap3A_475 {strides = array<i32>} : memref<1x64x16384xf32, #tpu.memory_space<vmem>>, vector<1x64x512xf32>,
    %get3A_476 = arith.constant 30 : index
    %get3A_477 = arith.constant 0 : index
    %get3A_478 = arith.constant 0 : index
    %get3A_479 = arith.constant 0 : index
    %get3A_480 = vector.load %arg1[%get3A_476, %get3A_477, %get3A_478, %get3A_479] : memref<32x1x512x64xf32, #tpu.memory_space<vmem>>, vector<1x1x512x64xf32>
    %get3A_481 = vector.shape_cast %get3A_480 : vector<1x1x512x64xf32> to vector<512x64xf32>
    %transpose3A_482 = tpu.transpose %get3A_481, [1, 0] : vector<512x64xf32> -> vector<64x512xf32>
    %mul3A_483 = arith.constant 8.000000e+00 : f32
    %mul3A_484 = vector.broadcast %mul3A_483 : f32 to vector<64x512xf32>
    %mul3A_485 = arith.mulf %transpose3A_482, %mul3A_484 : vector<64x512xf32>
    %swap3A_486 = arith.constant 0 : index
    %swap3A_487 = arith.constant 0 : index
    %swap3A_488 = arith.constant 15360 : index
    %swap3A_489 = vector.load %arg2[%swap3A_486, %swap3A_487, %swap3A_488] : memref<1x64x16384xf32, #tpu.memory_space<vmem>>, vector<1x64x512xf32>
    %swap3A_490 = vector.shape_cast %swap3A_489 : vector<1x64x512xf32> to vector<64x512xf32>
    %swap3A_491 = vector.shape_cast %mul3A_485 : vector<64x512xf32> to vector<1x64x512xf32>
    tpu.vector_store %arg2[%swap3A_486, %swap3A_487, %swap3A_488], %swap3A_491 {strides = array<i32>} : memref<1x64x16384xf32, #tpu.memory_space<vmem>>, vector<1x64x512xf32>,
    %get3A_492 = arith.constant 31 : index
    %get3A_493 = arith.constant 0 : index
    %get3A_494 = arith.constant 0 : index
    %get3A_495 = arith.constant 0 : index
    %get3A_496 = vector.load %arg1[%get3A_492, %get3A_493, %get3A_494, %get3A_495] : memref<32x1x512x64xf32, #tpu.memory_space<vmem>>, vector<1x1x512x64xf32>
    %get3A_497 = vector.shape_cast %get3A_496 : vector<1x1x512x64xf32> to vector<512x64xf32>
    %transpose3A_498 = tpu.transpose %get3A_497, [1, 0] : vector<512x64xf32> -> vector<64x512xf32>
    %mul3A_499 = arith.constant 8.000000e+00 : f32
    %mul3A_500 = vector.broadcast %mul3A_499 : f32 to vector<64x512xf32>
    %mul3A_501 = arith.mulf %transpose3A_498, %mul3A_500 : vector<64x512xf32>
    %swap3A_502 = arith.constant 0 : index
    %swap3A_503 = arith.constant 0 : index
    %swap3A_504 = arith.constant 15872 : index
    %swap3A_505 = vector.load %arg2[%swap3A_502, %swap3A_503, %swap3A_504] : memref<1x64x16384xf32, #tpu.memory_space<vmem>>, vector<1x64x512xf32>
    %swap3A_506 = vector.shape_cast %swap3A_505 : vector<1x64x512xf32> to vector<64x512xf32>
    %swap3A_507 = vector.shape_cast %mul3A_501 : vector<64x512xf32> to vector<1x64x512xf32>
    tpu.vector_store %arg2[%swap3A_502, %swap3A_503, %swap3A_504], %swap3A_507 {strides = array<i32>} : memref<1x64x16384xf32, #tpu.memory_space<vmem>>, vector<1x64x512xf32>,
    return
  }
  func.func @transform_0(%arg0: i32) -> (i32, i32, i32, i32) {
    %c0_i32 = arith.constant 0 : i32
    %c0_i32_0 = arith.constant 0 : i32
    %c0_i32_1 = arith.constant 0 : i32
    %c0_i32_2 = arith.constant 0 : i32
    return %c0_i32, %arg0, %c0_i32_0, %c0_i32_1 : i32, i32, i32, i32
  }
  func.func @transform_1(%arg0: i32) -> (i32, i32, i32) {
    %c0_i32 = arith.constant 0 : i32
    %c0_i32_0 = arith.constant 0 : i32
    %c0_i32_1 = arith.constant 0 : i32
    return %arg0, %c0_i32, %c0_i32_0 : i32, i32, i32
  }
}

module attributes {stable_mosaic.version = 14 : i64} {
  func.func @_tr_body_second(%arg0: i32, %arg1: memref<32x1x512x64xf32, #tpu.memory_space<vmem>>, %arg2: memref<50x64x16384xf32, #tpu.memory_space<hbm>>, %arg3: memref<1x64x16384xf32, #tpu.memory_space<vmem>>) attributes {dimension_semantics = [#tpu.dimension_semantics<arbitrary>], iteration_bounds = array<i64: 25>, scalar_prefetch = 0 : i64, scratch_operands = 0 : i64, tpu.core_type = #tpu.core_type<tc>, window_params = [{transform_indices = @transform_0, window_bounds = array<i64: 32, 1, 512, 64>}, {}, {transform_indices = @transform_2, window_bounds = array<i64: 1, 64, 16384>}]} {
    %get3A = arith.constant 0 : index
    %get3A_0 = arith.constant 0 : index
    %get3A_1 = arith.constant 0 : index
    %get3A_2 = arith.constant 0 : index
    %get3A_3 = vector.load %arg1[%get3A, %get3A_0, %get3A_1, %get3A_2] : memref<32x1x512x64xf32, #tpu.memory_space<vmem>>, vector<1x1x512x64xf32>
    %get3A_4 = vector.shape_cast %get3A_3 : vector<1x1x512x64xf32> to vector<512x64xf32>
    %transpose3A = tpu.transpose %get3A_4, [1, 0] : vector<512x64xf32> -> vector<64x512xf32>
    %mul3A = arith.constant 8.000000e+00 : f32
    %mul3A_5 = vector.broadcast %mul3A : f32 to vector<64x512xf32>
    %mul3A_6 = arith.mulf %transpose3A, %mul3A_5 : vector<64x512xf32>
    %swap3A = arith.constant 0 : index
    %swap3A_7 = arith.constant 0 : index
    %swap3A_8 = arith.constant 0 : index
    %swap3A_9 = vector.load %arg3[%swap3A, %swap3A_7, %swap3A_8] : memref<1x64x16384xf32, #tpu.memory_space<vmem>>, vector<1x64x512xf32>
    %swap3A_10 = vector.shape_cast %swap3A_9 : vector<1x64x512xf32> to vector<64x512xf32>
    %swap3A_11 = vector.shape_cast %mul3A_6 : vector<64x512xf32> to vector<1x64x512xf32>
    tpu.vector_store %arg3[%swap3A, %swap3A_7, %swap3A_8], %swap3A_11 {strides = array<i32>} : memref<1x64x16384xf32, #tpu.memory_space<vmem>>, vector<1x64x512xf32>,
    %get3A_12 = arith.constant 1 : index
    %get3A_13 = arith.constant 0 : index
    %get3A_14 = arith.constant 0 : index
    %get3A_15 = arith.constant 0 : index
    %get3A_16 = vector.load %arg1[%get3A_12, %get3A_13, %get3A_14, %get3A_15] : memref<32x1x512x64xf32, #tpu.memory_space<vmem>>, vector<1x1x512x64xf32>
    %get3A_17 = vector.shape_cast %get3A_16 : vector<1x1x512x64xf32> to vector<512x64xf32>
    %transpose3A_18 = tpu.transpose %get3A_17, [1, 0] : vector<512x64xf32> -> vector<64x512xf32>
    %mul3A_19 = arith.constant 8.000000e+00 : f32
    %mul3A_20 = vector.broadcast %mul3A_19 : f32 to vector<64x512xf32>
    %mul3A_21 = arith.mulf %transpose3A_18, %mul3A_20 : vector<64x512xf32>
    %swap3A_22 = arith.constant 0 : index
    %swap3A_23 = arith.constant 0 : index
    %swap3A_24 = arith.constant 512 : index
    %swap3A_25 = vector.load %arg3[%swap3A_22, %swap3A_23, %swap3A_24] : memref<1x64x16384xf32, #tpu.memory_space<vmem>>, vector<1x64x512xf32>
    %swap3A_26 = vector.shape_cast %swap3A_25 : vector<1x64x512xf32> to vector<64x512xf32>
    %swap3A_27 = vector.shape_cast %mul3A_21 : vector<64x512xf32> to vector<1x64x512xf32>
    tpu.vector_store %arg3[%swap3A_22, %swap3A_23, %swap3A_24], %swap3A_27 {strides = array<i32>} : memref<1x64x16384xf32, #tpu.memory_space<vmem>>, vector<1x64x512xf32>,
    %get3A_28 = arith.constant 2 : index
    %get3A_29 = arith.constant 0 : index
    %get3A_30 = arith.constant 0 : index
    %get3A_31 = arith.constant 0 : index
    %get3A_32 = vector.load %arg1[%get3A_28, %get3A_29, %get3A_30, %get3A_31] : memref<32x1x512x64xf32, #tpu.memory_space<vmem>>, vector<1x1x512x64xf32>
    %get3A_33 = vector.shape_cast %get3A_32 : vector<1x1x512x64xf32> to vector<512x64xf32>
    %transpose3A_34 = tpu.transpose %get3A_33, [1, 0] : vector<512x64xf32> -> vector<64x512xf32>
    %mul3A_35 = arith.constant 8.000000e+00 : f32
    %mul3A_36 = vector.broadcast %mul3A_35 : f32 to vector<64x512xf32>
    %mul3A_37 = arith.mulf %transpose3A_34, %mul3A_36 : vector<64x512xf32>
    %swap3A_38 = arith.constant 0 : index
    %swap3A_39 = arith.constant 0 : index
    %swap3A_40 = arith.constant 1024 : index
    %swap3A_41 = vector.load %arg3[%swap3A_38, %swap3A_39, %swap3A_40] : memref<1x64x16384xf32, #tpu.memory_space<vmem>>, vector<1x64x512xf32>
    %swap3A_42 = vector.shape_cast %swap3A_41 : vector<1x64x512xf32> to vector<64x512xf32>
    %swap3A_43 = vector.shape_cast %mul3A_37 : vector<64x512xf32> to vector<1x64x512xf32>
    tpu.vector_store %arg3[%swap3A_38, %swap3A_39, %swap3A_40], %swap3A_43 {strides = array<i32>} : memref<1x64x16384xf32, #tpu.memory_space<vmem>>, vector<1x64x512xf32>,
    %get3A_44 = arith.constant 3 : index
    %get3A_45 = arith.constant 0 : index
    %get3A_46 = arith.constant 0 : index
    %get3A_47 = arith.constant 0 : index
    %get3A_48 = vector.load %arg1[%get3A_44, %get3A_45, %get3A_46, %get3A_47] : memref<32x1x512x64xf32, #tpu.memory_space<vmem>>, vector<1x1x512x64xf32>
    %get3A_49 = vector.shape_cast %get3A_48 : vector<1x1x512x64xf32> to vector<512x64xf32>
    %transpose3A_50 = tpu.transpose %get3A_49, [1, 0] : vector<512x64xf32> -> vector<64x512xf32>
    %mul3A_51 = arith.constant 8.000000e+00 : f32
    %mul3A_52 = vector.broadcast %mul3A_51 : f32 to vector<64x512xf32>
    %mul3A_53 = arith.mulf %transpose3A_50, %mul3A_52 : vector<64x512xf32>
    %swap3A_54 = arith.constant 0 : index
    %swap3A_55 = arith.constant 0 : index
    %swap3A_56 = arith.constant 1536 : index
    %swap3A_57 = vector.load %arg3[%swap3A_54, %swap3A_55, %swap3A_56] : memref<1x64x16384xf32, #tpu.memory_space<vmem>>, vector<1x64x512xf32>
    %swap3A_58 = vector.shape_cast %swap3A_57 : vector<1x64x512xf32> to vector<64x512xf32>
    %swap3A_59 = vector.shape_cast %mul3A_53 : vector<64x512xf32> to vector<1x64x512xf32>
    tpu.vector_store %arg3[%swap3A_54, %swap3A_55, %swap3A_56], %swap3A_59 {strides = array<i32>} : memref<1x64x16384xf32, #tpu.memory_space<vmem>>, vector<1x64x512xf32>,
    %get3A_60 = arith.constant 4 : index
    %get3A_61 = arith.constant 0 : index
    %get3A_62 = arith.constant 0 : index
    %get3A_63 = arith.constant 0 : index
    %get3A_64 = vector.load %arg1[%get3A_60, %get3A_61, %get3A_62, %get3A_63] : memref<32x1x512x64xf32, #tpu.memory_space<vmem>>, vector<1x1x512x64xf32>
    %get3A_65 = vector.shape_cast %get3A_64 : vector<1x1x512x64xf32> to vector<512x64xf32>
    %transpose3A_66 = tpu.transpose %get3A_65, [1, 0] : vector<512x64xf32> -> vector<64x512xf32>
    %mul3A_67 = arith.constant 8.000000e+00 : f32
    %mul3A_68 = vector.broadcast %mul3A_67 : f32 to vector<64x512xf32>
    %mul3A_69 = arith.mulf %transpose3A_66, %mul3A_68 : vector<64x512xf32>
    %swap3A_70 = arith.constant 0 : index
    %swap3A_71 = arith.constant 0 : index
    %swap3A_72 = arith.constant 2048 : index
    %swap3A_73 = vector.load %arg3[%swap3A_70, %swap3A_71, %swap3A_72] : memref<1x64x16384xf32, #tpu.memory_space<vmem>>, vector<1x64x512xf32>
    %swap3A_74 = vector.shape_cast %swap3A_73 : vector<1x64x512xf32> to vector<64x512xf32>
    %swap3A_75 = vector.shape_cast %mul3A_69 : vector<64x512xf32> to vector<1x64x512xf32>
    tpu.vector_store %arg3[%swap3A_70, %swap3A_71, %swap3A_72], %swap3A_75 {strides = array<i32>} : memref<1x64x16384xf32, #tpu.memory_space<vmem>>, vector<1x64x512xf32>,
    %get3A_76 = arith.constant 5 : index
    %get3A_77 = arith.constant 0 : index
    %get3A_78 = arith.constant 0 : index
    %get3A_79 = arith.constant 0 : index
    %get3A_80 = vector.load %arg1[%get3A_76, %get3A_77, %get3A_78, %get3A_79] : memref<32x1x512x64xf32, #tpu.memory_space<vmem>>, vector<1x1x512x64xf32>
    %get3A_81 = vector.shape_cast %get3A_80 : vector<1x1x512x64xf32> to vector<512x64xf32>
    %transpose3A_82 = tpu.transpose %get3A_81, [1, 0] : vector<512x64xf32> -> vector<64x512xf32>
    %mul3A_83 = arith.constant 8.000000e+00 : f32
    %mul3A_84 = vector.broadcast %mul3A_83 : f32 to vector<64x512xf32>
    %mul3A_85 = arith.mulf %transpose3A_82, %mul3A_84 : vector<64x512xf32>
    %swap3A_86 = arith.constant 0 : index
    %swap3A_87 = arith.constant 0 : index
    %swap3A_88 = arith.constant 2560 : index
    %swap3A_89 = vector.load %arg3[%swap3A_86, %swap3A_87, %swap3A_88] : memref<1x64x16384xf32, #tpu.memory_space<vmem>>, vector<1x64x512xf32>
    %swap3A_90 = vector.shape_cast %swap3A_89 : vector<1x64x512xf32> to vector<64x512xf32>
    %swap3A_91 = vector.shape_cast %mul3A_85 : vector<64x512xf32> to vector<1x64x512xf32>
    tpu.vector_store %arg3[%swap3A_86, %swap3A_87, %swap3A_88], %swap3A_91 {strides = array<i32>} : memref<1x64x16384xf32, #tpu.memory_space<vmem>>, vector<1x64x512xf32>,
    %get3A_92 = arith.constant 6 : index
    %get3A_93 = arith.constant 0 : index
    %get3A_94 = arith.constant 0 : index
    %get3A_95 = arith.constant 0 : index
    %get3A_96 = vector.load %arg1[%get3A_92, %get3A_93, %get3A_94, %get3A_95] : memref<32x1x512x64xf32, #tpu.memory_space<vmem>>, vector<1x1x512x64xf32>
    %get3A_97 = vector.shape_cast %get3A_96 : vector<1x1x512x64xf32> to vector<512x64xf32>
    %transpose3A_98 = tpu.transpose %get3A_97, [1, 0] : vector<512x64xf32> -> vector<64x512xf32>
    %mul3A_99 = arith.constant 8.000000e+00 : f32
    %mul3A_100 = vector.broadcast %mul3A_99 : f32 to vector<64x512xf32>
    %mul3A_101 = arith.mulf %transpose3A_98, %mul3A_100 : vector<64x512xf32>
    %swap3A_102 = arith.constant 0 : index
    %swap3A_103 = arith.constant 0 : index
    %swap3A_104 = arith.constant 3072 : index
    %swap3A_105 = vector.load %arg3[%swap3A_102, %swap3A_103, %swap3A_104] : memref<1x64x16384xf32, #tpu.memory_space<vmem>>, vector<1x64x512xf32>
    %swap3A_106 = vector.shape_cast %swap3A_105 : vector<1x64x512xf32> to vector<64x512xf32>
    %swap3A_107 = vector.shape_cast %mul3A_101 : vector<64x512xf32> to vector<1x64x512xf32>
    tpu.vector_store %arg3[%swap3A_102, %swap3A_103, %swap3A_104], %swap3A_107 {strides = array<i32>} : memref<1x64x16384xf32, #tpu.memory_space<vmem>>, vector<1x64x512xf32>,
    %get3A_108 = arith.constant 7 : index
    %get3A_109 = arith.constant 0 : index
    %get3A_110 = arith.constant 0 : index
    %get3A_111 = arith.constant 0 : index
    %get3A_112 = vector.load %arg1[%get3A_108, %get3A_109, %get3A_110, %get3A_111] : memref<32x1x512x64xf32, #tpu.memory_space<vmem>>, vector<1x1x512x64xf32>
    %get3A_113 = vector.shape_cast %get3A_112 : vector<1x1x512x64xf32> to vector<512x64xf32>
    %transpose3A_114 = tpu.transpose %get3A_113, [1, 0] : vector<512x64xf32> -> vector<64x512xf32>
    %mul3A_115 = arith.constant 8.000000e+00 : f32
    %mul3A_116 = vector.broadcast %mul3A_115 : f32 to vector<64x512xf32>
    %mul3A_117 = arith.mulf %transpose3A_114, %mul3A_116 : vector<64x512xf32>
    %swap3A_118 = arith.constant 0 : index
    %swap3A_119 = arith.constant 0 : index
    %swap3A_120 = arith.constant 3584 : index
    %swap3A_121 = vector.load %arg3[%swap3A_118, %swap3A_119, %swap3A_120] : memref<1x64x16384xf32, #tpu.memory_space<vmem>>, vector<1x64x512xf32>
    %swap3A_122 = vector.shape_cast %swap3A_121 : vector<1x64x512xf32> to vector<64x512xf32>
    %swap3A_123 = vector.shape_cast %mul3A_117 : vector<64x512xf32> to vector<1x64x512xf32>
    tpu.vector_store %arg3[%swap3A_118, %swap3A_119, %swap3A_120], %swap3A_123 {strides = array<i32>} : memref<1x64x16384xf32, #tpu.memory_space<vmem>>, vector<1x64x512xf32>,
    %get3A_124 = arith.constant 8 : index
    %get3A_125 = arith.constant 0 : index
    %get3A_126 = arith.constant 0 : index
    %get3A_127 = arith.constant 0 : index
    %get3A_128 = vector.load %arg1[%get3A_124, %get3A_125, %get3A_126, %get3A_127] : memref<32x1x512x64xf32, #tpu.memory_space<vmem>>, vector<1x1x512x64xf32>
    %get3A_129 = vector.shape_cast %get3A_128 : vector<1x1x512x64xf32> to vector<512x64xf32>
    %transpose3A_130 = tpu.transpose %get3A_129, [1, 0] : vector<512x64xf32> -> vector<64x512xf32>
    %mul3A_131 = arith.constant 8.000000e+00 : f32
    %mul3A_132 = vector.broadcast %mul3A_131 : f32 to vector<64x512xf32>
    %mul3A_133 = arith.mulf %transpose3A_130, %mul3A_132 : vector<64x512xf32>
    %swap3A_134 = arith.constant 0 : index
    %swap3A_135 = arith.constant 0 : index
    %swap3A_136 = arith.constant 4096 : index
    %swap3A_137 = vector.load %arg3[%swap3A_134, %swap3A_135, %swap3A_136] : memref<1x64x16384xf32, #tpu.memory_space<vmem>>, vector<1x64x512xf32>
    %swap3A_138 = vector.shape_cast %swap3A_137 : vector<1x64x512xf32> to vector<64x512xf32>
    %swap3A_139 = vector.shape_cast %mul3A_133 : vector<64x512xf32> to vector<1x64x512xf32>
    tpu.vector_store %arg3[%swap3A_134, %swap3A_135, %swap3A_136], %swap3A_139 {strides = array<i32>} : memref<1x64x16384xf32, #tpu.memory_space<vmem>>, vector<1x64x512xf32>,
    %get3A_140 = arith.constant 9 : index
    %get3A_141 = arith.constant 0 : index
    %get3A_142 = arith.constant 0 : index
    %get3A_143 = arith.constant 0 : index
    %get3A_144 = vector.load %arg1[%get3A_140, %get3A_141, %get3A_142, %get3A_143] : memref<32x1x512x64xf32, #tpu.memory_space<vmem>>, vector<1x1x512x64xf32>
    %get3A_145 = vector.shape_cast %get3A_144 : vector<1x1x512x64xf32> to vector<512x64xf32>
    %transpose3A_146 = tpu.transpose %get3A_145, [1, 0] : vector<512x64xf32> -> vector<64x512xf32>
    %mul3A_147 = arith.constant 8.000000e+00 : f32
    %mul3A_148 = vector.broadcast %mul3A_147 : f32 to vector<64x512xf32>
    %mul3A_149 = arith.mulf %transpose3A_146, %mul3A_148 : vector<64x512xf32>
    %swap3A_150 = arith.constant 0 : index
    %swap3A_151 = arith.constant 0 : index
    %swap3A_152 = arith.constant 4608 : index
    %swap3A_153 = vector.load %arg3[%swap3A_150, %swap3A_151, %swap3A_152] : memref<1x64x16384xf32, #tpu.memory_space<vmem>>, vector<1x64x512xf32>
    %swap3A_154 = vector.shape_cast %swap3A_153 : vector<1x64x512xf32> to vector<64x512xf32>
    %swap3A_155 = vector.shape_cast %mul3A_149 : vector<64x512xf32> to vector<1x64x512xf32>
    tpu.vector_store %arg3[%swap3A_150, %swap3A_151, %swap3A_152], %swap3A_155 {strides = array<i32>} : memref<1x64x16384xf32, #tpu.memory_space<vmem>>, vector<1x64x512xf32>,
    %get3A_156 = arith.constant 10 : index
    %get3A_157 = arith.constant 0 : index
    %get3A_158 = arith.constant 0 : index
    %get3A_159 = arith.constant 0 : index
    %get3A_160 = vector.load %arg1[%get3A_156, %get3A_157, %get3A_158, %get3A_159] : memref<32x1x512x64xf32, #tpu.memory_space<vmem>>, vector<1x1x512x64xf32>
    %get3A_161 = vector.shape_cast %get3A_160 : vector<1x1x512x64xf32> to vector<512x64xf32>
    %transpose3A_162 = tpu.transpose %get3A_161, [1, 0] : vector<512x64xf32> -> vector<64x512xf32>
    %mul3A_163 = arith.constant 8.000000e+00 : f32
    %mul3A_164 = vector.broadcast %mul3A_163 : f32 to vector<64x512xf32>
    %mul3A_165 = arith.mulf %transpose3A_162, %mul3A_164 : vector<64x512xf32>
    %swap3A_166 = arith.constant 0 : index
    %swap3A_167 = arith.constant 0 : index
    %swap3A_168 = arith.constant 5120 : index
    %swap3A_169 = vector.load %arg3[%swap3A_166, %swap3A_167, %swap3A_168] : memref<1x64x16384xf32, #tpu.memory_space<vmem>>, vector<1x64x512xf32>
    %swap3A_170 = vector.shape_cast %swap3A_169 : vector<1x64x512xf32> to vector<64x512xf32>
    %swap3A_171 = vector.shape_cast %mul3A_165 : vector<64x512xf32> to vector<1x64x512xf32>
    tpu.vector_store %arg3[%swap3A_166, %swap3A_167, %swap3A_168], %swap3A_171 {strides = array<i32>} : memref<1x64x16384xf32, #tpu.memory_space<vmem>>, vector<1x64x512xf32>,
    %get3A_172 = arith.constant 11 : index
    %get3A_173 = arith.constant 0 : index
    %get3A_174 = arith.constant 0 : index
    %get3A_175 = arith.constant 0 : index
    %get3A_176 = vector.load %arg1[%get3A_172, %get3A_173, %get3A_174, %get3A_175] : memref<32x1x512x64xf32, #tpu.memory_space<vmem>>, vector<1x1x512x64xf32>
    %get3A_177 = vector.shape_cast %get3A_176 : vector<1x1x512x64xf32> to vector<512x64xf32>
    %transpose3A_178 = tpu.transpose %get3A_177, [1, 0] : vector<512x64xf32> -> vector<64x512xf32>
    %mul3A_179 = arith.constant 8.000000e+00 : f32
    %mul3A_180 = vector.broadcast %mul3A_179 : f32 to vector<64x512xf32>
    %mul3A_181 = arith.mulf %transpose3A_178, %mul3A_180 : vector<64x512xf32>
    %swap3A_182 = arith.constant 0 : index
    %swap3A_183 = arith.constant 0 : index
    %swap3A_184 = arith.constant 5632 : index
    %swap3A_185 = vector.load %arg3[%swap3A_182, %swap3A_183, %swap3A_184] : memref<1x64x16384xf32, #tpu.memory_space<vmem>>, vector<1x64x512xf32>
    %swap3A_186 = vector.shape_cast %swap3A_185 : vector<1x64x512xf32> to vector<64x512xf32>
    %swap3A_187 = vector.shape_cast %mul3A_181 : vector<64x512xf32> to vector<1x64x512xf32>
    tpu.vector_store %arg3[%swap3A_182, %swap3A_183, %swap3A_184], %swap3A_187 {strides = array<i32>} : memref<1x64x16384xf32, #tpu.memory_space<vmem>>, vector<1x64x512xf32>,
    %get3A_188 = arith.constant 12 : index
    %get3A_189 = arith.constant 0 : index
    %get3A_190 = arith.constant 0 : index
    %get3A_191 = arith.constant 0 : index
    %get3A_192 = vector.load %arg1[%get3A_188, %get3A_189, %get3A_190, %get3A_191] : memref<32x1x512x64xf32, #tpu.memory_space<vmem>>, vector<1x1x512x64xf32>
    %get3A_193 = vector.shape_cast %get3A_192 : vector<1x1x512x64xf32> to vector<512x64xf32>
    %transpose3A_194 = tpu.transpose %get3A_193, [1, 0] : vector<512x64xf32> -> vector<64x512xf32>
    %mul3A_195 = arith.constant 8.000000e+00 : f32
    %mul3A_196 = vector.broadcast %mul3A_195 : f32 to vector<64x512xf32>
    %mul3A_197 = arith.mulf %transpose3A_194, %mul3A_196 : vector<64x512xf32>
    %swap3A_198 = arith.constant 0 : index
    %swap3A_199 = arith.constant 0 : index
    %swap3A_200 = arith.constant 6144 : index
    %swap3A_201 = vector.load %arg3[%swap3A_198, %swap3A_199, %swap3A_200] : memref<1x64x16384xf32, #tpu.memory_space<vmem>>, vector<1x64x512xf32>
    %swap3A_202 = vector.shape_cast %swap3A_201 : vector<1x64x512xf32> to vector<64x512xf32>
    %swap3A_203 = vector.shape_cast %mul3A_197 : vector<64x512xf32> to vector<1x64x512xf32>
    tpu.vector_store %arg3[%swap3A_198, %swap3A_199, %swap3A_200], %swap3A_203 {strides = array<i32>} : memref<1x64x16384xf32, #tpu.memory_space<vmem>>, vector<1x64x512xf32>,
    %get3A_204 = arith.constant 13 : index
    %get3A_205 = arith.constant 0 : index
    %get3A_206 = arith.constant 0 : index
    %get3A_207 = arith.constant 0 : index
    %get3A_208 = vector.load %arg1[%get3A_204, %get3A_205, %get3A_206, %get3A_207] : memref<32x1x512x64xf32, #tpu.memory_space<vmem>>, vector<1x1x512x64xf32>
    %get3A_209 = vector.shape_cast %get3A_208 : vector<1x1x512x64xf32> to vector<512x64xf32>
    %transpose3A_210 = tpu.transpose %get3A_209, [1, 0] : vector<512x64xf32> -> vector<64x512xf32>
    %mul3A_211 = arith.constant 8.000000e+00 : f32
    %mul3A_212 = vector.broadcast %mul3A_211 : f32 to vector<64x512xf32>
    %mul3A_213 = arith.mulf %transpose3A_210, %mul3A_212 : vector<64x512xf32>
    %swap3A_214 = arith.constant 0 : index
    %swap3A_215 = arith.constant 0 : index
    %swap3A_216 = arith.constant 6656 : index
    %swap3A_217 = vector.load %arg3[%swap3A_214, %swap3A_215, %swap3A_216] : memref<1x64x16384xf32, #tpu.memory_space<vmem>>, vector<1x64x512xf32>
    %swap3A_218 = vector.shape_cast %swap3A_217 : vector<1x64x512xf32> to vector<64x512xf32>
    %swap3A_219 = vector.shape_cast %mul3A_213 : vector<64x512xf32> to vector<1x64x512xf32>
    tpu.vector_store %arg3[%swap3A_214, %swap3A_215, %swap3A_216], %swap3A_219 {strides = array<i32>} : memref<1x64x16384xf32, #tpu.memory_space<vmem>>, vector<1x64x512xf32>,
    %get3A_220 = arith.constant 14 : index
    %get3A_221 = arith.constant 0 : index
    %get3A_222 = arith.constant 0 : index
    %get3A_223 = arith.constant 0 : index
    %get3A_224 = vector.load %arg1[%get3A_220, %get3A_221, %get3A_222, %get3A_223] : memref<32x1x512x64xf32, #tpu.memory_space<vmem>>, vector<1x1x512x64xf32>
    %get3A_225 = vector.shape_cast %get3A_224 : vector<1x1x512x64xf32> to vector<512x64xf32>
    %transpose3A_226 = tpu.transpose %get3A_225, [1, 0] : vector<512x64xf32> -> vector<64x512xf32>
    %mul3A_227 = arith.constant 8.000000e+00 : f32
    %mul3A_228 = vector.broadcast %mul3A_227 : f32 to vector<64x512xf32>
    %mul3A_229 = arith.mulf %transpose3A_226, %mul3A_228 : vector<64x512xf32>
    %swap3A_230 = arith.constant 0 : index
    %swap3A_231 = arith.constant 0 : index
    %swap3A_232 = arith.constant 7168 : index
    %swap3A_233 = vector.load %arg3[%swap3A_230, %swap3A_231, %swap3A_232] : memref<1x64x16384xf32, #tpu.memory_space<vmem>>, vector<1x64x512xf32>
    %swap3A_234 = vector.shape_cast %swap3A_233 : vector<1x64x512xf32> to vector<64x512xf32>
    %swap3A_235 = vector.shape_cast %mul3A_229 : vector<64x512xf32> to vector<1x64x512xf32>
    tpu.vector_store %arg3[%swap3A_230, %swap3A_231, %swap3A_232], %swap3A_235 {strides = array<i32>} : memref<1x64x16384xf32, #tpu.memory_space<vmem>>, vector<1x64x512xf32>,
    %get3A_236 = arith.constant 15 : index
    %get3A_237 = arith.constant 0 : index
    %get3A_238 = arith.constant 0 : index
    %get3A_239 = arith.constant 0 : index
    %get3A_240 = vector.load %arg1[%get3A_236, %get3A_237, %get3A_238, %get3A_239] : memref<32x1x512x64xf32, #tpu.memory_space<vmem>>, vector<1x1x512x64xf32>
    %get3A_241 = vector.shape_cast %get3A_240 : vector<1x1x512x64xf32> to vector<512x64xf32>
    %transpose3A_242 = tpu.transpose %get3A_241, [1, 0] : vector<512x64xf32> -> vector<64x512xf32>
    %mul3A_243 = arith.constant 8.000000e+00 : f32
    %mul3A_244 = vector.broadcast %mul3A_243 : f32 to vector<64x512xf32>
    %mul3A_245 = arith.mulf %transpose3A_242, %mul3A_244 : vector<64x512xf32>
    %swap3A_246 = arith.constant 0 : index
    %swap3A_247 = arith.constant 0 : index
    %swap3A_248 = arith.constant 7680 : index
    %swap3A_249 = vector.load %arg3[%swap3A_246, %swap3A_247, %swap3A_248] : memref<1x64x16384xf32, #tpu.memory_space<vmem>>, vector<1x64x512xf32>
    %swap3A_250 = vector.shape_cast %swap3A_249 : vector<1x64x512xf32> to vector<64x512xf32>
    %swap3A_251 = vector.shape_cast %mul3A_245 : vector<64x512xf32> to vector<1x64x512xf32>
    tpu.vector_store %arg3[%swap3A_246, %swap3A_247, %swap3A_248], %swap3A_251 {strides = array<i32>} : memref<1x64x16384xf32, #tpu.memory_space<vmem>>, vector<1x64x512xf32>,
    %get3A_252 = arith.constant 16 : index
    %get3A_253 = arith.constant 0 : index
    %get3A_254 = arith.constant 0 : index
    %get3A_255 = arith.constant 0 : index
    %get3A_256 = vector.load %arg1[%get3A_252, %get3A_253, %get3A_254, %get3A_255] : memref<32x1x512x64xf32, #tpu.memory_space<vmem>>, vector<1x1x512x64xf32>
    %get3A_257 = vector.shape_cast %get3A_256 : vector<1x1x512x64xf32> to vector<512x64xf32>
    %transpose3A_258 = tpu.transpose %get3A_257, [1, 0] : vector<512x64xf32> -> vector<64x512xf32>
    %mul3A_259 = arith.constant 8.000000e+00 : f32
    %mul3A_260 = vector.broadcast %mul3A_259 : f32 to vector<64x512xf32>
    %mul3A_261 = arith.mulf %transpose3A_258, %mul3A_260 : vector<64x512xf32>
    %swap3A_262 = arith.constant 0 : index
    %swap3A_263 = arith.constant 0 : index
    %swap3A_264 = arith.constant 8192 : index
    %swap3A_265 = vector.load %arg3[%swap3A_262, %swap3A_263, %swap3A_264] : memref<1x64x16384xf32, #tpu.memory_space<vmem>>, vector<1x64x512xf32>
    %swap3A_266 = vector.shape_cast %swap3A_265 : vector<1x64x512xf32> to vector<64x512xf32>
    %swap3A_267 = vector.shape_cast %mul3A_261 : vector<64x512xf32> to vector<1x64x512xf32>
    tpu.vector_store %arg3[%swap3A_262, %swap3A_263, %swap3A_264], %swap3A_267 {strides = array<i32>} : memref<1x64x16384xf32, #tpu.memory_space<vmem>>, vector<1x64x512xf32>,
    %get3A_268 = arith.constant 17 : index
    %get3A_269 = arith.constant 0 : index
    %get3A_270 = arith.constant 0 : index
    %get3A_271 = arith.constant 0 : index
    %get3A_272 = vector.load %arg1[%get3A_268, %get3A_269, %get3A_270, %get3A_271] : memref<32x1x512x64xf32, #tpu.memory_space<vmem>>, vector<1x1x512x64xf32>
    %get3A_273 = vector.shape_cast %get3A_272 : vector<1x1x512x64xf32> to vector<512x64xf32>
    %transpose3A_274 = tpu.transpose %get3A_273, [1, 0] : vector<512x64xf32> -> vector<64x512xf32>
    %mul3A_275 = arith.constant 8.000000e+00 : f32
    %mul3A_276 = vector.broadcast %mul3A_275 : f32 to vector<64x512xf32>
    %mul3A_277 = arith.mulf %transpose3A_274, %mul3A_276 : vector<64x512xf32>
    %swap3A_278 = arith.constant 0 : index
    %swap3A_279 = arith.constant 0 : index
    %swap3A_280 = arith.constant 8704 : index
    %swap3A_281 = vector.load %arg3[%swap3A_278, %swap3A_279, %swap3A_280] : memref<1x64x16384xf32, #tpu.memory_space<vmem>>, vector<1x64x512xf32>
    %swap3A_282 = vector.shape_cast %swap3A_281 : vector<1x64x512xf32> to vector<64x512xf32>
    %swap3A_283 = vector.shape_cast %mul3A_277 : vector<64x512xf32> to vector<1x64x512xf32>
    tpu.vector_store %arg3[%swap3A_278, %swap3A_279, %swap3A_280], %swap3A_283 {strides = array<i32>} : memref<1x64x16384xf32, #tpu.memory_space<vmem>>, vector<1x64x512xf32>,
    %get3A_284 = arith.constant 18 : index
    %get3A_285 = arith.constant 0 : index
    %get3A_286 = arith.constant 0 : index
    %get3A_287 = arith.constant 0 : index
    %get3A_288 = vector.load %arg1[%get3A_284, %get3A_285, %get3A_286, %get3A_287] : memref<32x1x512x64xf32, #tpu.memory_space<vmem>>, vector<1x1x512x64xf32>
    %get3A_289 = vector.shape_cast %get3A_288 : vector<1x1x512x64xf32> to vector<512x64xf32>
    %transpose3A_290 = tpu.transpose %get3A_289, [1, 0] : vector<512x64xf32> -> vector<64x512xf32>
    %mul3A_291 = arith.constant 8.000000e+00 : f32
    %mul3A_292 = vector.broadcast %mul3A_291 : f32 to vector<64x512xf32>
    %mul3A_293 = arith.mulf %transpose3A_290, %mul3A_292 : vector<64x512xf32>
    %swap3A_294 = arith.constant 0 : index
    %swap3A_295 = arith.constant 0 : index
    %swap3A_296 = arith.constant 9216 : index
    %swap3A_297 = vector.load %arg3[%swap3A_294, %swap3A_295, %swap3A_296] : memref<1x64x16384xf32, #tpu.memory_space<vmem>>, vector<1x64x512xf32>
    %swap3A_298 = vector.shape_cast %swap3A_297 : vector<1x64x512xf32> to vector<64x512xf32>
    %swap3A_299 = vector.shape_cast %mul3A_293 : vector<64x512xf32> to vector<1x64x512xf32>
    tpu.vector_store %arg3[%swap3A_294, %swap3A_295, %swap3A_296], %swap3A_299 {strides = array<i32>} : memref<1x64x16384xf32, #tpu.memory_space<vmem>>, vector<1x64x512xf32>,
    %get3A_300 = arith.constant 19 : index
    %get3A_301 = arith.constant 0 : index
    %get3A_302 = arith.constant 0 : index
    %get3A_303 = arith.constant 0 : index
    %get3A_304 = vector.load %arg1[%get3A_300, %get3A_301, %get3A_302, %get3A_303] : memref<32x1x512x64xf32, #tpu.memory_space<vmem>>, vector<1x1x512x64xf32>
    %get3A_305 = vector.shape_cast %get3A_304 : vector<1x1x512x64xf32> to vector<512x64xf32>
    %transpose3A_306 = tpu.transpose %get3A_305, [1, 0] : vector<512x64xf32> -> vector<64x512xf32>
    %mul3A_307 = arith.constant 8.000000e+00 : f32
    %mul3A_308 = vector.broadcast %mul3A_307 : f32 to vector<64x512xf32>
    %mul3A_309 = arith.mulf %transpose3A_306, %mul3A_308 : vector<64x512xf32>
    %swap3A_310 = arith.constant 0 : index
    %swap3A_311 = arith.constant 0 : index
    %swap3A_312 = arith.constant 9728 : index
    %swap3A_313 = vector.load %arg3[%swap3A_310, %swap3A_311, %swap3A_312] : memref<1x64x16384xf32, #tpu.memory_space<vmem>>, vector<1x64x512xf32>
    %swap3A_314 = vector.shape_cast %swap3A_313 : vector<1x64x512xf32> to vector<64x512xf32>
    %swap3A_315 = vector.shape_cast %mul3A_309 : vector<64x512xf32> to vector<1x64x512xf32>
    tpu.vector_store %arg3[%swap3A_310, %swap3A_311, %swap3A_312], %swap3A_315 {strides = array<i32>} : memref<1x64x16384xf32, #tpu.memory_space<vmem>>, vector<1x64x512xf32>,
    %get3A_316 = arith.constant 20 : index
    %get3A_317 = arith.constant 0 : index
    %get3A_318 = arith.constant 0 : index
    %get3A_319 = arith.constant 0 : index
    %get3A_320 = vector.load %arg1[%get3A_316, %get3A_317, %get3A_318, %get3A_319] : memref<32x1x512x64xf32, #tpu.memory_space<vmem>>, vector<1x1x512x64xf32>
    %get3A_321 = vector.shape_cast %get3A_320 : vector<1x1x512x64xf32> to vector<512x64xf32>
    %transpose3A_322 = tpu.transpose %get3A_321, [1, 0] : vector<512x64xf32> -> vector<64x512xf32>
    %mul3A_323 = arith.constant 8.000000e+00 : f32
    %mul3A_324 = vector.broadcast %mul3A_323 : f32 to vector<64x512xf32>
    %mul3A_325 = arith.mulf %transpose3A_322, %mul3A_324 : vector<64x512xf32>
    %swap3A_326 = arith.constant 0 : index
    %swap3A_327 = arith.constant 0 : index
    %swap3A_328 = arith.constant 10240 : index
    %swap3A_329 = vector.load %arg3[%swap3A_326, %swap3A_327, %swap3A_328] : memref<1x64x16384xf32, #tpu.memory_space<vmem>>, vector<1x64x512xf32>
    %swap3A_330 = vector.shape_cast %swap3A_329 : vector<1x64x512xf32> to vector<64x512xf32>
    %swap3A_331 = vector.shape_cast %mul3A_325 : vector<64x512xf32> to vector<1x64x512xf32>
    tpu.vector_store %arg3[%swap3A_326, %swap3A_327, %swap3A_328], %swap3A_331 {strides = array<i32>} : memref<1x64x16384xf32, #tpu.memory_space<vmem>>, vector<1x64x512xf32>,
    %get3A_332 = arith.constant 21 : index
    %get3A_333 = arith.constant 0 : index
    %get3A_334 = arith.constant 0 : index
    %get3A_335 = arith.constant 0 : index
    %get3A_336 = vector.load %arg1[%get3A_332, %get3A_333, %get3A_334, %get3A_335] : memref<32x1x512x64xf32, #tpu.memory_space<vmem>>, vector<1x1x512x64xf32>
    %get3A_337 = vector.shape_cast %get3A_336 : vector<1x1x512x64xf32> to vector<512x64xf32>
    %transpose3A_338 = tpu.transpose %get3A_337, [1, 0] : vector<512x64xf32> -> vector<64x512xf32>
    %mul3A_339 = arith.constant 8.000000e+00 : f32
    %mul3A_340 = vector.broadcast %mul3A_339 : f32 to vector<64x512xf32>
    %mul3A_341 = arith.mulf %transpose3A_338, %mul3A_340 : vector<64x512xf32>
    %swap3A_342 = arith.constant 0 : index
    %swap3A_343 = arith.constant 0 : index
    %swap3A_344 = arith.constant 10752 : index
    %swap3A_345 = vector.load %arg3[%swap3A_342, %swap3A_343, %swap3A_344] : memref<1x64x16384xf32, #tpu.memory_space<vmem>>, vector<1x64x512xf32>
    %swap3A_346 = vector.shape_cast %swap3A_345 : vector<1x64x512xf32> to vector<64x512xf32>
    %swap3A_347 = vector.shape_cast %mul3A_341 : vector<64x512xf32> to vector<1x64x512xf32>
    tpu.vector_store %arg3[%swap3A_342, %swap3A_343, %swap3A_344], %swap3A_347 {strides = array<i32>} : memref<1x64x16384xf32, #tpu.memory_space<vmem>>, vector<1x64x512xf32>,
    %get3A_348 = arith.constant 22 : index
    %get3A_349 = arith.constant 0 : index
    %get3A_350 = arith.constant 0 : index
    %get3A_351 = arith.constant 0 : index
    %get3A_352 = vector.load %arg1[%get3A_348, %get3A_349, %get3A_350, %get3A_351] : memref<32x1x512x64xf32, #tpu.memory_space<vmem>>, vector<1x1x512x64xf32>
    %get3A_353 = vector.shape_cast %get3A_352 : vector<1x1x512x64xf32> to vector<512x64xf32>
    %transpose3A_354 = tpu.transpose %get3A_353, [1, 0] : vector<512x64xf32> -> vector<64x512xf32>
    %mul3A_355 = arith.constant 8.000000e+00 : f32
    %mul3A_356 = vector.broadcast %mul3A_355 : f32 to vector<64x512xf32>
    %mul3A_357 = arith.mulf %transpose3A_354, %mul3A_356 : vector<64x512xf32>
    %swap3A_358 = arith.constant 0 : index
    %swap3A_359 = arith.constant 0 : index
    %swap3A_360 = arith.constant 11264 : index
    %swap3A_361 = vector.load %arg3[%swap3A_358, %swap3A_359, %swap3A_360] : memref<1x64x16384xf32, #tpu.memory_space<vmem>>, vector<1x64x512xf32>
    %swap3A_362 = vector.shape_cast %swap3A_361 : vector<1x64x512xf32> to vector<64x512xf32>
    %swap3A_363 = vector.shape_cast %mul3A_357 : vector<64x512xf32> to vector<1x64x512xf32>
    tpu.vector_store %arg3[%swap3A_358, %swap3A_359, %swap3A_360], %swap3A_363 {strides = array<i32>} : memref<1x64x16384xf32, #tpu.memory_space<vmem>>, vector<1x64x512xf32>,
    %get3A_364 = arith.constant 23 : index
    %get3A_365 = arith.constant 0 : index
    %get3A_366 = arith.constant 0 : index
    %get3A_367 = arith.constant 0 : index
    %get3A_368 = vector.load %arg1[%get3A_364, %get3A_365, %get3A_366, %get3A_367] : memref<32x1x512x64xf32, #tpu.memory_space<vmem>>, vector<1x1x512x64xf32>
    %get3A_369 = vector.shape_cast %get3A_368 : vector<1x1x512x64xf32> to vector<512x64xf32>
    %transpose3A_370 = tpu.transpose %get3A_369, [1, 0] : vector<512x64xf32> -> vector<64x512xf32>
    %mul3A_371 = arith.constant 8.000000e+00 : f32
    %mul3A_372 = vector.broadcast %mul3A_371 : f32 to vector<64x512xf32>
    %mul3A_373 = arith.mulf %transpose3A_370, %mul3A_372 : vector<64x512xf32>
    %swap3A_374 = arith.constant 0 : index
    %swap3A_375 = arith.constant 0 : index
    %swap3A_376 = arith.constant 11776 : index
    %swap3A_377 = vector.load %arg3[%swap3A_374, %swap3A_375, %swap3A_376] : memref<1x64x16384xf32, #tpu.memory_space<vmem>>, vector<1x64x512xf32>
    %swap3A_378 = vector.shape_cast %swap3A_377 : vector<1x64x512xf32> to vector<64x512xf32>
    %swap3A_379 = vector.shape_cast %mul3A_373 : vector<64x512xf32> to vector<1x64x512xf32>
    tpu.vector_store %arg3[%swap3A_374, %swap3A_375, %swap3A_376], %swap3A_379 {strides = array<i32>} : memref<1x64x16384xf32, #tpu.memory_space<vmem>>, vector<1x64x512xf32>,
    %get3A_380 = arith.constant 24 : index
    %get3A_381 = arith.constant 0 : index
    %get3A_382 = arith.constant 0 : index
    %get3A_383 = arith.constant 0 : index
    %get3A_384 = vector.load %arg1[%get3A_380, %get3A_381, %get3A_382, %get3A_383] : memref<32x1x512x64xf32, #tpu.memory_space<vmem>>, vector<1x1x512x64xf32>
    %get3A_385 = vector.shape_cast %get3A_384 : vector<1x1x512x64xf32> to vector<512x64xf32>
    %transpose3A_386 = tpu.transpose %get3A_385, [1, 0] : vector<512x64xf32> -> vector<64x512xf32>
    %mul3A_387 = arith.constant 8.000000e+00 : f32
    %mul3A_388 = vector.broadcast %mul3A_387 : f32 to vector<64x512xf32>
    %mul3A_389 = arith.mulf %transpose3A_386, %mul3A_388 : vector<64x512xf32>
    %swap3A_390 = arith.constant 0 : index
    %swap3A_391 = arith.constant 0 : index
    %swap3A_392 = arith.constant 12288 : index
    %swap3A_393 = vector.load %arg3[%swap3A_390, %swap3A_391, %swap3A_392] : memref<1x64x16384xf32, #tpu.memory_space<vmem>>, vector<1x64x512xf32>
    %swap3A_394 = vector.shape_cast %swap3A_393 : vector<1x64x512xf32> to vector<64x512xf32>
    %swap3A_395 = vector.shape_cast %mul3A_389 : vector<64x512xf32> to vector<1x64x512xf32>
    tpu.vector_store %arg3[%swap3A_390, %swap3A_391, %swap3A_392], %swap3A_395 {strides = array<i32>} : memref<1x64x16384xf32, #tpu.memory_space<vmem>>, vector<1x64x512xf32>,
    %get3A_396 = arith.constant 25 : index
    %get3A_397 = arith.constant 0 : index
    %get3A_398 = arith.constant 0 : index
    %get3A_399 = arith.constant 0 : index
    %get3A_400 = vector.load %arg1[%get3A_396, %get3A_397, %get3A_398, %get3A_399] : memref<32x1x512x64xf32, #tpu.memory_space<vmem>>, vector<1x1x512x64xf32>
    %get3A_401 = vector.shape_cast %get3A_400 : vector<1x1x512x64xf32> to vector<512x64xf32>
    %transpose3A_402 = tpu.transpose %get3A_401, [1, 0] : vector<512x64xf32> -> vector<64x512xf32>
    %mul3A_403 = arith.constant 8.000000e+00 : f32
    %mul3A_404 = vector.broadcast %mul3A_403 : f32 to vector<64x512xf32>
    %mul3A_405 = arith.mulf %transpose3A_402, %mul3A_404 : vector<64x512xf32>
    %swap3A_406 = arith.constant 0 : index
    %swap3A_407 = arith.constant 0 : index
    %swap3A_408 = arith.constant 12800 : index
    %swap3A_409 = vector.load %arg3[%swap3A_406, %swap3A_407, %swap3A_408] : memref<1x64x16384xf32, #tpu.memory_space<vmem>>, vector<1x64x512xf32>
    %swap3A_410 = vector.shape_cast %swap3A_409 : vector<1x64x512xf32> to vector<64x512xf32>
    %swap3A_411 = vector.shape_cast %mul3A_405 : vector<64x512xf32> to vector<1x64x512xf32>
    tpu.vector_store %arg3[%swap3A_406, %swap3A_407, %swap3A_408], %swap3A_411 {strides = array<i32>} : memref<1x64x16384xf32, #tpu.memory_space<vmem>>, vector<1x64x512xf32>,
    %get3A_412 = arith.constant 26 : index
    %get3A_413 = arith.constant 0 : index
    %get3A_414 = arith.constant 0 : index
    %get3A_415 = arith.constant 0 : index
    %get3A_416 = vector.load %arg1[%get3A_412, %get3A_413, %get3A_414, %get3A_415] : memref<32x1x512x64xf32, #tpu.memory_space<vmem>>, vector<1x1x512x64xf32>
    %get3A_417 = vector.shape_cast %get3A_416 : vector<1x1x512x64xf32> to vector<512x64xf32>
    %transpose3A_418 = tpu.transpose %get3A_417, [1, 0] : vector<512x64xf32> -> vector<64x512xf32>
    %mul3A_419 = arith.constant 8.000000e+00 : f32
    %mul3A_420 = vector.broadcast %mul3A_419 : f32 to vector<64x512xf32>
    %mul3A_421 = arith.mulf %transpose3A_418, %mul3A_420 : vector<64x512xf32>
    %swap3A_422 = arith.constant 0 : index
    %swap3A_423 = arith.constant 0 : index
    %swap3A_424 = arith.constant 13312 : index
    %swap3A_425 = vector.load %arg3[%swap3A_422, %swap3A_423, %swap3A_424] : memref<1x64x16384xf32, #tpu.memory_space<vmem>>, vector<1x64x512xf32>
    %swap3A_426 = vector.shape_cast %swap3A_425 : vector<1x64x512xf32> to vector<64x512xf32>
    %swap3A_427 = vector.shape_cast %mul3A_421 : vector<64x512xf32> to vector<1x64x512xf32>
    tpu.vector_store %arg3[%swap3A_422, %swap3A_423, %swap3A_424], %swap3A_427 {strides = array<i32>} : memref<1x64x16384xf32, #tpu.memory_space<vmem>>, vector<1x64x512xf32>,
    %get3A_428 = arith.constant 27 : index
    %get3A_429 = arith.constant 0 : index
    %get3A_430 = arith.constant 0 : index
    %get3A_431 = arith.constant 0 : index
    %get3A_432 = vector.load %arg1[%get3A_428, %get3A_429, %get3A_430, %get3A_431] : memref<32x1x512x64xf32, #tpu.memory_space<vmem>>, vector<1x1x512x64xf32>
    %get3A_433 = vector.shape_cast %get3A_432 : vector<1x1x512x64xf32> to vector<512x64xf32>
    %transpose3A_434 = tpu.transpose %get3A_433, [1, 0] : vector<512x64xf32> -> vector<64x512xf32>
    %mul3A_435 = arith.constant 8.000000e+00 : f32
    %mul3A_436 = vector.broadcast %mul3A_435 : f32 to vector<64x512xf32>
    %mul3A_437 = arith.mulf %transpose3A_434, %mul3A_436 : vector<64x512xf32>
    %swap3A_438 = arith.constant 0 : index
    %swap3A_439 = arith.constant 0 : index
    %swap3A_440 = arith.constant 13824 : index
    %swap3A_441 = vector.load %arg3[%swap3A_438, %swap3A_439, %swap3A_440] : memref<1x64x16384xf32, #tpu.memory_space<vmem>>, vector<1x64x512xf32>
    %swap3A_442 = vector.shape_cast %swap3A_441 : vector<1x64x512xf32> to vector<64x512xf32>
    %swap3A_443 = vector.shape_cast %mul3A_437 : vector<64x512xf32> to vector<1x64x512xf32>
    tpu.vector_store %arg3[%swap3A_438, %swap3A_439, %swap3A_440], %swap3A_443 {strides = array<i32>} : memref<1x64x16384xf32, #tpu.memory_space<vmem>>, vector<1x64x512xf32>,
    %get3A_444 = arith.constant 28 : index
    %get3A_445 = arith.constant 0 : index
    %get3A_446 = arith.constant 0 : index
    %get3A_447 = arith.constant 0 : index
    %get3A_448 = vector.load %arg1[%get3A_444, %get3A_445, %get3A_446, %get3A_447] : memref<32x1x512x64xf32, #tpu.memory_space<vmem>>, vector<1x1x512x64xf32>
    %get3A_449 = vector.shape_cast %get3A_448 : vector<1x1x512x64xf32> to vector<512x64xf32>
    %transpose3A_450 = tpu.transpose %get3A_449, [1, 0] : vector<512x64xf32> -> vector<64x512xf32>
    %mul3A_451 = arith.constant 8.000000e+00 : f32
    %mul3A_452 = vector.broadcast %mul3A_451 : f32 to vector<64x512xf32>
    %mul3A_453 = arith.mulf %transpose3A_450, %mul3A_452 : vector<64x512xf32>
    %swap3A_454 = arith.constant 0 : index
    %swap3A_455 = arith.constant 0 : index
    %swap3A_456 = arith.constant 14336 : index
    %swap3A_457 = vector.load %arg3[%swap3A_454, %swap3A_455, %swap3A_456] : memref<1x64x16384xf32, #tpu.memory_space<vmem>>, vector<1x64x512xf32>
    %swap3A_458 = vector.shape_cast %swap3A_457 : vector<1x64x512xf32> to vector<64x512xf32>
    %swap3A_459 = vector.shape_cast %mul3A_453 : vector<64x512xf32> to vector<1x64x512xf32>
    tpu.vector_store %arg3[%swap3A_454, %swap3A_455, %swap3A_456], %swap3A_459 {strides = array<i32>} : memref<1x64x16384xf32, #tpu.memory_space<vmem>>, vector<1x64x512xf32>,
    %get3A_460 = arith.constant 29 : index
    %get3A_461 = arith.constant 0 : index
    %get3A_462 = arith.constant 0 : index
    %get3A_463 = arith.constant 0 : index
    %get3A_464 = vector.load %arg1[%get3A_460, %get3A_461, %get3A_462, %get3A_463] : memref<32x1x512x64xf32, #tpu.memory_space<vmem>>, vector<1x1x512x64xf32>
    %get3A_465 = vector.shape_cast %get3A_464 : vector<1x1x512x64xf32> to vector<512x64xf32>
    %transpose3A_466 = tpu.transpose %get3A_465, [1, 0] : vector<512x64xf32> -> vector<64x512xf32>
    %mul3A_467 = arith.constant 8.000000e+00 : f32
    %mul3A_468 = vector.broadcast %mul3A_467 : f32 to vector<64x512xf32>
    %mul3A_469 = arith.mulf %transpose3A_466, %mul3A_468 : vector<64x512xf32>
    %swap3A_470 = arith.constant 0 : index
    %swap3A_471 = arith.constant 0 : index
    %swap3A_472 = arith.constant 14848 : index
    %swap3A_473 = vector.load %arg3[%swap3A_470, %swap3A_471, %swap3A_472] : memref<1x64x16384xf32, #tpu.memory_space<vmem>>, vector<1x64x512xf32>
    %swap3A_474 = vector.shape_cast %swap3A_473 : vector<1x64x512xf32> to vector<64x512xf32>
    %swap3A_475 = vector.shape_cast %mul3A_469 : vector<64x512xf32> to vector<1x64x512xf32>
    tpu.vector_store %arg3[%swap3A_470, %swap3A_471, %swap3A_472], %swap3A_475 {strides = array<i32>} : memref<1x64x16384xf32, #tpu.memory_space<vmem>>, vector<1x64x512xf32>,
    %get3A_476 = arith.constant 30 : index
    %get3A_477 = arith.constant 0 : index
    %get3A_478 = arith.constant 0 : index
    %get3A_479 = arith.constant 0 : index
    %get3A_480 = vector.load %arg1[%get3A_476, %get3A_477, %get3A_478, %get3A_479] : memref<32x1x512x64xf32, #tpu.memory_space<vmem>>, vector<1x1x512x64xf32>
    %get3A_481 = vector.shape_cast %get3A_480 : vector<1x1x512x64xf32> to vector<512x64xf32>
    %transpose3A_482 = tpu.transpose %get3A_481, [1, 0] : vector<512x64xf32> -> vector<64x512xf32>
    %mul3A_483 = arith.constant 8.000000e+00 : f32
    %mul3A_484 = vector.broadcast %mul3A_483 : f32 to vector<64x512xf32>
    %mul3A_485 = arith.mulf %transpose3A_482, %mul3A_484 : vector<64x512xf32>
    %swap3A_486 = arith.constant 0 : index
    %swap3A_487 = arith.constant 0 : index
    %swap3A_488 = arith.constant 15360 : index
    %swap3A_489 = vector.load %arg3[%swap3A_486, %swap3A_487, %swap3A_488] : memref<1x64x16384xf32, #tpu.memory_space<vmem>>, vector<1x64x512xf32>
    %swap3A_490 = vector.shape_cast %swap3A_489 : vector<1x64x512xf32> to vector<64x512xf32>
    %swap3A_491 = vector.shape_cast %mul3A_485 : vector<64x512xf32> to vector<1x64x512xf32>
    tpu.vector_store %arg3[%swap3A_486, %swap3A_487, %swap3A_488], %swap3A_491 {strides = array<i32>} : memref<1x64x16384xf32, #tpu.memory_space<vmem>>, vector<1x64x512xf32>,
    %get3A_492 = arith.constant 31 : index
    %get3A_493 = arith.constant 0 : index
    %get3A_494 = arith.constant 0 : index
    %get3A_495 = arith.constant 0 : index
    %get3A_496 = vector.load %arg1[%get3A_492, %get3A_493, %get3A_494, %get3A_495] : memref<32x1x512x64xf32, #tpu.memory_space<vmem>>, vector<1x1x512x64xf32>
    %get3A_497 = vector.shape_cast %get3A_496 : vector<1x1x512x64xf32> to vector<512x64xf32>
    %transpose3A_498 = tpu.transpose %get3A_497, [1, 0] : vector<512x64xf32> -> vector<64x512xf32>
    %mul3A_499 = arith.constant 8.000000e+00 : f32
    %mul3A_500 = vector.broadcast %mul3A_499 : f32 to vector<64x512xf32>
    %mul3A_501 = arith.mulf %transpose3A_498, %mul3A_500 : vector<64x512xf32>
    %swap3A_502 = arith.constant 0 : index
    %swap3A_503 = arith.constant 0 : index
    %swap3A_504 = arith.constant 15872 : index
    %swap3A_505 = vector.load %arg3[%swap3A_502, %swap3A_503, %swap3A_504] : memref<1x64x16384xf32, #tpu.memory_space<vmem>>, vector<1x64x512xf32>
    %swap3A_506 = vector.shape_cast %swap3A_505 : vector<1x64x512xf32> to vector<64x512xf32>
    %swap3A_507 = vector.shape_cast %mul3A_501 : vector<64x512xf32> to vector<1x64x512xf32>
    tpu.vector_store %arg3[%swap3A_502, %swap3A_503, %swap3A_504], %swap3A_507 {strides = array<i32>} : memref<1x64x16384xf32, #tpu.memory_space<vmem>>, vector<1x64x512xf32>,
    return
  }
  func.func @transform_0(%arg0: i32) -> (i32, i32, i32, i32) {
    %c0_i32 = arith.constant 0 : i32
    %c0_i32_0 = arith.constant 0 : i32
    %c0_i32_1 = arith.constant 0 : i32
    %c0_i32_2 = arith.constant 0 : i32
    return %c0_i32, %arg0, %c0_i32_0, %c0_i32_1 : i32, i32, i32, i32
  }
  func.func @transform_2(%arg0: i32) -> (i32, i32, i32) {
    %add3A = arith.constant 25 : i32
    %add3A_0 = arith.addi %arg0, %add3A : i32
    %c0_i32 = arith.constant 0 : i32
    %c0_i32_1 = arith.constant 0 : i32
    %c0_i32_2 = arith.constant 0 : i32
    return %add3A_0, %c0_i32, %c0_i32_1 : i32, i32, i32
  }
}

</mosaic_0001>

<sc_bundles>
// kernel: kernel.6.cloned.1.call-start
scs
__scs_entry_jumppad:
0x0: {  	(pc) =	sbr.rel $0x88, $3  }
0x1: {  	(tag) =	ssettag $0x0;
	lr =	simm.s32 $0x1  }
0x2: {  	[smem:$0x3F9F] =	sst lr;
	_ =	strace $0xD0000000  }
0x3: {  	_ = 	snop  }
0x4: {  	_ = 	snop  }
0x5: {  	_ = 	snop  }
0x6: {  	_ = 	snop  }
0x7: {  	_ = 	snop  }
__scs_overlays_trampoline_lowered:
0x8: {  	[smem:$0x3FAE] =	sst s0  }
0x9: {  	[smem:$0x3FAF] =	sst s1  }
0xa: {  	[smem:$0x3FB0] =	sst s2  }
0xb: {  	[smem:$0x3FB1] =	sst s3  }
0xc: {  	[smem:$0x3FB2] =	sst s4  }
0xd: {  	[smem:$0x3FB3] =	sst s5  }
0xe: {  	[smem:$0x3FB4] =	sst s6  }
0xf: {  	[smem:$0x3FB5] =	sst s7  }
0x10: {  	[smem:$0x3FB6] =	sst s8  }
0x11: {  	[smem:$0x3FB7] =	sst s9;
	s0 =	simm.s32 @!p0 $0x0  }
0x12: {  	s1 =	sld [smem:$0x3F9D];
	s0 =	simm.s32 @p0 $0x1  }
0x13: {  	[smem:$0x3FB8] =	sst s0;
	s0 =	simm.s32 @!p1 $0x0  }
0x14: {  	s2 =	sld [smem:$0x3F9C];
	s0 =	simm.s32 @p1 $0x1  }
0x15: {  	[smem:$0x3FB9] =	sst s0;
	s0 =	simm.s32 @!p2 $0x0  }
0x16: {  	s3 =	sld [smem:$0x3FDB];
	s0 =	simm.s32 @p2 $0x1  }
0x17: {  	s4 =	simm.s32 $0x1BF5;
	[smem:$0x3FBB] =	sst s0  }
0x18: {  	s0 =	sld [smem:$0x3F9E];
	_ =	swait.ge [sflag:s4], $0x0  }
0x19: {  	s7 =	sld [smem:$0x3F9F]  }
0x1a: {  	s8 =	sadd.s32 $0xFFFFE003, lr  }
0x1b: {  	s9 =	sadd.s32 $0xFFFFFEF7, lr;
	s5 =	simm.s32 $0xFFFFFFFF;
	p2 =	slt.u32 s8, $0xFFFFF086  }
0x1c: {  	p1 =	slt.u32 s9, $0xF7A;
	s5 =	simm.s32 @!p2 $0x0  }
0x1d: {  	s5 =	simm.s32 @p1 $0x1;
	p0 =	seq.s32 s7, s2  }
0x1e: {  	s7 =	smul.u32 @!p0 $0xF7A, s2;
	p2 =	seq.s32 @!p0 s5, $0x0  }
0x1f: {  	s9 =	smul.u32 $0xF7A, s1;
	s8 =	simm.s32 @!p0 $0x1BF5;
	p2 =	por !p2, p0  }
0x20: {  	[sflag:s8] =	ssyncset.s32 @!p0 $0xFFFFF086;
	s6 =	sadd.s32 @!p0 s3, s7;
	s7 =	simm.s32 @!p0 $0x108  }
0x21: {  	s3 =	sadd.s32 s3, s9;
	s6 =	sadd.s32 @!p0 $0x88, s6;
	s7 =	simm.s32 @p2 $0x1082  }
0x22: {  	[simem:s7], [sflag:s8] =	dma.local @!p0 [hbm:s6], $0xF7A  }
0x23: {  	s9 =	sor.u32 $0xD0000000, s2;
	s6 =	simm.s32 $0x108;
	_ =	swait.ge @!p0 [sflag:s8], $0x0  }
0x24: {  	s3 =	sadd.s32 $0x88, s3;
	s6 =	simm.s32 @!p1 $0x1082;
	[sflag:s4] =	ssyncset.s32 $0xFFFFF086  }
0x25: {  	[simem:s6], [sflag:s4] =	dma.local [hbm:s3], $0xF7A  }
0x26: {  	[smem:$0x3F9F] =	sst s1;
	(tag) =	ssettag s2;
	_ =	strace s9  }
0x27: {  	s1 =	sld [smem:$0x3FAF]  }
0x28: {  	s2 =	sld [smem:$0x3FB0]  }
0x29: {  	s4 =	sld [smem:$0x3FB2]  }
0x2a: {  	p0 =	seq.s32 s5, $0x0;
	s5 =	sld [smem:$0x3FB3]  }
0x2b: {  	s6 =	sld [smem:$0x3FB4]  }
0x2c: {  	s7 =	sld [smem:$0x3FB5]  }
0x2d: {  	s3 =	simm.s32 $0x108;
	s8 =	sld [smem:$0x3FB6]  }
0x2e: {  	s3 =	simm.s32 @!p0 $0x1082;
	s9 =	sld [smem:$0x3FB7]  }
0x2f: {  	lr =	sadd.s32 s0, s3;
	s0 =	sld [smem:$0x3FAE]  }
0x30: {  	s3 =	sld [smem:$0x3FB1]  }
0x31: {  	[smem:$0x3FBA] =	sst s10  }
0x32: {  	s10 =	sld [smem:$0x3FB8];
	_ =	sdelay $0x3  }
0x33: {  	p0 =	seq.s32 s10, $0x1;
	s10 =	sld [smem:$0x3FBA];
	_ =	sdelay $0x3  }
0x34: {  	[smem:$0x3FBA] =	sst s10  }
0x35: {  	s10 =	sld [smem:$0x3FB9];
	_ =	sdelay $0x3  }
0x36: {  	p1 =	seq.s32 s10, $0x1;
	s10 =	sld [smem:$0x3FBA];
	_ =	sdelay $0x3  }
0x37: {  	[smem:$0x3FBA] =	sst s10  }
0x38: {  	s10 =	sld [smem:$0x3FBB]  }
0x39: {  	_ = 	snop;
	(pc) =	sbr.ind lr, $3  }
0x3a: {  	_ = 	snop  }
0x3b: {  	_ = 	snop  }
0x3c: {  	p2 =	seq.s32 s10, $0x1;
	s10 =	sld [smem:$0x3FBA]  }
0x3d: {  	_ =	shalt  }
0x3e: {  	_ =	shalt  }
0x3f: {  	_ =	shalt  }
0x40: {  	_ =	shalt  }
0x41: {  	_ =	shalt  }
0x42: {  	_ =	shalt  }
0x43: {  	_ =	shalt  }
0x44: {  	_ =	shalt  }
0x45: {  	_ =	shalt  }
0x46: {  	_ =	shalt  }
0x47: {  	_ =	shalt  }
0x48: {  	_ =	shalt  }
0x49: {  	_ =	shalt  }
0x4a: {  	_ =	shalt  }
0x4b: {  	_ =	shalt  }
0x4c: {  	_ =	shalt  }
0x4d: {  	_ =	shalt  }
0x4e: {  	_ =	shalt  }
0x4f: {  	_ =	shalt  }
0x50: {  	_ =	shalt  }
0x51: {  	_ =	shalt  }
0x52: {  	_ =	shalt  }
0x53: {  	_ =	shalt  }
0x54: {  	_ =	shalt  }
0x55: {  	_ =	shalt  }
0x56: {  	_ =	shalt  }
0x57: {  	_ =	shalt  }
0x58: {  	_ =	shalt  }
0x59: {  	_ =	shalt  }
0x5a: {  	_ =	shalt  }
0x5b: {  	_ =	shalt  }
0x5c: {  	_ =	shalt  }
0x5d: {  	_ =	shalt  }
0x5e: {  	_ =	shalt  }
0x5f: {  	_ =	shalt  }
0x60: {  	_ =	shalt  }
0x61: {  	_ =	shalt  }
0x62: {  	_ =	shalt  }
0x63: {  	_ =	shalt  }
0x64: {  	_ =	shalt  }
0x65: {  	_ =	shalt  }
0x66: {  	_ =	shalt  }
0x67: {  	_ =	shalt  }
0x68: {  	_ =	shalt  }
0x69: {  	_ =	shalt  }
0x6a: {  	_ =	shalt  }
0x6b: {  	_ =	shalt  }
0x6c: {  	_ =	shalt  }
0x6d: {  	_ =	shalt  }
0x6e: {  	_ =	shalt  }
0x6f: {  	_ =	shalt  }
0x70: {  	_ =	shalt  }
0x71: {  	_ =	shalt  }
0x72: {  	_ =	shalt  }
0x73: {  	_ =	shalt  }
0x74: {  	_ =	shalt  }
0x75: {  	_ =	shalt  }
0x76: {  	_ =	shalt  }
0x77: {  	_ =	shalt  }
0x78: {  	_ =	shalt  }
0x79: {  	_ =	shalt  }
0x7a: {  	_ =	shalt  }
0x7b: {  	_ =	shalt  }
0x7c: {  	_ =	shalt  }
0x7d: {  	_ =	shalt  }
0x7e: {  	_ =	shalt  }
0x7f: {  	_ =	shalt  }
0x80: {  	_ =	shalt  }
0x81: {  	_ =	shalt  }
0x82: {  	_ =	shalt  }
0x83: {  	_ =	shalt  }
0x84: {  	_ =	shalt  }
0x85: {  	_ =	shalt  }
0x86: {  	_ =	shalt  }
0x87: {  	_ =	shalt  }
.Lfunc_end0:
.L_simem_size_0:
called_computation_lowered:
.L_overlay_start_0:
0x88: {  	s2 =	sld [smem:$0x3FD9]  }
0x89: {  	s3 =	sld [smem:$0x3FFE];
	_ =	sdelay $0x1  }
0x8a: {  	s1 =	srdreg.scid  }
0x8b: {  	s0 =	sand.u32 $0x1, s1  }
0x8c: {  	s17 =	sshll.u32 s0, $0xA;
	s2 =	sadd.s32 s3, s2  }
0x8d: {  	s2 =	sadd.s32 s2, s17  }
0x8e: {  	[smem:$0x3FC6] =	sst s2  }
0x8f: {  	_ = 	snop  }
0x90: {  	s2 =	sld [smem:$0x3FD0];
	(tm) =	ssettm $0x1  }
0x91: {  	s18 =	sld [smem:$0x3FFB];
	_ =	sdelay $0x3  }
0x92: {  	_ =	strace s18  }
0x93: {  	s3 =	sld [smem:$0x3FFC];
	_ =	sdelay $0x3  }
0x94: {  	_ =	strace s3  }
0x95: {  	s3 =	sld [smem:$0x3FFD];
	_ =	sdelay $0x3  }
0x96: {  	_ =	strace s3  }
0x97: {  	_ =	strace $0x8FFFFFFF  }
0x98: {  	s19 =	sld [smem:$0x3FDB];
	_ =	sdelay $0x1  }
0x99: {  	s4 =	simm.s32 $_scs_section_size  }
0x9a: {  	s5 =	simm.s32 $_size__tile_overlayer_lowered;
	s6 =	simm.s32 $_tile_overlayer_lowered  }
0x9b: {  	s22 =	simm.s32 $0x1BFF;
	s21 =	sshll.u32 s6, $0x1;
	s3 =	sadd.s32 s4, s19  }
0x9c: {  	s7 =	simm.s32 $0x0;
	s20 =	sshll.u32 s5, $0x1;
	s5 =	sadd.s32 s21, s3  }
0x9d: {  	[timem:s7], [sflag:s22] =	dma.local [hbm:s5], s20  }
0x9e: {  	_ =	swait.ge [sflag:s22], s20  }
0x9f: {  	s4 =	ssub.s32 $0x0, s20;
	[sflag:s22] =	ssyncset.done $0x0  }
0xa0: {  	[sflag:s22] =	ssyncadd.s32 s4;
	_ =	sdelay $0x1  }
0xa1: {  	s23 =	simm.s32 $0x1B8B  }
0xa2: {  	_ =	swait.ge [sflag:s23], $0x1  }
0xa3: {  	[sflag:s23] =	ssyncset.done $0x0  }
0xa4: {  	s25 =	simm.s32 $0x1B8E;
	s24 =	sld [smem:$0x3FFE];
	[sflag:s23] =	ssyncadd.s32 $0xFFFFFFFF  }
0xa5: {  	s26 =	simm.s32 $execute0_lowered;
	[smem:$0x3FD2] =	sst s25  }
0xa6: {  	s5 =	sshll.u32 s26, $0x1;
	_ =	strace $0x80000046;
	[dreg:$0x1] =	wrdreg $0xFFFFFFFF  }
0xa7: {  	s28 =	simm.s32 $_size_execute0_lowered;
	s3 =	sadd.s32 s3, s5;
	[dreg:$0x0] =	wrdreg $0x0  }
0xa8: {  	s5 =	sshll.u32 s28, $0x1;
	[dreg:$0x2] =	wrdreg s3  }
0xa9: {  	[dreg:$0x3] =	wrdreg s5  }
0xaa: {  	[dreg:$0x4] =	wrdreg $0xC0  }
0xab: {  	_ =	task [dreg:s7], $0x5FFFF  }
0xac: {  	[dreg:$0x1] =	wrdreg $0xFFFFFFFF  }
0xad: {  	[dreg:$0x0] =	wrdreg $0x60  }
0xae: {  	[dreg:$0x2] =	wrdreg s24  }
0xaf: {  	[dreg:$0x3] =	wrdreg s2  }
0xb0: {  	[dreg:$0x4] =	wrdreg $0x9  }
0xb1: {  	_ =	task.clear_ibuf [dreg:s7], $0x5FFFF;
	_ =	strace $0x90000046  }
0xb2: {  	s29 =	simm.s32 $0x9;
	_ =	strace $0x80000048  }
0xb3: {  	_ =	swait.ge [sflag:s29], $0x1  }
0xb4: {  	[sflag:s29] =	ssyncadd.s32 $0xFFFFFFFF  }
0xb5: {  	_ =	strace $0x90000048  }
0xb6: {  	_ =	sfence  }
0xb7: {  	s30 =	sld [smem:$0x0];
	_ =	sdelay $0x2  }
0xb8: {  	s31 =	sshll.u32 s1, $0xD;
	s1 =	sshrl.u32 s1, $0x2  }
0xb9: {  	s3 =	sand.u32 $0x4000, s31;
	s1 =	sadd.s32 s1, s30  }
0xba: {  	s0 =	sor.u32 s3, s0;
	s1 =	sshll.u32 s1, $0x11  }
0xbb: {  	s0 =	sor.u32 s1, s0  }
0xbc: {  	s0 =	sadd.s32 $0x8F2B, s0  }
0xbd: {  	[sflag:s0] =	ssyncadd.remote.s32 $0x1  }
0xbe: {  	_ =	sfence.sel $0xFFFF  }
0xbf: {  	[dreg:$0x0] =	wrdreg $0xFFFFFFFF;
	(pc) =	sbr.abs _section_cstart, $3  }
0xc0: {  	[dreg:$0x1] =	wrdreg $0xFFFFFFFF  }
0xc1: {  	_ =	task.clear_ibuf [dreg:s7], $0x2FFFF;
	_ =	strace $0x9FFFFFFF  }
0xc2: {  	(tm) =	ssettm $0x7FFFFFFF  }
0xc3: {  	_ =	shalt  }
tec
execute0_lowered:
.L_overlay_start_1:
0x0: {  	(tag) =	ssettag $0x1  }
0x1: {  	s0 =	rddreg [dreg:$0x0]  }
0x2: {  	s2 =	rddreg [dreg:$0x1];
	s3 =	simm.s32 $0x0;
	s1 =	srdreg.scid  }
0x3: {  	s8 =	stileid.u32;
	s28 =	simm.s32 $0xB200;
	s30 =	simm.s32 $0xD200  }
0x4: {  	s29 =	simm.s32 $0x13200;
	s31 =	simm.s32 $0x17200;
	s9 =	simm.s32 $0x5  }
0x5: {  	s10 =	simm.s32 $0x6;
	s11 =	simm.s32 $0x0;
	[smem:$0x7FF] =	sst s3  }
0x6: {  	s1 =	sand.u32 $0x1, s1;
	s4 =	sshll.u32 s8, $0x1;
	s17 =	smul.u32 $0x190000, s8  }
0x7: {  	s8 =	simm.s32 $0x3;
	_ =	strace $0x80000047;
	s4 =	sor.u32 s1, s4  }
0x8: {  	s6 =	ssub.s32 $0x2, s1;
	s1 =	smul.u32 $0xC8000, s1;
	s5 =	sshll.u32 s4, $0x6  }
0x9: {  	s7 =	smul.u32 $0xC8000, s4;
	s4 =	sadd.s32 $0xF43200, s0;
	s15 =	sshrl.u32 s6, $0x1  }
0xa: {  	s5 =	sadd.s32 s5, s0;
	s0 =	ssub.s32 s6, s15;
	s1 =	sadd.s32 s1, s17  }
0xb: {  	s16 =	sshrl.u32 s7, $0x3;
	s5 =	sadd.s32 $0x10E00, s5;
	s23 =	sadd.s32 $0x20000, s1  }
0xc: {  	s24 =	sadd.s32 $0x28000, s1;
	s0 =	smax.u32 s0, $0x1;
	s15 =	sadd.s32 $0x18000, s1  }
0xd: {  	s1 =	simm.s32 $0x15200;
	s7 =	simm.s32 $0x4;
	[dreg:$0x3] =	wrdreg s5  }
0xe: {  	s18 =	sadd.s32 s2, s16;
	[dreg:$0xb] =	wrdreg s0;
	s25 =	sshrl.u32 s23, $0x3  }
0xf: {  	s26 =	sshrl.u32 s24, $0x3;
	s6 =	sadd.s32 $0x1000, s18;
	[dreg:$0x4] =	wrdreg s18  }
0x10: {  	s24 =	simm.s32 $0x7200;
	s19 =	sadd.s32 $0x2000, s18;
	[dreg:$0x5] =	wrdreg s6  }
0x11: {  	s23 =	simm.s32 $0x1;
	s20 =	sadd.s32 $0x15000, s18;
	[dreg:$0x6] =	wrdreg s19  }
0x12: {  	s21 =	sadd.s32 $0x16000, s18;
	s22 =	sadd.s32 $0x17000, s18;
	[dreg:$0x7] =	wrdreg s20  }
0x13: {  	s5 =	sadd.s32 $0x18000, s18;
	s0 =	sadd.s32 s25, s2;
	[dreg:$0x8] =	wrdreg s21  }
0x14: {  	s16 =	sadd.s32 s26, s2;
	s26 =	simm.s32 $0x9200;
	[dreg:$0x9] =	wrdreg s22  }
0x15: {  	s18 =	simm.s32 $0x11200;
	s25 =	simm.s32 $0x19200;
	[dreg:$0xa] =	wrdreg s5  }
0x16: {  	[dreg:$0xc] =	wrdreg s0;
	s20 =	simm.s32 $0x80;
	s21 =	simm.s32 $0x3200  }
0x17: {  	s22 =	simm.s32 $0x5200;
	s0 =	simm.s32 $0xF200;
	s5 =	simm.s32 $0x2  }
.LBB2_1:
0x18: {  	s6 =	rddreg [dreg:$0x3];
	s12 =	simm.s32 $0x200;
	s13 =	simm.s32 $0x4000  }
0x19: {  	[tilespmem:s3], [sflag:$0x7] =	stream.strided.gather [hbm4b:s6+s12], $0x3200, s13, s12, $0x38;
	[tilespmem:$0x1B200] =	vst v63  }
0x1a: {  	s13 =	simm.s32 $0x7  }
0x1b: {  	_ =	swait.ge [sflag:s13], $0x3200  }
0x1c: {  	[sflag:s13] =	ssyncset.done $0x0  }
0x1d: {  	[sflag:s13] =	ssyncadd.s32 $0xFFFFCE00  }
0x1e: {  	[tilespmem:s21], [sflag:$0x1] =	stream.indirect.gather [hbm4b:s4+s20], $0x40, s3, s20, $0xb8;
	[tilespmem:$0x1B200] =	vst v63  }
0x1f: {  	_ = 	snop  }
0x20: {  	[tilespmem:s22], [sflag:$0x1] =	stream.indirect.gather [hbm4b:s4+s20], $0x40, s20, s20, $0xb8;
	[tilespmem:$0x1B200] =	vst v63  }
0x21: {  	s14 =	simm.s32 $0x100  }
0x22: {  	[tilespmem:s24], [sflag:$0x1] =	stream.indirect.gather [hbm4b:s4+s20], $0x40, s14, s20, $0xb8;
	[tilespmem:$0x1B200] =	vst v63  }
0x23: {  	s17 =	simm.s32 $0x180  }
0x24: {  	[tilespmem:s26], [sflag:$0x1] =	stream.indirect.gather [hbm4b:s4+s20], $0x40, s17, s20, $0xb8;
	[tilespmem:$0x1B200] =	vst v63  }
0x25: {  	_ = 	snop  }
0x26: {  	[tilespmem:s28], [sflag:$0x2] =	stream.indirect.gather [hbm4b:s4+s20], $0x40, s12, s20, $0xb8;
	[tilespmem:$0x1B200] =	vst v63  }
0x27: {  	s19 =	simm.s32 $0x280  }
0x28: {  	[tilespmem:s30], [sflag:$0x2] =	stream.indirect.gather [hbm4b:s4+s20], $0x40, s19, s20, $0xb8;
	[tilespmem:$0x1B200] =	vst v63  }
0x29: {  	s12 =	simm.s32 $0x300  }
0x2a: {  	[tilespmem:s0], [sflag:$0x2] =	stream.indirect.gather [hbm4b:s4+s20], $0x40, s12, s20, $0xb8;
	[tilespmem:$0x1B200] =	vst v63  }
0x2b: {  	s13 =	simm.s32 $0x380  }
0x2c: {  	[tilespmem:s18], [sflag:$0x2] =	stream.indirect.gather [hbm4b:s4+s20], $0x40, s13, s20, $0xb8;
	[tilespmem:$0x1B200] =	vst v63  }
0x2d: {  	_ =	swait.ge [sflag:s23], $0x2000  }
0x2e: {  	[sflag:s23] =	ssyncset.done $0x0  }
0x2f: {  	[sflag:s23] =	ssyncadd.s32 $0xFFFFE000  }
0x30: {  	_ =	swait.ge [sflag:s23], $0x2000  }
0x31: {  	[sflag:s23] =	ssyncset.done $0x0  }
0x32: {  	[sflag:s23] =	ssyncadd.s32 $0xFFFFE000  }
0x33: {  	_ =	swait.ge [sflag:s23], $0x2000  }
0x34: {  	[sflag:s23] =	ssyncset.done $0x0  }
0x35: {  	[sflag:s23] =	ssyncadd.s32 $0xFFFFE000  }
0x36: {  	_ =	swait.ge [sflag:s23], $0x2000  }
0x37: {  	[sflag:s23] =	ssyncset.done $0x0  }
0x38: {  	s14 =	rddreg [dreg:$0x4];
	[sflag:s23] =	ssyncadd.s32 $0xFFFFE000  }
0x39: {  	[hbm4b:s14+s3] =	stream.linear.scatter [tilespmem:s21], [sflag:$0x4], $0x8000, $0x38;
	[tilespmem:$0x1B200] =	vst v63  }
0x3a: {  	s17 =	simm.s32 $0x400  }
0x3b: {  	[tilespmem:s29], [sflag:$0x3] =	stream.indirect.gather [hbm4b:s4+s20], $0x40, s17, s20, $0xb8;
	[tilespmem:$0x1B200] =	vst v63  }
0x3c: {  	s19 =	simm.s32 $0x480  }
0x3d: {  	[tilespmem:s1], [sflag:$0x3] =	stream.indirect.gather [hbm4b:s4+s20], $0x40, s19, s20, $0xb8;
	[tilespmem:$0x1B200] =	vst v63  }
0x3e: {  	s12 =	simm.s32 $0x500  }
0x3f: {  	[tilespmem:s31], [sflag:$0x3] =	stream.indirect.gather [hbm4b:s4+s20], $0x40, s12, s20, $0xb8;
	[tilespmem:$0x1B200] =	vst v63  }
0x40: {  	s13 =	simm.s32 $0x580  }
0x41: {  	[tilespmem:s25], [sflag:$0x3] =	stream.indirect.gather [hbm4b:s4+s20], $0x40, s13, s20, $0xb8;
	[tilespmem:$0x1B200] =	vst v63  }
0x42: {  	_ =	swait.ge [sflag:s5], $0x2000  }
0x43: {  	[sflag:s5] =	ssyncset.done $0x0  }
0x44: {  	[sflag:s5] =	ssyncadd.s32 $0xFFFFE000  }
0x45: {  	_ =	swait.ge [sflag:s5], $0x2000  }
0x46: {  	[sflag:s5] =	ssyncset.done $0x0  }
0x47: {  	[sflag:s5] =	ssyncadd.s32 $0xFFFFE000  }
0x48: {  	_ =	swait.ge [sflag:s5], $0x2000  }
0x49: {  	[sflag:s5] =	ssyncset.done $0x0  }
0x4a: {  	[sflag:s5] =	ssyncadd.s32 $0xFFFFE000  }
0x4b: {  	_ =	swait.ge [sflag:s5], $0x2000  }
0x4c: {  	[sflag:s5] =	ssyncset.done $0x0  }
0x4d: {  	[sflag:s5] =	ssyncadd.s32 $0xFFFFE000  }
0x4e: {  	_ =	swait.ge [sflag:s7], $0x8000  }
0x4f: {  	[sflag:s7] =	ssyncset.done $0x0  }
0x50: {  	s14 =	rddreg [dreg:$0x5];
	[sflag:s7] =	ssyncadd.s32 $0xFFFF8000  }
0x51: {  	[hbm4b:s14+s3] =	stream.linear.scatter [tilespmem:s28], [sflag:$0x5], $0x8000, $0x38;
	[tilespmem:$0x1B200] =	vst v63  }
0x52: {  	s17 =	simm.s32 $0x600  }
0x53: {  	[tilespmem:s21], [sflag:$0x1] =	stream.indirect.gather [hbm4b:s4+s20], $0x40, s17, s20, $0xb8;
	[tilespmem:$0x1B200] =	vst v63  }
0x54: {  	s19 =	simm.s32 $0x680  }
0x55: {  	[tilespmem:s22], [sflag:$0x1] =	stream.indirect.gather [hbm4b:s4+s20], $0x40, s19, s20, $0xb8;
	[tilespmem:$0x1B200] =	vst v63  }
0x56: {  	s12 =	simm.s32 $0x700  }
0x57: {  	[tilespmem:s24], [sflag:$0x1] =	stream.indirect.gather [hbm4b:s4+s20], $0x40, s12, s20, $0xb8;
	[tilespmem:$0x1B200] =	vst v63  }
0x58: {  	s13 =	simm.s32 $0x780  }
0x59: {  	[tilespmem:s26], [sflag:$0x1] =	stream.indirect.gather [hbm4b:s4+s20], $0x40, s13, s20, $0xb8;
	[tilespmem:$0x1B200] =	vst v63  }
0x5a: {  	_ =	swait.ge [sflag:s8], $0x2000  }
0x5b: {  	[sflag:s8] =	ssyncset.done $0x0  }
0x5c: {  	[sflag:s8] =	ssyncadd.s32 $0xFFFFE000  }
0x5d: {  	_ =	swait.ge [sflag:s8], $0x2000  }
0x5e: {  	[sflag:s8] =	ssyncset.done $0x0  }
0x5f: {  	[sflag:s8] =	ssyncadd.s32 $0xFFFFE000  }
0x60: {  	_ =	swait.ge [sflag:s8], $0x2000  }
0x61: {  	[sflag:s8] =	ssyncset.done $0x0  }
0x62: {  	[sflag:s8] =	ssyncadd.s32 $0xFFFFE000  }
0x63: {  	_ =	swait.ge [sflag:s8], $0x2000  }
0x64: {  	[sflag:s8] =	ssyncset.done $0x0  }
0x65: {  	[sflag:s8] =	ssyncadd.s32 $0xFFFFE000  }
0x66: {  	_ =	swait.ge [sflag:s9], $0x8000  }
0x67: {  	[sflag:s9] =	ssyncset.done $0x0  }
0x68: {  	s14 =	rddreg [dreg:$0x6];
	[sflag:s9] =	ssyncadd.s32 $0xFFFF8000  }
0x69: {  	[hbm4b:s14+s3] =	stream.linear.scatter [tilespmem:s29], [sflag:$0x6], $0x8000, $0x38;
	[tilespmem:$0x1B200] =	vst v63  }
0x6a: {  	s17 =	simm.s32 $0x800  }
0x6b: {  	[tilespmem:s28], [sflag:$0x2] =	stream.indirect.gather [hbm4b:s4+s20], $0x40, s17, s20, $0xb8;
	[tilespmem:$0x1B200] =	vst v63  }
0x6c: {  	s19 =	simm.s32 $0x880  }
0x6d: {  	[tilespmem:s30], [sflag:$0x2] =	stream.indirect.gather [hbm4b:s4+s20], $0x40, s19, s20, $0xb8;
	[tilespmem:$0x1B200] =	vst v63  }
0x6e: {  	s12 =	simm.s32 $0x900  }
0x6f: {  	[tilespmem:s0], [sflag:$0x2] =	stream.indirect.gather [hbm4b:s4+s20], $0x40, s12, s20, $0xb8;
	[tilespmem:$0x1B200] =	vst v63  }
0x70: {  	s13 =	simm.s32 $0x980  }
0x71: {  	[tilespmem:s18], [sflag:$0x2] =	stream.indirect.gather [hbm4b:s4+s20], $0x40, s13, s20, $0xb8;
	[tilespmem:$0x1B200] =	vst v63  }
0x72: {  	_ =	swait.ge [sflag:s23], $0x2000  }
0x73: {  	[sflag:s23] =	ssyncset.done $0x0  }
0x74: {  	[sflag:s23] =	ssyncadd.s32 $0xFFFFE000  }
0x75: {  	_ =	swait.ge [sflag:s23], $0x2000  }
0x76: {  	[sflag:s23] =	ssyncset.done $0x0  }
0x77: {  	[sflag:s23] =	ssyncadd.s32 $0xFFFFE000  }
0x78: {  	_ =	swait.ge [sflag:s23], $0x2000  }
0x79: {  	[sflag:s23] =	ssyncset.done $0x0  }
0x7a: {  	[sflag:s23] =	ssyncadd.s32 $0xFFFFE000  }
0x7b: {  	_ =	swait.ge [sflag:s23], $0x2000  }
0x7c: {  	[sflag:s23] =	ssyncset.done $0x0  }
0x7d: {  	[sflag:s23] =	ssyncadd.s32 $0xFFFFE000  }
0x7e: {  	_ =	swait.ge [sflag:s10], $0x8000  }
0x7f: {  	s14 =	sshrl.u32 s15, $0x3;
	[sflag:s10] =	ssyncset.done $0x0  }
0x80: {  	s6 =	sadd.s32 s2, s14;
	[sflag:s10] =	ssyncadd.s32 $0xFFFF8000  }
0x81: {  	[hbm4b:s6+s3] =	stream.linear.scatter [tilespmem:s21], [sflag:$0x4], $0x8000, $0x38;
	[tilespmem:$0x1B200] =	vst v63  }
0x82: {  	s17 =	simm.s32 $0xA00  }
0x83: {  	[tilespmem:s29], [sflag:$0x3] =	stream.indirect.gather [hbm4b:s4+s20], $0x40, s17, s20, $0xb8;
	[tilespmem:$0x1B200] =	vst v63  }
0x84: {  	s19 =	simm.s32 $0xA80  }
0x85: {  	[tilespmem:s1], [sflag:$0x3] =	stream.indirect.gather [hbm4b:s4+s20], $0x40, s19, s20, $0xb8;
	[tilespmem:$0x1B200] =	vst v63  }
0x86: {  	s12 =	simm.s32 $0xB00  }
0x87: {  	[tilespmem:s31], [sflag:$0x3] =	stream.indirect.gather [hbm4b:s4+s20], $0x40, s12, s20, $0xb8;
	[tilespmem:$0x1B200] =	vst v63  }
0x88: {  	s13 =	simm.s32 $0xB80  }
0x89: {  	[tilespmem:s25], [sflag:$0x3] =	stream.indirect.gather [hbm4b:s4+s20], $0x40, s13, s20, $0xb8;
	[tilespmem:$0x1B200] =	vst v63  }
0x8a: {  	_ =	swait.ge [sflag:s5], $0x2000  }
0x8b: {  	[sflag:s5] =	ssyncset.done $0x0  }
0x8c: {  	[sflag:s5] =	ssyncadd.s32 $0xFFFFE000  }
0x8d: {  	_ =	swait.ge [sflag:s5], $0x2000  }
0x8e: {  	[sflag:s5] =	ssyncset.done $0x0  }
0x8f: {  	[sflag:s5] =	ssyncadd.s32 $0xFFFFE000  }
0x90: {  	_ =	swait.ge [sflag:s5], $0x2000  }
0x91: {  	[sflag:s5] =	ssyncset.done $0x0  }
0x92: {  	[sflag:s5] =	ssyncadd.s32 $0xFFFFE000  }
0x93: {  	_ =	swait.ge [sflag:s5], $0x2000  }
0x94: {  	[sflag:s5] =	ssyncset.done $0x0  }
0x95: {  	[sflag:s5] =	ssyncadd.s32 $0xFFFFE000  }
0x96: {  	_ =	swait.ge [sflag:s7], $0x8000  }
0x97: {  	[sflag:s7] =	ssyncset.done $0x0  }
0x98: {  	s13 =	rddreg [dreg:$0xc];
	[sflag:s7] =	ssyncadd.s32 $0xFFFF8000  }
0x99: {  	[hbm4b:s13+s3] =	stream.linear.scatter [tilespmem:s28], [sflag:$0x5], $0x8000, $0x38;
	[tilespmem:$0x1B200] =	vst v63  }
0x9a: {  	s14 =	simm.s32 $0xC00  }
0x9b: {  	[tilespmem:s21], [sflag:$0x1] =	stream.indirect.gather [hbm4b:s4+s20], $0x40, s14, s20, $0xb8;
	[tilespmem:$0x1B200] =	vst v63  }
0x9c: {  	s17 =	simm.s32 $0xC80  }
0x9d: {  	[tilespmem:s22], [sflag:$0x1] =	stream.indirect.gather [hbm4b:s4+s20], $0x40, s17, s20, $0xb8;
	[tilespmem:$0x1B200] =	vst v63  }
0x9e: {  	s19 =	simm.s32 $0xD00  }
0x9f: {  	[tilespmem:s24], [sflag:$0x1] =	stream.indirect.gather [hbm4b:s4+s20], $0x40, s19, s20, $0xb8;
	[tilespmem:$0x1B200] =	vst v63  }
0xa0: {  	s12 =	simm.s32 $0xD80  }
0xa1: {  	[tilespmem:s26], [sflag:$0x1] =	stream.indirect.gather [hbm4b:s4+s20], $0x40, s12, s20, $0xb8;
	[tilespmem:$0x1B200] =	vst v63  }
0xa2: {  	_ =	swait.ge [sflag:s8], $0x2000  }
0xa3: {  	[sflag:s8] =	ssyncset.done $0x0  }
0xa4: {  	[sflag:s8] =	ssyncadd.s32 $0xFFFFE000  }
0xa5: {  	_ =	swait.ge [sflag:s8], $0x2000  }
0xa6: {  	[sflag:s8] =	ssyncset.done $0x0  }
0xa7: {  	[sflag:s8] =	ssyncadd.s32 $0xFFFFE000  }
0xa8: {  	_ =	swait.ge [sflag:s8], $0x2000  }
0xa9: {  	[sflag:s8] =	ssyncset.done $0x0  }
0xaa: {  	[sflag:s8] =	ssyncadd.s32 $0xFFFFE000  }
0xab: {  	_ =	swait.ge [sflag:s8], $0x2000  }
0xac: {  	[sflag:s8] =	ssyncset.done $0x0  }
0xad: {  	[sflag:s8] =	ssyncadd.s32 $0xFFFFE000  }
0xae: {  	_ =	swait.ge [sflag:s9], $0x8000  }
0xaf: {  	[sflag:s9] =	ssyncset.done $0x0  }
0xb0: {  	[sflag:s9] =	ssyncadd.s32 $0xFFFF8000  }
0xb1: {  	[hbm4b:s16+s3] =	stream.linear.scatter [tilespmem:s29], [sflag:$0x6], $0x8000, $0x38;
	[tilespmem:$0x1B200] =	vst v63  }
0xb2: {  	s14 =	simm.s32 $0xE00  }
0xb3: {  	[tilespmem:s28], [sflag:$0x2] =	stream.indirect.gather [hbm4b:s4+s20], $0x40, s14, s20, $0xb8;
	[tilespmem:$0x1B200] =	vst v63  }
0xb4: {  	s17 =	simm.s32 $0xE80  }
0xb5: {  	[tilespmem:s30], [sflag:$0x2] =	stream.indirect.gather [hbm4b:s4+s20], $0x40, s17, s20, $0xb8;
	[tilespmem:$0x1B200] =	vst v63  }
0xb6: {  	s6 =	sadd.s32 $0x18000, s15;
	s13 =	sadd.s32 $0x3000, s13;
	s19 =	simm.s32 $0xF00  }
0xb7: {  	[tilespmem:s0], [sflag:$0x2] =	stream.indirect.gather [hbm4b:s4+s20], $0x40, s19, s20, $0xb8;
	[tilespmem:$0x1B200] =	vst v63  }
0xb8: {  	s12 =	simm.s32 $0x1800;
	s17 =	sadd.s32 $0x3000, s16;
	s19 =	simm.s32 $0xF80  }
.LBB2_2:
0xb9: {  	[tilespmem:s18], [sflag:$0x2] =	stream.indirect.gather [hbm4b:s4+s20], $0x40, s19, s20, $0xb8;
	[tilespmem:$0x1B200] =	vst v63  }
0xba: {  	s19 =	smov.u32 s12  }
0xbb: {  	p0 =	sne.s32 s12, $0x7800;
	s12 =	sadd.s32 $0x1800, s12;
	_ =	swait.ge [sflag:s23], $0x2000  }
0xbc: {  	[sflag:s23] =	ssyncset.done $0x0  }
0xbd: {  	[sflag:s23] =	ssyncadd.s32 $0xFFFFE000  }
0xbe: {  	_ =	swait.ge [sflag:s23], $0x2000  }
0xbf: {  	[sflag:s23] =	ssyncset.done $0x0  }
0xc0: {  	[sflag:s23] =	ssyncadd.s32 $0xFFFFE000  }
0xc1: {  	_ =	swait.ge [sflag:s23], $0x2000  }
0xc2: {  	[sflag:s23] =	ssyncset.done $0x0  }
0xc3: {  	[sflag:s23] =	ssyncadd.s32 $0xFFFFE000  }
0xc4: {  	_ =	swait.ge [sflag:s23], $0x2000  }
0xc5: {  	[sflag:s23] =	ssyncset.done $0x0  }
0xc6: {  	[sflag:s23] =	ssyncadd.s32 $0xFFFFE000  }
0xc7: {  	_ =	swait.ge [sflag:s10], $0x8000  }
0xc8: {  	s14 =	sshrl.u32 s6, $0x3;
	[sflag:s10] =	ssyncset.done $0x0  }
0xc9: {  	s14 =	sadd.s32 s2, s14;
	s19 =	sshra.s32 s19, $0x2;
	[sflag:s10] =	ssyncadd.s32 $0xFFFF8000  }
0xca: {  	[hbm4b:s14+s3] =	stream.linear.scatter [tilespmem:s21], [sflag:$0x4], $0x8000, $0x38;
	[tilespmem:$0x1B200] =	vst v63  }
0xcb: {  	s14 =	sadd.s32 $0xA00, s19  }
0xcc: {  	[tilespmem:s29], [sflag:$0x3] =	stream.indirect.gather [hbm4b:s4+s20], $0x40, s14, s20, $0xb8;
	[tilespmem:$0x1B200] =	vst v63  }
0xcd: {  	s14 =	sadd.s32 $0xA80, s19  }
0xce: {  	[tilespmem:s1], [sflag:$0x3] =	stream.indirect.gather [hbm4b:s4+s20], $0x40, s14, s20, $0xb8;
	[tilespmem:$0x1B200] =	vst v63  }
0xcf: {  	s14 =	sadd.s32 $0xB00, s19  }
0xd0: {  	[tilespmem:s31], [sflag:$0x3] =	stream.indirect.gather [hbm4b:s4+s20], $0x40, s14, s20, $0xb8;
	[tilespmem:$0x1B200] =	vst v63  }
0xd1: {  	s14 =	sadd.s32 $0xB80, s19  }
0xd2: {  	[tilespmem:s25], [sflag:$0x3] =	stream.indirect.gather [hbm4b:s4+s20], $0x40, s14, s20, $0xb8;
	[tilespmem:$0x1B200] =	vst v63  }
0xd3: {  	_ =	swait.ge [sflag:s5], $0x2000  }
0xd4: {  	[sflag:s5] =	ssyncset.done $0x0  }
0xd5: {  	[sflag:s5] =	ssyncadd.s32 $0xFFFFE000  }
0xd6: {  	_ =	swait.ge [sflag:s5], $0x2000  }
0xd7: {  	[sflag:s5] =	ssyncset.done $0x0  }
0xd8: {  	[sflag:s5] =	ssyncadd.s32 $0xFFFFE000  }
0xd9: {  	_ =	swait.ge [sflag:s5], $0x2000  }
0xda: {  	[sflag:s5] =	ssyncset.done $0x0  }
0xdb: {  	[sflag:s5] =	ssyncadd.s32 $0xFFFFE000  }
0xdc: {  	_ =	swait.ge [sflag:s5], $0x2000  }
0xdd: {  	[sflag:s5] =	ssyncset.done $0x0  }
0xde: {  	[sflag:s5] =	ssyncadd.s32 $0xFFFFE000  }
0xdf: {  	_ =	swait.ge [sflag:s7], $0x8000  }
0xe0: {  	[sflag:s7] =	ssyncset.done $0x0  }
0xe1: {  	[sflag:s7] =	ssyncadd.s32 $0xFFFF8000  }
0xe2: {  	[hbm4b:s13+s3] =	stream.linear.scatter [tilespmem:s28], [sflag:$0x5], $0x8000, $0x38;
	[tilespmem:$0x1B200] =	vst v63  }
0xe3: {  	s14 =	sadd.s32 $0xC00, s19  }
0xe4: {  	[tilespmem:s21], [sflag:$0x1] =	stream.indirect.gather [hbm4b:s4+s20], $0x40, s14, s20, $0xb8;
	[tilespmem:$0x1B200] =	vst v63  }
0xe5: {  	s14 =	sadd.s32 $0xC80, s19  }
0xe6: {  	[tilespmem:s22], [sflag:$0x1] =	stream.indirect.gather [hbm4b:s4+s20], $0x40, s14, s20, $0xb8;
	[tilespmem:$0x1B200] =	vst v63  }
0xe7: {  	s14 =	sadd.s32 $0xD00, s19  }
0xe8: {  	[tilespmem:s24], [sflag:$0x1] =	stream.indirect.gather [hbm4b:s4+s20], $0x40, s14, s20, $0xb8;
	[tilespmem:$0x1B200] =	vst v63  }
0xe9: {  	s14 =	sadd.s32 $0xD80, s19  }
0xea: {  	[tilespmem:s26], [sflag:$0x1] =	stream.indirect.gather [hbm4b:s4+s20], $0x40, s14, s20, $0xb8;
	[tilespmem:$0x1B200] =	vst v63  }
0xeb: {  	_ =	swait.ge [sflag:s8], $0x2000  }
0xec: {  	[sflag:s8] =	ssyncset.done $0x0  }
0xed: {  	[sflag:s8] =	ssyncadd.s32 $0xFFFFE000  }
0xee: {  	_ =	swait.ge [sflag:s8], $0x2000  }
0xef: {  	[sflag:s8] =	ssyncset.done $0x0  }
0xf0: {  	[sflag:s8] =	ssyncadd.s32 $0xFFFFE000  }
0xf1: {  	_ =	swait.ge [sflag:s8], $0x2000  }
0xf2: {  	[sflag:s8] =	ssyncset.done $0x0  }
0xf3: {  	[sflag:s8] =	ssyncadd.s32 $0xFFFFE000  }
0xf4: {  	_ =	swait.ge [sflag:s8], $0x2000  }
0xf5: {  	[sflag:s8] =	ssyncset.done $0x0  }
0xf6: {  	[sflag:s8] =	ssyncadd.s32 $0xFFFFE000  }
0xf7: {  	_ =	swait.ge [sflag:s9], $0x8000  }
0xf8: {  	[sflag:s9] =	ssyncset.done $0x0  }
0xf9: {  	[sflag:s9] =	ssyncadd.s32 $0xFFFF8000  }
0xfa: {  	[hbm4b:s17+s3] =	stream.linear.scatter [tilespmem:s29], [sflag:$0x6], $0x8000, $0x38;
	[tilespmem:$0x1B200] =	vst v63  }
0xfb: {  	s14 =	sadd.s32 $0xE00, s19  }
0xfc: {  	[tilespmem:s28], [sflag:$0x2] =	stream.indirect.gather [hbm4b:s4+s20], $0x40, s14, s20, $0xb8;
	[tilespmem:$0x1B200] =	vst v63  }
.Ltmp0:
0xfd: {  	s14 =	sadd.s32 $0xE80, s19;
	(pc) =	sbr.rel @p0 .LBB2_2-.Ltmp0, $4  }
0xfe: {  	[tilespmem:s30], [sflag:$0x2] =	stream.indirect.gather [hbm4b:s4+s20], $0x40, s14, s20, $0xb8;
	[tilespmem:$0x1B200] =	vst v63  }
0xff: {  	s17 =	sadd.s32 $0x3000, s17;
	s14 =	sadd.s32 $0xF00, s19  }
0x100: {  	[tilespmem:s0], [sflag:$0x2] =	stream.indirect.gather [hbm4b:s4+s20], $0x40, s14, s20, $0xb8;
	[tilespmem:$0x1B200] =	vst v63  }
0x101: {  	s6 =	sadd.s32 $0x18000, s6;
	s13 =	sadd.s32 $0x3000, s13;
	s19 =	sadd.s32 $0xF80, s19  }
0x102: {  	[tilespmem:s18], [sflag:$0x2] =	stream.indirect.gather [hbm4b:s4+s20], $0x40, s19, s20, $0xb8;
	[tilespmem:$0x1B200] =	vst v63  }
0x103: {  	_ =	swait.ge [sflag:s23], $0x2000  }
0x104: {  	[sflag:s23] =	ssyncset.done $0x0  }
0x105: {  	[sflag:s23] =	ssyncadd.s32 $0xFFFFE000  }
0x106: {  	_ =	swait.ge [sflag:s23], $0x2000  }
0x107: {  	[sflag:s23] =	ssyncset.done $0x0  }
0x108: {  	[sflag:s23] =	ssyncadd.s32 $0xFFFFE000  }
0x109: {  	_ =	swait.ge [sflag:s23], $0x2000  }
0x10a: {  	[sflag:s23] =	ssyncset.done $0x0  }
0x10b: {  	[sflag:s23] =	ssyncadd.s32 $0xFFFFE000  }
0x10c: {  	_ =	swait.ge [sflag:s23], $0x2000  }
0x10d: {  	[sflag:s23] =	ssyncset.done $0x0  }
0x10e: {  	[sflag:s23] =	ssyncadd.s32 $0xFFFFE000  }
0x10f: {  	_ =	swait.ge [sflag:s10], $0x8000  }
0x110: {  	[sflag:s10] =	ssyncset.done $0x0  }
0x111: {  	s6 =	rddreg [dreg:$0x7];
	[sflag:s10] =	ssyncadd.s32 $0xFFFF8000  }
0x112: {  	[hbm4b:s6+s3] =	stream.linear.scatter [tilespmem:s21], [sflag:$0x4], $0x8000, $0x38;
	[tilespmem:$0x1B200] =	vst v63  }
0x113: {  	s17 =	simm.s32 $0x2E00  }
0x114: {  	[tilespmem:s29], [sflag:$0x3] =	stream.indirect.gather [hbm4b:s4+s20], $0x40, s17, s20, $0xb8;
	[tilespmem:$0x1B200] =	vst v63  }
0x115: {  	s19 =	simm.s32 $0x2E80  }
0x116: {  	[tilespmem:s1], [sflag:$0x3] =	stream.indirect.gather [hbm4b:s4+s20], $0x40, s19, s20, $0xb8;
	[tilespmem:$0x1B200] =	vst v63  }
0x117: {  	s12 =	simm.s32 $0x2F00  }
0x118: {  	[tilespmem:s31], [sflag:$0x3] =	stream.indirect.gather [hbm4b:s4+s20], $0x40, s12, s20, $0xb8;
	[tilespmem:$0x1B200] =	vst v63  }
0x119: {  	s13 =	simm.s32 $0x2F80  }
0x11a: {  	[tilespmem:s25], [sflag:$0x3] =	stream.indirect.gather [hbm4b:s4+s20], $0x40, s13, s20, $0xb8;
	[tilespmem:$0x1B200] =	vst v63  }
0x11b: {  	_ =	swait.ge [sflag:s5], $0x2000  }
0x11c: {  	[sflag:s5] =	ssyncset.done $0x0  }
0x11d: {  	[sflag:s5] =	ssyncadd.s32 $0xFFFFE000  }
0x11e: {  	_ =	swait.ge [sflag:s5], $0x2000  }
0x11f: {  	[sflag:s5] =	ssyncset.done $0x0  }
0x120: {  	[sflag:s5] =	ssyncadd.s32 $0xFFFFE000  }
0x121: {  	_ =	swait.ge [sflag:s5], $0x2000  }
0x122: {  	[sflag:s5] =	ssyncset.done $0x0  }
0x123: {  	[sflag:s5] =	ssyncadd.s32 $0xFFFFE000  }
0x124: {  	_ =	swait.ge [sflag:s5], $0x2000  }
0x125: {  	[sflag:s5] =	ssyncset.done $0x0  }
0x126: {  	[sflag:s5] =	ssyncadd.s32 $0xFFFFE000  }
0x127: {  	_ =	swait.ge [sflag:s7], $0x8000  }
0x128: {  	[sflag:s7] =	ssyncset.done $0x0  }
0x129: {  	s14 =	rddreg [dreg:$0x8];
	[sflag:s7] =	ssyncadd.s32 $0xFFFF8000  }
0x12a: {  	[hbm4b:s14+s3] =	stream.linear.scatter [tilespmem:s28], [sflag:$0x5], $0x8000, $0x38;
	[tilespmem:$0x1B200] =	vst v63  }
0x12b: {  	s17 =	simm.s32 $0x3000  }
0x12c: {  	[tilespmem:s21], [sflag:$0x1] =	stream.indirect.gather [hbm4b:s4+s20], $0x40, s17, s20, $0xb8;
	[tilespmem:$0x1B200] =	vst v63  }
0x12d: {  	s19 =	simm.s32 $0x3080  }
0x12e: {  	[tilespmem:s22], [sflag:$0x1] =	stream.indirect.gather [hbm4b:s4+s20], $0x40, s19, s20, $0xb8;
	[tilespmem:$0x1B200] =	vst v63  }
0x12f: {  	s12 =	simm.s32 $0x3100  }
0x130: {  	[tilespmem:s24], [sflag:$0x1] =	stream.indirect.gather [hbm4b:s4+s20], $0x40, s12, s20, $0xb8;
	[tilespmem:$0x1B200] =	vst v63  }
0x131: {  	s13 =	simm.s32 $0x3180  }
0x132: {  	[tilespmem:s26], [sflag:$0x1] =	stream.indirect.gather [hbm4b:s4+s20], $0x40, s13, s20, $0xb8;
	[tilespmem:$0x1B200] =	vst v63  }
0x133: {  	_ =	swait.ge [sflag:s8], $0x2000  }
0x134: {  	[sflag:s8] =	ssyncset.done $0x0  }
0x135: {  	[sflag:s8] =	ssyncadd.s32 $0xFFFFE000  }
0x136: {  	_ =	swait.ge [sflag:s8], $0x2000  }
0x137: {  	[sflag:s8] =	ssyncset.done $0x0  }
0x138: {  	[sflag:s8] =	ssyncadd.s32 $0xFFFFE000  }
0x139: {  	_ =	swait.ge [sflag:s8], $0x2000  }
0x13a: {  	[sflag:s8] =	ssyncset.done $0x0  }
0x13b: {  	[sflag:s8] =	ssyncadd.s32 $0xFFFFE000  }
0x13c: {  	_ =	swait.ge [sflag:s8], $0x2000  }
0x13d: {  	[sflag:s8] =	ssyncset.done $0x0  }
0x13e: {  	[sflag:s8] =	ssyncadd.s32 $0xFFFFE000  }
0x13f: {  	_ =	swait.ge [sflag:s9], $0x8000  }
0x140: {  	[sflag:s9] =	ssyncset.done $0x0  }
0x141: {  	s14 =	rddreg [dreg:$0x9];
	[sflag:s9] =	ssyncadd.s32 $0xFFFF8000  }
0x142: {  	[hbm4b:s14+s3] =	stream.linear.scatter [tilespmem:s29], [sflag:$0x6], $0x8000, $0x38;
	[tilespmem:$0x1B200] =	vst v63  }
0x143: {  	_ =	swait.ge [sflag:s23], $0x2000  }
0x144: {  	[sflag:s23] =	ssyncset.done $0x0  }
0x145: {  	[sflag:s23] =	ssyncadd.s32 $0xFFFFE000  }
0x146: {  	_ =	swait.ge [sflag:s23], $0x2000  }
0x147: {  	[sflag:s23] =	ssyncset.done $0x0  }
0x148: {  	[sflag:s23] =	ssyncadd.s32 $0xFFFFE000  }
0x149: {  	_ =	swait.ge [sflag:s23], $0x2000  }
0x14a: {  	[sflag:s23] =	ssyncset.done $0x0  }
0x14b: {  	[sflag:s23] =	ssyncadd.s32 $0xFFFFE000  }
0x14c: {  	_ =	swait.ge [sflag:s23], $0x2000  }
0x14d: {  	[sflag:s23] =	ssyncset.done $0x0  }
0x14e: {  	[sflag:s23] =	ssyncadd.s32 $0xFFFFE000  }
0x14f: {  	_ =	swait.ge [sflag:s10], $0x8000  }
0x150: {  	[sflag:s10] =	ssyncset.done $0x0  }
0x151: {  	s17 =	rddreg [dreg:$0xa];
	[sflag:s10] =	ssyncadd.s32 $0xFFFF8000  }
0x152: {  	[hbm4b:s17+s3] =	stream.linear.scatter [tilespmem:s21], [sflag:$0x4], $0x8000, $0x38;
	[tilespmem:$0x1B200] =	vst v63  }
0x153: {  	_ =	swait.ge [sflag:s7], $0x8000  }
0x154: {  	s11 =	sadd.s32 $0x1, s11;
	s19 =	rddreg [dreg:$0xb]  }
0x155: {  	p0 =	sne.s32 s11, s19  }
.Ltmp1:
0x156: {  	_ = 	snop;
	(pc) =	sbr.rel @p0 .LBB2_1-.Ltmp1, $3  }
0x157: {  	_ =	sdelay $0x1  }
0x158: {  	[sflag:s7] =	ssyncset.done $0x0  }
0x159: {  	[sflag:s7] =	ssyncadd.s32 $0xFFFF8000  }
0x15a: {  	_ =	sfence.sel $0x180000  }
0x15b: {  	[bflag:$0x0] =	sbarrier.arrive $0xFFFF  }
0x15c: {  	_ =	strace $0x90000047  }
0x15d: {  	s0 =	stileid.u32;
	[bflag:$0x2] =	sbarrier.arrive $0xFFFF  }
0x15e: {  	p0 =	sne.s32 s0, $0x0;
	s0 =	rddreg [dreg:$0x2]  }
0x15f: {  	s0 =	sadd.s32 @!p0 $0x100000, s0  }
0x160: {  	[sflag:s0] =	ssyncadd.tile.s32 @!p0 $0x1;
	_ =	shalt  }
.Lfunc_end2:
_tile_overlayer_lowered:
.L_overlay_start_2:
0x161: {  	(tag) =	ssettag $0x2  }
0x162: {  	s0 =	rddreg [dreg:$0x0];
	s2 =	stileid.u32  }
0x163: {  	s1 =	rddreg [dreg:$0x1];
	p0 =	sne.s32 s2, $0x0  }
0x164: {  	s3 =	rddreg [dreg:$0x2];
	[bflag:$0x3] =	sbarrier.arrive $0xFFFF;
	s2 =	simm.s32 @!p0 $0x1C07  }
0x165: {  	[timem:s3], [sflag:s2] =	dma.local @!p0 [hbm:s0], s1  }
0x166: {  	s0 =	simm.s32 @!p0 $0x7  }
0x167: {  	_ =	swait.ge @!p0 [sflag:s0], s1  }
0x168: {  	s1 =	ssub.s32 @!p0 $0x0, s1;
	[sflag:s0] =	ssyncset.done @!p0 $0x0  }
0x169: {  	[sflag:s0] =	ssyncadd.s32 @!p0 s1  }
0x16a: {  	[bflag:$0x3] =	sbarrier.arrive $0xFFFF  }
0x16b: {  	_ =	shalt  }

// kernel: kernel.9.cloned.1.call-start
scs
__scs_entry_jumppad:
0x0: {  	(pc) =	sbr.rel $0x88, $3  }
0x1: {  	(tag) =	ssettag $0x0;
	lr =	simm.s32 $0x1  }
0x2: {  	[smem:$0x3F9F] =	sst lr;
	_ =	strace $0xD0000000  }
0x3: {  	_ = 	snop  }
0x4: {  	_ = 	snop  }
0x5: {  	_ = 	snop  }
0x6: {  	_ = 	snop  }
0x7: {  	_ = 	snop  }
__scs_overlays_trampoline_lowered:
0x8: {  	[smem:$0x3FAE] =	sst s0  }
0x9: {  	[smem:$0x3FAF] =	sst s1  }
0xa: {  	[smem:$0x3FB0] =	sst s2  }
0xb: {  	[smem:$0x3FB1] =	sst s3  }
0xc: {  	[smem:$0x3FB2] =	sst s4  }
0xd: {  	[smem:$0x3FB3] =	sst s5  }
0xe: {  	[smem:$0x3FB4] =	sst s6  }
0xf: {  	[smem:$0x3FB5] =	sst s7  }
0x10: {  	[smem:$0x3FB6] =	sst s8  }
0x11: {  	[smem:$0x3FB7] =	sst s9;
	s0 =	simm.s32 @!p0 $0x0  }
0x12: {  	s1 =	sld [smem:$0x3F9D];
	s0 =	simm.s32 @p0 $0x1  }
0x13: {  	[smem:$0x3FB8] =	sst s0;
	s0 =	simm.s32 @!p1 $0x0  }
0x14: {  	s2 =	sld [smem:$0x3F9C];
	s0 =	simm.s32 @p1 $0x1  }
0x15: {  	[smem:$0x3FB9] =	sst s0;
	s0 =	simm.s32 @!p2 $0x0  }
0x16: {  	s3 =	sld [smem:$0x3FDB];
	s0 =	simm.s32 @p2 $0x1  }
0x17: {  	s4 =	simm.s32 $0x1BF5;
	[smem:$0x3FBB] =	sst s0  }
0x18: {  	s0 =	sld [smem:$0x3F9E];
	_ =	swait.ge [sflag:s4], $0x0  }
0x19: {  	s7 =	sld [smem:$0x3F9F]  }
0x1a: {  	s8 =	sadd.s32 $0xFFFFE003, lr  }
0x1b: {  	s9 =	sadd.s32 $0xFFFFFEF7, lr;
	s5 =	simm.s32 $0xFFFFFFFF;
	p2 =	slt.u32 s8, $0xFFFFF086  }
0x1c: {  	p1 =	slt.u32 s9, $0xF7A;
	s5 =	simm.s32 @!p2 $0x0  }
0x1d: {  	s5 =	simm.s32 @p1 $0x1;
	p0 =	seq.s32 s7, s2  }
0x1e: {  	s7 =	smul.u32 @!p0 $0xF7A, s2;
	p2 =	seq.s32 @!p0 s5, $0x0  }
0x1f: {  	s9 =	smul.u32 $0xF7A, s1;
	s8 =	simm.s32 @!p0 $0x1BF5;
	p2 =	por !p2, p0  }
0x20: {  	[sflag:s8] =	ssyncset.s32 @!p0 $0xFFFFF086;
	s6 =	sadd.s32 @!p0 s3, s7;
	s7 =	simm.s32 @!p0 $0x108  }
0x21: {  	s3 =	sadd.s32 s3, s9;
	s6 =	sadd.s32 @!p0 $0x88, s6;
	s7 =	simm.s32 @p2 $0x1082  }
0x22: {  	[simem:s7], [sflag:s8] =	dma.local @!p0 [hbm:s6], $0xF7A  }
0x23: {  	s9 =	sor.u32 $0xD0000000, s2;
	s6 =	simm.s32 $0x108;
	_ =	swait.ge @!p0 [sflag:s8], $0x0  }
0x24: {  	s3 =	sadd.s32 $0x88, s3;
	s6 =	simm.s32 @!p1 $0x1082;
	[sflag:s4] =	ssyncset.s32 $0xFFFFF086  }
0x25: {  	[simem:s6], [sflag:s4] =	dma.local [hbm:s3], $0xF7A  }
0x26: {  	[smem:$0x3F9F] =	sst s1;
	(tag) =	ssettag s2;
	_ =	strace s9  }
0x27: {  	s1 =	sld [smem:$0x3FAF]  }
0x28: {  	s2 =	sld [smem:$0x3FB0]  }
0x29: {  	s4 =	sld [smem:$0x3FB2]  }
0x2a: {  	p0 =	seq.s32 s5, $0x0;
	s5 =	sld [smem:$0x3FB3]  }
0x2b: {  	s6 =	sld [smem:$0x3FB4]  }
0x2c: {  	s7 =	sld [smem:$0x3FB5]  }
0x2d: {  	s3 =	simm.s32 $0x108;
	s8 =	sld [smem:$0x3FB6]  }
0x2e: {  	s3 =	simm.s32 @!p0 $0x1082;
	s9 =	sld [smem:$0x3FB7]  }
0x2f: {  	lr =	sadd.s32 s0, s3;
	s0 =	sld [smem:$0x3FAE]  }
0x30: {  	s3 =	sld [smem:$0x3FB1]  }
0x31: {  	[smem:$0x3FBA] =	sst s10  }
0x32: {  	s10 =	sld [smem:$0x3FB8];
	_ =	sdelay $0x3  }
0x33: {  	p0 =	seq.s32 s10, $0x1;
	s10 =	sld [smem:$0x3FBA];
	_ =	sdelay $0x3  }
0x34: {  	[smem:$0x3FBA] =	sst s10  }
0x35: {  	s10 =	sld [smem:$0x3FB9];
	_ =	sdelay $0x3  }
0x36: {  	p1 =	seq.s32 s10, $0x1;
	s10 =	sld [smem:$0x3FBA];
	_ =	sdelay $0x3  }
0x37: {  	[smem:$0x3FBA] =	sst s10  }
0x38: {  	s10 =	sld [smem:$0x3FBB]  }
0x39: {  	_ = 	snop;
	(pc) =	sbr.ind lr, $3  }
0x3a: {  	_ = 	snop  }
0x3b: {  	_ = 	snop  }
0x3c: {  	p2 =	seq.s32 s10, $0x1;
	s10 =	sld [smem:$0x3FBA]  }
0x3d: {  	_ =	shalt  }
0x3e: {  	_ =	shalt  }
0x3f: {  	_ =	shalt  }
0x40: {  	_ =	shalt  }
0x41: {  	_ =	shalt  }
0x42: {  	_ =	shalt  }
0x43: {  	_ =	shalt  }
0x44: {  	_ =	shalt  }
0x45: {  	_ =	shalt  }
0x46: {  	_ =	shalt  }
0x47: {  	_ =	shalt  }
0x48: {  	_ =	shalt  }
0x49: {  	_ =	shalt  }
0x4a: {  	_ =	shalt  }
0x4b: {  	_ =	shalt  }
0x4c: {  	_ =	shalt  }
0x4d: {  	_ =	shalt  }
0x4e: {  	_ =	shalt  }
0x4f: {  	_ =	shalt  }
0x50: {  	_ =	shalt  }
0x51: {  	_ =	shalt  }
0x52: {  	_ =	shalt  }
0x53: {  	_ =	shalt  }
0x54: {  	_ =	shalt  }
0x55: {  	_ =	shalt  }
0x56: {  	_ =	shalt  }
0x57: {  	_ =	shalt  }
0x58: {  	_ =	shalt  }
0x59: {  	_ =	shalt  }
0x5a: {  	_ =	shalt  }
0x5b: {  	_ =	shalt  }
0x5c: {  	_ =	shalt  }
0x5d: {  	_ =	shalt  }
0x5e: {  	_ =	shalt  }
0x5f: {  	_ =	shalt  }
0x60: {  	_ =	shalt  }
0x61: {  	_ =	shalt  }
0x62: {  	_ =	shalt  }
0x63: {  	_ =	shalt  }
0x64: {  	_ =	shalt  }
0x65: {  	_ =	shalt  }
0x66: {  	_ =	shalt  }
0x67: {  	_ =	shalt  }
0x68: {  	_ =	shalt  }
0x69: {  	_ =	shalt  }
0x6a: {  	_ =	shalt  }
0x6b: {  	_ =	shalt  }
0x6c: {  	_ =	shalt  }
0x6d: {  	_ =	shalt  }
0x6e: {  	_ =	shalt  }
0x6f: {  	_ =	shalt  }
0x70: {  	_ =	shalt  }
0x71: {  	_ =	shalt  }
0x72: {  	_ =	shalt  }
0x73: {  	_ =	shalt  }
0x74: {  	_ =	shalt  }
0x75: {  	_ =	shalt  }
0x76: {  	_ =	shalt  }
0x77: {  	_ =	shalt  }
0x78: {  	_ =	shalt  }
0x79: {  	_ =	shalt  }
0x7a: {  	_ =	shalt  }
0x7b: {  	_ =	shalt  }
0x7c: {  	_ =	shalt  }
0x7d: {  	_ =	shalt  }
0x7e: {  	_ =	shalt  }
0x7f: {  	_ =	shalt  }
0x80: {  	_ =	shalt  }
0x81: {  	_ =	shalt  }
0x82: {  	_ =	shalt  }
0x83: {  	_ =	shalt  }
0x84: {  	_ =	shalt  }
0x85: {  	_ =	shalt  }
0x86: {  	_ =	shalt  }
0x87: {  	_ =	shalt  }
.Lfunc_end0:
.L_simem_size_0:
called_computation.1_lowered:
.L_overlay_start_0:
0x88: {  	s2 =	sld [smem:$0x3FD9]  }
0x89: {  	s3 =	sld [smem:$0x3FFE];
	_ =	sdelay $0x1  }
0x8a: {  	s1 =	srdreg.scid  }
0x8b: {  	s0 =	sand.u32 $0x1, s1  }
0x8c: {  	s17 =	sshll.u32 s0, $0xA;
	s2 =	sadd.s32 s3, s2  }
0x8d: {  	s2 =	sadd.s32 s2, s17  }
0x8e: {  	[smem:$0x3FC6] =	sst s2  }
0x8f: {  	_ = 	snop  }
0x90: {  	(tm) =	ssettm $0x1  }
0x91: {  	s18 =	sld [smem:$0x3FFB];
	_ =	sdelay $0x3  }
0x92: {  	_ =	strace s18  }
0x93: {  	s2 =	sld [smem:$0x3FFC];
	_ =	sdelay $0x3  }
0x94: {  	_ =	strace s2  }
0x95: {  	s2 =	sld [smem:$0x3FFD];
	_ =	sdelay $0x3  }
0x96: {  	_ =	strace s2  }
0x97: {  	_ =	strace $0x8FFFFFFF  }
0x98: {  	s19 =	sld [smem:$0x3FDB];
	_ =	sdelay $0x1  }
0x99: {  	s20 =	simm.s32 $_scs_section_size  }
0x9a: {  	s4 =	simm.s32 $_size__tile_overlayer_lowered;
	s5 =	simm.s32 $_tile_overlayer_lowered  }
0x9b: {  	s6 =	simm.s32 $0x1BFF;
	s21 =	sshll.u32 s5, $0x1;
	s3 =	sadd.s32 s20, s19  }
0x9c: {  	s22 =	simm.s32 $0x0;
	s4 =	sshll.u32 s4, $0x1;
	s5 =	sadd.s32 s21, s3  }
0x9d: {  	[timem:s22], [sflag:s6] =	dma.local [hbm:s5], s4  }
0x9e: {  	_ =	swait.ge [sflag:s6], s4  }
0x9f: {  	s4 =	ssub.s32 $0x0, s4;
	[sflag:s6] =	ssyncset.done $0x0  }
0xa0: {  	[sflag:s6] =	ssyncadd.s32 s4;
	_ =	sdelay $0x1  }
0xa1: {  	s23 =	simm.s32 $0x1B8B  }
0xa2: {  	_ =	swait.ge [sflag:s23], $0x1  }
0xa3: {  	[sflag:s23] =	ssyncset.done $0x0  }
0xa4: {  	[sflag:s23] =	ssyncadd.s32 $0xFFFFFFFF  }
0xa5: {  	s4 =	sld [smem:$0x0]  }
0xa6: {  	s5 =	sand.u32 $0xFFFFFFFE, s1  }
0xa7: {  	p0 =	sne.s32 s1, s5  }
0xa8: {  	s5 =	sshll.u32 @p0 s5, $0xE  }
0xa9: {  	s5 =	sadd.s32 @p0 $0x11B8D, s5;
	s6 =	sshll.u32 @p0 s4, $0x11  }
0xaa: {  	s5 =	sor.u32 @p0 s6, s5  }
0xab: {  	[sflag:s5] =	ssyncadd.remote.s32 @p0 $0x1;
	_ =	sdelay $0x1  }
0xac: {  	s5 =	simm.s32 @p0 $0x1B8D  }
0xad: {  	_ =	swait.eq @p0 [sflag:s5], $0x1  }
0xae: {  	[sflag:s5] =	ssyncadd.s32 @p0 $0xFFFFFFFF  }
0xaf: {  	s6 =	sshll.u32 @!p0 s1, $0xE  }
0xb0: {  	s6 =	sor.u32 @!p0 $0x4000, s6;
	s5 =	simm.s32 @!p0 $0x1B8D  }
0xb1: {  	s4 =	sshll.u32 @!p0 s4, $0x11;
	s6 =	sadd.s32 @!p0 $0x11B8D, s6;
	_ =	swait.eq @!p0 [sflag:s5], $0x1  }
0xb2: {  	s4 =	sor.u32 @!p0 s4, s6;
	[sflag:s5] =	ssyncadd.s32 @!p0 $0xFFFFFFFF  }
0xb3: {  	s25 =	simm.s32 $0x1B8E;
	s24 =	sld [smem:$0x3FFE];
	[sflag:s4] =	ssyncadd.remote.s32 @!p0 $0x1  }
0xb4: {  	s26 =	simm.s32 $execute0_lowered;
	[smem:$0x3FD2] =	sst s25  }
0xb5: {  	s5 =	sshll.u32 s26, $0x1;
	_ =	strace $0x80000049;
	[dreg:$0x1] =	wrdreg $0xFFFFFFFF  }
0xb6: {  	s28 =	simm.s32 $_size_execute0_lowered;
	s3 =	sadd.s32 s3, s5;
	[dreg:$0x0] =	wrdreg $0x0  }
0xb7: {  	s5 =	sshll.u32 s28, $0x1;
	[dreg:$0x2] =	wrdreg s3  }
0xb8: {  	[dreg:$0x3] =	wrdreg s5  }
0xb9: {  	[dreg:$0x4] =	wrdreg $0xC0  }
0xba: {  	_ =	task [dreg:s22], $0x5FFFF  }
0xbb: {  	[dreg:$0x1] =	wrdreg $0xFFFFFFFF  }
0xbc: {  	[dreg:$0x0] =	wrdreg $0x60  }
0xbd: {  	[dreg:$0x2] =	wrdreg s24  }
0xbe: {  	[dreg:$0x3] =	wrdreg $0xA  }
0xbf: {  	_ =	task.clear_ibuf [dreg:s22], $0x4FFFF;
	_ =	strace $0x90000049  }
0xc0: {  	s29 =	simm.s32 $0xA;
	_ =	strace $0x8000004B  }
0xc1: {  	_ =	swait.ge [sflag:s29], $0x1  }
0xc2: {  	[sflag:s29] =	ssyncadd.s32 $0xFFFFFFFF  }
0xc3: {  	_ =	strace $0x9000004B  }
0xc4: {  	_ =	sfence  }
0xc5: {  	s30 =	sld [smem:$0x0];
	_ =	sdelay $0x2  }
0xc6: {  	s31 =	sshll.u32 s1, $0xD;
	s1 =	sshrl.u32 s1, $0x2  }
0xc7: {  	s4 =	sand.u32 $0x4000, s31;
	s1 =	sadd.s32 s1, s30  }
0xc8: {  	s0 =	sor.u32 s4, s0;
	s1 =	sshll.u32 s1, $0x11  }
0xc9: {  	s0 =	sor.u32 s1, s0  }
0xca: {  	s0 =	sadd.s32 $0x8F2B, s0  }
0xcb: {  	[sflag:s0] =	ssyncadd.remote.s32 $0x1  }
0xcc: {  	_ =	sfence.sel $0xFFFF  }
0xcd: {  	[dreg:$0x0] =	wrdreg $0xFFFFFFFF;
	(pc) =	sbr.abs _section_cstart, $3  }
0xce: {  	[dreg:$0x1] =	wrdreg $0xFFFFFFFF  }
0xcf: {  	_ =	task.clear_ibuf [dreg:s22], $0x2FFFF;
	_ =	strace $0x9FFFFFFF  }
0xd0: {  	(tm) =	ssettm $0x7FFFFFFF  }
0xd1: {  	_ =	shalt  }
tec
execute0_lowered:
.L_overlay_start_1:
0x0: {  	(tag) =	ssettag $0x1  }
0x1: {  	s0 =	rddreg [dreg:$0x0]  }
0x2: {  	s1 =	srdreg.scid;
	s8 =	stileid.u32;
	s2 =	simm.s32 $0x0  }
0x3: {  	s28 =	simm.s32 $0xB200;
	s30 =	simm.s32 $0xD200;
	s29 =	simm.s32 $0x13200  }
0x4: {  	s31 =	simm.s32 $0x17200;
	s9 =	simm.s32 $0x5;
	s10 =	simm.s32 $0x6  }
0x5: {  	s11 =	simm.s32 $0x0;
	s1 =	sand.u32 $0x1, s1;
	s3 =	sshll.u32 s8, $0x1  }
0x6: {  	[smem:$0x7FF] =	sst s2;
	s17 =	smul.u32 $0x190000, s8;
	s8 =	simm.s32 $0x3  }
0x7: {  	s3 =	sor.u32 s1, s3;
	s6 =	ssub.s32 $0x2, s1;
	s1 =	smul.u32 $0xC8000, s1  }
0x8: {  	_ =	strace $0x8000004A;
	s4 =	sshll.u32 s3, $0x6;
	s7 =	smul.u32 $0xC8000, s3  }
0x9: {  	s3 =	sadd.s32 $0xF43200, s0;
	s15 =	sshrl.u32 s6, $0x1;
	s5 =	sadd.s32 s4, s0  }
0xa: {  	s4 =	sadd.s32 $0x1D600, s0;
	s0 =	ssub.s32 s6, s15;
	s1 =	sadd.s32 s1, s17  }
0xb: {  	s16 =	sshrl.u32 s7, $0x3;
	s5 =	sadd.s32 $0xE00, s5;
	s23 =	sadd.s32 $0x20000, s1  }
0xc: {  	s24 =	sadd.s32 $0x28000, s1;
	s0 =	smax.u32 s0, $0x1;
	s15 =	sadd.s32 $0x18000, s1  }
0xd: {  	s1 =	simm.s32 $0x15200;
	s7 =	simm.s32 $0x4;
	[dreg:$0x2] =	wrdreg s5  }
0xe: {  	s18 =	sadd.s32 s4, s16;
	[dreg:$0xa] =	wrdreg s0;
	s25 =	sshrl.u32 s23, $0x3  }
0xf: {  	s26 =	sshrl.u32 s24, $0x3;
	s6 =	sadd.s32 $0x1000, s18;
	[dreg:$0x3] =	wrdreg s18  }
0x10: {  	s24 =	simm.s32 $0x7200;
	s19 =	sadd.s32 $0x2000, s18;
	[dreg:$0x4] =	wrdreg s6  }
0x11: {  	s23 =	simm.s32 $0x1;
	s20 =	sadd.s32 $0x15000, s18;
	[dreg:$0x5] =	wrdreg s19  }
0x12: {  	s21 =	sadd.s32 $0x16000, s18;
	s22 =	sadd.s32 $0x17000, s18;
	[dreg:$0x6] =	wrdreg s20  }
0x13: {  	s5 =	sadd.s32 $0x18000, s18;
	s0 =	sadd.s32 s25, s4;
	[dreg:$0x7] =	wrdreg s21  }
0x14: {  	s16 =	sadd.s32 s26, s4;
	s26 =	simm.s32 $0x9200;
	[dreg:$0x8] =	wrdreg s22  }
0x15: {  	s18 =	simm.s32 $0x11200;
	s25 =	simm.s32 $0x19200;
	[dreg:$0x9] =	wrdreg s5  }
0x16: {  	[dreg:$0xb] =	wrdreg s0;
	s20 =	simm.s32 $0x80;
	s21 =	simm.s32 $0x3200  }
0x17: {  	s22 =	simm.s32 $0x5200;
	s0 =	simm.s32 $0xF200;
	s5 =	simm.s32 $0x2  }
.LBB2_1:
0x18: {  	s6 =	rddreg [dreg:$0x2];
	s12 =	simm.s32 $0x200;
	s13 =	simm.s32 $0x4000  }
0x19: {  	[tilespmem:s2], [sflag:$0x7] =	stream.strided.gather [hbm4b:s6+s12], $0x3200, s13, s12, $0x38;
	[tilespmem:$0x1B200] =	vst v63  }
0x1a: {  	s13 =	simm.s32 $0x7  }
0x1b: {  	_ =	swait.ge [sflag:s13], $0x3200  }
0x1c: {  	[sflag:s13] =	ssyncset.done $0x0  }
0x1d: {  	[sflag:s13] =	ssyncadd.s32 $0xFFFFCE00  }
0x1e: {  	[tilespmem:s21], [sflag:$0x1] =	stream.indirect.gather [hbm4b:s3+s20], $0x40, s2, s20, $0xb8;
	[tilespmem:$0x1B200] =	vst v63  }
0x1f: {  	_ = 	snop  }
0x20: {  	[tilespmem:s22], [sflag:$0x1] =	stream.indirect.gather [hbm4b:s3+s20], $0x40, s20, s20, $0xb8;
	[tilespmem:$0x1B200] =	vst v63  }
0x21: {  	s14 =	simm.s32 $0x100  }
0x22: {  	[tilespmem:s24], [sflag:$0x1] =	stream.indirect.gather [hbm4b:s3+s20], $0x40, s14, s20, $0xb8;
	[tilespmem:$0x1B200] =	vst v63  }
0x23: {  	s17 =	simm.s32 $0x180  }
0x24: {  	[tilespmem:s26], [sflag:$0x1] =	stream.indirect.gather [hbm4b:s3+s20], $0x40, s17, s20, $0xb8;
	[tilespmem:$0x1B200] =	vst v63  }
0x25: {  	_ = 	snop  }
0x26: {  	[tilespmem:s28], [sflag:$0x2] =	stream.indirect.gather [hbm4b:s3+s20], $0x40, s12, s20, $0xb8;
	[tilespmem:$0x1B200] =	vst v63  }
0x27: {  	s19 =	simm.s32 $0x280  }
0x28: {  	[tilespmem:s30], [sflag:$0x2] =	stream.indirect.gather [hbm4b:s3+s20], $0x40, s19, s20, $0xb8;
	[tilespmem:$0x1B200] =	vst v63  }
0x29: {  	s12 =	simm.s32 $0x300  }
0x2a: {  	[tilespmem:s0], [sflag:$0x2] =	stream.indirect.gather [hbm4b:s3+s20], $0x40, s12, s20, $0xb8;
	[tilespmem:$0x1B200] =	vst v63  }
0x2b: {  	s13 =	simm.s32 $0x380  }
0x2c: {  	[tilespmem:s18], [sflag:$0x2] =	stream.indirect.gather [hbm4b:s3+s20], $0x40, s13, s20, $0xb8;
	[tilespmem:$0x1B200] =	vst v63  }
0x2d: {  	_ =	swait.ge [sflag:s23], $0x2000  }
0x2e: {  	[sflag:s23] =	ssyncset.done $0x0  }
0x2f: {  	[sflag:s23] =	ssyncadd.s32 $0xFFFFE000  }
0x30: {  	_ =	swait.ge [sflag:s23], $0x2000  }
0x31: {  	[sflag:s23] =	ssyncset.done $0x0  }
0x32: {  	[sflag:s23] =	ssyncadd.s32 $0xFFFFE000  }
0x33: {  	_ =	swait.ge [sflag:s23], $0x2000  }
0x34: {  	[sflag:s23] =	ssyncset.done $0x0  }
0x35: {  	[sflag:s23] =	ssyncadd.s32 $0xFFFFE000  }
0x36: {  	_ =	swait.ge [sflag:s23], $0x2000  }
0x37: {  	[sflag:s23] =	ssyncset.done $0x0  }
0x38: {  	s14 =	rddreg [dreg:$0x3];
	[sflag:s23] =	ssyncadd.s32 $0xFFFFE000  }
0x39: {  	[hbm4b:s14+s2] =	stream.linear.scatter [tilespmem:s21], [sflag:$0x4], $0x8000, $0x38;
	[tilespmem:$0x1B200] =	vst v63  }
0x3a: {  	s17 =	simm.s32 $0x400  }
0x3b: {  	[tilespmem:s29], [sflag:$0x3] =	stream.indirect.gather [hbm4b:s3+s20], $0x40, s17, s20, $0xb8;
	[tilespmem:$0x1B200] =	vst v63  }
0x3c: {  	s19 =	simm.s32 $0x480  }
0x3d: {  	[tilespmem:s1], [sflag:$0x3] =	stream.indirect.gather [hbm4b:s3+s20], $0x40, s19, s20, $0xb8;
	[tilespmem:$0x1B200] =	vst v63  }
0x3e: {  	s12 =	simm.s32 $0x500  }
0x3f: {  	[tilespmem:s31], [sflag:$0x3] =	stream.indirect.gather [hbm4b:s3+s20], $0x40, s12, s20, $0xb8;
	[tilespmem:$0x1B200] =	vst v63  }
0x40: {  	s13 =	simm.s32 $0x580  }
0x41: {  	[tilespmem:s25], [sflag:$0x3] =	stream.indirect.gather [hbm4b:s3+s20], $0x40, s13, s20, $0xb8;
	[tilespmem:$0x1B200] =	vst v63  }
0x42: {  	_ =	swait.ge [sflag:s5], $0x2000  }
0x43: {  	[sflag:s5] =	ssyncset.done $0x0  }
0x44: {  	[sflag:s5] =	ssyncadd.s32 $0xFFFFE000  }
0x45: {  	_ =	swait.ge [sflag:s5], $0x2000  }
0x46: {  	[sflag:s5] =	ssyncset.done $0x0  }
0x47: {  	[sflag:s5] =	ssyncadd.s32 $0xFFFFE000  }
0x48: {  	_ =	swait.ge [sflag:s5], $0x2000  }
0x49: {  	[sflag:s5] =	ssyncset.done $0x0  }
0x4a: {  	[sflag:s5] =	ssyncadd.s32 $0xFFFFE000  }
0x4b: {  	_ =	swait.ge [sflag:s5], $0x2000  }
0x4c: {  	[sflag:s5] =	ssyncset.done $0x0  }
0x4d: {  	[sflag:s5] =	ssyncadd.s32 $0xFFFFE000  }
0x4e: {  	_ =	swait.ge [sflag:s7], $0x8000  }
0x4f: {  	[sflag:s7] =	ssyncset.done $0x0  }
0x50: {  	s14 =	rddreg [dreg:$0x4];
	[sflag:s7] =	ssyncadd.s32 $0xFFFF8000  }
0x51: {  	[hbm4b:s14+s2] =	stream.linear.scatter [tilespmem:s28], [sflag:$0x5], $0x8000, $0x38;
	[tilespmem:$0x1B200] =	vst v63  }
0x52: {  	s17 =	simm.s32 $0x600  }
0x53: {  	[tilespmem:s21], [sflag:$0x1] =	stream.indirect.gather [hbm4b:s3+s20], $0x40, s17, s20, $0xb8;
	[tilespmem:$0x1B200] =	vst v63  }
0x54: {  	s19 =	simm.s32 $0x680  }
0x55: {  	[tilespmem:s22], [sflag:$0x1] =	stream.indirect.gather [hbm4b:s3+s20], $0x40, s19, s20, $0xb8;
	[tilespmem:$0x1B200] =	vst v63  }
0x56: {  	s12 =	simm.s32 $0x700  }
0x57: {  	[tilespmem:s24], [sflag:$0x1] =	stream.indirect.gather [hbm4b:s3+s20], $0x40, s12, s20, $0xb8;
	[tilespmem:$0x1B200] =	vst v63  }
0x58: {  	s13 =	simm.s32 $0x780  }
0x59: {  	[tilespmem:s26], [sflag:$0x1] =	stream.indirect.gather [hbm4b:s3+s20], $0x40, s13, s20, $0xb8;
	[tilespmem:$0x1B200] =	vst v63  }
0x5a: {  	_ =	swait.ge [sflag:s8], $0x2000  }
0x5b: {  	[sflag:s8] =	ssyncset.done $0x0  }
0x5c: {  	[sflag:s8] =	ssyncadd.s32 $0xFFFFE000  }
0x5d: {  	_ =	swait.ge [sflag:s8], $0x2000  }
0x5e: {  	[sflag:s8] =	ssyncset.done $0x0  }
0x5f: {  	[sflag:s8] =	ssyncadd.s32 $0xFFFFE000  }
0x60: {  	_ =	swait.ge [sflag:s8], $0x2000  }
0x61: {  	[sflag:s8] =	ssyncset.done $0x0  }
0x62: {  	[sflag:s8] =	ssyncadd.s32 $0xFFFFE000  }
0x63: {  	_ =	swait.ge [sflag:s8], $0x2000  }
0x64: {  	[sflag:s8] =	ssyncset.done $0x0  }
0x65: {  	[sflag:s8] =	ssyncadd.s32 $0xFFFFE000  }
0x66: {  	_ =	swait.ge [sflag:s9], $0x8000  }
0x67: {  	[sflag:s9] =	ssyncset.done $0x0  }
0x68: {  	s14 =	rddreg [dreg:$0x5];
	[sflag:s9] =	ssyncadd.s32 $0xFFFF8000  }
0x69: {  	[hbm4b:s14+s2] =	stream.linear.scatter [tilespmem:s29], [sflag:$0x6], $0x8000, $0x38;
	[tilespmem:$0x1B200] =	vst v63  }
0x6a: {  	s17 =	simm.s32 $0x800  }
0x6b: {  	[tilespmem:s28], [sflag:$0x2] =	stream.indirect.gather [hbm4b:s3+s20], $0x40, s17, s20, $0xb8;
	[tilespmem:$0x1B200] =	vst v63  }
0x6c: {  	s19 =	simm.s32 $0x880  }
0x6d: {  	[tilespmem:s30], [sflag:$0x2] =	stream.indirect.gather [hbm4b:s3+s20], $0x40, s19, s20, $0xb8;
	[tilespmem:$0x1B200] =	vst v63  }
0x6e: {  	s12 =	simm.s32 $0x900  }
0x6f: {  	[tilespmem:s0], [sflag:$0x2] =	stream.indirect.gather [hbm4b:s3+s20], $0x40, s12, s20, $0xb8;
	[tilespmem:$0x1B200] =	vst v63  }
0x70: {  	s13 =	simm.s32 $0x980  }
0x71: {  	[tilespmem:s18], [sflag:$0x2] =	stream.indirect.gather [hbm4b:s3+s20], $0x40, s13, s20, $0xb8;
	[tilespmem:$0x1B200] =	vst v63  }
0x72: {  	_ =	swait.ge [sflag:s23], $0x2000  }
0x73: {  	[sflag:s23] =	ssyncset.done $0x0  }
0x74: {  	[sflag:s23] =	ssyncadd.s32 $0xFFFFE000  }
0x75: {  	_ =	swait.ge [sflag:s23], $0x2000  }
0x76: {  	[sflag:s23] =	ssyncset.done $0x0  }
0x77: {  	[sflag:s23] =	ssyncadd.s32 $0xFFFFE000  }
0x78: {  	_ =	swait.ge [sflag:s23], $0x2000  }
0x79: {  	[sflag:s23] =	ssyncset.done $0x0  }
0x7a: {  	[sflag:s23] =	ssyncadd.s32 $0xFFFFE000  }
0x7b: {  	_ =	swait.ge [sflag:s23], $0x2000  }
0x7c: {  	[sflag:s23] =	ssyncset.done $0x0  }
0x7d: {  	[sflag:s23] =	ssyncadd.s32 $0xFFFFE000  }
0x7e: {  	_ =	swait.ge [sflag:s10], $0x8000  }
0x7f: {  	s14 =	sshrl.u32 s15, $0x3;
	[sflag:s10] =	ssyncset.done $0x0  }
0x80: {  	s6 =	sadd.s32 s4, s14;
	[sflag:s10] =	ssyncadd.s32 $0xFFFF8000  }
0x81: {  	[hbm4b:s6+s2] =	stream.linear.scatter [tilespmem:s21], [sflag:$0x4], $0x8000, $0x38;
	[tilespmem:$0x1B200] =	vst v63  }
0x82: {  	s17 =	simm.s32 $0xA00  }
0x83: {  	[tilespmem:s29], [sflag:$0x3] =	stream.indirect.gather [hbm4b:s3+s20], $0x40, s17, s20, $0xb8;
	[tilespmem:$0x1B200] =	vst v63  }
0x84: {  	s19 =	simm.s32 $0xA80  }
0x85: {  	[tilespmem:s1], [sflag:$0x3] =	stream.indirect.gather [hbm4b:s3+s20], $0x40, s19, s20, $0xb8;
	[tilespmem:$0x1B200] =	vst v63  }
0x86: {  	s12 =	simm.s32 $0xB00  }
0x87: {  	[tilespmem:s31], [sflag:$0x3] =	stream.indirect.gather [hbm4b:s3+s20], $0x40, s12, s20, $0xb8;
	[tilespmem:$0x1B200] =	vst v63  }
0x88: {  	s13 =	simm.s32 $0xB80  }
0x89: {  	[tilespmem:s25], [sflag:$0x3] =	stream.indirect.gather [hbm4b:s3+s20], $0x40, s13, s20, $0xb8;
	[tilespmem:$0x1B200] =	vst v63  }
0x8a: {  	_ =	swait.ge [sflag:s5], $0x2000  }
0x8b: {  	[sflag:s5] =	ssyncset.done $0x0  }
0x8c: {  	[sflag:s5] =	ssyncadd.s32 $0xFFFFE000  }
0x8d: {  	_ =	swait.ge [sflag:s5], $0x2000  }
0x8e: {  	[sflag:s5] =	ssyncset.done $0x0  }
0x8f: {  	[sflag:s5] =	ssyncadd.s32 $0xFFFFE000  }
0x90: {  	_ =	swait.ge [sflag:s5], $0x2000  }
0x91: {  	[sflag:s5] =	ssyncset.done $0x0  }
0x92: {  	[sflag:s5] =	ssyncadd.s32 $0xFFFFE000  }
0x93: {  	_ =	swait.ge [sflag:s5], $0x2000  }
0x94: {  	[sflag:s5] =	ssyncset.done $0x0  }
0x95: {  	[sflag:s5] =	ssyncadd.s32 $0xFFFFE000  }
0x96: {  	_ =	swait.ge [sflag:s7], $0x8000  }
0x97: {  	[sflag:s7] =	ssyncset.done $0x0  }
0x98: {  	s13 =	rddreg [dreg:$0xb];
	[sflag:s7] =	ssyncadd.s32 $0xFFFF8000  }
0x99: {  	[hbm4b:s13+s2] =	stream.linear.scatter [tilespmem:s28], [sflag:$0x5], $0x8000, $0x38;
	[tilespmem:$0x1B200] =	vst v63  }
0x9a: {  	s14 =	simm.s32 $0xC00  }
0x9b: {  	[tilespmem:s21], [sflag:$0x1] =	stream.indirect.gather [hbm4b:s3+s20], $0x40, s14, s20, $0xb8;
	[tilespmem:$0x1B200] =	vst v63  }
0x9c: {  	s17 =	simm.s32 $0xC80  }
0x9d: {  	[tilespmem:s22], [sflag:$0x1] =	stream.indirect.gather [hbm4b:s3+s20], $0x40, s17, s20, $0xb8;
	[tilespmem:$0x1B200] =	vst v63  }
0x9e: {  	s19 =	simm.s32 $0xD00  }
0x9f: {  	[tilespmem:s24], [sflag:$0x1] =	stream.indirect.gather [hbm4b:s3+s20], $0x40, s19, s20, $0xb8;
	[tilespmem:$0x1B200] =	vst v63  }
0xa0: {  	s12 =	simm.s32 $0xD80  }
0xa1: {  	[tilespmem:s26], [sflag:$0x1] =	stream.indirect.gather [hbm4b:s3+s20], $0x40, s12, s20, $0xb8;
	[tilespmem:$0x1B200] =	vst v63  }
0xa2: {  	_ =	swait.ge [sflag:s8], $0x2000  }
0xa3: {  	[sflag:s8] =	ssyncset.done $0x0  }
0xa4: {  	[sflag:s8] =	ssyncadd.s32 $0xFFFFE000  }
0xa5: {  	_ =	swait.ge [sflag:s8], $0x2000  }
0xa6: {  	[sflag:s8] =	ssyncset.done $0x0  }
0xa7: {  	[sflag:s8] =	ssyncadd.s32 $0xFFFFE000  }
0xa8: {  	_ =	swait.ge [sflag:s8], $0x2000  }
0xa9: {  	[sflag:s8] =	ssyncset.done $0x0  }
0xaa: {  	[sflag:s8] =	ssyncadd.s32 $0xFFFFE000  }
0xab: {  	_ =	swait.ge [sflag:s8], $0x2000  }
0xac: {  	[sflag:s8] =	ssyncset.done $0x0  }
0xad: {  	[sflag:s8] =	ssyncadd.s32 $0xFFFFE000  }
0xae: {  	_ =	swait.ge [sflag:s9], $0x8000  }
0xaf: {  	[sflag:s9] =	ssyncset.done $0x0  }
0xb0: {  	[sflag:s9] =	ssyncadd.s32 $0xFFFF8000  }
0xb1: {  	[hbm4b:s16+s2] =	stream.linear.scatter [tilespmem:s29], [sflag:$0x6], $0x8000, $0x38;
	[tilespmem:$0x1B200] =	vst v63  }
0xb2: {  	s14 =	simm.s32 $0xE00  }
0xb3: {  	[tilespmem:s28], [sflag:$0x2] =	stream.indirect.gather [hbm4b:s3+s20], $0x40, s14, s20, $0xb8;
	[tilespmem:$0x1B200] =	vst v63  }
0xb4: {  	s17 =	simm.s32 $0xE80  }
0xb5: {  	[tilespmem:s30], [sflag:$0x2] =	stream.indirect.gather [hbm4b:s3+s20], $0x40, s17, s20, $0xb8;
	[tilespmem:$0x1B200] =	vst v63  }
0xb6: {  	s6 =	sadd.s32 $0x18000, s15;
	s13 =	sadd.s32 $0x3000, s13;
	s19 =	simm.s32 $0xF00  }
0xb7: {  	[tilespmem:s0], [sflag:$0x2] =	stream.indirect.gather [hbm4b:s3+s20], $0x40, s19, s20, $0xb8;
	[tilespmem:$0x1B200] =	vst v63  }
0xb8: {  	s12 =	simm.s32 $0x1800;
	s17 =	sadd.s32 $0x3000, s16;
	s19 =	simm.s32 $0xF80  }
.LBB2_2:
0xb9: {  	[tilespmem:s18], [sflag:$0x2] =	stream.indirect.gather [hbm4b:s3+s20], $0x40, s19, s20, $0xb8;
	[tilespmem:$0x1B200] =	vst v63  }
0xba: {  	s19 =	smov.u32 s12  }
0xbb: {  	p0 =	sne.s32 s12, $0x7800;
	s12 =	sadd.s32 $0x1800, s12;
	_ =	swait.ge [sflag:s23], $0x2000  }
0xbc: {  	[sflag:s23] =	ssyncset.done $0x0  }
0xbd: {  	[sflag:s23] =	ssyncadd.s32 $0xFFFFE000  }
0xbe: {  	_ =	swait.ge [sflag:s23], $0x2000  }
0xbf: {  	[sflag:s23] =	ssyncset.done $0x0  }
0xc0: {  	[sflag:s23] =	ssyncadd.s32 $0xFFFFE000  }
0xc1: {  	_ =	swait.ge [sflag:s23], $0x2000  }
0xc2: {  	[sflag:s23] =	ssyncset.done $0x0  }
0xc3: {  	[sflag:s23] =	ssyncadd.s32 $0xFFFFE000  }
0xc4: {  	_ =	swait.ge [sflag:s23], $0x2000  }
0xc5: {  	[sflag:s23] =	ssyncset.done $0x0  }
0xc6: {  	[sflag:s23] =	ssyncadd.s32 $0xFFFFE000  }
0xc7: {  	_ =	swait.ge [sflag:s10], $0x8000  }
0xc8: {  	s14 =	sshrl.u32 s6, $0x3;
	[sflag:s10] =	ssyncset.done $0x0  }
0xc9: {  	s14 =	sadd.s32 s4, s14;
	s19 =	sshra.s32 s19, $0x2;
	[sflag:s10] =	ssyncadd.s32 $0xFFFF8000  }
0xca: {  	[hbm4b:s14+s2] =	stream.linear.scatter [tilespmem:s21], [sflag:$0x4], $0x8000, $0x38;
	[tilespmem:$0x1B200] =	vst v63  }
0xcb: {  	s14 =	sadd.s32 $0xA00, s19  }
0xcc: {  	[tilespmem:s29], [sflag:$0x3] =	stream.indirect.gather [hbm4b:s3+s20], $0x40, s14, s20, $0xb8;
	[tilespmem:$0x1B200] =	vst v63  }
0xcd: {  	s14 =	sadd.s32 $0xA80, s19  }
0xce: {  	[tilespmem:s1], [sflag:$0x3] =	stream.indirect.gather [hbm4b:s3+s20], $0x40, s14, s20, $0xb8;
	[tilespmem:$0x1B200] =	vst v63  }
0xcf: {  	s14 =	sadd.s32 $0xB00, s19  }
0xd0: {  	[tilespmem:s31], [sflag:$0x3] =	stream.indirect.gather [hbm4b:s3+s20], $0x40, s14, s20, $0xb8;
	[tilespmem:$0x1B200] =	vst v63  }
0xd1: {  	s14 =	sadd.s32 $0xB80, s19  }
0xd2: {  	[tilespmem:s25], [sflag:$0x3] =	stream.indirect.gather [hbm4b:s3+s20], $0x40, s14, s20, $0xb8;
	[tilespmem:$0x1B200] =	vst v63  }
0xd3: {  	_ =	swait.ge [sflag:s5], $0x2000  }
0xd4: {  	[sflag:s5] =	ssyncset.done $0x0  }
0xd5: {  	[sflag:s5] =	ssyncadd.s32 $0xFFFFE000  }
0xd6: {  	_ =	swait.ge [sflag:s5], $0x2000  }
0xd7: {  	[sflag:s5] =	ssyncset.done $0x0  }
0xd8: {  	[sflag:s5] =	ssyncadd.s32 $0xFFFFE000  }
0xd9: {  	_ =	swait.ge [sflag:s5], $0x2000  }
0xda: {  	[sflag:s5] =	ssyncset.done $0x0  }
0xdb: {  	[sflag:s5] =	ssyncadd.s32 $0xFFFFE000  }
0xdc: {  	_ =	swait.ge [sflag:s5], $0x2000  }
0xdd: {  	[sflag:s5] =	ssyncset.done $0x0  }
0xde: {  	[sflag:s5] =	ssyncadd.s32 $0xFFFFE000  }
0xdf: {  	_ =	swait.ge [sflag:s7], $0x8000  }
0xe0: {  	[sflag:s7] =	ssyncset.done $0x0  }
0xe1: {  	[sflag:s7] =	ssyncadd.s32 $0xFFFF8000  }
0xe2: {  	[hbm4b:s13+s2] =	stream.linear.scatter [tilespmem:s28], [sflag:$0x5], $0x8000, $0x38;
	[tilespmem:$0x1B200] =	vst v63  }
0xe3: {  	s14 =	sadd.s32 $0xC00, s19  }
0xe4: {  	[tilespmem:s21], [sflag:$0x1] =	stream.indirect.gather [hbm4b:s3+s20], $0x40, s14, s20, $0xb8;
	[tilespmem:$0x1B200] =	vst v63  }
0xe5: {  	s14 =	sadd.s32 $0xC80, s19  }
0xe6: {  	[tilespmem:s22], [sflag:$0x1] =	stream.indirect.gather [hbm4b:s3+s20], $0x40, s14, s20, $0xb8;
	[tilespmem:$0x1B200] =	vst v63  }
0xe7: {  	s14 =	sadd.s32 $0xD00, s19  }
0xe8: {  	[tilespmem:s24], [sflag:$0x1] =	stream.indirect.gather [hbm4b:s3+s20], $0x40, s14, s20, $0xb8;
	[tilespmem:$0x1B200] =	vst v63  }
0xe9: {  	s14 =	sadd.s32 $0xD80, s19  }
0xea: {  	[tilespmem:s26], [sflag:$0x1] =	stream.indirect.gather [hbm4b:s3+s20], $0x40, s14, s20, $0xb8;
	[tilespmem:$0x1B200] =	vst v63  }
0xeb: {  	_ =	swait.ge [sflag:s8], $0x2000  }
0xec: {  	[sflag:s8] =	ssyncset.done $0x0  }
0xed: {  	[sflag:s8] =	ssyncadd.s32 $0xFFFFE000  }
0xee: {  	_ =	swait.ge [sflag:s8], $0x2000  }
0xef: {  	[sflag:s8] =	ssyncset.done $0x0  }
0xf0: {  	[sflag:s8] =	ssyncadd.s32 $0xFFFFE000  }
0xf1: {  	_ =	swait.ge [sflag:s8], $0x2000  }
0xf2: {  	[sflag:s8] =	ssyncset.done $0x0  }
0xf3: {  	[sflag:s8] =	ssyncadd.s32 $0xFFFFE000  }
0xf4: {  	_ =	swait.ge [sflag:s8], $0x2000  }
0xf5: {  	[sflag:s8] =	ssyncset.done $0x0  }
0xf6: {  	[sflag:s8] =	ssyncadd.s32 $0xFFFFE000  }
0xf7: {  	_ =	swait.ge [sflag:s9], $0x8000  }
0xf8: {  	[sflag:s9] =	ssyncset.done $0x0  }
0xf9: {  	[sflag:s9] =	ssyncadd.s32 $0xFFFF8000  }
0xfa: {  	[hbm4b:s17+s2] =	stream.linear.scatter [tilespmem:s29], [sflag:$0x6], $0x8000, $0x38;
	[tilespmem:$0x1B200] =	vst v63  }
0xfb: {  	s14 =	sadd.s32 $0xE00, s19  }
0xfc: {  	[tilespmem:s28], [sflag:$0x2] =	stream.indirect.gather [hbm4b:s3+s20], $0x40, s14, s20, $0xb8;
	[tilespmem:$0x1B200] =	vst v63  }
.Ltmp0:
0xfd: {  	s14 =	sadd.s32 $0xE80, s19;
	(pc) =	sbr.rel @p0 .LBB2_2-.Ltmp0, $4  }
0xfe: {  	[tilespmem:s30], [sflag:$0x2] =	stream.indirect.gather [hbm4b:s3+s20], $0x40, s14, s20, $0xb8;
	[tilespmem:$0x1B200] =	vst v63  }
0xff: {  	s17 =	sadd.s32 $0x3000, s17;
	s14 =	sadd.s32 $0xF00, s19  }
0x100: {  	[tilespmem:s0], [sflag:$0x2] =	stream.indirect.gather [hbm4b:s3+s20], $0x40, s14, s20, $0xb8;
	[tilespmem:$0x1B200] =	vst v63  }
0x101: {  	s6 =	sadd.s32 $0x18000, s6;
	s13 =	sadd.s32 $0x3000, s13;
	s19 =	sadd.s32 $0xF80, s19  }
0x102: {  	[tilespmem:s18], [sflag:$0x2] =	stream.indirect.gather [hbm4b:s3+s20], $0x40, s19, s20, $0xb8;
	[tilespmem:$0x1B200] =	vst v63  }
0x103: {  	_ =	swait.ge [sflag:s23], $0x2000  }
0x104: {  	[sflag:s23] =	ssyncset.done $0x0  }
0x105: {  	[sflag:s23] =	ssyncadd.s32 $0xFFFFE000  }
0x106: {  	_ =	swait.ge [sflag:s23], $0x2000  }
0x107: {  	[sflag:s23] =	ssyncset.done $0x0  }
0x108: {  	[sflag:s23] =	ssyncadd.s32 $0xFFFFE000  }
0x109: {  	_ =	swait.ge [sflag:s23], $0x2000  }
0x10a: {  	[sflag:s23] =	ssyncset.done $0x0  }
0x10b: {  	[sflag:s23] =	ssyncadd.s32 $0xFFFFE000  }
0x10c: {  	_ =	swait.ge [sflag:s23], $0x2000  }
0x10d: {  	[sflag:s23] =	ssyncset.done $0x0  }
0x10e: {  	[sflag:s23] =	ssyncadd.s32 $0xFFFFE000  }
0x10f: {  	_ =	swait.ge [sflag:s10], $0x8000  }
0x110: {  	[sflag:s10] =	ssyncset.done $0x0  }
0x111: {  	s6 =	rddreg [dreg:$0x6];
	[sflag:s10] =	ssyncadd.s32 $0xFFFF8000  }
0x112: {  	[hbm4b:s6+s2] =	stream.linear.scatter [tilespmem:s21], [sflag:$0x4], $0x8000, $0x38;
	[tilespmem:$0x1B200] =	vst v63  }
0x113: {  	s17 =	simm.s32 $0x2E00  }
0x114: {  	[tilespmem:s29], [sflag:$0x3] =	stream.indirect.gather [hbm4b:s3+s20], $0x40, s17, s20, $0xb8;
	[tilespmem:$0x1B200] =	vst v63  }
0x115: {  	s19 =	simm.s32 $0x2E80  }
0x116: {  	[tilespmem:s1], [sflag:$0x3] =	stream.indirect.gather [hbm4b:s3+s20], $0x40, s19, s20, $0xb8;
	[tilespmem:$0x1B200] =	vst v63  }
0x117: {  	s12 =	simm.s32 $0x2F00  }
0x118: {  	[tilespmem:s31], [sflag:$0x3] =	stream.indirect.gather [hbm4b:s3+s20], $0x40, s12, s20, $0xb8;
	[tilespmem:$0x1B200] =	vst v63  }
0x119: {  	s13 =	simm.s32 $0x2F80  }
0x11a: {  	[tilespmem:s25], [sflag:$0x3] =	stream.indirect.gather [hbm4b:s3+s20], $0x40, s13, s20, $0xb8;
	[tilespmem:$0x1B200] =	vst v63  }
0x11b: {  	_ =	swait.ge [sflag:s5], $0x2000  }
0x11c: {  	[sflag:s5] =	ssyncset.done $0x0  }
0x11d: {  	[sflag:s5] =	ssyncadd.s32 $0xFFFFE000  }
0x11e: {  	_ =	swait.ge [sflag:s5], $0x2000  }
0x11f: {  	[sflag:s5] =	ssyncset.done $0x0  }
0x120: {  	[sflag:s5] =	ssyncadd.s32 $0xFFFFE000  }
0x121: {  	_ =	swait.ge [sflag:s5], $0x2000  }
0x122: {  	[sflag:s5] =	ssyncset.done $0x0  }
0x123: {  	[sflag:s5] =	ssyncadd.s32 $0xFFFFE000  }
0x124: {  	_ =	swait.ge [sflag:s5], $0x2000  }
0x125: {  	[sflag:s5] =	ssyncset.done $0x0  }
0x126: {  	[sflag:s5] =	ssyncadd.s32 $0xFFFFE000  }
0x127: {  	_ =	swait.ge [sflag:s7], $0x8000  }
0x128: {  	[sflag:s7] =	ssyncset.done $0x0  }
0x129: {  	s14 =	rddreg [dreg:$0x7];
	[sflag:s7] =	ssyncadd.s32 $0xFFFF8000  }
0x12a: {  	[hbm4b:s14+s2] =	stream.linear.scatter [tilespmem:s28], [sflag:$0x5], $0x8000, $0x38;
	[tilespmem:$0x1B200] =	vst v63  }
0x12b: {  	s17 =	simm.s32 $0x3000  }
0x12c: {  	[tilespmem:s21], [sflag:$0x1] =	stream.indirect.gather [hbm4b:s3+s20], $0x40, s17, s20, $0xb8;
	[tilespmem:$0x1B200] =	vst v63  }
0x12d: {  	s19 =	simm.s32 $0x3080  }
0x12e: {  	[tilespmem:s22], [sflag:$0x1] =	stream.indirect.gather [hbm4b:s3+s20], $0x40, s19, s20, $0xb8;
	[tilespmem:$0x1B200] =	vst v63  }
0x12f: {  	s12 =	simm.s32 $0x3100  }
0x130: {  	[tilespmem:s24], [sflag:$0x1] =	stream.indirect.gather [hbm4b:s3+s20], $0x40, s12, s20, $0xb8;
	[tilespmem:$0x1B200] =	vst v63  }
0x131: {  	s13 =	simm.s32 $0x3180  }
0x132: {  	[tilespmem:s26], [sflag:$0x1] =	stream.indirect.gather [hbm4b:s3+s20], $0x40, s13, s20, $0xb8;
	[tilespmem:$0x1B200] =	vst v63  }
0x133: {  	_ =	swait.ge [sflag:s8], $0x2000  }
0x134: {  	[sflag:s8] =	ssyncset.done $0x0  }
0x135: {  	[sflag:s8] =	ssyncadd.s32 $0xFFFFE000  }
0x136: {  	_ =	swait.ge [sflag:s8], $0x2000  }
0x137: {  	[sflag:s8] =	ssyncset.done $0x0  }
0x138: {  	[sflag:s8] =	ssyncadd.s32 $0xFFFFE000  }
0x139: {  	_ =	swait.ge [sflag:s8], $0x2000  }
0x13a: {  	[sflag:s8] =	ssyncset.done $0x0  }
0x13b: {  	[sflag:s8] =	ssyncadd.s32 $0xFFFFE000  }
0x13c: {  	_ =	swait.ge [sflag:s8], $0x2000  }
0x13d: {  	[sflag:s8] =	ssyncset.done $0x0  }
0x13e: {  	[sflag:s8] =	ssyncadd.s32 $0xFFFFE000  }
0x13f: {  	_ =	swait.ge [sflag:s9], $0x8000  }
0x140: {  	[sflag:s9] =	ssyncset.done $0x0  }
0x141: {  	s14 =	rddreg [dreg:$0x8];
	[sflag:s9] =	ssyncadd.s32 $0xFFFF8000  }
0x142: {  	[hbm4b:s14+s2] =	stream.linear.scatter [tilespmem:s29], [sflag:$0x6], $0x8000, $0x38;
	[tilespmem:$0x1B200] =	vst v63  }
0x143: {  	_ =	swait.ge [sflag:s23], $0x2000  }
0x144: {  	[sflag:s23] =	ssyncset.done $0x0  }
0x145: {  	[sflag:s23] =	ssyncadd.s32 $0xFFFFE000  }
0x146: {  	_ =	swait.ge [sflag:s23], $0x2000  }
0x147: {  	[sflag:s23] =	ssyncset.done $0x0  }
0x148: {  	[sflag:s23] =	ssyncadd.s32 $0xFFFFE000  }
0x149: {  	_ =	swait.ge [sflag:s23], $0x2000  }
0x14a: {  	[sflag:s23] =	ssyncset.done $0x0  }
0x14b: {  	[sflag:s23] =	ssyncadd.s32 $0xFFFFE000  }
0x14c: {  	_ =	swait.ge [sflag:s23], $0x2000  }
0x14d: {  	[sflag:s23] =	ssyncset.done $0x0  }
0x14e: {  	[sflag:s23] =	ssyncadd.s32 $0xFFFFE000  }
0x14f: {  	_ =	swait.ge [sflag:s10], $0x8000  }
0x150: {  	[sflag:s10] =	ssyncset.done $0x0  }
0x151: {  	s17 =	rddreg [dreg:$0x9];
	[sflag:s10] =	ssyncadd.s32 $0xFFFF8000  }
0x152: {  	[hbm4b:s17+s2] =	stream.linear.scatter [tilespmem:s21], [sflag:$0x4], $0x8000, $0x38;
	[tilespmem:$0x1B200] =	vst v63  }
0x153: {  	_ =	swait.ge [sflag:s7], $0x8000  }
0x154: {  	s11 =	sadd.s32 $0x1, s11;
	s19 =	rddreg [dreg:$0xa]  }
0x155: {  	p0 =	sne.s32 s11, s19  }
.Ltmp1:
0x156: {  	_ = 	snop;
	(pc) =	sbr.rel @p0 .LBB2_1-.Ltmp1, $3  }
0x157: {  	_ =	sdelay $0x1  }
0x158: {  	[sflag:s7] =	ssyncset.done $0x0  }
0x159: {  	[sflag:s7] =	ssyncadd.s32 $0xFFFF8000  }
0x15a: {  	_ =	sfence.sel $0x180000  }
0x15b: {  	[bflag:$0x0] =	sbarrier.arrive $0xFFFF  }
0x15c: {  	_ =	strace $0x9000004A  }
0x15d: {  	s0 =	stileid.u32;
	[bflag:$0x2] =	sbarrier.arrive $0xFFFF  }
0x15e: {  	p0 =	sne.s32 s0, $0x0;
	s0 =	rddreg [dreg:$0x1]  }
0x15f: {  	s0 =	sadd.s32 @!p0 $0x100000, s0  }
0x160: {  	[sflag:s0] =	ssyncadd.tile.s32 @!p0 $0x1;
	_ =	shalt  }
.Lfunc_end2:
_tile_overlayer_lowered:
.L_overlay_start_2:
0x161: {  	(tag) =	ssettag $0x2  }
0x162: {  	s0 =	rddreg [dreg:$0x0];
	s2 =	stileid.u32  }
0x163: {  	s1 =	rddreg [dreg:$0x1];
	p0 =	sne.s32 s2, $0x0  }
0x164: {  	s3 =	rddreg [dreg:$0x2];
	[bflag:$0x3] =	sbarrier.arrive $0xFFFF;
	s2 =	simm.s32 @!p0 $0x1C07  }
0x165: {  	[timem:s3], [sflag:s2] =	dma.local @!p0 [hbm:s0], s1  }
0x166: {  	s0 =	simm.s32 @!p0 $0x7  }
0x167: {  	_ =	swait.ge @!p0 [sflag:s0], s1  }
0x168: {  	s1 =	ssub.s32 @!p0 $0x0, s1;
	[sflag:s0] =	ssyncset.done @!p0 $0x0  }
0x169: {  	[sflag:s0] =	ssyncadd.s32 @!p0 s1  }
0x16a: {  	[bflag:$0x3] =	sbarrier.arrive $0xFFFF  }
0x16b: {  	_ =	shalt  }

</sc_bundles>
